<compile_context>
chip_gen: v7x
topology: tpu7x:2x2x1
jax: 0.10.2.dev20260603
libtpu: 0.0.44.dev20260713+nightly
codegen_flags: <defaults>
</compile_context>

<pallas_src>
import functools
import jax
import jax.numpy as jnp
from jax import lax
from jax.experimental import pallas as pl
from jax.experimental.pallas import tpu as pltpu
from jax.experimental.pallas import tpu_sc as plsc

_NEG = -3.402823466e38


def _h_body(x_ref, w1_ref, b1_ref, w2_ref, b2_ref, o_ref):
    h = jnp.maximum(
        jnp.dot(x_ref[...], w1_ref[...], preferred_element_type=jnp.float32)
        + b1_ref[...], 0.0)
    o_ref[...] = (
        jnp.dot(h, w2_ref[...], preferred_element_type=jnp.float32) + b2_ref[...])


def _embed(x, p):
    N = x.shape[0]
    BLK = 6256
    grid = N // BLK
    full = lambda s: pl.BlockSpec(s, lambda i: tuple(0 for _ in s))
    return pl.pallas_call(
        _h_body,
        grid=(grid,),
        in_specs=[
            pl.BlockSpec((BLK, x.shape[1]), lambda i: (i, 0)),
            full(p['W1'].shape), full((1, 16)), full(p['W2'].shape), full((1, 16)),
        ],
        out_specs=pl.BlockSpec((BLK, 16), lambda i: (i, 0)),
        out_shape=jax.ShapeDtypeStruct((N, 16), jnp.float32),
    )(x, p['W1'], p['b1'].reshape(1, 16), p['W2'], p['b2'].reshape(1, 16))


def _e_body(a_ref, w1_ref, b1_ref, w2_ref, b2_ref, w3_ref, b3_ref, o_ref):
    e = jnp.maximum(
        jnp.dot(a_ref[...], w1_ref[...], preferred_element_type=jnp.float32)
        + b1_ref[...], 0.0)
    e = jnp.maximum(
        jnp.dot(e, w2_ref[...], preferred_element_type=jnp.float32)
        + b2_ref[...], 0.0)
    o_ref[...] = (
        jnp.dot(e, w3_ref[...], preferred_element_type=jnp.float32) + b3_ref[...])


def _edge_mlp(edge_attr, p):
    E = edge_attr.shape[0]
    R = E // 16
    BLK = 4000
    grid = R // BLK
    ea = edge_attr.reshape(R, 128)
    eye = jnp.eye(16, dtype=jnp.float32)
    w1 = jnp.kron(eye, p['W1'])
    w2 = jnp.kron(eye, p['W2'])
    w3 = jnp.kron(eye, p['W3'])
    b1 = jnp.tile(p['b1'], 16).reshape(1, 256)
    b2 = jnp.tile(p['b2'], 16).reshape(1, 256)
    b3 = jnp.tile(p['b3'], 16).reshape(1, 256)
    full = lambda s: pl.BlockSpec(s, lambda i: tuple(0 for _ in s))
    out = pl.pallas_call(
        _e_body,
        grid=(grid,),
        in_specs=[
            pl.BlockSpec((BLK, 128), lambda i: (i, 0)),
            full(w1.shape), full((1, 256)),
            full(w2.shape), full((1, 256)),
            full(w3.shape), full((1, 256)),
        ],
        out_specs=pl.BlockSpec((BLK, 256), lambda i: (i, 0)),
        out_shape=jax.ShapeDtypeStruct((R, 256), jnp.float32),
    )(ea, w1, b1, w2, b2, w3, b3)
    return out.reshape(E, 16)


def _z_body(h_ref, agg_ref, scale_ref, w1_ref, b1_ref, w2_ref, b2_ref, o_ref):
    agg = agg_ref[...]
    agg = jnp.where(agg > _NEG * 0.5, jnp.where(agg >= 0, agg, 0.01 * agg), 0.0)
    z = scale_ref[0, 0] * h_ref[...] + agg
    z = jnp.dot(z, w1_ref[...], preferred_element_type=jnp.float32) + b1_ref[...]
    z = jnp.where(z >= 0, z, 0.01 * z)
    o_ref[...] = (
        jnp.dot(z, w2_ref[...], preferred_element_type=jnp.float32) + b2_ref[...])


def _node_update(h, agg_raw, scale, p):
    N = h.shape[0]
    BLK = 6256
    grid = N // BLK
    full = lambda s: pl.BlockSpec(s, lambda i: tuple(0 for _ in s))
    return pl.pallas_call(
        _z_body,
        grid=(grid,),
        in_specs=[
            pl.BlockSpec((BLK, 16), lambda i: (i, 0)),
            pl.BlockSpec((BLK, 16), lambda i: (i, 0)),
            pl.BlockSpec(memory_space=pltpu.SMEM),
            full(p['W1'].shape), full((1, 16)), full(p['W2'].shape), full((1, 16)),
        ],
        out_specs=pl.BlockSpec((BLK, 16), lambda i: (i, 0)),
        out_shape=jax.ShapeDtypeStruct((N, 16), jnp.float32),
    )(h, agg_raw, scale, p['W1'], p['b1'].reshape(1, 16), p['W2'],
      p['b2'].reshape(1, 16))


def _out_body(hp_ref, w1_ref, b1_ref, g_ref, be_ref, w2_ref, b2_ref, y_ref, p_ref):
    hp = jnp.max(hp_ref[...], axis=0)
    hp = jnp.where(hp > _NEG * 0.5, hp, 0.0)
    y = jnp.dot(hp, w1_ref[...], preferred_element_type=jnp.float32) + b1_ref[...]
    y = y * (g_ref[...] / jnp.sqrt(1.0 + 1e-5)) + be_ref[...]
    y = jnp.where(y >= 0, y, 0.01 * y)
    y = jnp.dot(y, w2_ref[...], preferred_element_type=jnp.float32) + b2_ref[...]
    y_ref[...] = y
    p_ref[...] = jax.nn.sigmoid(y)


def _out_mlp(partials, p):
    P, G, _ = partials.shape
    full = lambda s: pl.BlockSpec(s, lambda: tuple(0 for _ in s))
    return pl.pallas_call(
        _out_body,
        in_specs=[full((P, G, 16)), full(p['W1'].shape), full((1, 16)),
                  full((1, 16)), full((1, 16)), full(p['W2'].shape), full((1, 1))],
        out_specs=(full((G, 1)), full((G, 1))),
        out_shape=(jax.ShapeDtypeStruct((G, 1), jnp.float32),
                   jax.ShapeDtypeStruct((G, 1), jnp.float32)),
    )(partials, p['W1'], p['b1'].reshape(1, 16), p['gamma'].reshape(1, 16),
      p['beta'].reshape(1, 16), p['W2'], p['b2'].reshape(1, 1))


_NC, _NS, _NW = 2, 16, 32


def _edge_scatter_max(h, e, ei, n):
    E = ei.shape[1]
    RN = n // _NW
    CE = 2000
    FB = 1536
    CAP = FB + CE + 16
    mesh = plsc.VectorSubcoreMesh(core_axis_name="c", subcore_axis_name="s")

    @functools.partial(
        pl.kernel, mesh=mesh,
        compiler_params=pltpu.CompilerParams(needs_layout_passes=False, use_tc_tiling_on_sc=False),
        out_type=jax.ShapeDtypeStruct((n, 16), jnp.float32),
        scratch_types=[
            pltpu.VMEM((2, CE), jnp.int32),
            pltpu.VMEM((2, CE), jnp.int32),
            pltpu.VMEM((CAP + 16,), jnp.int32),
            pltpu.VMEM((CAP + 16,), jnp.int32),
            pltpu.VMEM((CAP + 16,), jnp.int32),
            pltpu.VMEM((FB, 16), jnp.float32),
            pltpu.VMEM((FB, 16), jnp.float32),
            pltpu.VMEM((RN + 1, 16), jnp.float32),
            pltpu.SemaphoreType.DMA,
            pltpu.SemaphoreType.DMA,
            pltpu.SemaphoreType.DMA,
            pltpu.SemaphoreType.DMA,
            pltpu.SemaphoreType.DMA,
            pltpu.SemaphoreType.DMA,
        ],
    )
    def k(h_hbm, e_hbm, ei_hbm, agg_hbm,
          dst_v, src_v, eid_b, srb_b, dlo_b, erows, hrows, aggl,
          sem1, sem2, sd0, sd1, ss0, ss1):
        wid = lax.axis_index("s") * _NC + lax.axis_index("c")
        lo = wid * RN
        sd = (sd0, sd1)
        ss = (ss0, ss1)

        def start_load(c, b):
            pltpu.async_copy(ei_hbm.at[1, pl.ds(c * CE, CE)], dst_v.at[b], sd[b])
            pltpu.async_copy(ei_hbm.at[0, pl.ds(c * CE, CE)], src_v.at[b], ss[b])

        def wait_load(c, b):
            pltpu.make_async_copy(
                ei_hbm.at[1, pl.ds(c * CE, CE)], dst_v.at[b], sd[b]).wait()
            pltpu.make_async_copy(
                ei_hbm.at[0, pl.ds(c * CE, CE)], src_v.at[b], ss[b]).wait()

        def init_row(i, _):
            aggl[i] = jnp.full((16,), _NEG, jnp.float32)
            return 0
        lax.fori_loop(0, RN + 1, init_row, 0)

        def do_flush():
            c1 = pltpu.async_copy(e_hbm.at[eid_b.at[pl.ds(0, FB)]], erows, sem1)
            c2 = pltpu.async_copy(h_hbm.at[srb_b.at[pl.ds(0, FB)]], hrows, sem2)
            c1.wait()
            c2.wait()

            def upd(j16, _):
                base = j16 * 16
                dvec = dlo_b[pl.ds(base, 16)]
                for u in range(16):
                    d = dvec[u]
                    aggl[d] = jnp.maximum(
                        aggl[d], hrows[base + u] + erows[base + u])
                return 0
            lax.fori_loop(0, FB // 16, upd, 0)

        def flush_step(p):
            do_flush()
            nrem = p - FB

            def mv(k2, _):
                s_ = pl.ds(FB + k2 * 16, 16)
                d_ = pl.ds(k2 * 16, 16)
                eid_b[d_] = eid_b[s_]
                srb_b[d_] = srb_b[s_]
                dlo_b[d_] = dlo_b[s_]
                return 0
            lax.fori_loop(0, (nrem + 15) // 16, mv, 0)
            return nrem

        NCH = E // CE

        def process(c, b, ptr):
            wait_load(c, b)

            @pl.when(c + 1 < NCH)
            def _():
                start_load(c + 1, 1 - b)

            def scan(i, p):
                for u in range(5):
                    off = i * 80 + u * 16
                    dv = dst_v[b, pl.ds(off, 16)]
                    sv = src_v[b, pl.ds(off, 16)]
                    locv = dv - lo
                    m = (locv >= 0) & (locv < RN)
                    cnt = plsc.all_reduce_population_count(m)[0]
                    plsc.store_compressed(dlo_b.at[pl.ds(p, 16)], locv, mask=m)
                    plsc.store_compressed(srb_b.at[pl.ds(p, 16)], sv, mask=m)
                    eidv = c * CE + off + lax.iota(jnp.int32, 16)
                    plsc.store_compressed(eid_b.at[pl.ds(p, 16)], eidv, mask=m)
                    p = p + cnt
                return p
            ptr = lax.fori_loop(0, CE // 80, scan, ptr)
            return lax.while_loop(lambda p: p >= FB, flush_step, ptr)

        def chunk_pair(c2, ptr):
            ptr = process(2 * c2, 0, ptr)
            ptr = process(2 * c2 + 1, 1, ptr)
            return ptr

        start_load(0, 0)
        ptr = lax.fori_loop(0, NCH // 2, chunk_pair, jnp.int32(0))

        def pad(k2, _):
            sl = pl.ds(k2 * 16, 16)
            iv = k2 * 16 + lax.iota(jnp.int32, 16)
            pr = iv >= ptr
            dlo_b[sl] = jnp.where(pr, RN, dlo_b[sl])
            srb_b[sl] = jnp.where(pr, 0, srb_b[sl])
            eid_b[sl] = jnp.where(pr, 0, eid_b[sl])
            return 0
        lax.fori_loop(0, FB // 16, pad, 0)
        do_flush()

        pltpu.sync_copy(aggl.at[pl.ds(0, RN)], agg_hbm.at[pl.ds(lo, RN)])

    return k(h, e, ei)


def _pool_partials(z, batch, g):
    n = z.shape[0]
    RT = n // _NW
    mesh = plsc.VectorSubcoreMesh(core_axis_name="c", subcore_axis_name="s")

    @functools.partial(
        pl.kernel, mesh=mesh,
        compiler_params=pltpu.CompilerParams(needs_layout_passes=False, use_tc_tiling_on_sc=False),
        out_type=jax.ShapeDtypeStruct((_NW, g, 16), jnp.float32),
        scratch_types=[
            pltpu.VMEM((RT, 16), jnp.float32),
            pltpu.VMEM((RT + 16,), jnp.int32),
            pltpu.VMEM((g + 1, 16), jnp.float32),
        ],
    )
    def k(z_hbm, b_hbm, out_hbm, zrows, bat_v, pooll):
        wid = lax.axis_index("s") * _NC + lax.axis_index("c")
        start = wid * RT

        def init_row(i, _):
            pooll[i] = jnp.full((16,), _NEG, jnp.float32)
            return 0
        lax.fori_loop(0, g + 1, init_row, 0)

        pltpu.sync_copy(z_hbm.at[pl.ds(start, RT)], zrows)
        pltpu.sync_copy(b_hbm.at[pl.ds(start, RT)], bat_v.at[pl.ds(0, RT)])

        def upd(j, _):
            b = bat_v[pl.ds(j, 16)][0]
            pooll[b] = jnp.maximum(pooll[b], zrows[j])
            return 0
        lax.fori_loop(0, RT, upd, 0)

        pltpu.sync_copy(pooll.at[pl.ds(0, g)], out_hbm.at[wid])

    return k(z, batch)


def kernel(x, edge_index, batch, edge_attr, params):
    N = x.shape[0]
    G = 1000
    NP = ((N + 8 * _NW - 1) // (8 * _NW)) * (8 * _NW)
    ei = edge_index.astype(jnp.int32)
    batch = batch.astype(jnp.int32)
    x = jnp.pad(x, ((0, NP - N), (0, 0)))
    batch = jnp.pad(batch, (0, NP - N), constant_values=G)

    h = _embed(x, params['embd'])
    e = _edge_mlp(edge_attr, params['edge_mlp'])
    agg_raw = _edge_scatter_max(h, e, ei, NP)
    scale = (1.0 + params['gine']['eps']).reshape(1, 1)
    z = _node_update(h, agg_raw, scale, params['gine'])
    partials = _pool_partials(z, batch, G)
    y, prob = _out_mlp(partials, params['out'])
    return (y, prob)

# --- scband reference (transcript-rebuilt; emitter-appended) ---
"""Pipeline reference for scband-gin-43894565765481 (READ-ONLY COPY).

The authoritative reference and input builder live on the scoring server;
editing this copy changes nothing except your own understanding.
"""

import jax, jax.numpy as jnp
import numpy as np

N = 100000
E = 3200000
G = 1000
D_X = 4
D_E = 8
H = 16

def _lin(key, fan_in, fan_out):
    k1, k2 = jax.random.split(key)
    bound = 1.0 / np.sqrt(fan_in)
    W = jax.random.uniform(k1, (fan_in, fan_out), jnp.float32, -bound, bound)
    b = jax.random.uniform(k2, (fan_out,), jnp.float32, -bound, bound)
    return W, b

def setup_inputs(seed: int = 0):
    key = jax.random.key(seed)
    ks = jax.random.split(key, 16)
    x = jax.random.normal(ks[0], (N, D_X), jnp.float32)
    edge_index = jax.random.randint(ks[1], (2, E), 0, N, dtype=jnp.int64)
    batch = jnp.sort(jax.random.randint(ks[2], (N,), 0, G, dtype=jnp.int64))
    edge_attr = jax.random.normal(ks[3], (E, D_E), jnp.float32)
    eW1, eb1 = _lin(ks[4], D_X, H)
    eW2, eb2 = _lin(ks[5], H, H)
    mW1, mb1 = _lin(ks[6], D_E, H)
    mW2, mb2 = _lin(ks[7], H, H)
    mW3, mb3 = _lin(ks[8], H, H)
    gW1, gb1 = _lin(ks[9], H, H)
    gW2, gb2 = _lin(ks[10], H, H)
    oW1, ob1 = _lin(ks[11], H, H)
    oW2, ob2 = _lin(ks[12], H, 1)
    params = {
        'embd': {'W1': eW1, 'b1': eb1, 'W2': eW2, 'b2': eb2},
        'edge_mlp': {'W1': mW1, 'b1': mb1, 'W2': mW2, 'b2': mb2, 'W3': mW3, 'b3': mb3},
        'gine': {'eps': jnp.zeros((), jnp.float32), 'W1': gW1, 'b1': gb1, 'W2': gW2, 'b2': gb2},
        'out': {'W1': oW1, 'b1': ob1, 'gamma': jnp.ones((H,), jnp.float32), 'beta': jnp.zeros((H,), jnp.float32), 'W2': oW2, 'b2': ob2},
    }
    return {'x': x, 'edge_index': edge_index, 'batch': batch, 'edge_attr': edge_attr, 'params': params}

def reference(x, edge_index, batch, edge_attr, params):
    lrelu = jax.nn.leaky_relu
    # MLPembd: node feature embedding (ReLU MLP)
    p = params['embd']
    h = jax.nn.relu(x @ p['W1'] + p['b1'])
    h = h @ p['W2'] + p['b2']
    # edge attr MLP (gin_MLP_layers[0]): Lin-ReLU-Lin-ReLU-Lin
    pe = params['edge_mlp']
    e = jax.nn.relu(edge_attr @ pe['W1'] + pe['b1'])
    e = jax.nn.relu(e @ pe['W2'] + pe['b2'])
    e = e @ pe['W3'] + pe['b3']
    # GINE layer with max aggregation
    src = edge_index[0]
    dst = edge_index[1]
    msg = lrelu(h[src] + e)
    agg = jax.ops.segment_max(msg, dst, num_segments=N)
    agg = jnp.where(jnp.isfinite(agg), agg, 0.0)
    pg = params['gine']
    z = (1.0 + pg['eps']) * h + agg
    z = lrelu(z @ pg['W1'] + pg['b1'])
    z = z @ pg['W2'] + pg['b2']
    # global max pool over batch segments
    hp = jax.ops.segment_max(z, batch, num_segments=G)
    hp = jnp.where(jnp.isfinite(hp), hp, 0.0)
    # mlp_out: Lin -> BN(eval) -> LeakyReLU -> Dropout(identity in eval) -> Lin
    po = params['out']
    y = hp @ po['W1'] + po['b1']
    y = y / jnp.sqrt(1.0 + 1e-5) * po['gamma'] + po['beta']
    y = lrelu(y)
    y = y @ po['W2'] + po['b2']
    return (y, jax.nn.sigmoid(y))

if __name__ == "__main__":
    import jax
    _d = setup_inputs()
    print(jax.jit(kernel)(*tuple(_d.values())))

</pallas_src>

<mosaic_0001>
#map = affine_map<(d0, d1) -> (0, 0)>
#map1 = affine_map<(d0, d1) -> (0)>
#map2 = affine_map<(d0, d1) -> (0, 0, 0)>
module attributes {stable_mosaic.version = 14 : i64} {
  func.func @k(%arg0: i32, %arg1: i32, %arg2: memref<100096x16xf32, #tpu.memory_space<hbm>>, %arg3: memref<100096xi32, #tpu.memory_space<hbm>>, %arg4: memref<32x1000x16xf32, #tpu.memory_space<hbm>>, %arg5: memref<3128x16xf32, #tpu.memory_space<vmem>>, %arg6: memref<3144xi32, #tpu.memory_space<vmem>>, %arg7: memref<1001x16xf32, #tpu.memory_space<vmem>>) attributes {dimension_semantics = [#tpu.dimension_semantics<core_parallel>, #tpu.dimension_semantics<subcore_parallel>], iteration_bounds = array<i64: 2, 16>, scalar_prefetch = 0 : i64, scratch_operands = 3 : i64, tpu.core_type = #tpu.core_type<sc_vector_subcore>, window_params = [{transform_indices = #map}, {transform_indices = #map1}, {transform_indices = #map2}]} {
    %mul3A = arith.constant 2 : i32
    %mul3A_0 = arith.muli %arg1, %mul3A : i32
    %add3A = arith.addi %mul3A_0, %arg0 : i32
    %mul3A_1 = arith.constant 3128 : i32
    %mul3A_2 = arith.muli %add3A, %mul3A_1 : i32
    %scan3A = arith.constant 0 : i32
    %scan3A_3 = arith.constant 0 : i32
    %scan3A_4 = arith.constant 1001 : i32
    %scan3A_5 = arith.addi %scan3A_3, %scan3A_4 : i32
    %scan3A_6 = arith.constant 1 : i32
    %scan3A_7 = scf.for %scan3A_16 = %scan3A_3 to %scan3A_5 step %scan3A_6 iter_args(%scan3A_17 = %scan3A) -> (i32)  : i32 {
      %broadcast_in_dim3A = arith.constant -3.40282347E+38 : f32
      %broadcast_in_dim3A_18 = vector.broadcast %broadcast_in_dim3A : f32 to vector<16xf32>
      %swap3A = arith.index_cast %scan3A_16 : i32 to index
      %swap3A_19 = arith.constant 0 : index
      %swap3A_20 = tpu.vector_load %arg7[%swap3A, %swap3A_19] {strides = array<i32>} : memref<1001x16xf32, #tpu.memory_space<vmem>>, vector<16xf32>,
      tpu.vector_store %arg7[%swap3A, %swap3A_19], %broadcast_in_dim3A_18 {strides = array<i32>} : memref<1001x16xf32, #tpu.memory_space<vmem>>, vector<16xf32>,
      %scan3A_21 = arith.constant 0 : i32
      scf.yield %scan3A_21 : i32
    }
    %scan3A_8 = arith.constant 1001 : i32
    "tpu.region"() ({
      %run_scoped3A = tpu.sem_alloc : memref<!tpu.dma_semaphore, #tpu.memory_space<semaphore_mem>>
      %dma_start3A = arith.constant 0 : i32
      %dma_start3A_16 = tpu.memref_slice %arg2[%mul3A_2, %dma_start3A] : memref<100096x16xf32, #tpu.memory_space<hbm>> -> memref<3128x16xf32, #tpu.memory_space<hbm>>
      %dma_start3A_17 = arith.constant 0 : i32
      %dma_start3A_18 = tpu.memref_slice %arg2[%mul3A_2, %dma_start3A_17] : memref<100096x16xf32, #tpu.memory_space<hbm>> -> memref<3128x16xf32, #tpu.memory_space<hbm>>
      tpu.enqueue_dma source(%dma_start3A_18 : memref<3128x16xf32, #tpu.memory_space<hbm>>) target(%arg5 : memref<3128x16xf32, #tpu.memory_space<vmem>>) target_semaphore(%run_scoped3A : memref<!tpu.dma_semaphore, #tpu.memory_space<semaphore_mem>>)
      %dma_wait3A = arith.constant 0 : i32
      %dma_wait3A_19 = tpu.memref_slice %arg2[%mul3A_2, %dma_wait3A] : memref<100096x16xf32, #tpu.memory_space<hbm>> -> memref<3128x16xf32, #tpu.memory_space<hbm>>
      %dma_wait3A_20 = arith.constant 0 : i32
      %dma_wait3A_21 = tpu.memref_slice %arg2[%mul3A_2, %dma_wait3A_20] : memref<100096x16xf32, #tpu.memory_space<hbm>> -> memref<3128x16xf32, #tpu.memory_space<hbm>>
      tpu.wait_dma2 semaphore(%run_scoped3A : memref<!tpu.dma_semaphore, #tpu.memory_space<semaphore_mem>>) src(%dma_wait3A_21 : memref<3128x16xf32, #tpu.memory_space<hbm>>) dst(%arg5 : memref<3128x16xf32, #tpu.memory_space<vmem>>)
      tpu.yield
    }) : () -> ()
    "tpu.region"() ({
      %run_scoped3A = tpu.sem_alloc : memref<!tpu.dma_semaphore, #tpu.memory_space<semaphore_mem>>
      %dma_start3A = arith.constant 0 : i32
      %dma_start3A_16 = tpu.memref_slice %arg6[%dma_start3A] : memref<3144xi32, #tpu.memory_space<vmem>> -> memref<3128xi32, #tpu.memory_space<vmem>>
      %dma_start3A_17 = tpu.memref_slice %arg3[%mul3A_2] : memref<100096xi32, #tpu.memory_space<hbm>> -> memref<3128xi32, #tpu.memory_space<hbm>>
      %dma_start3A_18 = arith.constant 0 : i32
      %dma_start3A_19 = tpu.memref_slice %arg6[%dma_start3A_18] : memref<3144xi32, #tpu.memory_space<vmem>> -> memref<3128xi32, #tpu.memory_space<vmem>>
      %dma_start3A_20 = tpu.memref_slice %arg3[%mul3A_2] : memref<100096xi32, #tpu.memory_space<hbm>> -> memref<3128xi32, #tpu.memory_space<hbm>>
      tpu.enqueue_dma source(%dma_start3A_20 : memref<3128xi32, #tpu.memory_space<hbm>>) target(%dma_start3A_19 : memref<3128xi32, #tpu.memory_space<vmem>>) target_semaphore(%run_scoped3A : memref<!tpu.dma_semaphore, #tpu.memory_space<semaphore_mem>>)
      %dma_wait3A = arith.constant 0 : i32
      %dma_wait3A_21 = tpu.memref_slice %arg6[%dma_wait3A] : memref<3144xi32, #tpu.memory_space<vmem>> -> memref<3128xi32, #tpu.memory_space<vmem>>
      %dma_wait3A_22 = tpu.memref_slice %arg3[%mul3A_2] : memref<100096xi32, #tpu.memory_space<hbm>> -> memref<3128xi32, #tpu.memory_space<hbm>>
      %dma_wait3A_23 = arith.constant 0 : i32
      %dma_wait3A_24 = tpu.memref_slice %arg6[%dma_wait3A_23] : memref<3144xi32, #tpu.memory_space<vmem>> -> memref<3128xi32, #tpu.memory_space<vmem>>
      %dma_wait3A_25 = tpu.memref_slice %arg3[%mul3A_2] : memref<100096xi32, #tpu.memory_space<hbm>> -> memref<3128xi32, #tpu.memory_space<hbm>>
      tpu.wait_dma2 semaphore(%run_scoped3A : memref<!tpu.dma_semaphore, #tpu.memory_space<semaphore_mem>>) src(%dma_wait3A_25 : memref<3128xi32, #tpu.memory_space<hbm>>) dst(%dma_wait3A_24 : memref<3128xi32, #tpu.memory_space<vmem>>)
      tpu.yield
    }) : () -> ()
    %scan3A_9 = arith.constant 0 : i32
    %scan3A_10 = arith.constant 0 : i32
    %scan3A_11 = arith.constant 3128 : i32
    %scan3A_12 = arith.addi %scan3A_10, %scan3A_11 : i32
    %scan3A_13 = arith.constant 1 : i32
    %scan3A_14 = scf.for %scan3A_16 = %scan3A_10 to %scan3A_12 step %scan3A_13 iter_args(%scan3A_17 = %scan3A_9) -> (i32)  : i32 {
      %get3A = arith.index_cast %scan3A_16 : i32 to index
      %get3A_18 = tpu.vector_load %arg6[%get3A] {strides = array<i32>} : memref<3144xi32, #tpu.memory_space<vmem>>, vector<16xi32>,
      %slice3A = vector.extract_strided_slice %get3A_18 {offsets = [0], sizes = [1], strides = [1]} : vector<16xi32> to vector<1xi32>
      %squeeze3A = vector.extract %slice3A[0] : i32 from vector<1xi32>
      %get3A_19 = arith.index_cast %squeeze3A : i32 to index
      %get3A_20 = arith.constant 0 : index
      %get3A_21 = tpu.vector_load %arg7[%get3A_19, %get3A_20] {strides = array<i32>} : memref<1001x16xf32, #tpu.memory_space<vmem>>, vector<16xf32>,
      %get3A_22 = arith.index_cast %scan3A_16 : i32 to index
      %get3A_23 = arith.constant 0 : index
      %get3A_24 = tpu.vector_load %arg5[%get3A_22, %get3A_23] {strides = array<i32>} : memref<3128x16xf32, #tpu.memory_space<vmem>>, vector<16xf32>,
      %max3A = arith.maximumf %get3A_21, %get3A_24 : vector<16xf32>
      %swap3A = arith.index_cast %squeeze3A : i32 to index
      %swap3A_25 = arith.constant 0 : index
      %swap3A_26 = tpu.vector_load %arg7[%swap3A, %swap3A_25] {strides = array<i32>} : memref<1001x16xf32, #tpu.memory_space<vmem>>, vector<16xf32>,
      tpu.vector_store %arg7[%swap3A, %swap3A_25], %max3A {strides = array<i32>} : memref<1001x16xf32, #tpu.memory_space<vmem>>, vector<16xf32>,
      %scan3A_27 = arith.constant 0 : i32
      scf.yield %scan3A_27 : i32
    }
    %scan3A_15 = arith.constant 3128 : i32
    "tpu.region"() ({
      %run_scoped3A = tpu.sem_alloc : memref<!tpu.dma_semaphore, #tpu.memory_space<semaphore_mem>>
      %dma_start3A = arith.constant 0 : i32
      %dma_start3A_16 = arith.constant 0 : i32
      %dma_start3A_17 = tpu.memref_slice %arg7[%dma_start3A, %dma_start3A_16] : memref<1001x16xf32, #tpu.memory_space<vmem>> -> memref<1000x16xf32, #tpu.memory_space<vmem>>
      %dma_start3A_18 = arith.constant 0 : i32
      %dma_start3A_19 = arith.constant 0 : i32
      %dma_start3A_20 = tpu.memref_slice %arg4[%add3A, %dma_start3A_18, %dma_start3A_19] : memref<32x1000x16xf32, #tpu.memory_space<hbm>> -> memref<1x1000x16xf32, #tpu.memory_space<hbm>>
      %dma_start3A_21 = tpu.memref_squeeze %dma_start3A_20 : memref<1x1000x16xf32, #tpu.memory_space<hbm>> -> memref<1000x16xf32, #tpu.memory_space<hbm>>
      %dma_start3A_22 = arith.constant 0 : i32
      %dma_start3A_23 = arith.constant 0 : i32
      %dma_start3A_24 = tpu.memref_slice %arg4[%add3A, %dma_start3A_22, %dma_start3A_23] : memref<32x1000x16xf32, #tpu.memory_space<hbm>> -> memref<1x1000x16xf32, #tpu.memory_space<hbm>>
      %dma_start3A_25 = tpu.memref_squeeze %dma_start3A_24 : memref<1x1000x16xf32, #tpu.memory_space<hbm>> -> memref<1000x16xf32, #tpu.memory_space<hbm>>
      %dma_start3A_26 = arith.constant 0 : i32
      %dma_start3A_27 = arith.constant 0 : i32
      %dma_start3A_28 = tpu.memref_slice %arg7[%dma_start3A_26, %dma_start3A_27] : memref<1001x16xf32, #tpu.memory_space<vmem>> -> memref<1000x16xf32, #tpu.memory_space<vmem>>
      tpu.enqueue_dma source(%dma_start3A_28 : memref<1000x16xf32, #tpu.memory_space<vmem>>) target(%dma_start3A_25 : memref<1000x16xf32, #tpu.memory_space<hbm>>) target_semaphore(%run_scoped3A : memref<!tpu.dma_semaphore, #tpu.memory_space<semaphore_mem>>)
      %dma_wait3A = arith.constant 0 : i32
      %dma_wait3A_29 = arith.constant 0 : i32
      %dma_wait3A_30 = tpu.memref_slice %arg7[%dma_wait3A, %dma_wait3A_29] : memref<1001x16xf32, #tpu.memory_space<vmem>> -> memref<1000x16xf32, #tpu.memory_space<vmem>>
      %dma_wait3A_31 = arith.constant 0 : i32
      %dma_wait3A_32 = arith.constant 0 : i32
      %dma_wait3A_33 = tpu.memref_slice %arg4[%add3A, %dma_wait3A_31, %dma_wait3A_32] : memref<32x1000x16xf32, #tpu.memory_space<hbm>> -> memref<1x1000x16xf32, #tpu.memory_space<hbm>>
      %dma_wait3A_34 = tpu.memref_squeeze %dma_wait3A_33 : memref<1x1000x16xf32, #tpu.memory_space<hbm>> -> memref<1000x16xf32, #tpu.memory_space<hbm>>
      %dma_wait3A_35 = arith.constant 0 : i32
      %dma_wait3A_36 = arith.constant 0 : i32
      %dma_wait3A_37 = tpu.memref_slice %arg4[%add3A, %dma_wait3A_35, %dma_wait3A_36] : memref<32x1000x16xf32, #tpu.memory_space<hbm>> -> memref<1x1000x16xf32, #tpu.memory_space<hbm>>
      %dma_wait3A_38 = tpu.memref_squeeze %dma_wait3A_37 : memref<1x1000x16xf32, #tpu.memory_space<hbm>> -> memref<1000x16xf32, #tpu.memory_space<hbm>>
      %dma_wait3A_39 = arith.constant 0 : i32
      %dma_wait3A_40 = arith.constant 0 : i32
      %dma_wait3A_41 = tpu.memref_slice %arg7[%dma_wait3A_39, %dma_wait3A_40] : memref<1001x16xf32, #tpu.memory_space<vmem>> -> memref<1000x16xf32, #tpu.memory_space<vmem>>
      tpu.wait_dma2 semaphore(%run_scoped3A : memref<!tpu.dma_semaphore, #tpu.memory_space<semaphore_mem>>) src(%dma_wait3A_41 : memref<1000x16xf32, #tpu.memory_space<vmem>>) dst(%dma_wait3A_38 : memref<1000x16xf32, #tpu.memory_space<hbm>>)
      tpu.yield
    }) : () -> ()
    return
  }
}

#map = affine_map<(d0, d1) -> (0, 0)>
module attributes {stable_mosaic.version = 14 : i64} {
  func.func @k(%arg0: i32, %arg1: i32, %arg2: memref<100096x16xf32, #tpu.memory_space<hbm>>, %arg3: memref<3200000x16xf32, #tpu.memory_space<hbm>>, %arg4: memref<2x3200000xi32, #tpu.memory_space<hbm>>, %arg5: memref<100096x16xf32, #tpu.memory_space<hbm>>, %arg6: memref<2x2000xi32, #tpu.memory_space<vmem>>, %arg7: memref<2x2000xi32, #tpu.memory_space<vmem>>, %arg8: memref<3568xi32, #tpu.memory_space<vmem>>, %arg9: memref<3568xi32, #tpu.memory_space<vmem>>, %arg10: memref<3568xi32, #tpu.memory_space<vmem>>, %arg11: memref<1536x16xf32, #tpu.memory_space<vmem>>, %arg12: memref<1536x16xf32, #tpu.memory_space<vmem>>, %arg13: memref<3129x16xf32, #tpu.memory_space<vmem>>, %arg14: memref<!tpu.dma_semaphore, #tpu.memory_space<semaphore_mem>>, %arg15: memref<!tpu.dma_semaphore, #tpu.memory_space<semaphore_mem>>, %arg16: memref<!tpu.dma_semaphore, #tpu.memory_space<semaphore_mem>>, %arg17: memref<!tpu.dma_semaphore, #tpu.memory_space<semaphore_mem>>, %arg18: memref<!tpu.dma_semaphore, #tpu.memory_space<semaphore_mem>>, %arg19: memref<!tpu.dma_semaphore, #tpu.memory_space<semaphore_mem>>) attributes {dimension_semantics = [#tpu.dimension_semantics<core_parallel>, #tpu.dimension_semantics<subcore_parallel>], iteration_bounds = array<i64: 2, 16>, scalar_prefetch = 0 : i64, scratch_operands = 14 : i64, tpu.core_type = #tpu.core_type<sc_vector_subcore>, window_params = [{transform_indices = #map}, {transform_indices = #map}, {transform_indices = #map}, {transform_indices = #map}]} {
    %mul3A = arith.constant 2 : i32
    %mul3A_0 = arith.muli %arg1, %mul3A : i32
    %add3A = arith.addi %mul3A_0, %arg0 : i32
    %mul3A_1 = arith.constant 3128 : i32
    %mul3A_2 = arith.muli %add3A, %mul3A_1 : i32
    %scan3A = arith.constant 0 : i32
    %scan3A_3 = arith.constant 0 : i32
    %scan3A_4 = arith.constant 3129 : i32
    %scan3A_5 = arith.addi %scan3A_3, %scan3A_4 : i32
    %scan3A_6 = arith.constant 1 : i32
    %scan3A_7 = scf.for %scan3A_76 = %scan3A_3 to %scan3A_5 step %scan3A_6 iter_args(%scan3A_77 = %scan3A) -> (i32)  : i32 {
      %broadcast_in_dim3A = arith.constant -3.40282347E+38 : f32
      %broadcast_in_dim3A_78 = vector.broadcast %broadcast_in_dim3A : f32 to vector<16xf32>
      %swap3A = arith.index_cast %scan3A_76 : i32 to index
      %swap3A_79 = arith.constant 0 : index
      %swap3A_80 = tpu.vector_load %arg13[%swap3A, %swap3A_79] {strides = array<i32>} : memref<3129x16xf32, #tpu.memory_space<vmem>>, vector<16xf32>,
      tpu.vector_store %arg13[%swap3A, %swap3A_79], %broadcast_in_dim3A_78 {strides = array<i32>} : memref<3129x16xf32, #tpu.memory_space<vmem>>, vector<16xf32>,
      %scan3A_81 = arith.constant 0 : i32
      scf.yield %scan3A_81 : i32
    }
    %scan3A_8 = arith.constant 3129 : i32
    %dma_start3A = arith.constant 1 : i32
    %dma_start3A_9 = arith.constant 0 : i32
    %dma_start3A_10 = arith.constant 0 : i32
    %dma_start3A_11 = tpu.memref_slice %arg6[%dma_start3A_9, %dma_start3A_10] : memref<2x2000xi32, #tpu.memory_space<vmem>> -> memref<1x2000xi32, #tpu.memory_space<vmem>>
    %dma_start3A_12 = tpu.memref_squeeze %dma_start3A_11 : memref<1x2000xi32, #tpu.memory_space<vmem>> -> memref<2000xi32, #tpu.memory_space<vmem>>
    %dma_start3A_13 = arith.constant 0 : i32
    %dma_start3A_14 = tpu.memref_slice %arg4[%dma_start3A, %dma_start3A_13] : memref<2x3200000xi32, #tpu.memory_space<hbm>> -> memref<1x2000xi32, #tpu.memory_space<hbm>>
    %dma_start3A_15 = tpu.memref_squeeze %dma_start3A_14 : memref<1x2000xi32, #tpu.memory_space<hbm>> -> memref<2000xi32, #tpu.memory_space<hbm>>
    %dma_start3A_16 = arith.constant 0 : i32
    %dma_start3A_17 = tpu.memref_slice %arg6[%dma_start3A_9, %dma_start3A_16] : memref<2x2000xi32, #tpu.memory_space<vmem>> -> memref<1x2000xi32, #tpu.memory_space<vmem>>
    %dma_start3A_18 = tpu.memref_squeeze %dma_start3A_17 : memref<1x2000xi32, #tpu.memory_space<vmem>> -> memref<2000xi32, #tpu.memory_space<vmem>>
    %dma_start3A_19 = arith.constant 0 : i32
    %dma_start3A_20 = tpu.memref_slice %arg4[%dma_start3A, %dma_start3A_19] : memref<2x3200000xi32, #tpu.memory_space<hbm>> -> memref<1x2000xi32, #tpu.memory_space<hbm>>
    %dma_start3A_21 = tpu.memref_squeeze %dma_start3A_20 : memref<1x2000xi32, #tpu.memory_space<hbm>> -> memref<2000xi32, #tpu.memory_space<hbm>>
    tpu.enqueue_dma source(%dma_start3A_21 : memref<2000xi32, #tpu.memory_space<hbm>>) target(%dma_start3A_18 : memref<2000xi32, #tpu.memory_space<vmem>>) target_semaphore(%arg16 : memref<!tpu.dma_semaphore, #tpu.memory_space<semaphore_mem>>)
    %dma_start3A_22 = arith.constant 0 : i32
    %dma_start3A_23 = arith.constant 0 : i32
    %dma_start3A_24 = arith.constant 0 : i32
    %dma_start3A_25 = tpu.memref_slice %arg7[%dma_start3A_23, %dma_start3A_24] : memref<2x2000xi32, #tpu.memory_space<vmem>> -> memref<1x2000xi32, #tpu.memory_space<vmem>>
    %dma_start3A_26 = tpu.memref_squeeze %dma_start3A_25 : memref<1x2000xi32, #tpu.memory_space<vmem>> -> memref<2000xi32, #tpu.memory_space<vmem>>
    %dma_start3A_27 = arith.constant 0 : i32
    %dma_start3A_28 = tpu.memref_slice %arg4[%dma_start3A_22, %dma_start3A_27] : memref<2x3200000xi32, #tpu.memory_space<hbm>> -> memref<1x2000xi32, #tpu.memory_space<hbm>>
    %dma_start3A_29 = tpu.memref_squeeze %dma_start3A_28 : memref<1x2000xi32, #tpu.memory_space<hbm>> -> memref<2000xi32, #tpu.memory_space<hbm>>
    %dma_start3A_30 = arith.constant 0 : i32
    %dma_start3A_31 = tpu.memref_slice %arg7[%dma_start3A_23, %dma_start3A_30] : memref<2x2000xi32, #tpu.memory_space<vmem>> -> memref<1x2000xi32, #tpu.memory_space<vmem>>
    %dma_start3A_32 = tpu.memref_squeeze %dma_start3A_31 : memref<1x2000xi32, #tpu.memory_space<vmem>> -> memref<2000xi32, #tpu.memory_space<vmem>>
    %dma_start3A_33 = arith.constant 0 : i32
    %dma_start3A_34 = tpu.memref_slice %arg4[%dma_start3A_22, %dma_start3A_33] : memref<2x3200000xi32, #tpu.memory_space<hbm>> -> memref<1x2000xi32, #tpu.memory_space<hbm>>
    %dma_start3A_35 = tpu.memref_squeeze %dma_start3A_34 : memref<1x2000xi32, #tpu.memory_space<hbm>> -> memref<2000xi32, #tpu.memory_space<hbm>>
    tpu.enqueue_dma source(%dma_start3A_35 : memref<2000xi32, #tpu.memory_space<hbm>>) target(%dma_start3A_32 : memref<2000xi32, #tpu.memory_space<vmem>>) target_semaphore(%arg18 : memref<!tpu.dma_semaphore, #tpu.memory_space<semaphore_mem>>)
    %scan3A_36 = arith.constant 0 : i32
    %scan3A_37 = arith.constant 0 : i32
    %scan3A_38 = arith.constant 800 : i32
    %scan3A_39 = arith.addi %scan3A_37, %scan3A_38 : i32
    %scan3A_40 = arith.constant 1 : i32
    %scan3A_41 = scf.for %scan3A_76 = %scan3A_37 to %scan3A_39 step %scan3A_40 iter_args(%scan3A_77 = %scan3A_36) -> (i32)  : i32 {
      %mul3A_78 = arith.constant 2 : i32
      %mul3A_79 = arith.muli %mul3A_78, %scan3A_76 : i32
      %mul3A_80 = arith.constant 2000 : i32
      %mul3A_81 = arith.muli %mul3A_79, %mul3A_80 : i32
      %dma_wait3A_82 = arith.constant 1 : i32
      %dma_wait3A_83 = arith.constant 0 : i32
      %dma_wait3A_84 = arith.constant 0 : i32
      %dma_wait3A_85 = tpu.memref_slice %arg6[%dma_wait3A_83, %dma_wait3A_84] : memref<2x2000xi32, #tpu.memory_space<vmem>> -> memref<1x2000xi32, #tpu.memory_space<vmem>>
      %dma_wait3A_86 = tpu.memref_squeeze %dma_wait3A_85 : memref<1x2000xi32, #tpu.memory_space<vmem>> -> memref<2000xi32, #tpu.memory_space<vmem>>
      %dma_wait3A_87 = tpu.memref_slice %arg4[%dma_wait3A_82, %mul3A_81] : memref<2x3200000xi32, #tpu.memory_space<hbm>> -> memref<1x2000xi32, #tpu.memory_space<hbm>>
      %dma_wait3A_88 = tpu.memref_squeeze %dma_wait3A_87 : memref<1x2000xi32, #tpu.memory_space<hbm>> -> memref<2000xi32, #tpu.memory_space<hbm>>
      %dma_wait3A_89 = arith.constant 0 : i32
      %dma_wait3A_90 = tpu.memref_slice %arg6[%dma_wait3A_83, %dma_wait3A_89] : memref<2x2000xi32, #tpu.memory_space<vmem>> -> memref<1x2000xi32, #tpu.memory_space<vmem>>
      %dma_wait3A_91 = tpu.memref_squeeze %dma_wait3A_90 : memref<1x2000xi32, #tpu.memory_space<vmem>> -> memref<2000xi32, #tpu.memory_space<vmem>>
      %dma_wait3A_92 = tpu.memref_slice %arg4[%dma_wait3A_82, %mul3A_81] : memref<2x3200000xi32, #tpu.memory_space<hbm>> -> memref<1x2000xi32, #tpu.memory_space<hbm>>
      %dma_wait3A_93 = tpu.memref_squeeze %dma_wait3A_92 : memref<1x2000xi32, #tpu.memory_space<hbm>> -> memref<2000xi32, #tpu.memory_space<hbm>>
      tpu.wait_dma2 semaphore(%arg16 : memref<!tpu.dma_semaphore, #tpu.memory_space<semaphore_mem>>) src(%dma_wait3A_93 : memref<2000xi32, #tpu.memory_space<hbm>>) dst(%dma_wait3A_91 : memref<2000xi32, #tpu.memory_space<vmem>>)
      %mul3A_94 = arith.constant 2000 : i32
      %mul3A_95 = arith.muli %mul3A_79, %mul3A_94 : i32
      %dma_wait3A_96 = arith.constant 0 : i32
      %dma_wait3A_97 = arith.constant 0 : i32
      %dma_wait3A_98 = arith.constant 0 : i32
      %dma_wait3A_99 = tpu.memref_slice %arg7[%dma_wait3A_97, %dma_wait3A_98] : memref<2x2000xi32, #tpu.memory_space<vmem>> -> memref<1x2000xi32, #tpu.memory_space<vmem>>
      %dma_wait3A_100 = tpu.memref_squeeze %dma_wait3A_99 : memref<1x2000xi32, #tpu.memory_space<vmem>> -> memref<2000xi32, #tpu.memory_space<vmem>>
      %dma_wait3A_101 = tpu.memref_slice %arg4[%dma_wait3A_96, %mul3A_95] : memref<2x3200000xi32, #tpu.memory_space<hbm>> -> memref<1x2000xi32, #tpu.memory_space<hbm>>
      %dma_wait3A_102 = tpu.memref_squeeze %dma_wait3A_101 : memref<1x2000xi32, #tpu.memory_space<hbm>> -> memref<2000xi32, #tpu.memory_space<hbm>>
      %dma_wait3A_103 = arith.constant 0 : i32
      %dma_wait3A_104 = tpu.memref_slice %arg7[%dma_wait3A_97, %dma_wait3A_103] : memref<2x2000xi32, #tpu.memory_space<vmem>> -> memref<1x2000xi32, #tpu.memory_space<vmem>>
      %dma_wait3A_105 = tpu.memref_squeeze %dma_wait3A_104 : memref<1x2000xi32, #tpu.memory_space<vmem>> -> memref<2000xi32, #tpu.memory_space<vmem>>
      %dma_wait3A_106 = tpu.memref_slice %arg4[%dma_wait3A_96, %mul3A_95] : memref<2x3200000xi32, #tpu.memory_space<hbm>> -> memref<1x2000xi32, #tpu.memory_space<hbm>>
      %dma_wait3A_107 = tpu.memref_squeeze %dma_wait3A_106 : memref<1x2000xi32, #tpu.memory_space<hbm>> -> memref<2000xi32, #tpu.memory_space<hbm>>
      tpu.wait_dma2 semaphore(%arg18 : memref<!tpu.dma_semaphore, #tpu.memory_space<semaphore_mem>>) src(%dma_wait3A_107 : memref<2000xi32, #tpu.memory_space<hbm>>) dst(%dma_wait3A_105 : memref<2000xi32, #tpu.memory_space<vmem>>)
      %add3A_108 = arith.constant 1 : i32
      %add3A_109 = arith.addi %mul3A_79, %add3A_108 : i32
      %lt3A = arith.constant 1600 : i32
      %lt3A_110 = arith.cmpi slt, %add3A_109, %lt3A : i32
      %convert_element_type3A = arith.extui %lt3A_110 : i1 to i32
      %cond3A = arith.constant 0 : i32
      %cond3A_111 = arith.cmpi ne, %convert_element_type3A, %cond3A : i32
      scf.if %cond3A_111 {
        %add3A_164 = arith.constant 1 : i32
        %add3A_165 = arith.addi %mul3A_79, %add3A_164 : i32
        %mul3A_166 = arith.constant 2000 : i32
        %mul3A_167 = arith.muli %add3A_165, %mul3A_166 : i32
        %dma_start3A_168 = arith.constant 1 : i32
        %dma_start3A_169 = arith.constant 1 : i32
        %dma_start3A_170 = arith.constant 0 : i32
        %dma_start3A_171 = tpu.memref_slice %arg6[%dma_start3A_169, %dma_start3A_170] : memref<2x2000xi32, #tpu.memory_space<vmem>> -> memref<1x2000xi32, #tpu.memory_space<vmem>>
        %dma_start3A_172 = tpu.memref_squeeze %dma_start3A_171 : memref<1x2000xi32, #tpu.memory_space<vmem>> -> memref<2000xi32, #tpu.memory_space<vmem>>
        %dma_start3A_173 = tpu.memref_slice %arg4[%dma_start3A_168, %mul3A_167] : memref<2x3200000xi32, #tpu.memory_space<hbm>> -> memref<1x2000xi32, #tpu.memory_space<hbm>>
        %dma_start3A_174 = tpu.memref_squeeze %dma_start3A_173 : memref<1x2000xi32, #tpu.memory_space<hbm>> -> memref<2000xi32, #tpu.memory_space<hbm>>
        %dma_start3A_175 = arith.constant 0 : i32
        %dma_start3A_176 = tpu.memref_slice %arg6[%dma_start3A_169, %dma_start3A_175] : memref<2x2000xi32, #tpu.memory_space<vmem>> -> memref<1x2000xi32, #tpu.memory_space<vmem>>
        %dma_start3A_177 = tpu.memref_squeeze %dma_start3A_176 : memref<1x2000xi32, #tpu.memory_space<vmem>> -> memref<2000xi32, #tpu.memory_space<vmem>>
        %dma_start3A_178 = tpu.memref_slice %arg4[%dma_start3A_168, %mul3A_167] : memref<2x3200000xi32, #tpu.memory_space<hbm>> -> memref<1x2000xi32, #tpu.memory_space<hbm>>
        %dma_start3A_179 = tpu.memref_squeeze %dma_start3A_178 : memref<1x2000xi32, #tpu.memory_space<hbm>> -> memref<2000xi32, #tpu.memory_space<hbm>>
        tpu.enqueue_dma source(%dma_start3A_179 : memref<2000xi32, #tpu.memory_space<hbm>>) target(%dma_start3A_177 : memref<2000xi32, #tpu.memory_space<vmem>>) target_semaphore(%arg17 : memref<!tpu.dma_semaphore, #tpu.memory_space<semaphore_mem>>)
        %mul3A_180 = arith.constant 2000 : i32
        %mul3A_181 = arith.muli %add3A_165, %mul3A_180 : i32
        %dma_start3A_182 = arith.constant 0 : i32
        %dma_start3A_183 = arith.constant 1 : i32
        %dma_start3A_184 = arith.constant 0 : i32
        %dma_start3A_185 = tpu.memref_slice %arg7[%dma_start3A_183, %dma_start3A_184] : memref<2x2000xi32, #tpu.memory_space<vmem>> -> memref<1x2000xi32, #tpu.memory_space<vmem>>
        %dma_start3A_186 = tpu.memref_squeeze %dma_start3A_185 : memref<1x2000xi32, #tpu.memory_space<vmem>> -> memref<2000xi32, #tpu.memory_space<vmem>>
        %dma_start3A_187 = tpu.memref_slice %arg4[%dma_start3A_182, %mul3A_181] : memref<2x3200000xi32, #tpu.memory_space<hbm>> -> memref<1x2000xi32, #tpu.memory_space<hbm>>
        %dma_start3A_188 = tpu.memref_squeeze %dma_start3A_187 : memref<1x2000xi32, #tpu.memory_space<hbm>> -> memref<2000xi32, #tpu.memory_space<hbm>>
        %dma_start3A_189 = arith.constant 0 : i32
        %dma_start3A_190 = tpu.memref_slice %arg7[%dma_start3A_183, %dma_start3A_189] : memref<2x2000xi32, #tpu.memory_space<vmem>> -> memref<1x2000xi32, #tpu.memory_space<vmem>>
        %dma_start3A_191 = tpu.memref_squeeze %dma_start3A_190 : memref<1x2000xi32, #tpu.memory_space<vmem>> -> memref<2000xi32, #tpu.memory_space<vmem>>
        %dma_start3A_192 = tpu.memref_slice %arg4[%dma_start3A_182, %mul3A_181] : memref<2x3200000xi32, #tpu.memory_space<hbm>> -> memref<1x2000xi32, #tpu.memory_space<hbm>>
        %dma_start3A_193 = tpu.memref_squeeze %dma_start3A_192 : memref<1x2000xi32, #tpu.memory_space<hbm>> -> memref<2000xi32, #tpu.memory_space<hbm>>
        tpu.enqueue_dma source(%dma_start3A_193 : memref<2000xi32, #tpu.memory_space<hbm>>) target(%dma_start3A_191 : memref<2000xi32, #tpu.memory_space<vmem>>) target_semaphore(%arg19 : memref<!tpu.dma_semaphore, #tpu.memory_space<semaphore_mem>>)
      } else {
      }
      %scan3A_112 = arith.constant 0 : i32
      %scan3A_113 = arith.constant 25 : i32
      %scan3A_114 = arith.addi %scan3A_112, %scan3A_113 : i32
      %scan3A_115 = arith.constant 1 : i32
      %scan3A_116 = scf.for %scan3A_164 = %scan3A_112 to %scan3A_114 step %scan3A_115 iter_args(%scan3A_165 = %scan3A_77) -> (i32)  : i32 {
        %mul3A_166 = arith.constant 80 : i32
        %mul3A_167 = arith.muli %scan3A_164, %mul3A_166 : i32
        %add3A_168 = arith.constant 0 : i32
        %add3A_169 = arith.addi %mul3A_167, %add3A_168 : i32
        %get3A = arith.constant 0 : i32
        %get3A_170 = arith.index_cast %get3A : i32 to index
        %get3A_171 = arith.index_cast %add3A_169 : i32 to index
        %get3A_172 = tpu.vector_load %arg6[%get3A_170, %get3A_171] {strides = array<i32>} : memref<2x2000xi32, #tpu.memory_space<vmem>>, vector<16xi32>,
        %get3A_173 = arith.constant 0 : i32
        %get3A_174 = arith.index_cast %get3A_173 : i32 to index
        %get3A_175 = arith.index_cast %add3A_169 : i32 to index
        %get3A_176 = tpu.vector_load %arg7[%get3A_174, %get3A_175] {strides = array<i32>} : memref<2x2000xi32, #tpu.memory_space<vmem>>, vector<16xi32>,
        %sub3A = vector.broadcast %mul3A_2 : i32 to vector<16xi32>
        %sub3A_177 = arith.subi %get3A_172, %sub3A : vector<16xi32>
        %ge3A = arith.constant 0 : i32
        %ge3A_178 = vector.broadcast %ge3A : i32 to vector<16xi32>
        %ge3A_179 = arith.cmpi sge, %sub3A_177, %ge3A_178 : vector<16xi32>
        %lt3A_180 = arith.constant 3128 : i32
        %lt3A_181 = vector.broadcast %lt3A_180 : i32 to vector<16xi32>
        %lt3A_182 = arith.cmpi slt, %sub3A_177, %lt3A_181 : vector<16xi32>
        %and3A = arith.andi %ge3A_179, %lt3A_182 : vector<16xi1>
        %all_reduce_population_count3A = tpu.all_reduce %and3A {dim = 0 : i64, kind = #tpu.reduction_kind<sum>} : vector<16xi1> -> vector<16xi32>
        %slice3A = vector.extract_strided_slice %all_reduce_population_count3A {offsets = [0], sizes = [1], strides = [1]} : vector<16xi32> to vector<1xi32>
        %squeeze3A = vector.extract %slice3A[0] : i32 from vector<1xi32>
        %swap3A = arith.index_cast %scan3A_165 : i32 to index
        %swap3A_183 = tpu.vector_load %arg10[%swap3A] masked %and3A {strides = array<i32>} : memref<3568xi32, #tpu.memory_space<vmem>>, vector<16xi32>, vector<16xi1>
        tpu.vector_store %arg10[%swap3A], %sub3A_177 masked %and3A {strides = array<i32>} : memref<3568xi32, #tpu.memory_space<vmem>>, vector<16xi32>, vector<16xi1>
        %swap3A_184 = arith.index_cast %scan3A_165 : i32 to index
        %swap3A_185 = tpu.vector_load %arg9[%swap3A_184] masked %and3A {strides = array<i32>} : memref<3568xi32, #tpu.memory_space<vmem>>, vector<16xi32>, vector<16xi1>
        tpu.vector_store %arg9[%swap3A_184], %get3A_176 masked %and3A {strides = array<i32>} : memref<3568xi32, #tpu.memory_space<vmem>>, vector<16xi32>, vector<16xi1>
        %mul3A_186 = arith.constant 2000 : i32
        %mul3A_187 = arith.muli %mul3A_79, %mul3A_186 : i32
        %add3A_188 = arith.addi %mul3A_187, %add3A_169 : i32
        %iota3A = tpu.iota {dimensions = array<i32: 0>} : vector<16xi32>
        %add3A_189 = vector.broadcast %add3A_188 : i32 to vector<16xi32>
        %add3A_190 = arith.addi %add3A_189, %iota3A : vector<16xi32>
        %swap3A_191 = arith.index_cast %scan3A_165 : i32 to index
        %swap3A_192 = tpu.vector_load %arg8[%swap3A_191] masked %and3A {strides = array<i32>} : memref<3568xi32, #tpu.memory_space<vmem>>, vector<16xi32>, vector<16xi1>
        tpu.vector_store %arg8[%swap3A_191], %add3A_190 masked %and3A {strides = array<i32>} : memref<3568xi32, #tpu.memory_space<vmem>>, vector<16xi32>, vector<16xi1>
        %add3A_193 = arith.addi %scan3A_165, %squeeze3A : i32
        %mul3A_194 = arith.constant 80 : i32
        %mul3A_195 = arith.muli %scan3A_164, %mul3A_194 : i32
        %add3A_196 = arith.constant 16 : i32
        %add3A_197 = arith.addi %mul3A_195, %add3A_196 : i32
        %get3A_198 = arith.constant 0 : i32
        %get3A_199 = arith.index_cast %get3A_198 : i32 to index
        %get3A_200 = arith.index_cast %add3A_197 : i32 to index
        %get3A_201 = tpu.vector_load %arg6[%get3A_199, %get3A_200] {strides = array<i32>} : memref<2x2000xi32, #tpu.memory_space<vmem>>, vector<16xi32>,
        %get3A_202 = arith.constant 0 : i32
        %get3A_203 = arith.index_cast %get3A_202 : i32 to index
        %get3A_204 = arith.index_cast %add3A_197 : i32 to index
        %get3A_205 = tpu.vector_load %arg7[%get3A_203, %get3A_204] {strides = array<i32>} : memref<2x2000xi32, #tpu.memory_space<vmem>>, vector<16xi32>,
        %sub3A_206 = vector.broadcast %mul3A_2 : i32 to vector<16xi32>
        %sub3A_207 = arith.subi %get3A_201, %sub3A_206 : vector<16xi32>
        %ge3A_208 = arith.constant 0 : i32
        %ge3A_209 = vector.broadcast %ge3A_208 : i32 to vector<16xi32>
        %ge3A_210 = arith.cmpi sge, %sub3A_207, %ge3A_209 : vector<16xi32>
        %lt3A_211 = arith.constant 3128 : i32
        %lt3A_212 = vector.broadcast %lt3A_211 : i32 to vector<16xi32>
        %lt3A_213 = arith.cmpi slt, %sub3A_207, %lt3A_212 : vector<16xi32>
        %and3A_214 = arith.andi %ge3A_210, %lt3A_213 : vector<16xi1>
        %all_reduce_population_count3A_215 = tpu.all_reduce %and3A_214 {dim = 0 : i64, kind = #tpu.reduction_kind<sum>} : vector<16xi1> -> vector<16xi32>
        %slice3A_216 = vector.extract_strided_slice %all_reduce_population_count3A_215 {offsets = [0], sizes = [1], strides = [1]} : vector<16xi32> to vector<1xi32>
        %squeeze3A_217 = vector.extract %slice3A_216[0] : i32 from vector<1xi32>
        %swap3A_218 = arith.index_cast %add3A_193 : i32 to index
        %swap3A_219 = tpu.vector_load %arg10[%swap3A_218] masked %and3A_214 {strides = array<i32>} : memref<3568xi32, #tpu.memory_space<vmem>>, vector<16xi32>, vector<16xi1>
        tpu.vector_store %arg10[%swap3A_218], %sub3A_207 masked %and3A_214 {strides = array<i32>} : memref<3568xi32, #tpu.memory_space<vmem>>, vector<16xi32>, vector<16xi1>
        %swap3A_220 = arith.index_cast %add3A_193 : i32 to index
        %swap3A_221 = tpu.vector_load %arg9[%swap3A_220] masked %and3A_214 {strides = array<i32>} : memref<3568xi32, #tpu.memory_space<vmem>>, vector<16xi32>, vector<16xi1>
        tpu.vector_store %arg9[%swap3A_220], %get3A_205 masked %and3A_214 {strides = array<i32>} : memref<3568xi32, #tpu.memory_space<vmem>>, vector<16xi32>, vector<16xi1>
        %mul3A_222 = arith.constant 2000 : i32
        %mul3A_223 = arith.muli %mul3A_79, %mul3A_222 : i32
        %add3A_224 = arith.addi %mul3A_223, %add3A_197 : i32
        %iota3A_225 = tpu.iota {dimensions = array<i32: 0>} : vector<16xi32>
        %add3A_226 = vector.broadcast %add3A_224 : i32 to vector<16xi32>
        %add3A_227 = arith.addi %add3A_226, %iota3A_225 : vector<16xi32>
        %swap3A_228 = arith.index_cast %add3A_193 : i32 to index
        %swap3A_229 = tpu.vector_load %arg8[%swap3A_228] masked %and3A_214 {strides = array<i32>} : memref<3568xi32, #tpu.memory_space<vmem>>, vector<16xi32>, vector<16xi1>
        tpu.vector_store %arg8[%swap3A_228], %add3A_227 masked %and3A_214 {strides = array<i32>} : memref<3568xi32, #tpu.memory_space<vmem>>, vector<16xi32>, vector<16xi1>
        %add3A_230 = arith.addi %add3A_193, %squeeze3A_217 : i32
        %mul3A_231 = arith.constant 80 : i32
        %mul3A_232 = arith.muli %scan3A_164, %mul3A_231 : i32
        %add3A_233 = arith.constant 32 : i32
        %add3A_234 = arith.addi %mul3A_232, %add3A_233 : i32
        %get3A_235 = arith.constant 0 : i32
        %get3A_236 = arith.index_cast %get3A_235 : i32 to index
        %get3A_237 = arith.index_cast %add3A_234 : i32 to index
        %get3A_238 = tpu.vector_load %arg6[%get3A_236, %get3A_237] {strides = array<i32>} : memref<2x2000xi32, #tpu.memory_space<vmem>>, vector<16xi32>,
        %get3A_239 = arith.constant 0 : i32
        %get3A_240 = arith.index_cast %get3A_239 : i32 to index
        %get3A_241 = arith.index_cast %add3A_234 : i32 to index
        %get3A_242 = tpu.vector_load %arg7[%get3A_240, %get3A_241] {strides = array<i32>} : memref<2x2000xi32, #tpu.memory_space<vmem>>, vector<16xi32>,
        %sub3A_243 = vector.broadcast %mul3A_2 : i32 to vector<16xi32>
        %sub3A_244 = arith.subi %get3A_238, %sub3A_243 : vector<16xi32>
        %ge3A_245 = arith.constant 0 : i32
        %ge3A_246 = vector.broadcast %ge3A_245 : i32 to vector<16xi32>
        %ge3A_247 = arith.cmpi sge, %sub3A_244, %ge3A_246 : vector<16xi32>
        %lt3A_248 = arith.constant 3128 : i32
        %lt3A_249 = vector.broadcast %lt3A_248 : i32 to vector<16xi32>
        %lt3A_250 = arith.cmpi slt, %sub3A_244, %lt3A_249 : vector<16xi32>
        %and3A_251 = arith.andi %ge3A_247, %lt3A_250 : vector<16xi1>
        %all_reduce_population_count3A_252 = tpu.all_reduce %and3A_251 {dim = 0 : i64, kind = #tpu.reduction_kind<sum>} : vector<16xi1> -> vector<16xi32>
        %slice3A_253 = vector.extract_strided_slice %all_reduce_population_count3A_252 {offsets = [0], sizes = [1], strides = [1]} : vector<16xi32> to vector<1xi32>
        %squeeze3A_254 = vector.extract %slice3A_253[0] : i32 from vector<1xi32>
        %swap3A_255 = arith.index_cast %add3A_230 : i32 to index
        %swap3A_256 = tpu.vector_load %arg10[%swap3A_255] masked %and3A_251 {strides = array<i32>} : memref<3568xi32, #tpu.memory_space<vmem>>, vector<16xi32>, vector<16xi1>
        tpu.vector_store %arg10[%swap3A_255], %sub3A_244 masked %and3A_251 {strides = array<i32>} : memref<3568xi32, #tpu.memory_space<vmem>>, vector<16xi32>, vector<16xi1>
        %swap3A_257 = arith.index_cast %add3A_230 : i32 to index
        %swap3A_258 = tpu.vector_load %arg9[%swap3A_257] masked %and3A_251 {strides = array<i32>} : memref<3568xi32, #tpu.memory_space<vmem>>, vector<16xi32>, vector<16xi1>
        tpu.vector_store %arg9[%swap3A_257], %get3A_242 masked %and3A_251 {strides = array<i32>} : memref<3568xi32, #tpu.memory_space<vmem>>, vector<16xi32>, vector<16xi1>
        %mul3A_259 = arith.constant 2000 : i32
        %mul3A_260 = arith.muli %mul3A_79, %mul3A_259 : i32
        %add3A_261 = arith.addi %mul3A_260, %add3A_234 : i32
        %iota3A_262 = tpu.iota {dimensions = array<i32: 0>} : vector<16xi32>
        %add3A_263 = vector.broadcast %add3A_261 : i32 to vector<16xi32>
        %add3A_264 = arith.addi %add3A_263, %iota3A_262 : vector<16xi32>
        %swap3A_265 = arith.index_cast %add3A_230 : i32 to index
        %swap3A_266 = tpu.vector_load %arg8[%swap3A_265] masked %and3A_251 {strides = array<i32>} : memref<3568xi32, #tpu.memory_space<vmem>>, vector<16xi32>, vector<16xi1>
        tpu.vector_store %arg8[%swap3A_265], %add3A_264 masked %and3A_251 {strides = array<i32>} : memref<3568xi32, #tpu.memory_space<vmem>>, vector<16xi32>, vector<16xi1>
        %add3A_267 = arith.addi %add3A_230, %squeeze3A_254 : i32
        %mul3A_268 = arith.constant 80 : i32
        %mul3A_269 = arith.muli %scan3A_164, %mul3A_268 : i32
        %add3A_270 = arith.constant 48 : i32
        %add3A_271 = arith.addi %mul3A_269, %add3A_270 : i32
        %get3A_272 = arith.constant 0 : i32
        %get3A_273 = arith.index_cast %get3A_272 : i32 to index
        %get3A_274 = arith.index_cast %add3A_271 : i32 to index
        %get3A_275 = tpu.vector_load %arg6[%get3A_273, %get3A_274] {strides = array<i32>} : memref<2x2000xi32, #tpu.memory_space<vmem>>, vector<16xi32>,
        %get3A_276 = arith.constant 0 : i32
        %get3A_277 = arith.index_cast %get3A_276 : i32 to index
        %get3A_278 = arith.index_cast %add3A_271 : i32 to index
        %get3A_279 = tpu.vector_load %arg7[%get3A_277, %get3A_278] {strides = array<i32>} : memref<2x2000xi32, #tpu.memory_space<vmem>>, vector<16xi32>,
        %sub3A_280 = vector.broadcast %mul3A_2 : i32 to vector<16xi32>
        %sub3A_281 = arith.subi %get3A_275, %sub3A_280 : vector<16xi32>
        %ge3A_282 = arith.constant 0 : i32
        %ge3A_283 = vector.broadcast %ge3A_282 : i32 to vector<16xi32>
        %ge3A_284 = arith.cmpi sge, %sub3A_281, %ge3A_283 : vector<16xi32>
        %lt3A_285 = arith.constant 3128 : i32
        %lt3A_286 = vector.broadcast %lt3A_285 : i32 to vector<16xi32>
        %lt3A_287 = arith.cmpi slt, %sub3A_281, %lt3A_286 : vector<16xi32>
        %and3A_288 = arith.andi %ge3A_284, %lt3A_287 : vector<16xi1>
        %all_reduce_population_count3A_289 = tpu.all_reduce %and3A_288 {dim = 0 : i64, kind = #tpu.reduction_kind<sum>} : vector<16xi1> -> vector<16xi32>
        %slice3A_290 = vector.extract_strided_slice %all_reduce_population_count3A_289 {offsets = [0], sizes = [1], strides = [1]} : vector<16xi32> to vector<1xi32>
        %squeeze3A_291 = vector.extract %slice3A_290[0] : i32 from vector<1xi32>
        %swap3A_292 = arith.index_cast %add3A_267 : i32 to index
        %swap3A_293 = tpu.vector_load %arg10[%swap3A_292] masked %and3A_288 {strides = array<i32>} : memref<3568xi32, #tpu.memory_space<vmem>>, vector<16xi32>, vector<16xi1>
        tpu.vector_store %arg10[%swap3A_292], %sub3A_281 masked %and3A_288 {strides = array<i32>} : memref<3568xi32, #tpu.memory_space<vmem>>, vector<16xi32>, vector<16xi1>
        %swap3A_294 = arith.index_cast %add3A_267 : i32 to index
        %swap3A_295 = tpu.vector_load %arg9[%swap3A_294] masked %and3A_288 {strides = array<i32>} : memref<3568xi32, #tpu.memory_space<vmem>>, vector<16xi32>, vector<16xi1>
        tpu.vector_store %arg9[%swap3A_294], %get3A_279 masked %and3A_288 {strides = array<i32>} : memref<3568xi32, #tpu.memory_space<vmem>>, vector<16xi32>, vector<16xi1>
        %mul3A_296 = arith.constant 2000 : i32
        %mul3A_297 = arith.muli %mul3A_79, %mul3A_296 : i32
        %add3A_298 = arith.addi %mul3A_297, %add3A_271 : i32
        %iota3A_299 = tpu.iota {dimensions = array<i32: 0>} : vector<16xi32>
        %add3A_300 = vector.broadcast %add3A_298 : i32 to vector<16xi32>
        %add3A_301 = arith.addi %add3A_300, %iota3A_299 : vector<16xi32>
        %swap3A_302 = arith.index_cast %add3A_267 : i32 to index
        %swap3A_303 = tpu.vector_load %arg8[%swap3A_302] masked %and3A_288 {strides = array<i32>} : memref<3568xi32, #tpu.memory_space<vmem>>, vector<16xi32>, vector<16xi1>
        tpu.vector_store %arg8[%swap3A_302], %add3A_301 masked %and3A_288 {strides = array<i32>} : memref<3568xi32, #tpu.memory_space<vmem>>, vector<16xi32>, vector<16xi1>
        %add3A_304 = arith.addi %add3A_267, %squeeze3A_291 : i32
        %mul3A_305 = arith.constant 80 : i32
        %mul3A_306 = arith.muli %scan3A_164, %mul3A_305 : i32
        %add3A_307 = arith.constant 64 : i32
        %add3A_308 = arith.addi %mul3A_306, %add3A_307 : i32
        %get3A_309 = arith.constant 0 : i32
        %get3A_310 = arith.index_cast %get3A_309 : i32 to index
        %get3A_311 = arith.index_cast %add3A_308 : i32 to index
        %get3A_312 = tpu.vector_load %arg6[%get3A_310, %get3A_311] {strides = array<i32>} : memref<2x2000xi32, #tpu.memory_space<vmem>>, vector<16xi32>,
        %get3A_313 = arith.constant 0 : i32
        %get3A_314 = arith.index_cast %get3A_313 : i32 to index
        %get3A_315 = arith.index_cast %add3A_308 : i32 to index
        %get3A_316 = tpu.vector_load %arg7[%get3A_314, %get3A_315] {strides = array<i32>} : memref<2x2000xi32, #tpu.memory_space<vmem>>, vector<16xi32>,
        %sub3A_317 = vector.broadcast %mul3A_2 : i32 to vector<16xi32>
        %sub3A_318 = arith.subi %get3A_312, %sub3A_317 : vector<16xi32>
        %ge3A_319 = arith.constant 0 : i32
        %ge3A_320 = vector.broadcast %ge3A_319 : i32 to vector<16xi32>
        %ge3A_321 = arith.cmpi sge, %sub3A_318, %ge3A_320 : vector<16xi32>
        %lt3A_322 = arith.constant 3128 : i32
        %lt3A_323 = vector.broadcast %lt3A_322 : i32 to vector<16xi32>
        %lt3A_324 = arith.cmpi slt, %sub3A_318, %lt3A_323 : vector<16xi32>
        %and3A_325 = arith.andi %ge3A_321, %lt3A_324 : vector<16xi1>
        %all_reduce_population_count3A_326 = tpu.all_reduce %and3A_325 {dim = 0 : i64, kind = #tpu.reduction_kind<sum>} : vector<16xi1> -> vector<16xi32>
        %slice3A_327 = vector.extract_strided_slice %all_reduce_population_count3A_326 {offsets = [0], sizes = [1], strides = [1]} : vector<16xi32> to vector<1xi32>
        %squeeze3A_328 = vector.extract %slice3A_327[0] : i32 from vector<1xi32>
        %swap3A_329 = arith.index_cast %add3A_304 : i32 to index
        %swap3A_330 = tpu.vector_load %arg10[%swap3A_329] masked %and3A_325 {strides = array<i32>} : memref<3568xi32, #tpu.memory_space<vmem>>, vector<16xi32>, vector<16xi1>
        tpu.vector_store %arg10[%swap3A_329], %sub3A_318 masked %and3A_325 {strides = array<i32>} : memref<3568xi32, #tpu.memory_space<vmem>>, vector<16xi32>, vector<16xi1>
        %swap3A_331 = arith.index_cast %add3A_304 : i32 to index
        %swap3A_332 = tpu.vector_load %arg9[%swap3A_331] masked %and3A_325 {strides = array<i32>} : memref<3568xi32, #tpu.memory_space<vmem>>, vector<16xi32>, vector<16xi1>
        tpu.vector_store %arg9[%swap3A_331], %get3A_316 masked %and3A_325 {strides = array<i32>} : memref<3568xi32, #tpu.memory_space<vmem>>, vector<16xi32>, vector<16xi1>
        %mul3A_333 = arith.constant 2000 : i32
        %mul3A_334 = arith.muli %mul3A_79, %mul3A_333 : i32
        %add3A_335 = arith.addi %mul3A_334, %add3A_308 : i32
        %iota3A_336 = tpu.iota {dimensions = array<i32: 0>} : vector<16xi32>
        %add3A_337 = vector.broadcast %add3A_335 : i32 to vector<16xi32>
        %add3A_338 = arith.addi %add3A_337, %iota3A_336 : vector<16xi32>
        %swap3A_339 = arith.index_cast %add3A_304 : i32 to index
        %swap3A_340 = tpu.vector_load %arg8[%swap3A_339] masked %and3A_325 {strides = array<i32>} : memref<3568xi32, #tpu.memory_space<vmem>>, vector<16xi32>, vector<16xi1>
        tpu.vector_store %arg8[%swap3A_339], %add3A_338 masked %and3A_325 {strides = array<i32>} : memref<3568xi32, #tpu.memory_space<vmem>>, vector<16xi32>, vector<16xi1>
        %add3A_341 = arith.addi %add3A_304, %squeeze3A_328 : i32
        scf.yield %add3A_341 : i32
      }
      %scan3A_117 = arith.constant 25 : i32
      %while3A = scf.while (%while3A_164 = %scan3A_116) : (i32) -> i32 {
        %ge3A = arith.constant 1536 : i32
        %ge3A_165 = arith.cmpi sge, %while3A_164, %ge3A : i32
        scf.condition(%ge3A_165) %while3A_164 : i32
      } do {
      ^bb0(%while3A_164: i32):
        %dma_start3A_165 = arith.constant 0 : i32
        %dma_start3A_166 = tpu.memref_slice %arg8[%dma_start3A_165] : memref<3568xi32, #tpu.memory_space<vmem>> -> memref<1536xi32, #tpu.memory_space<vmem>>
        %dma_start3A_167 = arith.constant 0 : i32
        %dma_start3A_168 = arith.constant 0 : i32
        %dma_start3A_169 = tpu.memref_slice %arg3[%dma_start3A_167, %dma_start3A_168] : memref<3200000x16xf32, #tpu.memory_space<hbm>> -> memref<3200000x16xf32, #tpu.memory_space<hbm>>
        tpu.enqueue_indirect_dma source(%dma_start3A_169 : memref<3200000x16xf32, #tpu.memory_space<hbm>>) target(%arg11 : memref<1536x16xf32, #tpu.memory_space<vmem>>) offsets(%dma_start3A_166 : memref<1536xi32, #tpu.memory_space<vmem>>) semaphore(%arg14 : memref<!tpu.dma_semaphore, #tpu.memory_space<semaphore_mem>>)
        %dma_start3A_170 = arith.constant 0 : i32
        %dma_start3A_171 = tpu.memref_slice %arg9[%dma_start3A_170] : memref<3568xi32, #tpu.memory_space<vmem>> -> memref<1536xi32, #tpu.memory_space<vmem>>
        %dma_start3A_172 = arith.constant 0 : i32
        %dma_start3A_173 = arith.constant 0 : i32
        %dma_start3A_174 = tpu.memref_slice %arg2[%dma_start3A_172, %dma_start3A_173] : memref<100096x16xf32, #tpu.memory_space<hbm>> -> memref<100096x16xf32, #tpu.memory_space<hbm>>
        tpu.enqueue_indirect_dma source(%dma_start3A_174 : memref<100096x16xf32, #tpu.memory_space<hbm>>) target(%arg12 : memref<1536x16xf32, #tpu.memory_space<vmem>>) offsets(%dma_start3A_171 : memref<1536xi32, #tpu.memory_space<vmem>>) semaphore(%arg15 : memref<!tpu.dma_semaphore, #tpu.memory_space<semaphore_mem>>)
        %dma_wait3A_175 = arith.constant 0 : i32
        %dma_wait3A_176 = tpu.memref_slice %arg8[%dma_wait3A_175] : memref<3568xi32, #tpu.memory_space<vmem>> -> memref<1536xi32, #tpu.memory_space<vmem>>
        %dma_wait3A_177 = arith.constant 0 : i32
        %dma_wait3A_178 = arith.constant 0 : i32
        %dma_wait3A_179 = tpu.memref_slice %arg3[%dma_wait3A_177, %dma_wait3A_178] : memref<3200000x16xf32, #tpu.memory_space<hbm>> -> memref<3200000x16xf32, #tpu.memory_space<hbm>>
        tpu.wait_indirect_dma semaphore(%arg14 : memref<!tpu.dma_semaphore, #tpu.memory_space<semaphore_mem>>) src(%dma_wait3A_179 : memref<3200000x16xf32, #tpu.memory_space<hbm>>) dst(%arg11 : memref<1536x16xf32, #tpu.memory_space<vmem>>)
        %dma_wait3A_180 = arith.constant 0 : i32
        %dma_wait3A_181 = tpu.memref_slice %arg9[%dma_wait3A_180] : memref<3568xi32, #tpu.memory_space<vmem>> -> memref<1536xi32, #tpu.memory_space<vmem>>
        %dma_wait3A_182 = arith.constant 0 : i32
        %dma_wait3A_183 = arith.constant 0 : i32
        %dma_wait3A_184 = tpu.memref_slice %arg2[%dma_wait3A_182, %dma_wait3A_183] : memref<100096x16xf32, #tpu.memory_space<hbm>> -> memref<100096x16xf32, #tpu.memory_space<hbm>>
        tpu.wait_indirect_dma semaphore(%arg15 : memref<!tpu.dma_semaphore, #tpu.memory_space<semaphore_mem>>) src(%dma_wait3A_184 : memref<100096x16xf32, #tpu.memory_space<hbm>>) dst(%arg12 : memref<1536x16xf32, #tpu.memory_space<vmem>>)
        %scan3A_185 = arith.constant 0 : i32
        %scan3A_186 = arith.constant 0 : i32
        %scan3A_187 = arith.constant 96 : i32
        %scan3A_188 = arith.addi %scan3A_186, %scan3A_187 : i32
        %scan3A_189 = arith.constant 1 : i32
        %scan3A_190 = scf.for %scan3A_224 = %scan3A_186 to %scan3A_188 step %scan3A_189 iter_args(%scan3A_225 = %scan3A_185) -> (i32)  : i32 {
          %mul3A_226 = arith.constant 16 : i32
          %mul3A_227 = arith.muli %scan3A_224, %mul3A_226 : i32
          %get3A = arith.index_cast %mul3A_227 : i32 to index
          %get3A_228 = tpu.vector_load %arg10[%get3A] {strides = array<i32>} : memref<3568xi32, #tpu.memory_space<vmem>>, vector<16xi32>,
          %slice3A = vector.extract_strided_slice %get3A_228 {offsets = [0], sizes = [1], strides = [1]} : vector<16xi32> to vector<1xi32>
          %squeeze3A = vector.extract %slice3A[0] : i32 from vector<1xi32>
          %get3A_229 = arith.index_cast %squeeze3A : i32 to index
          %get3A_230 = arith.constant 0 : index
          %get3A_231 = tpu.vector_load %arg13[%get3A_229, %get3A_230] {strides = array<i32>} : memref<3129x16xf32, #tpu.memory_space<vmem>>, vector<16xf32>,
          %add3A_232 = arith.constant 0 : i32
          %add3A_233 = arith.addi %mul3A_227, %add3A_232 : i32
          %get3A_234 = arith.index_cast %add3A_233 : i32 to index
          %get3A_235 = arith.constant 0 : index
          %get3A_236 = tpu.vector_load %arg12[%get3A_234, %get3A_235] {strides = array<i32>} : memref<1536x16xf32, #tpu.memory_space<vmem>>, vector<16xf32>,
          %add3A_237 = arith.constant 0 : i32
          %add3A_238 = arith.addi %mul3A_227, %add3A_237 : i32
          %get3A_239 = arith.index_cast %add3A_238 : i32 to index
          %get3A_240 = arith.constant 0 : index
          %get3A_241 = tpu.vector_load %arg11[%get3A_239, %get3A_240] {strides = array<i32>} : memref<1536x16xf32, #tpu.memory_space<vmem>>, vector<16xf32>,
          %add3A_242 = arith.addf %get3A_236, %get3A_241 : vector<16xf32>
          %max3A = arith.maximumf %get3A_231, %add3A_242 : vector<16xf32>
          %swap3A = arith.index_cast %squeeze3A : i32 to index
          %swap3A_243 = arith.constant 0 : index
          %swap3A_244 = tpu.vector_load %arg13[%swap3A, %swap3A_243] {strides = array<i32>} : memref<3129x16xf32, #tpu.memory_space<vmem>>, vector<16xf32>,
          tpu.vector_store %arg13[%swap3A, %swap3A_243], %max3A {strides = array<i32>} : memref<3129x16xf32, #tpu.memory_space<vmem>>, vector<16xf32>,
          %slice3A_245 = vector.extract_strided_slice %get3A_228 {offsets = [1], sizes = [1], strides = [1]} : vector<16xi32> to vector<1xi32>
          %squeeze3A_246 = vector.extract %slice3A_245[0] : i32 from vector<1xi32>
          %get3A_247 = arith.index_cast %squeeze3A_246 : i32 to index
          %get3A_248 = arith.constant 0 : index
          %get3A_249 = tpu.vector_load %arg13[%get3A_247, %get3A_248] {strides = array<i32>} : memref<3129x16xf32, #tpu.memory_space<vmem>>, vector<16xf32>,
          %add3A_250 = arith.constant 1 : i32
          %add3A_251 = arith.addi %mul3A_227, %add3A_250 : i32
          %get3A_252 = arith.index_cast %add3A_251 : i32 to index
          %get3A_253 = arith.constant 0 : index
          %get3A_254 = tpu.vector_load %arg12[%get3A_252, %get3A_253] {strides = array<i32>} : memref<1536x16xf32, #tpu.memory_space<vmem>>, vector<16xf32>,
          %add3A_255 = arith.constant 1 : i32
          %add3A_256 = arith.addi %mul3A_227, %add3A_255 : i32
          %get3A_257 = arith.index_cast %add3A_256 : i32 to index
          %get3A_258 = arith.constant 0 : index
          %get3A_259 = tpu.vector_load %arg11[%get3A_257, %get3A_258] {strides = array<i32>} : memref<1536x16xf32, #tpu.memory_space<vmem>>, vector<16xf32>,
          %add3A_260 = arith.addf %get3A_254, %get3A_259 : vector<16xf32>
          %max3A_261 = arith.maximumf %get3A_249, %add3A_260 : vector<16xf32>
          %swap3A_262 = arith.index_cast %squeeze3A_246 : i32 to index
          %swap3A_263 = arith.constant 0 : index
          %swap3A_264 = tpu.vector_load %arg13[%swap3A_262, %swap3A_263] {strides = array<i32>} : memref<3129x16xf32, #tpu.memory_space<vmem>>, vector<16xf32>,
          tpu.vector_store %arg13[%swap3A_262, %swap3A_263], %max3A_261 {strides = array<i32>} : memref<3129x16xf32, #tpu.memory_space<vmem>>, vector<16xf32>,
          %slice3A_265 = vector.extract_strided_slice %get3A_228 {offsets = [2], sizes = [1], strides = [1]} : vector<16xi32> to vector<1xi32>
          %squeeze3A_266 = vector.extract %slice3A_265[0] : i32 from vector<1xi32>
          %get3A_267 = arith.index_cast %squeeze3A_266 : i32 to index
          %get3A_268 = arith.constant 0 : index
          %get3A_269 = tpu.vector_load %arg13[%get3A_267, %get3A_268] {strides = array<i32>} : memref<3129x16xf32, #tpu.memory_space<vmem>>, vector<16xf32>,
          %add3A_270 = arith.constant 2 : i32
          %add3A_271 = arith.addi %mul3A_227, %add3A_270 : i32
          %get3A_272 = arith.index_cast %add3A_271 : i32 to index
          %get3A_273 = arith.constant 0 : index
          %get3A_274 = tpu.vector_load %arg12[%get3A_272, %get3A_273] {strides = array<i32>} : memref<1536x16xf32, #tpu.memory_space<vmem>>, vector<16xf32>,
          %add3A_275 = arith.constant 2 : i32
          %add3A_276 = arith.addi %mul3A_227, %add3A_275 : i32
          %get3A_277 = arith.index_cast %add3A_276 : i32 to index
          %get3A_278 = arith.constant 0 : index
          %get3A_279 = tpu.vector_load %arg11[%get3A_277, %get3A_278] {strides = array<i32>} : memref<1536x16xf32, #tpu.memory_space<vmem>>, vector<16xf32>,
          %add3A_280 = arith.addf %get3A_274, %get3A_279 : vector<16xf32>
          %max3A_281 = arith.maximumf %get3A_269, %add3A_280 : vector<16xf32>
          %swap3A_282 = arith.index_cast %squeeze3A_266 : i32 to index
          %swap3A_283 = arith.constant 0 : index
          %swap3A_284 = tpu.vector_load %arg13[%swap3A_282, %swap3A_283] {strides = array<i32>} : memref<3129x16xf32, #tpu.memory_space<vmem>>, vector<16xf32>,
          tpu.vector_store %arg13[%swap3A_282, %swap3A_283], %max3A_281 {strides = array<i32>} : memref<3129x16xf32, #tpu.memory_space<vmem>>, vector<16xf32>,
          %slice3A_285 = vector.extract_strided_slice %get3A_228 {offsets = [3], sizes = [1], strides = [1]} : vector<16xi32> to vector<1xi32>
          %squeeze3A_286 = vector.extract %slice3A_285[0] : i32 from vector<1xi32>
          %get3A_287 = arith.index_cast %squeeze3A_286 : i32 to index
          %get3A_288 = arith.constant 0 : index
          %get3A_289 = tpu.vector_load %arg13[%get3A_287, %get3A_288] {strides = array<i32>} : memref<3129x16xf32, #tpu.memory_space<vmem>>, vector<16xf32>,
          %add3A_290 = arith.constant 3 : i32
          %add3A_291 = arith.addi %mul3A_227, %add3A_290 : i32
          %get3A_292 = arith.index_cast %add3A_291 : i32 to index
          %get3A_293 = arith.constant 0 : index
          %get3A_294 = tpu.vector_load %arg12[%get3A_292, %get3A_293] {strides = array<i32>} : memref<1536x16xf32, #tpu.memory_space<vmem>>, vector<16xf32>,
          %add3A_295 = arith.constant 3 : i32
          %add3A_296 = arith.addi %mul3A_227, %add3A_295 : i32
          %get3A_297 = arith.index_cast %add3A_296 : i32 to index
          %get3A_298 = arith.constant 0 : index
          %get3A_299 = tpu.vector_load %arg11[%get3A_297, %get3A_298] {strides = array<i32>} : memref<1536x16xf32, #tpu.memory_space<vmem>>, vector<16xf32>,
          %add3A_300 = arith.addf %get3A_294, %get3A_299 : vector<16xf32>
          %max3A_301 = arith.maximumf %get3A_289, %add3A_300 : vector<16xf32>
          %swap3A_302 = arith.index_cast %squeeze3A_286 : i32 to index
          %swap3A_303 = arith.constant 0 : index
          %swap3A_304 = tpu.vector_load %arg13[%swap3A_302, %swap3A_303] {strides = array<i32>} : memref<3129x16xf32, #tpu.memory_space<vmem>>, vector<16xf32>,
          tpu.vector_store %arg13[%swap3A_302, %swap3A_303], %max3A_301 {strides = array<i32>} : memref<3129x16xf32, #tpu.memory_space<vmem>>, vector<16xf32>,
          %slice3A_305 = vector.extract_strided_slice %get3A_228 {offsets = [4], sizes = [1], strides = [1]} : vector<16xi32> to vector<1xi32>
          %squeeze3A_306 = vector.extract %slice3A_305[0] : i32 from vector<1xi32>
          %get3A_307 = arith.index_cast %squeeze3A_306 : i32 to index
          %get3A_308 = arith.constant 0 : index
          %get3A_309 = tpu.vector_load %arg13[%get3A_307, %get3A_308] {strides = array<i32>} : memref<3129x16xf32, #tpu.memory_space<vmem>>, vector<16xf32>,
          %add3A_310 = arith.constant 4 : i32
          %add3A_311 = arith.addi %mul3A_227, %add3A_310 : i32
          %get3A_312 = arith.index_cast %add3A_311 : i32 to index
          %get3A_313 = arith.constant 0 : index
          %get3A_314 = tpu.vector_load %arg12[%get3A_312, %get3A_313] {strides = array<i32>} : memref<1536x16xf32, #tpu.memory_space<vmem>>, vector<16xf32>,
          %add3A_315 = arith.constant 4 : i32
          %add3A_316 = arith.addi %mul3A_227, %add3A_315 : i32
          %get3A_317 = arith.index_cast %add3A_316 : i32 to index
          %get3A_318 = arith.constant 0 : index
          %get3A_319 = tpu.vector_load %arg11[%get3A_317, %get3A_318] {strides = array<i32>} : memref<1536x16xf32, #tpu.memory_space<vmem>>, vector<16xf32>,
          %add3A_320 = arith.addf %get3A_314, %get3A_319 : vector<16xf32>
          %max3A_321 = arith.maximumf %get3A_309, %add3A_320 : vector<16xf32>
          %swap3A_322 = arith.index_cast %squeeze3A_306 : i32 to index
          %swap3A_323 = arith.constant 0 : index
          %swap3A_324 = tpu.vector_load %arg13[%swap3A_322, %swap3A_323] {strides = array<i32>} : memref<3129x16xf32, #tpu.memory_space<vmem>>, vector<16xf32>,
          tpu.vector_store %arg13[%swap3A_322, %swap3A_323], %max3A_321 {strides = array<i32>} : memref<3129x16xf32, #tpu.memory_space<vmem>>, vector<16xf32>,
          %slice3A_325 = vector.extract_strided_slice %get3A_228 {offsets = [5], sizes = [1], strides = [1]} : vector<16xi32> to vector<1xi32>
          %squeeze3A_326 = vector.extract %slice3A_325[0] : i32 from vector<1xi32>
          %get3A_327 = arith.index_cast %squeeze3A_326 : i32 to index
          %get3A_328 = arith.constant 0 : index
          %get3A_329 = tpu.vector_load %arg13[%get3A_327, %get3A_328] {strides = array<i32>} : memref<3129x16xf32, #tpu.memory_space<vmem>>, vector<16xf32>,
          %add3A_330 = arith.constant 5 : i32
          %add3A_331 = arith.addi %mul3A_227, %add3A_330 : i32
          %get3A_332 = arith.index_cast %add3A_331 : i32 to index
          %get3A_333 = arith.constant 0 : index
          %get3A_334 = tpu.vector_load %arg12[%get3A_332, %get3A_333] {strides = array<i32>} : memref<1536x16xf32, #tpu.memory_space<vmem>>, vector<16xf32>,
          %add3A_335 = arith.constant 5 : i32
          %add3A_336 = arith.addi %mul3A_227, %add3A_335 : i32
          %get3A_337 = arith.index_cast %add3A_336 : i32 to index
          %get3A_338 = arith.constant 0 : index
          %get3A_339 = tpu.vector_load %arg11[%get3A_337, %get3A_338] {strides = array<i32>} : memref<1536x16xf32, #tpu.memory_space<vmem>>, vector<16xf32>,
          %add3A_340 = arith.addf %get3A_334, %get3A_339 : vector<16xf32>
          %max3A_341 = arith.maximumf %get3A_329, %add3A_340 : vector<16xf32>
          %swap3A_342 = arith.index_cast %squeeze3A_326 : i32 to index
          %swap3A_343 = arith.constant 0 : index
          %swap3A_344 = tpu.vector_load %arg13[%swap3A_342, %swap3A_343] {strides = array<i32>} : memref<3129x16xf32, #tpu.memory_space<vmem>>, vector<16xf32>,
          tpu.vector_store %arg13[%swap3A_342, %swap3A_343], %max3A_341 {strides = array<i32>} : memref<3129x16xf32, #tpu.memory_space<vmem>>, vector<16xf32>,
          %slice3A_345 = vector.extract_strided_slice %get3A_228 {offsets = [6], sizes = [1], strides = [1]} : vector<16xi32> to vector<1xi32>
          %squeeze3A_346 = vector.extract %slice3A_345[0] : i32 from vector<1xi32>
          %get3A_347 = arith.index_cast %squeeze3A_346 : i32 to index
          %get3A_348 = arith.constant 0 : index
          %get3A_349 = tpu.vector_load %arg13[%get3A_347, %get3A_348] {strides = array<i32>} : memref<3129x16xf32, #tpu.memory_space<vmem>>, vector<16xf32>,
          %add3A_350 = arith.constant 6 : i32
          %add3A_351 = arith.addi %mul3A_227, %add3A_350 : i32
          %get3A_352 = arith.index_cast %add3A_351 : i32 to index
          %get3A_353 = arith.constant 0 : index
          %get3A_354 = tpu.vector_load %arg12[%get3A_352, %get3A_353] {strides = array<i32>} : memref<1536x16xf32, #tpu.memory_space<vmem>>, vector<16xf32>,
          %add3A_355 = arith.constant 6 : i32
          %add3A_356 = arith.addi %mul3A_227, %add3A_355 : i32
          %get3A_357 = arith.index_cast %add3A_356 : i32 to index
          %get3A_358 = arith.constant 0 : index
          %get3A_359 = tpu.vector_load %arg11[%get3A_357, %get3A_358] {strides = array<i32>} : memref<1536x16xf32, #tpu.memory_space<vmem>>, vector<16xf32>,
          %add3A_360 = arith.addf %get3A_354, %get3A_359 : vector<16xf32>
          %max3A_361 = arith.maximumf %get3A_349, %add3A_360 : vector<16xf32>
          %swap3A_362 = arith.index_cast %squeeze3A_346 : i32 to index
          %swap3A_363 = arith.constant 0 : index
          %swap3A_364 = tpu.vector_load %arg13[%swap3A_362, %swap3A_363] {strides = array<i32>} : memref<3129x16xf32, #tpu.memory_space<vmem>>, vector<16xf32>,
          tpu.vector_store %arg13[%swap3A_362, %swap3A_363], %max3A_361 {strides = array<i32>} : memref<3129x16xf32, #tpu.memory_space<vmem>>, vector<16xf32>,
          %slice3A_365 = vector.extract_strided_slice %get3A_228 {offsets = [7], sizes = [1], strides = [1]} : vector<16xi32> to vector<1xi32>
          %squeeze3A_366 = vector.extract %slice3A_365[0] : i32 from vector<1xi32>
          %get3A_367 = arith.index_cast %squeeze3A_366 : i32 to index
          %get3A_368 = arith.constant 0 : index
          %get3A_369 = tpu.vector_load %arg13[%get3A_367, %get3A_368] {strides = array<i32>} : memref<3129x16xf32, #tpu.memory_space<vmem>>, vector<16xf32>,
          %add3A_370 = arith.constant 7 : i32
          %add3A_371 = arith.addi %mul3A_227, %add3A_370 : i32
          %get3A_372 = arith.index_cast %add3A_371 : i32 to index
          %get3A_373 = arith.constant 0 : index
          %get3A_374 = tpu.vector_load %arg12[%get3A_372, %get3A_373] {strides = array<i32>} : memref<1536x16xf32, #tpu.memory_space<vmem>>, vector<16xf32>,
          %add3A_375 = arith.constant 7 : i32
          %add3A_376 = arith.addi %mul3A_227, %add3A_375 : i32
          %get3A_377 = arith.index_cast %add3A_376 : i32 to index
          %get3A_378 = arith.constant 0 : index
          %get3A_379 = tpu.vector_load %arg11[%get3A_377, %get3A_378] {strides = array<i32>} : memref<1536x16xf32, #tpu.memory_space<vmem>>, vector<16xf32>,
          %add3A_380 = arith.addf %get3A_374, %get3A_379 : vector<16xf32>
          %max3A_381 = arith.maximumf %get3A_369, %add3A_380 : vector<16xf32>
          %swap3A_382 = arith.index_cast %squeeze3A_366 : i32 to index
          %swap3A_383 = arith.constant 0 : index
          %swap3A_384 = tpu.vector_load %arg13[%swap3A_382, %swap3A_383] {strides = array<i32>} : memref<3129x16xf32, #tpu.memory_space<vmem>>, vector<16xf32>,
          tpu.vector_store %arg13[%swap3A_382, %swap3A_383], %max3A_381 {strides = array<i32>} : memref<3129x16xf32, #tpu.memory_space<vmem>>, vector<16xf32>,
          %slice3A_385 = vector.extract_strided_slice %get3A_228 {offsets = [8], sizes = [1], strides = [1]} : vector<16xi32> to vector<1xi32>
          %squeeze3A_386 = vector.extract %slice3A_385[0] : i32 from vector<1xi32>
          %get3A_387 = arith.index_cast %squeeze3A_386 : i32 to index
          %get3A_388 = arith.constant 0 : index
          %get3A_389 = tpu.vector_load %arg13[%get3A_387, %get3A_388] {strides = array<i32>} : memref<3129x16xf32, #tpu.memory_space<vmem>>, vector<16xf32>,
          %add3A_390 = arith.constant 8 : i32
          %add3A_391 = arith.addi %mul3A_227, %add3A_390 : i32
          %get3A_392 = arith.index_cast %add3A_391 : i32 to index
          %get3A_393 = arith.constant 0 : index
          %get3A_394 = tpu.vector_load %arg12[%get3A_392, %get3A_393] {strides = array<i32>} : memref<1536x16xf32, #tpu.memory_space<vmem>>, vector<16xf32>,
          %add3A_395 = arith.constant 8 : i32
          %add3A_396 = arith.addi %mul3A_227, %add3A_395 : i32
          %get3A_397 = arith.index_cast %add3A_396 : i32 to index
          %get3A_398 = arith.constant 0 : index
          %get3A_399 = tpu.vector_load %arg11[%get3A_397, %get3A_398] {strides = array<i32>} : memref<1536x16xf32, #tpu.memory_space<vmem>>, vector<16xf32>,
          %add3A_400 = arith.addf %get3A_394, %get3A_399 : vector<16xf32>
          %max3A_401 = arith.maximumf %get3A_389, %add3A_400 : vector<16xf32>
          %swap3A_402 = arith.index_cast %squeeze3A_386 : i32 to index
          %swap3A_403 = arith.constant 0 : index
          %swap3A_404 = tpu.vector_load %arg13[%swap3A_402, %swap3A_403] {strides = array<i32>} : memref<3129x16xf32, #tpu.memory_space<vmem>>, vector<16xf32>,
          tpu.vector_store %arg13[%swap3A_402, %swap3A_403], %max3A_401 {strides = array<i32>} : memref<3129x16xf32, #tpu.memory_space<vmem>>, vector<16xf32>,
          %slice3A_405 = vector.extract_strided_slice %get3A_228 {offsets = [9], sizes = [1], strides = [1]} : vector<16xi32> to vector<1xi32>
          %squeeze3A_406 = vector.extract %slice3A_405[0] : i32 from vector<1xi32>
          %get3A_407 = arith.index_cast %squeeze3A_406 : i32 to index
          %get3A_408 = arith.constant 0 : index
          %get3A_409 = tpu.vector_load %arg13[%get3A_407, %get3A_408] {strides = array<i32>} : memref<3129x16xf32, #tpu.memory_space<vmem>>, vector<16xf32>,
          %add3A_410 = arith.constant 9 : i32
          %add3A_411 = arith.addi %mul3A_227, %add3A_410 : i32
          %get3A_412 = arith.index_cast %add3A_411 : i32 to index
          %get3A_413 = arith.constant 0 : index
          %get3A_414 = tpu.vector_load %arg12[%get3A_412, %get3A_413] {strides = array<i32>} : memref<1536x16xf32, #tpu.memory_space<vmem>>, vector<16xf32>,
          %add3A_415 = arith.constant 9 : i32
          %add3A_416 = arith.addi %mul3A_227, %add3A_415 : i32
          %get3A_417 = arith.index_cast %add3A_416 : i32 to index
          %get3A_418 = arith.constant 0 : index
          %get3A_419 = tpu.vector_load %arg11[%get3A_417, %get3A_418] {strides = array<i32>} : memref<1536x16xf32, #tpu.memory_space<vmem>>, vector<16xf32>,
          %add3A_420 = arith.addf %get3A_414, %get3A_419 : vector<16xf32>
          %max3A_421 = arith.maximumf %get3A_409, %add3A_420 : vector<16xf32>
          %swap3A_422 = arith.index_cast %squeeze3A_406 : i32 to index
          %swap3A_423 = arith.constant 0 : index
          %swap3A_424 = tpu.vector_load %arg13[%swap3A_422, %swap3A_423] {strides = array<i32>} : memref<3129x16xf32, #tpu.memory_space<vmem>>, vector<16xf32>,
          tpu.vector_store %arg13[%swap3A_422, %swap3A_423], %max3A_421 {strides = array<i32>} : memref<3129x16xf32, #tpu.memory_space<vmem>>, vector<16xf32>,
          %slice3A_425 = vector.extract_strided_slice %get3A_228 {offsets = [10], sizes = [1], strides = [1]} : vector<16xi32> to vector<1xi32>
          %squeeze3A_426 = vector.extract %slice3A_425[0] : i32 from vector<1xi32>
          %get3A_427 = arith.index_cast %squeeze3A_426 : i32 to index
          %get3A_428 = arith.constant 0 : index
          %get3A_429 = tpu.vector_load %arg13[%get3A_427, %get3A_428] {strides = array<i32>} : memref<3129x16xf32, #tpu.memory_space<vmem>>, vector<16xf32>,
          %add3A_430 = arith.constant 10 : i32
          %add3A_431 = arith.addi %mul3A_227, %add3A_430 : i32
          %get3A_432 = arith.index_cast %add3A_431 : i32 to index
          %get3A_433 = arith.constant 0 : index
          %get3A_434 = tpu.vector_load %arg12[%get3A_432, %get3A_433] {strides = array<i32>} : memref<1536x16xf32, #tpu.memory_space<vmem>>, vector<16xf32>,
          %add3A_435 = arith.constant 10 : i32
          %add3A_436 = arith.addi %mul3A_227, %add3A_435 : i32
          %get3A_437 = arith.index_cast %add3A_436 : i32 to index
          %get3A_438 = arith.constant 0 : index
          %get3A_439 = tpu.vector_load %arg11[%get3A_437, %get3A_438] {strides = array<i32>} : memref<1536x16xf32, #tpu.memory_space<vmem>>, vector<16xf32>,
          %add3A_440 = arith.addf %get3A_434, %get3A_439 : vector<16xf32>
          %max3A_441 = arith.maximumf %get3A_429, %add3A_440 : vector<16xf32>
          %swap3A_442 = arith.index_cast %squeeze3A_426 : i32 to index
          %swap3A_443 = arith.constant 0 : index
          %swap3A_444 = tpu.vector_load %arg13[%swap3A_442, %swap3A_443] {strides = array<i32>} : memref<3129x16xf32, #tpu.memory_space<vmem>>, vector<16xf32>,
          tpu.vector_store %arg13[%swap3A_442, %swap3A_443], %max3A_441 {strides = array<i32>} : memref<3129x16xf32, #tpu.memory_space<vmem>>, vector<16xf32>,
          %slice3A_445 = vector.extract_strided_slice %get3A_228 {offsets = [11], sizes = [1], strides = [1]} : vector<16xi32> to vector<1xi32>
          %squeeze3A_446 = vector.extract %slice3A_445[0] : i32 from vector<1xi32>
          %get3A_447 = arith.index_cast %squeeze3A_446 : i32 to index
          %get3A_448 = arith.constant 0 : index
          %get3A_449 = tpu.vector_load %arg13[%get3A_447, %get3A_448] {strides = array<i32>} : memref<3129x16xf32, #tpu.memory_space<vmem>>, vector<16xf32>,
          %add3A_450 = arith.constant 11 : i32
          %add3A_451 = arith.addi %mul3A_227, %add3A_450 : i32
          %get3A_452 = arith.index_cast %add3A_451 : i32 to index
          %get3A_453 = arith.constant 0 : index
          %get3A_454 = tpu.vector_load %arg12[%get3A_452, %get3A_453] {strides = array<i32>} : memref<1536x16xf32, #tpu.memory_space<vmem>>, vector<16xf32>,
          %add3A_455 = arith.constant 11 : i32
          %add3A_456 = arith.addi %mul3A_227, %add3A_455 : i32
          %get3A_457 = arith.index_cast %add3A_456 : i32 to index
          %get3A_458 = arith.constant 0 : index
          %get3A_459 = tpu.vector_load %arg11[%get3A_457, %get3A_458] {strides = array<i32>} : memref<1536x16xf32, #tpu.memory_space<vmem>>, vector<16xf32>,
          %add3A_460 = arith.addf %get3A_454, %get3A_459 : vector<16xf32>
          %max3A_461 = arith.maximumf %get3A_449, %add3A_460 : vector<16xf32>
          %swap3A_462 = arith.index_cast %squeeze3A_446 : i32 to index
          %swap3A_463 = arith.constant 0 : index
          %swap3A_464 = tpu.vector_load %arg13[%swap3A_462, %swap3A_463] {strides = array<i32>} : memref<3129x16xf32, #tpu.memory_space<vmem>>, vector<16xf32>,
          tpu.vector_store %arg13[%swap3A_462, %swap3A_463], %max3A_461 {strides = array<i32>} : memref<3129x16xf32, #tpu.memory_space<vmem>>, vector<16xf32>,
          %slice3A_465 = vector.extract_strided_slice %get3A_228 {offsets = [12], sizes = [1], strides = [1]} : vector<16xi32> to vector<1xi32>
          %squeeze3A_466 = vector.extract %slice3A_465[0] : i32 from vector<1xi32>
          %get3A_467 = arith.index_cast %squeeze3A_466 : i32 to index
          %get3A_468 = arith.constant 0 : index
          %get3A_469 = tpu.vector_load %arg13[%get3A_467, %get3A_468] {strides = array<i32>} : memref<3129x16xf32, #tpu.memory_space<vmem>>, vector<16xf32>,
          %add3A_470 = arith.constant 12 : i32
          %add3A_471 = arith.addi %mul3A_227, %add3A_470 : i32
          %get3A_472 = arith.index_cast %add3A_471 : i32 to index
          %get3A_473 = arith.constant 0 : index
          %get3A_474 = tpu.vector_load %arg12[%get3A_472, %get3A_473] {strides = array<i32>} : memref<1536x16xf32, #tpu.memory_space<vmem>>, vector<16xf32>,
          %add3A_475 = arith.constant 12 : i32
          %add3A_476 = arith.addi %mul3A_227, %add3A_475 : i32
          %get3A_477 = arith.index_cast %add3A_476 : i32 to index
          %get3A_478 = arith.constant 0 : index
          %get3A_479 = tpu.vector_load %arg11[%get3A_477, %get3A_478] {strides = array<i32>} : memref<1536x16xf32, #tpu.memory_space<vmem>>, vector<16xf32>,
          %add3A_480 = arith.addf %get3A_474, %get3A_479 : vector<16xf32>
          %max3A_481 = arith.maximumf %get3A_469, %add3A_480 : vector<16xf32>
          %swap3A_482 = arith.index_cast %squeeze3A_466 : i32 to index
          %swap3A_483 = arith.constant 0 : index
          %swap3A_484 = tpu.vector_load %arg13[%swap3A_482, %swap3A_483] {strides = array<i32>} : memref<3129x16xf32, #tpu.memory_space<vmem>>, vector<16xf32>,
          tpu.vector_store %arg13[%swap3A_482, %swap3A_483], %max3A_481 {strides = array<i32>} : memref<3129x16xf32, #tpu.memory_space<vmem>>, vector<16xf32>,
          %slice3A_485 = vector.extract_strided_slice %get3A_228 {offsets = [13], sizes = [1], strides = [1]} : vector<16xi32> to vector<1xi32>
          %squeeze3A_486 = vector.extract %slice3A_485[0] : i32 from vector<1xi32>
          %get3A_487 = arith.index_cast %squeeze3A_486 : i32 to index
          %get3A_488 = arith.constant 0 : index
          %get3A_489 = tpu.vector_load %arg13[%get3A_487, %get3A_488] {strides = array<i32>} : memref<3129x16xf32, #tpu.memory_space<vmem>>, vector<16xf32>,
          %add3A_490 = arith.constant 13 : i32
          %add3A_491 = arith.addi %mul3A_227, %add3A_490 : i32
          %get3A_492 = arith.index_cast %add3A_491 : i32 to index
          %get3A_493 = arith.constant 0 : index
          %get3A_494 = tpu.vector_load %arg12[%get3A_492, %get3A_493] {strides = array<i32>} : memref<1536x16xf32, #tpu.memory_space<vmem>>, vector<16xf32>,
          %add3A_495 = arith.constant 13 : i32
          %add3A_496 = arith.addi %mul3A_227, %add3A_495 : i32
          %get3A_497 = arith.index_cast %add3A_496 : i32 to index
          %get3A_498 = arith.constant 0 : index
          %get3A_499 = tpu.vector_load %arg11[%get3A_497, %get3A_498] {strides = array<i32>} : memref<1536x16xf32, #tpu.memory_space<vmem>>, vector<16xf32>,
          %add3A_500 = arith.addf %get3A_494, %get3A_499 : vector<16xf32>
          %max3A_501 = arith.maximumf %get3A_489, %add3A_500 : vector<16xf32>
          %swap3A_502 = arith.index_cast %squeeze3A_486 : i32 to index
          %swap3A_503 = arith.constant 0 : index
          %swap3A_504 = tpu.vector_load %arg13[%swap3A_502, %swap3A_503] {strides = array<i32>} : memref<3129x16xf32, #tpu.memory_space<vmem>>, vector<16xf32>,
          tpu.vector_store %arg13[%swap3A_502, %swap3A_503], %max3A_501 {strides = array<i32>} : memref<3129x16xf32, #tpu.memory_space<vmem>>, vector<16xf32>,
          %slice3A_505 = vector.extract_strided_slice %get3A_228 {offsets = [14], sizes = [1], strides = [1]} : vector<16xi32> to vector<1xi32>
          %squeeze3A_506 = vector.extract %slice3A_505[0] : i32 from vector<1xi32>
          %get3A_507 = arith.index_cast %squeeze3A_506 : i32 to index
          %get3A_508 = arith.constant 0 : index
          %get3A_509 = tpu.vector_load %arg13[%get3A_507, %get3A_508] {strides = array<i32>} : memref<3129x16xf32, #tpu.memory_space<vmem>>, vector<16xf32>,
          %add3A_510 = arith.constant 14 : i32
          %add3A_511 = arith.addi %mul3A_227, %add3A_510 : i32
          %get3A_512 = arith.index_cast %add3A_511 : i32 to index
          %get3A_513 = arith.constant 0 : index
          %get3A_514 = tpu.vector_load %arg12[%get3A_512, %get3A_513] {strides = array<i32>} : memref<1536x16xf32, #tpu.memory_space<vmem>>, vector<16xf32>,
          %add3A_515 = arith.constant 14 : i32
          %add3A_516 = arith.addi %mul3A_227, %add3A_515 : i32
          %get3A_517 = arith.index_cast %add3A_516 : i32 to index
          %get3A_518 = arith.constant 0 : index
          %get3A_519 = tpu.vector_load %arg11[%get3A_517, %get3A_518] {strides = array<i32>} : memref<1536x16xf32, #tpu.memory_space<vmem>>, vector<16xf32>,
          %add3A_520 = arith.addf %get3A_514, %get3A_519 : vector<16xf32>
          %max3A_521 = arith.maximumf %get3A_509, %add3A_520 : vector<16xf32>
          %swap3A_522 = arith.index_cast %squeeze3A_506 : i32 to index
          %swap3A_523 = arith.constant 0 : index
          %swap3A_524 = tpu.vector_load %arg13[%swap3A_522, %swap3A_523] {strides = array<i32>} : memref<3129x16xf32, #tpu.memory_space<vmem>>, vector<16xf32>,
          tpu.vector_store %arg13[%swap3A_522, %swap3A_523], %max3A_521 {strides = array<i32>} : memref<3129x16xf32, #tpu.memory_space<vmem>>, vector<16xf32>,
          %slice3A_525 = vector.extract_strided_slice %get3A_228 {offsets = [15], sizes = [1], strides = [1]} : vector<16xi32> to vector<1xi32>
          %squeeze3A_526 = vector.extract %slice3A_525[0] : i32 from vector<1xi32>
          %get3A_527 = arith.index_cast %squeeze3A_526 : i32 to index
          %get3A_528 = arith.constant 0 : index
          %get3A_529 = tpu.vector_load %arg13[%get3A_527, %get3A_528] {strides = array<i32>} : memref<3129x16xf32, #tpu.memory_space<vmem>>, vector<16xf32>,
          %add3A_530 = arith.constant 15 : i32
          %add3A_531 = arith.addi %mul3A_227, %add3A_530 : i32
          %get3A_532 = arith.index_cast %add3A_531 : i32 to index
          %get3A_533 = arith.constant 0 : index
          %get3A_534 = tpu.vector_load %arg12[%get3A_532, %get3A_533] {strides = array<i32>} : memref<1536x16xf32, #tpu.memory_space<vmem>>, vector<16xf32>,
          %add3A_535 = arith.constant 15 : i32
          %add3A_536 = arith.addi %mul3A_227, %add3A_535 : i32
          %get3A_537 = arith.index_cast %add3A_536 : i32 to index
          %get3A_538 = arith.constant 0 : index
          %get3A_539 = tpu.vector_load %arg11[%get3A_537, %get3A_538] {strides = array<i32>} : memref<1536x16xf32, #tpu.memory_space<vmem>>, vector<16xf32>,
          %add3A_540 = arith.addf %get3A_534, %get3A_539 : vector<16xf32>
          %max3A_541 = arith.maximumf %get3A_529, %add3A_540 : vector<16xf32>
          %swap3A_542 = arith.index_cast %squeeze3A_526 : i32 to index
          %swap3A_543 = arith.constant 0 : index
          %swap3A_544 = tpu.vector_load %arg13[%swap3A_542, %swap3A_543] {strides = array<i32>} : memref<3129x16xf32, #tpu.memory_space<vmem>>, vector<16xf32>,
          tpu.vector_store %arg13[%swap3A_542, %swap3A_543], %max3A_541 {strides = array<i32>} : memref<3129x16xf32, #tpu.memory_space<vmem>>, vector<16xf32>,
          %scan3A_545 = arith.constant 0 : i32
          scf.yield %scan3A_545 : i32
        }
        %scan3A_191 = arith.constant 96 : i32
        %sub3A = arith.constant 1536 : i32
        %sub3A_192 = arith.subi %while3A_164, %sub3A : i32
        %add3A_193 = arith.constant 15 : i32
        %add3A_194 = arith.addi %sub3A_192, %add3A_193 : i32
        %jit3A = arith.constant 16 : i32
        %div3A = arith.divsi %add3A_194, %jit3A : i32
        %sign3A = arith.constant 0 : i32
        %sign3A_195 = arith.cmpi sgt, %add3A_194, %sign3A : i32
        %sign3A_196 = arith.extui %sign3A_195 : i1 to i32
        %sign3A_197 = arith.constant 0 : i32
        %sign3A_198 = arith.cmpi slt, %add3A_194, %sign3A_197 : i32
        %sign3A_199 = arith.extui %sign3A_198 : i1 to i32
        %sign3A_200 = arith.subi %sign3A_196, %sign3A_199 : i32
        %sign3A_201 = arith.constant 0 : i32
        %sign3A_202 = arith.cmpi sgt, %jit3A, %sign3A_201 : i32
        %sign3A_203 = arith.extui %sign3A_202 : i1 to i32
        %sign3A_204 = arith.constant 0 : i32
        %sign3A_205 = arith.cmpi slt, %jit3A, %sign3A_204 : i32
        %sign3A_206 = arith.extui %sign3A_205 : i1 to i32
        %sign3A_207 = arith.subi %sign3A_203, %sign3A_206 : i32
        %ne3A = arith.cmpi ne, %sign3A_200, %sign3A_207 : i32
        %rem3A = arith.remsi %add3A_194, %jit3A : i32
        %ne3A_208 = arith.constant 0 : i32
        %ne3A_209 = arith.cmpi ne, %rem3A, %ne3A_208 : i32
        %and3A = arith.andi %ne3A, %ne3A_209 : i1
        %sub3A_210 = arith.constant 1 : i32
        %sub3A_211 = arith.subi %div3A, %sub3A_210 : i32
        %select_n3A = arith.select %and3A, %sub3A_211, %div3A : i32
        %while3A_212 = arith.constant 0 : i32
        %while3A_213 = arith.constant 0 : i32
        %while3A_214 = arith.subi %select_n3A, %while3A_212 : i32
        %while3A_215 = arith.addi %while3A_212, %while3A_214 : i32
        %while3A_216 = arith.constant 1 : i32
        %while3A_217 = arith.divsi %while3A_214, %while3A_216 : i32
        %while3A_218 = arith.muli %while3A_217, %while3A_216 : i32
        %while3A_219 = arith.addi %while3A_212, %while3A_218 : i32
        %while3A_220 = arith.constant 1 : i32
        %while3A_221 = scf.for %while3A_224 = %while3A_212 to %while3A_219 step %while3A_220 iter_args(%while3A_225 = %while3A_213) -> (i32)  : i32 {
          %mul3A_226 = arith.constant 16 : i32
          %mul3A_227 = arith.muli %while3A_224, %mul3A_226 : i32
          %add3A_228 = arith.constant 1536 : i32
          %add3A_229 = arith.addi %add3A_228, %mul3A_227 : i32
          %mul3A_230 = arith.constant 16 : i32
          %mul3A_231 = arith.muli %while3A_224, %mul3A_230 : i32
          %get3A = arith.index_cast %add3A_229 : i32 to index
          %get3A_232 = tpu.vector_load %arg8[%get3A] {strides = array<i32>} : memref<3568xi32, #tpu.memory_space<vmem>>, vector<16xi32>,
          %swap3A = arith.index_cast %mul3A_231 : i32 to index
          %swap3A_233 = tpu.vector_load %arg8[%swap3A] {strides = array<i32>} : memref<3568xi32, #tpu.memory_space<vmem>>, vector<16xi32>,
          tpu.vector_store %arg8[%swap3A], %get3A_232 {strides = array<i32>} : memref<3568xi32, #tpu.memory_space<vmem>>, vector<16xi32>,
          %get3A_234 = arith.index_cast %add3A_229 : i32 to index
          %get3A_235 = tpu.vector_load %arg9[%get3A_234] {strides = array<i32>} : memref<3568xi32, #tpu.memory_space<vmem>>, vector<16xi32>,
          %swap3A_236 = arith.index_cast %mul3A_231 : i32 to index
          %swap3A_237 = tpu.vector_load %arg9[%swap3A_236] {strides = array<i32>} : memref<3568xi32, #tpu.memory_space<vmem>>, vector<16xi32>,
          tpu.vector_store %arg9[%swap3A_236], %get3A_235 {strides = array<i32>} : memref<3568xi32, #tpu.memory_space<vmem>>, vector<16xi32>,
          %get3A_238 = arith.index_cast %add3A_229 : i32 to index
          %get3A_239 = tpu.vector_load %arg10[%get3A_238] {strides = array<i32>} : memref<3568xi32, #tpu.memory_space<vmem>>, vector<16xi32>,
          %swap3A_240 = arith.index_cast %mul3A_231 : i32 to index
          %swap3A_241 = tpu.vector_load %arg10[%swap3A_240] {strides = array<i32>} : memref<3568xi32, #tpu.memory_space<vmem>>, vector<16xi32>,
          tpu.vector_store %arg10[%swap3A_240], %get3A_239 {strides = array<i32>} : memref<3568xi32, #tpu.memory_space<vmem>>, vector<16xi32>,
          %while3A_242 = arith.constant 0 : i32
          scf.yield %while3A_242 : i32
        }
        %while3A_222 = arith.constant 1 : i32
        %while3A_223 = scf.for %while3A_224 = %while3A_219 to %while3A_215 step %while3A_222 iter_args(%while3A_225 = %while3A_221) -> (i32)  : i32 {
          %mul3A_226 = arith.constant 16 : i32
          %mul3A_227 = arith.muli %while3A_224, %mul3A_226 : i32
          %add3A_228 = arith.constant 1536 : i32
          %add3A_229 = arith.addi %add3A_228, %mul3A_227 : i32
          %mul3A_230 = arith.constant 16 : i32
          %mul3A_231 = arith.muli %while3A_224, %mul3A_230 : i32
          %get3A = arith.index_cast %add3A_229 : i32 to index
          %get3A_232 = tpu.vector_load %arg8[%get3A] {strides = array<i32>} : memref<3568xi32, #tpu.memory_space<vmem>>, vector<16xi32>,
          %swap3A = arith.index_cast %mul3A_231 : i32 to index
          %swap3A_233 = tpu.vector_load %arg8[%swap3A] {strides = array<i32>} : memref<3568xi32, #tpu.memory_space<vmem>>, vector<16xi32>,
          tpu.vector_store %arg8[%swap3A], %get3A_232 {strides = array<i32>} : memref<3568xi32, #tpu.memory_space<vmem>>, vector<16xi32>,
          %get3A_234 = arith.index_cast %add3A_229 : i32 to index
          %get3A_235 = tpu.vector_load %arg9[%get3A_234] {strides = array<i32>} : memref<3568xi32, #tpu.memory_space<vmem>>, vector<16xi32>,
          %swap3A_236 = arith.index_cast %mul3A_231 : i32 to index
          %swap3A_237 = tpu.vector_load %arg9[%swap3A_236] {strides = array<i32>} : memref<3568xi32, #tpu.memory_space<vmem>>, vector<16xi32>,
          tpu.vector_store %arg9[%swap3A_236], %get3A_235 {strides = array<i32>} : memref<3568xi32, #tpu.memory_space<vmem>>, vector<16xi32>,
          %get3A_238 = arith.index_cast %add3A_229 : i32 to index
          %get3A_239 = tpu.vector_load %arg10[%get3A_238] {strides = array<i32>} : memref<3568xi32, #tpu.memory_space<vmem>>, vector<16xi32>,
          %swap3A_240 = arith.index_cast %mul3A_231 : i32 to index
          %swap3A_241 = tpu.vector_load %arg10[%swap3A_240] {strides = array<i32>} : memref<3568xi32, #tpu.memory_space<vmem>>, vector<16xi32>,
          tpu.vector_store %arg10[%swap3A_240], %get3A_239 {strides = array<i32>} : memref<3568xi32, #tpu.memory_space<vmem>>, vector<16xi32>,
          %while3A_242 = arith.constant 0 : i32
          scf.yield %while3A_242 : i32
        }
        scf.yield %sub3A_192 : i32
      }
      %mul3A_118 = arith.constant 2 : i32
      %mul3A_119 = arith.muli %mul3A_118, %scan3A_76 : i32
      %add3A_120 = arith.constant 1 : i32
      %add3A_121 = arith.addi %mul3A_119, %add3A_120 : i32
      %mul3A_122 = arith.constant 2000 : i32
      %mul3A_123 = arith.muli %add3A_121, %mul3A_122 : i32
      %dma_wait3A_124 = arith.constant 1 : i32
      %dma_wait3A_125 = arith.constant 1 : i32
      %dma_wait3A_126 = arith.constant 0 : i32
      %dma_wait3A_127 = tpu.memref_slice %arg6[%dma_wait3A_125, %dma_wait3A_126] : memref<2x2000xi32, #tpu.memory_space<vmem>> -> memref<1x2000xi32, #tpu.memory_space<vmem>>
      %dma_wait3A_128 = tpu.memref_squeeze %dma_wait3A_127 : memref<1x2000xi32, #tpu.memory_space<vmem>> -> memref<2000xi32, #tpu.memory_space<vmem>>
      %dma_wait3A_129 = tpu.memref_slice %arg4[%dma_wait3A_124, %mul3A_123] : memref<2x3200000xi32, #tpu.memory_space<hbm>> -> memref<1x2000xi32, #tpu.memory_space<hbm>>
      %dma_wait3A_130 = tpu.memref_squeeze %dma_wait3A_129 : memref<1x2000xi32, #tpu.memory_space<hbm>> -> memref<2000xi32, #tpu.memory_space<hbm>>
      %dma_wait3A_131 = arith.constant 0 : i32
      %dma_wait3A_132 = tpu.memref_slice %arg6[%dma_wait3A_125, %dma_wait3A_131] : memref<2x2000xi32, #tpu.memory_space<vmem>> -> memref<1x2000xi32, #tpu.memory_space<vmem>>
      %dma_wait3A_133 = tpu.memref_squeeze %dma_wait3A_132 : memref<1x2000xi32, #tpu.memory_space<vmem>> -> memref<2000xi32, #tpu.memory_space<vmem>>
      %dma_wait3A_134 = tpu.memref_slice %arg4[%dma_wait3A_124, %mul3A_123] : memref<2x3200000xi32, #tpu.memory_space<hbm>> -> memref<1x2000xi32, #tpu.memory_space<hbm>>
      %dma_wait3A_135 = tpu.memref_squeeze %dma_wait3A_134 : memref<1x2000xi32, #tpu.memory_space<hbm>> -> memref<2000xi32, #tpu.memory_space<hbm>>
      tpu.wait_dma2 semaphore(%arg17 : memref<!tpu.dma_semaphore, #tpu.memory_space<semaphore_mem>>) src(%dma_wait3A_135 : memref<2000xi32, #tpu.memory_space<hbm>>) dst(%dma_wait3A_133 : memref<2000xi32, #tpu.memory_space<vmem>>)
      %mul3A_136 = arith.constant 2000 : i32
      %mul3A_137 = arith.muli %add3A_121, %mul3A_136 : i32
      %dma_wait3A_138 = arith.constant 0 : i32
      %dma_wait3A_139 = arith.constant 1 : i32
      %dma_wait3A_140 = arith.constant 0 : i32
      %dma_wait3A_141 = tpu.memref_slice %arg7[%dma_wait3A_139, %dma_wait3A_140] : memref<2x2000xi32, #tpu.memory_space<vmem>> -> memref<1x2000xi32, #tpu.memory_space<vmem>>
      %dma_wait3A_142 = tpu.memref_squeeze %dma_wait3A_141 : memref<1x2000xi32, #tpu.memory_space<vmem>> -> memref<2000xi32, #tpu.memory_space<vmem>>
      %dma_wait3A_143 = tpu.memref_slice %arg4[%dma_wait3A_138, %mul3A_137] : memref<2x3200000xi32, #tpu.memory_space<hbm>> -> memref<1x2000xi32, #tpu.memory_space<hbm>>
      %dma_wait3A_144 = tpu.memref_squeeze %dma_wait3A_143 : memref<1x2000xi32, #tpu.memory_space<hbm>> -> memref<2000xi32, #tpu.memory_space<hbm>>
      %dma_wait3A_145 = arith.constant 0 : i32
      %dma_wait3A_146 = tpu.memref_slice %arg7[%dma_wait3A_139, %dma_wait3A_145] : memref<2x2000xi32, #tpu.memory_space<vmem>> -> memref<1x2000xi32, #tpu.memory_space<vmem>>
      %dma_wait3A_147 = tpu.memref_squeeze %dma_wait3A_146 : memref<1x2000xi32, #tpu.memory_space<vmem>> -> memref<2000xi32, #tpu.memory_space<vmem>>
      %dma_wait3A_148 = tpu.memref_slice %arg4[%dma_wait3A_138, %mul3A_137] : memref<2x3200000xi32, #tpu.memory_space<hbm>> -> memref<1x2000xi32, #tpu.memory_space<hbm>>
      %dma_wait3A_149 = tpu.memref_squeeze %dma_wait3A_148 : memref<1x2000xi32, #tpu.memory_space<hbm>> -> memref<2000xi32, #tpu.memory_space<hbm>>
      tpu.wait_dma2 semaphore(%arg19 : memref<!tpu.dma_semaphore, #tpu.memory_space<semaphore_mem>>) src(%dma_wait3A_149 : memref<2000xi32, #tpu.memory_space<hbm>>) dst(%dma_wait3A_147 : memref<2000xi32, #tpu.memory_space<vmem>>)
      %add3A_150 = arith.constant 1 : i32
      %add3A_151 = arith.addi %add3A_121, %add3A_150 : i32
      %lt3A_152 = arith.constant 1600 : i32
      %lt3A_153 = arith.cmpi slt, %add3A_151, %lt3A_152 : i32
      %convert_element_type3A_154 = arith.extui %lt3A_153 : i1 to i32
      %cond3A_155 = arith.constant 0 : i32
      %cond3A_156 = arith.cmpi ne, %convert_element_type3A_154, %cond3A_155 : i32
      scf.if %cond3A_156 {
        %add3A_164 = arith.constant 1 : i32
        %add3A_165 = arith.addi %add3A_121, %add3A_164 : i32
        %mul3A_166 = arith.constant 2000 : i32
        %mul3A_167 = arith.muli %add3A_165, %mul3A_166 : i32
        %dma_start3A_168 = arith.constant 1 : i32
        %dma_start3A_169 = arith.constant 0 : i32
        %dma_start3A_170 = arith.constant 0 : i32
        %dma_start3A_171 = tpu.memref_slice %arg6[%dma_start3A_169, %dma_start3A_170] : memref<2x2000xi32, #tpu.memory_space<vmem>> -> memref<1x2000xi32, #tpu.memory_space<vmem>>
        %dma_start3A_172 = tpu.memref_squeeze %dma_start3A_171 : memref<1x2000xi32, #tpu.memory_space<vmem>> -> memref<2000xi32, #tpu.memory_space<vmem>>
        %dma_start3A_173 = tpu.memref_slice %arg4[%dma_start3A_168, %mul3A_167] : memref<2x3200000xi32, #tpu.memory_space<hbm>> -> memref<1x2000xi32, #tpu.memory_space<hbm>>
        %dma_start3A_174 = tpu.memref_squeeze %dma_start3A_173 : memref<1x2000xi32, #tpu.memory_space<hbm>> -> memref<2000xi32, #tpu.memory_space<hbm>>
        %dma_start3A_175 = arith.constant 0 : i32
        %dma_start3A_176 = tpu.memref_slice %arg6[%dma_start3A_169, %dma_start3A_175] : memref<2x2000xi32, #tpu.memory_space<vmem>> -> memref<1x2000xi32, #tpu.memory_space<vmem>>
        %dma_start3A_177 = tpu.memref_squeeze %dma_start3A_176 : memref<1x2000xi32, #tpu.memory_space<vmem>> -> memref<2000xi32, #tpu.memory_space<vmem>>
        %dma_start3A_178 = tpu.memref_slice %arg4[%dma_start3A_168, %mul3A_167] : memref<2x3200000xi32, #tpu.memory_space<hbm>> -> memref<1x2000xi32, #tpu.memory_space<hbm>>
        %dma_start3A_179 = tpu.memref_squeeze %dma_start3A_178 : memref<1x2000xi32, #tpu.memory_space<hbm>> -> memref<2000xi32, #tpu.memory_space<hbm>>
        tpu.enqueue_dma source(%dma_start3A_179 : memref<2000xi32, #tpu.memory_space<hbm>>) target(%dma_start3A_177 : memref<2000xi32, #tpu.memory_space<vmem>>) target_semaphore(%arg16 : memref<!tpu.dma_semaphore, #tpu.memory_space<semaphore_mem>>)
        %mul3A_180 = arith.constant 2000 : i32
        %mul3A_181 = arith.muli %add3A_165, %mul3A_180 : i32
        %dma_start3A_182 = arith.constant 0 : i32
        %dma_start3A_183 = arith.constant 0 : i32
        %dma_start3A_184 = arith.constant 0 : i32
        %dma_start3A_185 = tpu.memref_slice %arg7[%dma_start3A_183, %dma_start3A_184] : memref<2x2000xi32, #tpu.memory_space<vmem>> -> memref<1x2000xi32, #tpu.memory_space<vmem>>
        %dma_start3A_186 = tpu.memref_squeeze %dma_start3A_185 : memref<1x2000xi32, #tpu.memory_space<vmem>> -> memref<2000xi32, #tpu.memory_space<vmem>>
        %dma_start3A_187 = tpu.memref_slice %arg4[%dma_start3A_182, %mul3A_181] : memref<2x3200000xi32, #tpu.memory_space<hbm>> -> memref<1x2000xi32, #tpu.memory_space<hbm>>
        %dma_start3A_188 = tpu.memref_squeeze %dma_start3A_187 : memref<1x2000xi32, #tpu.memory_space<hbm>> -> memref<2000xi32, #tpu.memory_space<hbm>>
        %dma_start3A_189 = arith.constant 0 : i32
        %dma_start3A_190 = tpu.memref_slice %arg7[%dma_start3A_183, %dma_start3A_189] : memref<2x2000xi32, #tpu.memory_space<vmem>> -> memref<1x2000xi32, #tpu.memory_space<vmem>>
        %dma_start3A_191 = tpu.memref_squeeze %dma_start3A_190 : memref<1x2000xi32, #tpu.memory_space<vmem>> -> memref<2000xi32, #tpu.memory_space<vmem>>
        %dma_start3A_192 = tpu.memref_slice %arg4[%dma_start3A_182, %mul3A_181] : memref<2x3200000xi32, #tpu.memory_space<hbm>> -> memref<1x2000xi32, #tpu.memory_space<hbm>>
        %dma_start3A_193 = tpu.memref_squeeze %dma_start3A_192 : memref<1x2000xi32, #tpu.memory_space<hbm>> -> memref<2000xi32, #tpu.memory_space<hbm>>
        tpu.enqueue_dma source(%dma_start3A_193 : memref<2000xi32, #tpu.memory_space<hbm>>) target(%dma_start3A_191 : memref<2000xi32, #tpu.memory_space<vmem>>) target_semaphore(%arg18 : memref<!tpu.dma_semaphore, #tpu.memory_space<semaphore_mem>>)
      } else {
      }
      %scan3A_157 = arith.constant 0 : i32
      %scan3A_158 = arith.constant 25 : i32
      %scan3A_159 = arith.addi %scan3A_157, %scan3A_158 : i32
      %scan3A_160 = arith.constant 1 : i32
      %scan3A_161 = scf.for %scan3A_164 = %scan3A_157 to %scan3A_159 step %scan3A_160 iter_args(%scan3A_165 = %while3A) -> (i32)  : i32 {
        %mul3A_166 = arith.constant 80 : i32
        %mul3A_167 = arith.muli %scan3A_164, %mul3A_166 : i32
        %add3A_168 = arith.constant 0 : i32
        %add3A_169 = arith.addi %mul3A_167, %add3A_168 : i32
        %get3A = arith.constant 1 : i32
        %get3A_170 = arith.index_cast %get3A : i32 to index
        %get3A_171 = arith.index_cast %add3A_169 : i32 to index
        %get3A_172 = tpu.vector_load %arg6[%get3A_170, %get3A_171] {strides = array<i32>} : memref<2x2000xi32, #tpu.memory_space<vmem>>, vector<16xi32>,
        %get3A_173 = arith.constant 1 : i32
        %get3A_174 = arith.index_cast %get3A_173 : i32 to index
        %get3A_175 = arith.index_cast %add3A_169 : i32 to index
        %get3A_176 = tpu.vector_load %arg7[%get3A_174, %get3A_175] {strides = array<i32>} : memref<2x2000xi32, #tpu.memory_space<vmem>>, vector<16xi32>,
        %sub3A = vector.broadcast %mul3A_2 : i32 to vector<16xi32>
        %sub3A_177 = arith.subi %get3A_172, %sub3A : vector<16xi32>
        %ge3A = arith.constant 0 : i32
        %ge3A_178 = vector.broadcast %ge3A : i32 to vector<16xi32>
        %ge3A_179 = arith.cmpi sge, %sub3A_177, %ge3A_178 : vector<16xi32>
        %lt3A_180 = arith.constant 3128 : i32
        %lt3A_181 = vector.broadcast %lt3A_180 : i32 to vector<16xi32>
        %lt3A_182 = arith.cmpi slt, %sub3A_177, %lt3A_181 : vector<16xi32>
        %and3A = arith.andi %ge3A_179, %lt3A_182 : vector<16xi1>
        %all_reduce_population_count3A = tpu.all_reduce %and3A {dim = 0 : i64, kind = #tpu.reduction_kind<sum>} : vector<16xi1> -> vector<16xi32>
        %slice3A = vector.extract_strided_slice %all_reduce_population_count3A {offsets = [0], sizes = [1], strides = [1]} : vector<16xi32> to vector<1xi32>
        %squeeze3A = vector.extract %slice3A[0] : i32 from vector<1xi32>
        %swap3A = arith.index_cast %scan3A_165 : i32 to index
        %swap3A_183 = tpu.vector_load %arg10[%swap3A] masked %and3A {strides = array<i32>} : memref<3568xi32, #tpu.memory_space<vmem>>, vector<16xi32>, vector<16xi1>
        tpu.vector_store %arg10[%swap3A], %sub3A_177 masked %and3A {strides = array<i32>} : memref<3568xi32, #tpu.memory_space<vmem>>, vector<16xi32>, vector<16xi1>
        %swap3A_184 = arith.index_cast %scan3A_165 : i32 to index
        %swap3A_185 = tpu.vector_load %arg9[%swap3A_184] masked %and3A {strides = array<i32>} : memref<3568xi32, #tpu.memory_space<vmem>>, vector<16xi32>, vector<16xi1>
        tpu.vector_store %arg9[%swap3A_184], %get3A_176 masked %and3A {strides = array<i32>} : memref<3568xi32, #tpu.memory_space<vmem>>, vector<16xi32>, vector<16xi1>
        %mul3A_186 = arith.constant 2000 : i32
        %mul3A_187 = arith.muli %add3A_121, %mul3A_186 : i32
        %add3A_188 = arith.addi %mul3A_187, %add3A_169 : i32
        %iota3A = tpu.iota {dimensions = array<i32: 0>} : vector<16xi32>
        %add3A_189 = vector.broadcast %add3A_188 : i32 to vector<16xi32>
        %add3A_190 = arith.addi %add3A_189, %iota3A : vector<16xi32>
        %swap3A_191 = arith.index_cast %scan3A_165 : i32 to index
        %swap3A_192 = tpu.vector_load %arg8[%swap3A_191] masked %and3A {strides = array<i32>} : memref<3568xi32, #tpu.memory_space<vmem>>, vector<16xi32>, vector<16xi1>
        tpu.vector_store %arg8[%swap3A_191], %add3A_190 masked %and3A {strides = array<i32>} : memref<3568xi32, #tpu.memory_space<vmem>>, vector<16xi32>, vector<16xi1>
        %add3A_193 = arith.addi %scan3A_165, %squeeze3A : i32
        %mul3A_194 = arith.constant 80 : i32
        %mul3A_195 = arith.muli %scan3A_164, %mul3A_194 : i32
        %add3A_196 = arith.constant 16 : i32
        %add3A_197 = arith.addi %mul3A_195, %add3A_196 : i32
        %get3A_198 = arith.constant 1 : i32
        %get3A_199 = arith.index_cast %get3A_198 : i32 to index
        %get3A_200 = arith.index_cast %add3A_197 : i32 to index
        %get3A_201 = tpu.vector_load %arg6[%get3A_199, %get3A_200] {strides = array<i32>} : memref<2x2000xi32, #tpu.memory_space<vmem>>, vector<16xi32>,
        %get3A_202 = arith.constant 1 : i32
        %get3A_203 = arith.index_cast %get3A_202 : i32 to index
        %get3A_204 = arith.index_cast %add3A_197 : i32 to index
        %get3A_205 = tpu.vector_load %arg7[%get3A_203, %get3A_204] {strides = array<i32>} : memref<2x2000xi32, #tpu.memory_space<vmem>>, vector<16xi32>,
        %sub3A_206 = vector.broadcast %mul3A_2 : i32 to vector<16xi32>
        %sub3A_207 = arith.subi %get3A_201, %sub3A_206 : vector<16xi32>
        %ge3A_208 = arith.constant 0 : i32
        %ge3A_209 = vector.broadcast %ge3A_208 : i32 to vector<16xi32>
        %ge3A_210 = arith.cmpi sge, %sub3A_207, %ge3A_209 : vector<16xi32>
        %lt3A_211 = arith.constant 3128 : i32
        %lt3A_212 = vector.broadcast %lt3A_211 : i32 to vector<16xi32>
        %lt3A_213 = arith.cmpi slt, %sub3A_207, %lt3A_212 : vector<16xi32>
        %and3A_214 = arith.andi %ge3A_210, %lt3A_213 : vector<16xi1>
        %all_reduce_population_count3A_215 = tpu.all_reduce %and3A_214 {dim = 0 : i64, kind = #tpu.reduction_kind<sum>} : vector<16xi1> -> vector<16xi32>
        %slice3A_216 = vector.extract_strided_slice %all_reduce_population_count3A_215 {offsets = [0], sizes = [1], strides = [1]} : vector<16xi32> to vector<1xi32>
        %squeeze3A_217 = vector.extract %slice3A_216[0] : i32 from vector<1xi32>
        %swap3A_218 = arith.index_cast %add3A_193 : i32 to index
        %swap3A_219 = tpu.vector_load %arg10[%swap3A_218] masked %and3A_214 {strides = array<i32>} : memref<3568xi32, #tpu.memory_space<vmem>>, vector<16xi32>, vector<16xi1>
        tpu.vector_store %arg10[%swap3A_218], %sub3A_207 masked %and3A_214 {strides = array<i32>} : memref<3568xi32, #tpu.memory_space<vmem>>, vector<16xi32>, vector<16xi1>
        %swap3A_220 = arith.index_cast %add3A_193 : i32 to index
        %swap3A_221 = tpu.vector_load %arg9[%swap3A_220] masked %and3A_214 {strides = array<i32>} : memref<3568xi32, #tpu.memory_space<vmem>>, vector<16xi32>, vector<16xi1>
        tpu.vector_store %arg9[%swap3A_220], %get3A_205 masked %and3A_214 {strides = array<i32>} : memref<3568xi32, #tpu.memory_space<vmem>>, vector<16xi32>, vector<16xi1>
        %mul3A_222 = arith.constant 2000 : i32
        %mul3A_223 = arith.muli %add3A_121, %mul3A_222 : i32
        %add3A_224 = arith.addi %mul3A_223, %add3A_197 : i32
        %iota3A_225 = tpu.iota {dimensions = array<i32: 0>} : vector<16xi32>
        %add3A_226 = vector.broadcast %add3A_224 : i32 to vector<16xi32>
        %add3A_227 = arith.addi %add3A_226, %iota3A_225 : vector<16xi32>
        %swap3A_228 = arith.index_cast %add3A_193 : i32 to index
        %swap3A_229 = tpu.vector_load %arg8[%swap3A_228] masked %and3A_214 {strides = array<i32>} : memref<3568xi32, #tpu.memory_space<vmem>>, vector<16xi32>, vector<16xi1>
        tpu.vector_store %arg8[%swap3A_228], %add3A_227 masked %and3A_214 {strides = array<i32>} : memref<3568xi32, #tpu.memory_space<vmem>>, vector<16xi32>, vector<16xi1>
        %add3A_230 = arith.addi %add3A_193, %squeeze3A_217 : i32
        %mul3A_231 = arith.constant 80 : i32
        %mul3A_232 = arith.muli %scan3A_164, %mul3A_231 : i32
        %add3A_233 = arith.constant 32 : i32
        %add3A_234 = arith.addi %mul3A_232, %add3A_233 : i32
        %get3A_235 = arith.constant 1 : i32
        %get3A_236 = arith.index_cast %get3A_235 : i32 to index
        %get3A_237 = arith.index_cast %add3A_234 : i32 to index
        %get3A_238 = tpu.vector_load %arg6[%get3A_236, %get3A_237] {strides = array<i32>} : memref<2x2000xi32, #tpu.memory_space<vmem>>, vector<16xi32>,
        %get3A_239 = arith.constant 1 : i32
        %get3A_240 = arith.index_cast %get3A_239 : i32 to index
        %get3A_241 = arith.index_cast %add3A_234 : i32 to index
        %get3A_242 = tpu.vector_load %arg7[%get3A_240, %get3A_241] {strides = array<i32>} : memref<2x2000xi32, #tpu.memory_space<vmem>>, vector<16xi32>,
        %sub3A_243 = vector.broadcast %mul3A_2 : i32 to vector<16xi32>
        %sub3A_244 = arith.subi %get3A_238, %sub3A_243 : vector<16xi32>
        %ge3A_245 = arith.constant 0 : i32
        %ge3A_246 = vector.broadcast %ge3A_245 : i32 to vector<16xi32>
        %ge3A_247 = arith.cmpi sge, %sub3A_244, %ge3A_246 : vector<16xi32>
        %lt3A_248 = arith.constant 3128 : i32
        %lt3A_249 = vector.broadcast %lt3A_248 : i32 to vector<16xi32>
        %lt3A_250 = arith.cmpi slt, %sub3A_244, %lt3A_249 : vector<16xi32>
        %and3A_251 = arith.andi %ge3A_247, %lt3A_250 : vector<16xi1>
        %all_reduce_population_count3A_252 = tpu.all_reduce %and3A_251 {dim = 0 : i64, kind = #tpu.reduction_kind<sum>} : vector<16xi1> -> vector<16xi32>
        %slice3A_253 = vector.extract_strided_slice %all_reduce_population_count3A_252 {offsets = [0], sizes = [1], strides = [1]} : vector<16xi32> to vector<1xi32>
        %squeeze3A_254 = vector.extract %slice3A_253[0] : i32 from vector<1xi32>
        %swap3A_255 = arith.index_cast %add3A_230 : i32 to index
        %swap3A_256 = tpu.vector_load %arg10[%swap3A_255] masked %and3A_251 {strides = array<i32>} : memref<3568xi32, #tpu.memory_space<vmem>>, vector<16xi32>, vector<16xi1>
        tpu.vector_store %arg10[%swap3A_255], %sub3A_244 masked %and3A_251 {strides = array<i32>} : memref<3568xi32, #tpu.memory_space<vmem>>, vector<16xi32>, vector<16xi1>
        %swap3A_257 = arith.index_cast %add3A_230 : i32 to index
        %swap3A_258 = tpu.vector_load %arg9[%swap3A_257] masked %and3A_251 {strides = array<i32>} : memref<3568xi32, #tpu.memory_space<vmem>>, vector<16xi32>, vector<16xi1>
        tpu.vector_store %arg9[%swap3A_257], %get3A_242 masked %and3A_251 {strides = array<i32>} : memref<3568xi32, #tpu.memory_space<vmem>>, vector<16xi32>, vector<16xi1>
        %mul3A_259 = arith.constant 2000 : i32
        %mul3A_260 = arith.muli %add3A_121, %mul3A_259 : i32
        %add3A_261 = arith.addi %mul3A_260, %add3A_234 : i32
        %iota3A_262 = tpu.iota {dimensions = array<i32: 0>} : vector<16xi32>
        %add3A_263 = vector.broadcast %add3A_261 : i32 to vector<16xi32>
        %add3A_264 = arith.addi %add3A_263, %iota3A_262 : vector<16xi32>
        %swap3A_265 = arith.index_cast %add3A_230 : i32 to index
        %swap3A_266 = tpu.vector_load %arg8[%swap3A_265] masked %and3A_251 {strides = array<i32>} : memref<3568xi32, #tpu.memory_space<vmem>>, vector<16xi32>, vector<16xi1>
        tpu.vector_store %arg8[%swap3A_265], %add3A_264 masked %and3A_251 {strides = array<i32>} : memref<3568xi32, #tpu.memory_space<vmem>>, vector<16xi32>, vector<16xi1>
        %add3A_267 = arith.addi %add3A_230, %squeeze3A_254 : i32
        %mul3A_268 = arith.constant 80 : i32
        %mul3A_269 = arith.muli %scan3A_164, %mul3A_268 : i32
        %add3A_270 = arith.constant 48 : i32
        %add3A_271 = arith.addi %mul3A_269, %add3A_270 : i32
        %get3A_272 = arith.constant 1 : i32
        %get3A_273 = arith.index_cast %get3A_272 : i32 to index
        %get3A_274 = arith.index_cast %add3A_271 : i32 to index
        %get3A_275 = tpu.vector_load %arg6[%get3A_273, %get3A_274] {strides = array<i32>} : memref<2x2000xi32, #tpu.memory_space<vmem>>, vector<16xi32>,
        %get3A_276 = arith.constant 1 : i32
        %get3A_277 = arith.index_cast %get3A_276 : i32 to index
        %get3A_278 = arith.index_cast %add3A_271 : i32 to index
        %get3A_279 = tpu.vector_load %arg7[%get3A_277, %get3A_278] {strides = array<i32>} : memref<2x2000xi32, #tpu.memory_space<vmem>>, vector<16xi32>,
        %sub3A_280 = vector.broadcast %mul3A_2 : i32 to vector<16xi32>
        %sub3A_281 = arith.subi %get3A_275, %sub3A_280 : vector<16xi32>
        %ge3A_282 = arith.constant 0 : i32
        %ge3A_283 = vector.broadcast %ge3A_282 : i32 to vector<16xi32>
        %ge3A_284 = arith.cmpi sge, %sub3A_281, %ge3A_283 : vector<16xi32>
        %lt3A_285 = arith.constant 3128 : i32
        %lt3A_286 = vector.broadcast %lt3A_285 : i32 to vector<16xi32>
        %lt3A_287 = arith.cmpi slt, %sub3A_281, %lt3A_286 : vector<16xi32>
        %and3A_288 = arith.andi %ge3A_284, %lt3A_287 : vector<16xi1>
        %all_reduce_population_count3A_289 = tpu.all_reduce %and3A_288 {dim = 0 : i64, kind = #tpu.reduction_kind<sum>} : vector<16xi1> -> vector<16xi32>
        %slice3A_290 = vector.extract_strided_slice %all_reduce_population_count3A_289 {offsets = [0], sizes = [1], strides = [1]} : vector<16xi32> to vector<1xi32>
        %squeeze3A_291 = vector.extract %slice3A_290[0] : i32 from vector<1xi32>
        %swap3A_292 = arith.index_cast %add3A_267 : i32 to index
        %swap3A_293 = tpu.vector_load %arg10[%swap3A_292] masked %and3A_288 {strides = array<i32>} : memref<3568xi32, #tpu.memory_space<vmem>>, vector<16xi32>, vector<16xi1>
        tpu.vector_store %arg10[%swap3A_292], %sub3A_281 masked %and3A_288 {strides = array<i32>} : memref<3568xi32, #tpu.memory_space<vmem>>, vector<16xi32>, vector<16xi1>
        %swap3A_294 = arith.index_cast %add3A_267 : i32 to index
        %swap3A_295 = tpu.vector_load %arg9[%swap3A_294] masked %and3A_288 {strides = array<i32>} : memref<3568xi32, #tpu.memory_space<vmem>>, vector<16xi32>, vector<16xi1>
        tpu.vector_store %arg9[%swap3A_294], %get3A_279 masked %and3A_288 {strides = array<i32>} : memref<3568xi32, #tpu.memory_space<vmem>>, vector<16xi32>, vector<16xi1>
        %mul3A_296 = arith.constant 2000 : i32
        %mul3A_297 = arith.muli %add3A_121, %mul3A_296 : i32
        %add3A_298 = arith.addi %mul3A_297, %add3A_271 : i32
        %iota3A_299 = tpu.iota {dimensions = array<i32: 0>} : vector<16xi32>
        %add3A_300 = vector.broadcast %add3A_298 : i32 to vector<16xi32>
        %add3A_301 = arith.addi %add3A_300, %iota3A_299 : vector<16xi32>
        %swap3A_302 = arith.index_cast %add3A_267 : i32 to index
        %swap3A_303 = tpu.vector_load %arg8[%swap3A_302] masked %and3A_288 {strides = array<i32>} : memref<3568xi32, #tpu.memory_space<vmem>>, vector<16xi32>, vector<16xi1>
        tpu.vector_store %arg8[%swap3A_302], %add3A_301 masked %and3A_288 {strides = array<i32>} : memref<3568xi32, #tpu.memory_space<vmem>>, vector<16xi32>, vector<16xi1>
        %add3A_304 = arith.addi %add3A_267, %squeeze3A_291 : i32
        %mul3A_305 = arith.constant 80 : i32
        %mul3A_306 = arith.muli %scan3A_164, %mul3A_305 : i32
        %add3A_307 = arith.constant 64 : i32
        %add3A_308 = arith.addi %mul3A_306, %add3A_307 : i32
        %get3A_309 = arith.constant 1 : i32
        %get3A_310 = arith.index_cast %get3A_309 : i32 to index
        %get3A_311 = arith.index_cast %add3A_308 : i32 to index
        %get3A_312 = tpu.vector_load %arg6[%get3A_310, %get3A_311] {strides = array<i32>} : memref<2x2000xi32, #tpu.memory_space<vmem>>, vector<16xi32>,
        %get3A_313 = arith.constant 1 : i32
        %get3A_314 = arith.index_cast %get3A_313 : i32 to index
        %get3A_315 = arith.index_cast %add3A_308 : i32 to index
        %get3A_316 = tpu.vector_load %arg7[%get3A_314, %get3A_315] {strides = array<i32>} : memref<2x2000xi32, #tpu.memory_space<vmem>>, vector<16xi32>,
        %sub3A_317 = vector.broadcast %mul3A_2 : i32 to vector<16xi32>
        %sub3A_318 = arith.subi %get3A_312, %sub3A_317 : vector<16xi32>
        %ge3A_319 = arith.constant 0 : i32
        %ge3A_320 = vector.broadcast %ge3A_319 : i32 to vector<16xi32>
        %ge3A_321 = arith.cmpi sge, %sub3A_318, %ge3A_320 : vector<16xi32>
        %lt3A_322 = arith.constant 3128 : i32
        %lt3A_323 = vector.broadcast %lt3A_322 : i32 to vector<16xi32>
        %lt3A_324 = arith.cmpi slt, %sub3A_318, %lt3A_323 : vector<16xi32>
        %and3A_325 = arith.andi %ge3A_321, %lt3A_324 : vector<16xi1>
        %all_reduce_population_count3A_326 = tpu.all_reduce %and3A_325 {dim = 0 : i64, kind = #tpu.reduction_kind<sum>} : vector<16xi1> -> vector<16xi32>
        %slice3A_327 = vector.extract_strided_slice %all_reduce_population_count3A_326 {offsets = [0], sizes = [1], strides = [1]} : vector<16xi32> to vector<1xi32>
        %squeeze3A_328 = vector.extract %slice3A_327[0] : i32 from vector<1xi32>
        %swap3A_329 = arith.index_cast %add3A_304 : i32 to index
        %swap3A_330 = tpu.vector_load %arg10[%swap3A_329] masked %and3A_325 {strides = array<i32>} : memref<3568xi32, #tpu.memory_space<vmem>>, vector<16xi32>, vector<16xi1>
        tpu.vector_store %arg10[%swap3A_329], %sub3A_318 masked %and3A_325 {strides = array<i32>} : memref<3568xi32, #tpu.memory_space<vmem>>, vector<16xi32>, vector<16xi1>
        %swap3A_331 = arith.index_cast %add3A_304 : i32 to index
        %swap3A_332 = tpu.vector_load %arg9[%swap3A_331] masked %and3A_325 {strides = array<i32>} : memref<3568xi32, #tpu.memory_space<vmem>>, vector<16xi32>, vector<16xi1>
        tpu.vector_store %arg9[%swap3A_331], %get3A_316 masked %and3A_325 {strides = array<i32>} : memref<3568xi32, #tpu.memory_space<vmem>>, vector<16xi32>, vector<16xi1>
        %mul3A_333 = arith.constant 2000 : i32
        %mul3A_334 = arith.muli %add3A_121, %mul3A_333 : i32
        %add3A_335 = arith.addi %mul3A_334, %add3A_308 : i32
        %iota3A_336 = tpu.iota {dimensions = array<i32: 0>} : vector<16xi32>
        %add3A_337 = vector.broadcast %add3A_335 : i32 to vector<16xi32>
        %add3A_338 = arith.addi %add3A_337, %iota3A_336 : vector<16xi32>
        %swap3A_339 = arith.index_cast %add3A_304 : i32 to index
        %swap3A_340 = tpu.vector_load %arg8[%swap3A_339] masked %and3A_325 {strides = array<i32>} : memref<3568xi32, #tpu.memory_space<vmem>>, vector<16xi32>, vector<16xi1>
        tpu.vector_store %arg8[%swap3A_339], %add3A_338 masked %and3A_325 {strides = array<i32>} : memref<3568xi32, #tpu.memory_space<vmem>>, vector<16xi32>, vector<16xi1>
        %add3A_341 = arith.addi %add3A_304, %squeeze3A_328 : i32
        scf.yield %add3A_341 : i32
      }
      %scan3A_162 = arith.constant 25 : i32
      %while3A_163 = scf.while (%while3A_164 = %scan3A_161) : (i32) -> i32 {
        %ge3A = arith.constant 1536 : i32
        %ge3A_165 = arith.cmpi sge, %while3A_164, %ge3A : i32
        scf.condition(%ge3A_165) %while3A_164 : i32
      } do {
      ^bb0(%while3A_164: i32):
        %dma_start3A_165 = arith.constant 0 : i32
        %dma_start3A_166 = tpu.memref_slice %arg8[%dma_start3A_165] : memref<3568xi32, #tpu.memory_space<vmem>> -> memref<1536xi32, #tpu.memory_space<vmem>>
        %dma_start3A_167 = arith.constant 0 : i32
        %dma_start3A_168 = arith.constant 0 : i32
        %dma_start3A_169 = tpu.memref_slice %arg3[%dma_start3A_167, %dma_start3A_168] : memref<3200000x16xf32, #tpu.memory_space<hbm>> -> memref<3200000x16xf32, #tpu.memory_space<hbm>>
        tpu.enqueue_indirect_dma source(%dma_start3A_169 : memref<3200000x16xf32, #tpu.memory_space<hbm>>) target(%arg11 : memref<1536x16xf32, #tpu.memory_space<vmem>>) offsets(%dma_start3A_166 : memref<1536xi32, #tpu.memory_space<vmem>>) semaphore(%arg14 : memref<!tpu.dma_semaphore, #tpu.memory_space<semaphore_mem>>)
        %dma_start3A_170 = arith.constant 0 : i32
        %dma_start3A_171 = tpu.memref_slice %arg9[%dma_start3A_170] : memref<3568xi32, #tpu.memory_space<vmem>> -> memref<1536xi32, #tpu.memory_space<vmem>>
        %dma_start3A_172 = arith.constant 0 : i32
        %dma_start3A_173 = arith.constant 0 : i32
        %dma_start3A_174 = tpu.memref_slice %arg2[%dma_start3A_172, %dma_start3A_173] : memref<100096x16xf32, #tpu.memory_space<hbm>> -> memref<100096x16xf32, #tpu.memory_space<hbm>>
        tpu.enqueue_indirect_dma source(%dma_start3A_174 : memref<100096x16xf32, #tpu.memory_space<hbm>>) target(%arg12 : memref<1536x16xf32, #tpu.memory_space<vmem>>) offsets(%dma_start3A_171 : memref<1536xi32, #tpu.memory_space<vmem>>) semaphore(%arg15 : memref<!tpu.dma_semaphore, #tpu.memory_space<semaphore_mem>>)
        %dma_wait3A_175 = arith.constant 0 : i32
        %dma_wait3A_176 = tpu.memref_slice %arg8[%dma_wait3A_175] : memref<3568xi32, #tpu.memory_space<vmem>> -> memref<1536xi32, #tpu.memory_space<vmem>>
        %dma_wait3A_177 = arith.constant 0 : i32
        %dma_wait3A_178 = arith.constant 0 : i32
        %dma_wait3A_179 = tpu.memref_slice %arg3[%dma_wait3A_177, %dma_wait3A_178] : memref<3200000x16xf32, #tpu.memory_space<hbm>> -> memref<3200000x16xf32, #tpu.memory_space<hbm>>
        tpu.wait_indirect_dma semaphore(%arg14 : memref<!tpu.dma_semaphore, #tpu.memory_space<semaphore_mem>>) src(%dma_wait3A_179 : memref<3200000x16xf32, #tpu.memory_space<hbm>>) dst(%arg11 : memref<1536x16xf32, #tpu.memory_space<vmem>>)
        %dma_wait3A_180 = arith.constant 0 : i32
        %dma_wait3A_181 = tpu.memref_slice %arg9[%dma_wait3A_180] : memref<3568xi32, #tpu.memory_space<vmem>> -> memref<1536xi32, #tpu.memory_space<vmem>>
        %dma_wait3A_182 = arith.constant 0 : i32
        %dma_wait3A_183 = arith.constant 0 : i32
        %dma_wait3A_184 = tpu.memref_slice %arg2[%dma_wait3A_182, %dma_wait3A_183] : memref<100096x16xf32, #tpu.memory_space<hbm>> -> memref<100096x16xf32, #tpu.memory_space<hbm>>
        tpu.wait_indirect_dma semaphore(%arg15 : memref<!tpu.dma_semaphore, #tpu.memory_space<semaphore_mem>>) src(%dma_wait3A_184 : memref<100096x16xf32, #tpu.memory_space<hbm>>) dst(%arg12 : memref<1536x16xf32, #tpu.memory_space<vmem>>)
        %scan3A_185 = arith.constant 0 : i32
        %scan3A_186 = arith.constant 0 : i32
        %scan3A_187 = arith.constant 96 : i32
        %scan3A_188 = arith.addi %scan3A_186, %scan3A_187 : i32
        %scan3A_189 = arith.constant 1 : i32
        %scan3A_190 = scf.for %scan3A_224 = %scan3A_186 to %scan3A_188 step %scan3A_189 iter_args(%scan3A_225 = %scan3A_185) -> (i32)  : i32 {
          %mul3A_226 = arith.constant 16 : i32
          %mul3A_227 = arith.muli %scan3A_224, %mul3A_226 : i32
          %get3A = arith.index_cast %mul3A_227 : i32 to index
          %get3A_228 = tpu.vector_load %arg10[%get3A] {strides = array<i32>} : memref<3568xi32, #tpu.memory_space<vmem>>, vector<16xi32>,
          %slice3A = vector.extract_strided_slice %get3A_228 {offsets = [0], sizes = [1], strides = [1]} : vector<16xi32> to vector<1xi32>
          %squeeze3A = vector.extract %slice3A[0] : i32 from vector<1xi32>
          %get3A_229 = arith.index_cast %squeeze3A : i32 to index
          %get3A_230 = arith.constant 0 : index
          %get3A_231 = tpu.vector_load %arg13[%get3A_229, %get3A_230] {strides = array<i32>} : memref<3129x16xf32, #tpu.memory_space<vmem>>, vector<16xf32>,
          %add3A_232 = arith.constant 0 : i32
          %add3A_233 = arith.addi %mul3A_227, %add3A_232 : i32
          %get3A_234 = arith.index_cast %add3A_233 : i32 to index
          %get3A_235 = arith.constant 0 : index
          %get3A_236 = tpu.vector_load %arg12[%get3A_234, %get3A_235] {strides = array<i32>} : memref<1536x16xf32, #tpu.memory_space<vmem>>, vector<16xf32>,
          %add3A_237 = arith.constant 0 : i32
          %add3A_238 = arith.addi %mul3A_227, %add3A_237 : i32
          %get3A_239 = arith.index_cast %add3A_238 : i32 to index
          %get3A_240 = arith.constant 0 : index
          %get3A_241 = tpu.vector_load %arg11[%get3A_239, %get3A_240] {strides = array<i32>} : memref<1536x16xf32, #tpu.memory_space<vmem>>, vector<16xf32>,
          %add3A_242 = arith.addf %get3A_236, %get3A_241 : vector<16xf32>
          %max3A = arith.maximumf %get3A_231, %add3A_242 : vector<16xf32>
          %swap3A = arith.index_cast %squeeze3A : i32 to index
          %swap3A_243 = arith.constant 0 : index
          %swap3A_244 = tpu.vector_load %arg13[%swap3A, %swap3A_243] {strides = array<i32>} : memref<3129x16xf32, #tpu.memory_space<vmem>>, vector<16xf32>,
          tpu.vector_store %arg13[%swap3A, %swap3A_243], %max3A {strides = array<i32>} : memref<3129x16xf32, #tpu.memory_space<vmem>>, vector<16xf32>,
          %slice3A_245 = vector.extract_strided_slice %get3A_228 {offsets = [1], sizes = [1], strides = [1]} : vector<16xi32> to vector<1xi32>
          %squeeze3A_246 = vector.extract %slice3A_245[0] : i32 from vector<1xi32>
          %get3A_247 = arith.index_cast %squeeze3A_246 : i32 to index
          %get3A_248 = arith.constant 0 : index
          %get3A_249 = tpu.vector_load %arg13[%get3A_247, %get3A_248] {strides = array<i32>} : memref<3129x16xf32, #tpu.memory_space<vmem>>, vector<16xf32>,
          %add3A_250 = arith.constant 1 : i32
          %add3A_251 = arith.addi %mul3A_227, %add3A_250 : i32
          %get3A_252 = arith.index_cast %add3A_251 : i32 to index
          %get3A_253 = arith.constant 0 : index
          %get3A_254 = tpu.vector_load %arg12[%get3A_252, %get3A_253] {strides = array<i32>} : memref<1536x16xf32, #tpu.memory_space<vmem>>, vector<16xf32>,
          %add3A_255 = arith.constant 1 : i32
          %add3A_256 = arith.addi %mul3A_227, %add3A_255 : i32
          %get3A_257 = arith.index_cast %add3A_256 : i32 to index
          %get3A_258 = arith.constant 0 : index
          %get3A_259 = tpu.vector_load %arg11[%get3A_257, %get3A_258] {strides = array<i32>} : memref<1536x16xf32, #tpu.memory_space<vmem>>, vector<16xf32>,
          %add3A_260 = arith.addf %get3A_254, %get3A_259 : vector<16xf32>
          %max3A_261 = arith.maximumf %get3A_249, %add3A_260 : vector<16xf32>
          %swap3A_262 = arith.index_cast %squeeze3A_246 : i32 to index
          %swap3A_263 = arith.constant 0 : index
          %swap3A_264 = tpu.vector_load %arg13[%swap3A_262, %swap3A_263] {strides = array<i32>} : memref<3129x16xf32, #tpu.memory_space<vmem>>, vector<16xf32>,
          tpu.vector_store %arg13[%swap3A_262, %swap3A_263], %max3A_261 {strides = array<i32>} : memref<3129x16xf32, #tpu.memory_space<vmem>>, vector<16xf32>,
          %slice3A_265 = vector.extract_strided_slice %get3A_228 {offsets = [2], sizes = [1], strides = [1]} : vector<16xi32> to vector<1xi32>
          %squeeze3A_266 = vector.extract %slice3A_265[0] : i32 from vector<1xi32>
          %get3A_267 = arith.index_cast %squeeze3A_266 : i32 to index
          %get3A_268 = arith.constant 0 : index
          %get3A_269 = tpu.vector_load %arg13[%get3A_267, %get3A_268] {strides = array<i32>} : memref<3129x16xf32, #tpu.memory_space<vmem>>, vector<16xf32>,
          %add3A_270 = arith.constant 2 : i32
          %add3A_271 = arith.addi %mul3A_227, %add3A_270 : i32
          %get3A_272 = arith.index_cast %add3A_271 : i32 to index
          %get3A_273 = arith.constant 0 : index
          %get3A_274 = tpu.vector_load %arg12[%get3A_272, %get3A_273] {strides = array<i32>} : memref<1536x16xf32, #tpu.memory_space<vmem>>, vector<16xf32>,
          %add3A_275 = arith.constant 2 : i32
          %add3A_276 = arith.addi %mul3A_227, %add3A_275 : i32
          %get3A_277 = arith.index_cast %add3A_276 : i32 to index
          %get3A_278 = arith.constant 0 : index
          %get3A_279 = tpu.vector_load %arg11[%get3A_277, %get3A_278] {strides = array<i32>} : memref<1536x16xf32, #tpu.memory_space<vmem>>, vector<16xf32>,
          %add3A_280 = arith.addf %get3A_274, %get3A_279 : vector<16xf32>
          %max3A_281 = arith.maximumf %get3A_269, %add3A_280 : vector<16xf32>
          %swap3A_282 = arith.index_cast %squeeze3A_266 : i32 to index
          %swap3A_283 = arith.constant 0 : index
          %swap3A_284 = tpu.vector_load %arg13[%swap3A_282, %swap3A_283] {strides = array<i32>} : memref<3129x16xf32, #tpu.memory_space<vmem>>, vector<16xf32>,
          tpu.vector_store %arg13[%swap3A_282, %swap3A_283], %max3A_281 {strides = array<i32>} : memref<3129x16xf32, #tpu.memory_space<vmem>>, vector<16xf32>,
          %slice3A_285 = vector.extract_strided_slice %get3A_228 {offsets = [3], sizes = [1], strides = [1]} : vector<16xi32> to vector<1xi32>
          %squeeze3A_286 = vector.extract %slice3A_285[0] : i32 from vector<1xi32>
          %get3A_287 = arith.index_cast %squeeze3A_286 : i32 to index
          %get3A_288 = arith.constant 0 : index
          %get3A_289 = tpu.vector_load %arg13[%get3A_287, %get3A_288] {strides = array<i32>} : memref<3129x16xf32, #tpu.memory_space<vmem>>, vector<16xf32>,
          %add3A_290 = arith.constant 3 : i32
          %add3A_291 = arith.addi %mul3A_227, %add3A_290 : i32
          %get3A_292 = arith.index_cast %add3A_291 : i32 to index
          %get3A_293 = arith.constant 0 : index
          %get3A_294 = tpu.vector_load %arg12[%get3A_292, %get3A_293] {strides = array<i32>} : memref<1536x16xf32, #tpu.memory_space<vmem>>, vector<16xf32>,
          %add3A_295 = arith.constant 3 : i32
          %add3A_296 = arith.addi %mul3A_227, %add3A_295 : i32
          %get3A_297 = arith.index_cast %add3A_296 : i32 to index
          %get3A_298 = arith.constant 0 : index
          %get3A_299 = tpu.vector_load %arg11[%get3A_297, %get3A_298] {strides = array<i32>} : memref<1536x16xf32, #tpu.memory_space<vmem>>, vector<16xf32>,
          %add3A_300 = arith.addf %get3A_294, %get3A_299 : vector<16xf32>
          %max3A_301 = arith.maximumf %get3A_289, %add3A_300 : vector<16xf32>
          %swap3A_302 = arith.index_cast %squeeze3A_286 : i32 to index
          %swap3A_303 = arith.constant 0 : index
          %swap3A_304 = tpu.vector_load %arg13[%swap3A_302, %swap3A_303] {strides = array<i32>} : memref<3129x16xf32, #tpu.memory_space<vmem>>, vector<16xf32>,
          tpu.vector_store %arg13[%swap3A_302, %swap3A_303], %max3A_301 {strides = array<i32>} : memref<3129x16xf32, #tpu.memory_space<vmem>>, vector<16xf32>,
          %slice3A_305 = vector.extract_strided_slice %get3A_228 {offsets = [4], sizes = [1], strides = [1]} : vector<16xi32> to vector<1xi32>
          %squeeze3A_306 = vector.extract %slice3A_305[0] : i32 from vector<1xi32>
          %get3A_307 = arith.index_cast %squeeze3A_306 : i32 to index
          %get3A_308 = arith.constant 0 : index
          %get3A_309 = tpu.vector_load %arg13[%get3A_307, %get3A_308] {strides = array<i32>} : memref<3129x16xf32, #tpu.memory_space<vmem>>, vector<16xf32>,
          %add3A_310 = arith.constant 4 : i32
          %add3A_311 = arith.addi %mul3A_227, %add3A_310 : i32
          %get3A_312 = arith.index_cast %add3A_311 : i32 to index
          %get3A_313 = arith.constant 0 : index
          %get3A_314 = tpu.vector_load %arg12[%get3A_312, %get3A_313] {strides = array<i32>} : memref<1536x16xf32, #tpu.memory_space<vmem>>, vector<16xf32>,
          %add3A_315 = arith.constant 4 : i32
          %add3A_316 = arith.addi %mul3A_227, %add3A_315 : i32
          %get3A_317 = arith.index_cast %add3A_316 : i32 to index
          %get3A_318 = arith.constant 0 : index
          %get3A_319 = tpu.vector_load %arg11[%get3A_317, %get3A_318] {strides = array<i32>} : memref<1536x16xf32, #tpu.memory_space<vmem>>, vector<16xf32>,
          %add3A_320 = arith.addf %get3A_314, %get3A_319 : vector<16xf32>
          %max3A_321 = arith.maximumf %get3A_309, %add3A_320 : vector<16xf32>
          %swap3A_322 = arith.index_cast %squeeze3A_306 : i32 to index
          %swap3A_323 = arith.constant 0 : index
          %swap3A_324 = tpu.vector_load %arg13[%swap3A_322, %swap3A_323] {strides = array<i32>} : memref<3129x16xf32, #tpu.memory_space<vmem>>, vector<16xf32>,
          tpu.vector_store %arg13[%swap3A_322, %swap3A_323], %max3A_321 {strides = array<i32>} : memref<3129x16xf32, #tpu.memory_space<vmem>>, vector<16xf32>,
          %slice3A_325 = vector.extract_strided_slice %get3A_228 {offsets = [5], sizes = [1], strides = [1]} : vector<16xi32> to vector<1xi32>
          %squeeze3A_326 = vector.extract %slice3A_325[0] : i32 from vector<1xi32>
          %get3A_327 = arith.index_cast %squeeze3A_326 : i32 to index
          %get3A_328 = arith.constant 0 : index
          %get3A_329 = tpu.vector_load %arg13[%get3A_327, %get3A_328] {strides = array<i32>} : memref<3129x16xf32, #tpu.memory_space<vmem>>, vector<16xf32>,
          %add3A_330 = arith.constant 5 : i32
          %add3A_331 = arith.addi %mul3A_227, %add3A_330 : i32
          %get3A_332 = arith.index_cast %add3A_331 : i32 to index
          %get3A_333 = arith.constant 0 : index
          %get3A_334 = tpu.vector_load %arg12[%get3A_332, %get3A_333] {strides = array<i32>} : memref<1536x16xf32, #tpu.memory_space<vmem>>, vector<16xf32>,
          %add3A_335 = arith.constant 5 : i32
          %add3A_336 = arith.addi %mul3A_227, %add3A_335 : i32
          %get3A_337 = arith.index_cast %add3A_336 : i32 to index
          %get3A_338 = arith.constant 0 : index
          %get3A_339 = tpu.vector_load %arg11[%get3A_337, %get3A_338] {strides = array<i32>} : memref<1536x16xf32, #tpu.memory_space<vmem>>, vector<16xf32>,
          %add3A_340 = arith.addf %get3A_334, %get3A_339 : vector<16xf32>
          %max3A_341 = arith.maximumf %get3A_329, %add3A_340 : vector<16xf32>
          %swap3A_342 = arith.index_cast %squeeze3A_326 : i32 to index
          %swap3A_343 = arith.constant 0 : index
          %swap3A_344 = tpu.vector_load %arg13[%swap3A_342, %swap3A_343] {strides = array<i32>} : memref<3129x16xf32, #tpu.memory_space<vmem>>, vector<16xf32>,
          tpu.vector_store %arg13[%swap3A_342, %swap3A_343], %max3A_341 {strides = array<i32>} : memref<3129x16xf32, #tpu.memory_space<vmem>>, vector<16xf32>,
          %slice3A_345 = vector.extract_strided_slice %get3A_228 {offsets = [6], sizes = [1], strides = [1]} : vector<16xi32> to vector<1xi32>
          %squeeze3A_346 = vector.extract %slice3A_345[0] : i32 from vector<1xi32>
          %get3A_347 = arith.index_cast %squeeze3A_346 : i32 to index
          %get3A_348 = arith.constant 0 : index
          %get3A_349 = tpu.vector_load %arg13[%get3A_347, %get3A_348] {strides = array<i32>} : memref<3129x16xf32, #tpu.memory_space<vmem>>, vector<16xf32>,
          %add3A_350 = arith.constant 6 : i32
          %add3A_351 = arith.addi %mul3A_227, %add3A_350 : i32
          %get3A_352 = arith.index_cast %add3A_351 : i32 to index
          %get3A_353 = arith.constant 0 : index
          %get3A_354 = tpu.vector_load %arg12[%get3A_352, %get3A_353] {strides = array<i32>} : memref<1536x16xf32, #tpu.memory_space<vmem>>, vector<16xf32>,
          %add3A_355 = arith.constant 6 : i32
          %add3A_356 = arith.addi %mul3A_227, %add3A_355 : i32
          %get3A_357 = arith.index_cast %add3A_356 : i32 to index
          %get3A_358 = arith.constant 0 : index
          %get3A_359 = tpu.vector_load %arg11[%get3A_357, %get3A_358] {strides = array<i32>} : memref<1536x16xf32, #tpu.memory_space<vmem>>, vector<16xf32>,
          %add3A_360 = arith.addf %get3A_354, %get3A_359 : vector<16xf32>
          %max3A_361 = arith.maximumf %get3A_349, %add3A_360 : vector<16xf32>
          %swap3A_362 = arith.index_cast %squeeze3A_346 : i32 to index
          %swap3A_363 = arith.constant 0 : index
          %swap3A_364 = tpu.vector_load %arg13[%swap3A_362, %swap3A_363] {strides = array<i32>} : memref<3129x16xf32, #tpu.memory_space<vmem>>, vector<16xf32>,
          tpu.vector_store %arg13[%swap3A_362, %swap3A_363], %max3A_361 {strides = array<i32>} : memref<3129x16xf32, #tpu.memory_space<vmem>>, vector<16xf32>,
          %slice3A_365 = vector.extract_strided_slice %get3A_228 {offsets = [7], sizes = [1], strides = [1]} : vector<16xi32> to vector<1xi32>
          %squeeze3A_366 = vector.extract %slice3A_365[0] : i32 from vector<1xi32>
          %get3A_367 = arith.index_cast %squeeze3A_366 : i32 to index
          %get3A_368 = arith.constant 0 : index
          %get3A_369 = tpu.vector_load %arg13[%get3A_367, %get3A_368] {strides = array<i32>} : memref<3129x16xf32, #tpu.memory_space<vmem>>, vector<16xf32>,
          %add3A_370 = arith.constant 7 : i32
          %add3A_371 = arith.addi %mul3A_227, %add3A_370 : i32
          %get3A_372 = arith.index_cast %add3A_371 : i32 to index
          %get3A_373 = arith.constant 0 : index
          %get3A_374 = tpu.vector_load %arg12[%get3A_372, %get3A_373] {strides = array<i32>} : memref<1536x16xf32, #tpu.memory_space<vmem>>, vector<16xf32>,
          %add3A_375 = arith.constant 7 : i32
          %add3A_376 = arith.addi %mul3A_227, %add3A_375 : i32
          %get3A_377 = arith.index_cast %add3A_376 : i32 to index
          %get3A_378 = arith.constant 0 : index
          %get3A_379 = tpu.vector_load %arg11[%get3A_377, %get3A_378] {strides = array<i32>} : memref<1536x16xf32, #tpu.memory_space<vmem>>, vector<16xf32>,
          %add3A_380 = arith.addf %get3A_374, %get3A_379 : vector<16xf32>
          %max3A_381 = arith.maximumf %get3A_369, %add3A_380 : vector<16xf32>
          %swap3A_382 = arith.index_cast %squeeze3A_366 : i32 to index
          %swap3A_383 = arith.constant 0 : index
          %swap3A_384 = tpu.vector_load %arg13[%swap3A_382, %swap3A_383] {strides = array<i32>} : memref<3129x16xf32, #tpu.memory_space<vmem>>, vector<16xf32>,
          tpu.vector_store %arg13[%swap3A_382, %swap3A_383], %max3A_381 {strides = array<i32>} : memref<3129x16xf32, #tpu.memory_space<vmem>>, vector<16xf32>,
          %slice3A_385 = vector.extract_strided_slice %get3A_228 {offsets = [8], sizes = [1], strides = [1]} : vector<16xi32> to vector<1xi32>
          %squeeze3A_386 = vector.extract %slice3A_385[0] : i32 from vector<1xi32>
          %get3A_387 = arith.index_cast %squeeze3A_386 : i32 to index
          %get3A_388 = arith.constant 0 : index
          %get3A_389 = tpu.vector_load %arg13[%get3A_387, %get3A_388] {strides = array<i32>} : memref<3129x16xf32, #tpu.memory_space<vmem>>, vector<16xf32>,
          %add3A_390 = arith.constant 8 : i32
          %add3A_391 = arith.addi %mul3A_227, %add3A_390 : i32
          %get3A_392 = arith.index_cast %add3A_391 : i32 to index
          %get3A_393 = arith.constant 0 : index
          %get3A_394 = tpu.vector_load %arg12[%get3A_392, %get3A_393] {strides = array<i32>} : memref<1536x16xf32, #tpu.memory_space<vmem>>, vector<16xf32>,
          %add3A_395 = arith.constant 8 : i32
          %add3A_396 = arith.addi %mul3A_227, %add3A_395 : i32
          %get3A_397 = arith.index_cast %add3A_396 : i32 to index
          %get3A_398 = arith.constant 0 : index
          %get3A_399 = tpu.vector_load %arg11[%get3A_397, %get3A_398] {strides = array<i32>} : memref<1536x16xf32, #tpu.memory_space<vmem>>, vector<16xf32>,
          %add3A_400 = arith.addf %get3A_394, %get3A_399 : vector<16xf32>
          %max3A_401 = arith.maximumf %get3A_389, %add3A_400 : vector<16xf32>
          %swap3A_402 = arith.index_cast %squeeze3A_386 : i32 to index
          %swap3A_403 = arith.constant 0 : index
          %swap3A_404 = tpu.vector_load %arg13[%swap3A_402, %swap3A_403] {strides = array<i32>} : memref<3129x16xf32, #tpu.memory_space<vmem>>, vector<16xf32>,
          tpu.vector_store %arg13[%swap3A_402, %swap3A_403], %max3A_401 {strides = array<i32>} : memref<3129x16xf32, #tpu.memory_space<vmem>>, vector<16xf32>,
          %slice3A_405 = vector.extract_strided_slice %get3A_228 {offsets = [9], sizes = [1], strides = [1]} : vector<16xi32> to vector<1xi32>
          %squeeze3A_406 = vector.extract %slice3A_405[0] : i32 from vector<1xi32>
          %get3A_407 = arith.index_cast %squeeze3A_406 : i32 to index
          %get3A_408 = arith.constant 0 : index
          %get3A_409 = tpu.vector_load %arg13[%get3A_407, %get3A_408] {strides = array<i32>} : memref<3129x16xf32, #tpu.memory_space<vmem>>, vector<16xf32>,
          %add3A_410 = arith.constant 9 : i32
          %add3A_411 = arith.addi %mul3A_227, %add3A_410 : i32
          %get3A_412 = arith.index_cast %add3A_411 : i32 to index
          %get3A_413 = arith.constant 0 : index
          %get3A_414 = tpu.vector_load %arg12[%get3A_412, %get3A_413] {strides = array<i32>} : memref<1536x16xf32, #tpu.memory_space<vmem>>, vector<16xf32>,
          %add3A_415 = arith.constant 9 : i32
          %add3A_416 = arith.addi %mul3A_227, %add3A_415 : i32
          %get3A_417 = arith.index_cast %add3A_416 : i32 to index
          %get3A_418 = arith.constant 0 : index
          %get3A_419 = tpu.vector_load %arg11[%get3A_417, %get3A_418] {strides = array<i32>} : memref<1536x16xf32, #tpu.memory_space<vmem>>, vector<16xf32>,
          %add3A_420 = arith.addf %get3A_414, %get3A_419 : vector<16xf32>
          %max3A_421 = arith.maximumf %get3A_409, %add3A_420 : vector<16xf32>
          %swap3A_422 = arith.index_cast %squeeze3A_406 : i32 to index
          %swap3A_423 = arith.constant 0 : index
          %swap3A_424 = tpu.vector_load %arg13[%swap3A_422, %swap3A_423] {strides = array<i32>} : memref<3129x16xf32, #tpu.memory_space<vmem>>, vector<16xf32>,
          tpu.vector_store %arg13[%swap3A_422, %swap3A_423], %max3A_421 {strides = array<i32>} : memref<3129x16xf32, #tpu.memory_space<vmem>>, vector<16xf32>,
          %slice3A_425 = vector.extract_strided_slice %get3A_228 {offsets = [10], sizes = [1], strides = [1]} : vector<16xi32> to vector<1xi32>
          %squeeze3A_426 = vector.extract %slice3A_425[0] : i32 from vector<1xi32>
          %get3A_427 = arith.index_cast %squeeze3A_426 : i32 to index
          %get3A_428 = arith.constant 0 : index
          %get3A_429 = tpu.vector_load %arg13[%get3A_427, %get3A_428] {strides = array<i32>} : memref<3129x16xf32, #tpu.memory_space<vmem>>, vector<16xf32>,
          %add3A_430 = arith.constant 10 : i32
          %add3A_431 = arith.addi %mul3A_227, %add3A_430 : i32
          %get3A_432 = arith.index_cast %add3A_431 : i32 to index
          %get3A_433 = arith.constant 0 : index
          %get3A_434 = tpu.vector_load %arg12[%get3A_432, %get3A_433] {strides = array<i32>} : memref<1536x16xf32, #tpu.memory_space<vmem>>, vector<16xf32>,
          %add3A_435 = arith.constant 10 : i32
          %add3A_436 = arith.addi %mul3A_227, %add3A_435 : i32
          %get3A_437 = arith.index_cast %add3A_436 : i32 to index
          %get3A_438 = arith.constant 0 : index
          %get3A_439 = tpu.vector_load %arg11[%get3A_437, %get3A_438] {strides = array<i32>} : memref<1536x16xf32, #tpu.memory_space<vmem>>, vector<16xf32>,
          %add3A_440 = arith.addf %get3A_434, %get3A_439 : vector<16xf32>
          %max3A_441 = arith.maximumf %get3A_429, %add3A_440 : vector<16xf32>
          %swap3A_442 = arith.index_cast %squeeze3A_426 : i32 to index
          %swap3A_443 = arith.constant 0 : index
          %swap3A_444 = tpu.vector_load %arg13[%swap3A_442, %swap3A_443] {strides = array<i32>} : memref<3129x16xf32, #tpu.memory_space<vmem>>, vector<16xf32>,
          tpu.vector_store %arg13[%swap3A_442, %swap3A_443], %max3A_441 {strides = array<i32>} : memref<3129x16xf32, #tpu.memory_space<vmem>>, vector<16xf32>,
          %slice3A_445 = vector.extract_strided_slice %get3A_228 {offsets = [11], sizes = [1], strides = [1]} : vector<16xi32> to vector<1xi32>
          %squeeze3A_446 = vector.extract %slice3A_445[0] : i32 from vector<1xi32>
          %get3A_447 = arith.index_cast %squeeze3A_446 : i32 to index
          %get3A_448 = arith.constant 0 : index
          %get3A_449 = tpu.vector_load %arg13[%get3A_447, %get3A_448] {strides = array<i32>} : memref<3129x16xf32, #tpu.memory_space<vmem>>, vector<16xf32>,
          %add3A_450 = arith.constant 11 : i32
          %add3A_451 = arith.addi %mul3A_227, %add3A_450 : i32
          %get3A_452 = arith.index_cast %add3A_451 : i32 to index
          %get3A_453 = arith.constant 0 : index
          %get3A_454 = tpu.vector_load %arg12[%get3A_452, %get3A_453] {strides = array<i32>} : memref<1536x16xf32, #tpu.memory_space<vmem>>, vector<16xf32>,
          %add3A_455 = arith.constant 11 : i32
          %add3A_456 = arith.addi %mul3A_227, %add3A_455 : i32
          %get3A_457 = arith.index_cast %add3A_456 : i32 to index
          %get3A_458 = arith.constant 0 : index
          %get3A_459 = tpu.vector_load %arg11[%get3A_457, %get3A_458] {strides = array<i32>} : memref<1536x16xf32, #tpu.memory_space<vmem>>, vector<16xf32>,
          %add3A_460 = arith.addf %get3A_454, %get3A_459 : vector<16xf32>
          %max3A_461 = arith.maximumf %get3A_449, %add3A_460 : vector<16xf32>
          %swap3A_462 = arith.index_cast %squeeze3A_446 : i32 to index
          %swap3A_463 = arith.constant 0 : index
          %swap3A_464 = tpu.vector_load %arg13[%swap3A_462, %swap3A_463] {strides = array<i32>} : memref<3129x16xf32, #tpu.memory_space<vmem>>, vector<16xf32>,
          tpu.vector_store %arg13[%swap3A_462, %swap3A_463], %max3A_461 {strides = array<i32>} : memref<3129x16xf32, #tpu.memory_space<vmem>>, vector<16xf32>,
          %slice3A_465 = vector.extract_strided_slice %get3A_228 {offsets = [12], sizes = [1], strides = [1]} : vector<16xi32> to vector<1xi32>
          %squeeze3A_466 = vector.extract %slice3A_465[0] : i32 from vector<1xi32>
          %get3A_467 = arith.index_cast %squeeze3A_466 : i32 to index
          %get3A_468 = arith.constant 0 : index
          %get3A_469 = tpu.vector_load %arg13[%get3A_467, %get3A_468] {strides = array<i32>} : memref<3129x16xf32, #tpu.memory_space<vmem>>, vector<16xf32>,
          %add3A_470 = arith.constant 12 : i32
          %add3A_471 = arith.addi %mul3A_227, %add3A_470 : i32
          %get3A_472 = arith.index_cast %add3A_471 : i32 to index
          %get3A_473 = arith.constant 0 : index
          %get3A_474 = tpu.vector_load %arg12[%get3A_472, %get3A_473] {strides = array<i32>} : memref<1536x16xf32, #tpu.memory_space<vmem>>, vector<16xf32>,
          %add3A_475 = arith.constant 12 : i32
          %add3A_476 = arith.addi %mul3A_227, %add3A_475 : i32
          %get3A_477 = arith.index_cast %add3A_476 : i32 to index
          %get3A_478 = arith.constant 0 : index
          %get3A_479 = tpu.vector_load %arg11[%get3A_477, %get3A_478] {strides = array<i32>} : memref<1536x16xf32, #tpu.memory_space<vmem>>, vector<16xf32>,
          %add3A_480 = arith.addf %get3A_474, %get3A_479 : vector<16xf32>
          %max3A_481 = arith.maximumf %get3A_469, %add3A_480 : vector<16xf32>
          %swap3A_482 = arith.index_cast %squeeze3A_466 : i32 to index
          %swap3A_483 = arith.constant 0 : index
          %swap3A_484 = tpu.vector_load %arg13[%swap3A_482, %swap3A_483] {strides = array<i32>} : memref<3129x16xf32, #tpu.memory_space<vmem>>, vector<16xf32>,
          tpu.vector_store %arg13[%swap3A_482, %swap3A_483], %max3A_481 {strides = array<i32>} : memref<3129x16xf32, #tpu.memory_space<vmem>>, vector<16xf32>,
          %slice3A_485 = vector.extract_strided_slice %get3A_228 {offsets = [13], sizes = [1], strides = [1]} : vector<16xi32> to vector<1xi32>
          %squeeze3A_486 = vector.extract %slice3A_485[0] : i32 from vector<1xi32>
          %get3A_487 = arith.index_cast %squeeze3A_486 : i32 to index
          %get3A_488 = arith.constant 0 : index
          %get3A_489 = tpu.vector_load %arg13[%get3A_487, %get3A_488] {strides = array<i32>} : memref<3129x16xf32, #tpu.memory_space<vmem>>, vector<16xf32>,
          %add3A_490 = arith.constant 13 : i32
          %add3A_491 = arith.addi %mul3A_227, %add3A_490 : i32
          %get3A_492 = arith.index_cast %add3A_491 : i32 to index
          %get3A_493 = arith.constant 0 : index
          %get3A_494 = tpu.vector_load %arg12[%get3A_492, %get3A_493] {strides = array<i32>} : memref<1536x16xf32, #tpu.memory_space<vmem>>, vector<16xf32>,
          %add3A_495 = arith.constant 13 : i32
          %add3A_496 = arith.addi %mul3A_227, %add3A_495 : i32
          %get3A_497 = arith.index_cast %add3A_496 : i32 to index
          %get3A_498 = arith.constant 0 : index
          %get3A_499 = tpu.vector_load %arg11[%get3A_497, %get3A_498] {strides = array<i32>} : memref<1536x16xf32, #tpu.memory_space<vmem>>, vector<16xf32>,
          %add3A_500 = arith.addf %get3A_494, %get3A_499 : vector<16xf32>
          %max3A_501 = arith.maximumf %get3A_489, %add3A_500 : vector<16xf32>
          %swap3A_502 = arith.index_cast %squeeze3A_486 : i32 to index
          %swap3A_503 = arith.constant 0 : index
          %swap3A_504 = tpu.vector_load %arg13[%swap3A_502, %swap3A_503] {strides = array<i32>} : memref<3129x16xf32, #tpu.memory_space<vmem>>, vector<16xf32>,
          tpu.vector_store %arg13[%swap3A_502, %swap3A_503], %max3A_501 {strides = array<i32>} : memref<3129x16xf32, #tpu.memory_space<vmem>>, vector<16xf32>,
          %slice3A_505 = vector.extract_strided_slice %get3A_228 {offsets = [14], sizes = [1], strides = [1]} : vector<16xi32> to vector<1xi32>
          %squeeze3A_506 = vector.extract %slice3A_505[0] : i32 from vector<1xi32>
          %get3A_507 = arith.index_cast %squeeze3A_506 : i32 to index
          %get3A_508 = arith.constant 0 : index
          %get3A_509 = tpu.vector_load %arg13[%get3A_507, %get3A_508] {strides = array<i32>} : memref<3129x16xf32, #tpu.memory_space<vmem>>, vector<16xf32>,
          %add3A_510 = arith.constant 14 : i32
          %add3A_511 = arith.addi %mul3A_227, %add3A_510 : i32
          %get3A_512 = arith.index_cast %add3A_511 : i32 to index
          %get3A_513 = arith.constant 0 : index
          %get3A_514 = tpu.vector_load %arg12[%get3A_512, %get3A_513] {strides = array<i32>} : memref<1536x16xf32, #tpu.memory_space<vmem>>, vector<16xf32>,
          %add3A_515 = arith.constant 14 : i32
          %add3A_516 = arith.addi %mul3A_227, %add3A_515 : i32
          %get3A_517 = arith.index_cast %add3A_516 : i32 to index
          %get3A_518 = arith.constant 0 : index
          %get3A_519 = tpu.vector_load %arg11[%get3A_517, %get3A_518] {strides = array<i32>} : memref<1536x16xf32, #tpu.memory_space<vmem>>, vector<16xf32>,
          %add3A_520 = arith.addf %get3A_514, %get3A_519 : vector<16xf32>
          %max3A_521 = arith.maximumf %get3A_509, %add3A_520 : vector<16xf32>
          %swap3A_522 = arith.index_cast %squeeze3A_506 : i32 to index
          %swap3A_523 = arith.constant 0 : index
          %swap3A_524 = tpu.vector_load %arg13[%swap3A_522, %swap3A_523] {strides = array<i32>} : memref<3129x16xf32, #tpu.memory_space<vmem>>, vector<16xf32>,
          tpu.vector_store %arg13[%swap3A_522, %swap3A_523], %max3A_521 {strides = array<i32>} : memref<3129x16xf32, #tpu.memory_space<vmem>>, vector<16xf32>,
          %slice3A_525 = vector.extract_strided_slice %get3A_228 {offsets = [15], sizes = [1], strides = [1]} : vector<16xi32> to vector<1xi32>
          %squeeze3A_526 = vector.extract %slice3A_525[0] : i32 from vector<1xi32>
          %get3A_527 = arith.index_cast %squeeze3A_526 : i32 to index
          %get3A_528 = arith.constant 0 : index
          %get3A_529 = tpu.vector_load %arg13[%get3A_527, %get3A_528] {strides = array<i32>} : memref<3129x16xf32, #tpu.memory_space<vmem>>, vector<16xf32>,
          %add3A_530 = arith.constant 15 : i32
          %add3A_531 = arith.addi %mul3A_227, %add3A_530 : i32
          %get3A_532 = arith.index_cast %add3A_531 : i32 to index
          %get3A_533 = arith.constant 0 : index
          %get3A_534 = tpu.vector_load %arg12[%get3A_532, %get3A_533] {strides = array<i32>} : memref<1536x16xf32, #tpu.memory_space<vmem>>, vector<16xf32>,
          %add3A_535 = arith.constant 15 : i32
          %add3A_536 = arith.addi %mul3A_227, %add3A_535 : i32
          %get3A_537 = arith.index_cast %add3A_536 : i32 to index
          %get3A_538 = arith.constant 0 : index
          %get3A_539 = tpu.vector_load %arg11[%get3A_537, %get3A_538] {strides = array<i32>} : memref<1536x16xf32, #tpu.memory_space<vmem>>, vector<16xf32>,
          %add3A_540 = arith.addf %get3A_534, %get3A_539 : vector<16xf32>
          %max3A_541 = arith.maximumf %get3A_529, %add3A_540 : vector<16xf32>
          %swap3A_542 = arith.index_cast %squeeze3A_526 : i32 to index
          %swap3A_543 = arith.constant 0 : index
          %swap3A_544 = tpu.vector_load %arg13[%swap3A_542, %swap3A_543] {strides = array<i32>} : memref<3129x16xf32, #tpu.memory_space<vmem>>, vector<16xf32>,
          tpu.vector_store %arg13[%swap3A_542, %swap3A_543], %max3A_541 {strides = array<i32>} : memref<3129x16xf32, #tpu.memory_space<vmem>>, vector<16xf32>,
          %scan3A_545 = arith.constant 0 : i32
          scf.yield %scan3A_545 : i32
        }
        %scan3A_191 = arith.constant 96 : i32
        %sub3A = arith.constant 1536 : i32
        %sub3A_192 = arith.subi %while3A_164, %sub3A : i32
        %add3A_193 = arith.constant 15 : i32
        %add3A_194 = arith.addi %sub3A_192, %add3A_193 : i32
        %jit3A = arith.constant 16 : i32
        %div3A = arith.divsi %add3A_194, %jit3A : i32
        %sign3A = arith.constant 0 : i32
        %sign3A_195 = arith.cmpi sgt, %add3A_194, %sign3A : i32
        %sign3A_196 = arith.extui %sign3A_195 : i1 to i32
        %sign3A_197 = arith.constant 0 : i32
        %sign3A_198 = arith.cmpi slt, %add3A_194, %sign3A_197 : i32
        %sign3A_199 = arith.extui %sign3A_198 : i1 to i32
        %sign3A_200 = arith.subi %sign3A_196, %sign3A_199 : i32
        %sign3A_201 = arith.constant 0 : i32
        %sign3A_202 = arith.cmpi sgt, %jit3A, %sign3A_201 : i32
        %sign3A_203 = arith.extui %sign3A_202 : i1 to i32
        %sign3A_204 = arith.constant 0 : i32
        %sign3A_205 = arith.cmpi slt, %jit3A, %sign3A_204 : i32
        %sign3A_206 = arith.extui %sign3A_205 : i1 to i32
        %sign3A_207 = arith.subi %sign3A_203, %sign3A_206 : i32
        %ne3A = arith.cmpi ne, %sign3A_200, %sign3A_207 : i32
        %rem3A = arith.remsi %add3A_194, %jit3A : i32
        %ne3A_208 = arith.constant 0 : i32
        %ne3A_209 = arith.cmpi ne, %rem3A, %ne3A_208 : i32
        %and3A = arith.andi %ne3A, %ne3A_209 : i1
        %sub3A_210 = arith.constant 1 : i32
        %sub3A_211 = arith.subi %div3A, %sub3A_210 : i32
        %select_n3A = arith.select %and3A, %sub3A_211, %div3A : i32
        %while3A_212 = arith.constant 0 : i32
        %while3A_213 = arith.constant 0 : i32
        %while3A_214 = arith.subi %select_n3A, %while3A_212 : i32
        %while3A_215 = arith.addi %while3A_212, %while3A_214 : i32
        %while3A_216 = arith.constant 1 : i32
        %while3A_217 = arith.divsi %while3A_214, %while3A_216 : i32
        %while3A_218 = arith.muli %while3A_217, %while3A_216 : i32
        %while3A_219 = arith.addi %while3A_212, %while3A_218 : i32
        %while3A_220 = arith.constant 1 : i32
        %while3A_221 = scf.for %while3A_224 = %while3A_212 to %while3A_219 step %while3A_220 iter_args(%while3A_225 = %while3A_213) -> (i32)  : i32 {
          %mul3A_226 = arith.constant 16 : i32
          %mul3A_227 = arith.muli %while3A_224, %mul3A_226 : i32
          %add3A_228 = arith.constant 1536 : i32
          %add3A_229 = arith.addi %add3A_228, %mul3A_227 : i32
          %mul3A_230 = arith.constant 16 : i32
          %mul3A_231 = arith.muli %while3A_224, %mul3A_230 : i32
          %get3A = arith.index_cast %add3A_229 : i32 to index
          %get3A_232 = tpu.vector_load %arg8[%get3A] {strides = array<i32>} : memref<3568xi32, #tpu.memory_space<vmem>>, vector<16xi32>,
          %swap3A = arith.index_cast %mul3A_231 : i32 to index
          %swap3A_233 = tpu.vector_load %arg8[%swap3A] {strides = array<i32>} : memref<3568xi32, #tpu.memory_space<vmem>>, vector<16xi32>,
          tpu.vector_store %arg8[%swap3A], %get3A_232 {strides = array<i32>} : memref<3568xi32, #tpu.memory_space<vmem>>, vector<16xi32>,
          %get3A_234 = arith.index_cast %add3A_229 : i32 to index
          %get3A_235 = tpu.vector_load %arg9[%get3A_234] {strides = array<i32>} : memref<3568xi32, #tpu.memory_space<vmem>>, vector<16xi32>,
          %swap3A_236 = arith.index_cast %mul3A_231 : i32 to index
          %swap3A_237 = tpu.vector_load %arg9[%swap3A_236] {strides = array<i32>} : memref<3568xi32, #tpu.memory_space<vmem>>, vector<16xi32>,
          tpu.vector_store %arg9[%swap3A_236], %get3A_235 {strides = array<i32>} : memref<3568xi32, #tpu.memory_space<vmem>>, vector<16xi32>,
          %get3A_238 = arith.index_cast %add3A_229 : i32 to index
          %get3A_239 = tpu.vector_load %arg10[%get3A_238] {strides = array<i32>} : memref<3568xi32, #tpu.memory_space<vmem>>, vector<16xi32>,
          %swap3A_240 = arith.index_cast %mul3A_231 : i32 to index
          %swap3A_241 = tpu.vector_load %arg10[%swap3A_240] {strides = array<i32>} : memref<3568xi32, #tpu.memory_space<vmem>>, vector<16xi32>,
          tpu.vector_store %arg10[%swap3A_240], %get3A_239 {strides = array<i32>} : memref<3568xi32, #tpu.memory_space<vmem>>, vector<16xi32>,
          %while3A_242 = arith.constant 0 : i32
          scf.yield %while3A_242 : i32
        }
        %while3A_222 = arith.constant 1 : i32
        %while3A_223 = scf.for %while3A_224 = %while3A_219 to %while3A_215 step %while3A_222 iter_args(%while3A_225 = %while3A_221) -> (i32)  : i32 {
          %mul3A_226 = arith.constant 16 : i32
          %mul3A_227 = arith.muli %while3A_224, %mul3A_226 : i32
          %add3A_228 = arith.constant 1536 : i32
          %add3A_229 = arith.addi %add3A_228, %mul3A_227 : i32
          %mul3A_230 = arith.constant 16 : i32
          %mul3A_231 = arith.muli %while3A_224, %mul3A_230 : i32
          %get3A = arith.index_cast %add3A_229 : i32 to index
          %get3A_232 = tpu.vector_load %arg8[%get3A] {strides = array<i32>} : memref<3568xi32, #tpu.memory_space<vmem>>, vector<16xi32>,
          %swap3A = arith.index_cast %mul3A_231 : i32 to index
          %swap3A_233 = tpu.vector_load %arg8[%swap3A] {strides = array<i32>} : memref<3568xi32, #tpu.memory_space<vmem>>, vector<16xi32>,
          tpu.vector_store %arg8[%swap3A], %get3A_232 {strides = array<i32>} : memref<3568xi32, #tpu.memory_space<vmem>>, vector<16xi32>,
          %get3A_234 = arith.index_cast %add3A_229 : i32 to index
          %get3A_235 = tpu.vector_load %arg9[%get3A_234] {strides = array<i32>} : memref<3568xi32, #tpu.memory_space<vmem>>, vector<16xi32>,
          %swap3A_236 = arith.index_cast %mul3A_231 : i32 to index
          %swap3A_237 = tpu.vector_load %arg9[%swap3A_236] {strides = array<i32>} : memref<3568xi32, #tpu.memory_space<vmem>>, vector<16xi32>,
          tpu.vector_store %arg9[%swap3A_236], %get3A_235 {strides = array<i32>} : memref<3568xi32, #tpu.memory_space<vmem>>, vector<16xi32>,
          %get3A_238 = arith.index_cast %add3A_229 : i32 to index
          %get3A_239 = tpu.vector_load %arg10[%get3A_238] {strides = array<i32>} : memref<3568xi32, #tpu.memory_space<vmem>>, vector<16xi32>,
          %swap3A_240 = arith.index_cast %mul3A_231 : i32 to index
          %swap3A_241 = tpu.vector_load %arg10[%swap3A_240] {strides = array<i32>} : memref<3568xi32, #tpu.memory_space<vmem>>, vector<16xi32>,
          tpu.vector_store %arg10[%swap3A_240], %get3A_239 {strides = array<i32>} : memref<3568xi32, #tpu.memory_space<vmem>>, vector<16xi32>,
          %while3A_242 = arith.constant 0 : i32
          scf.yield %while3A_242 : i32
        }
        scf.yield %sub3A_192 : i32
      }
      scf.yield %while3A_163 : i32
    }
    %scan3A_42 = arith.constant 800 : i32
    %scan3A_43 = arith.constant 0 : i32
    %scan3A_44 = arith.constant 0 : i32
    %scan3A_45 = arith.constant 96 : i32
    %scan3A_46 = arith.addi %scan3A_44, %scan3A_45 : i32
    %scan3A_47 = arith.constant 1 : i32
    %scan3A_48 = scf.for %scan3A_76 = %scan3A_44 to %scan3A_46 step %scan3A_47 iter_args(%scan3A_77 = %scan3A_43) -> (i32)  : i32 {
      %mul3A_78 = arith.constant 16 : i32
      %mul3A_79 = arith.muli %scan3A_76, %mul3A_78 : i32
      %mul3A_80 = arith.constant 16 : i32
      %mul3A_81 = arith.muli %scan3A_76, %mul3A_80 : i32
      %iota3A = tpu.iota {dimensions = array<i32: 0>} : vector<16xi32>
      %add3A_82 = vector.broadcast %mul3A_81 : i32 to vector<16xi32>
      %add3A_83 = arith.addi %add3A_82, %iota3A : vector<16xi32>
      %ge3A = vector.broadcast %scan3A_41 : i32 to vector<16xi32>
      %ge3A_84 = arith.cmpi sge, %add3A_83, %ge3A : vector<16xi32>
      %get3A = arith.index_cast %mul3A_79 : i32 to index
      %get3A_85 = tpu.vector_load %arg10[%get3A] {strides = array<i32>} : memref<3568xi32, #tpu.memory_space<vmem>>, vector<16xi32>,
      %jit3A = arith.constant 3128 : i32
      %broadcast_in_dim3A = vector.broadcast %jit3A : i32 to vector<16xi32>
      %select_n3A = arith.select %ge3A_84, %broadcast_in_dim3A, %get3A_85 : vector<16xi1>, vector<16xi32>
      %swap3A = arith.index_cast %mul3A_79 : i32 to index
      %swap3A_86 = tpu.vector_load %arg10[%swap3A] {strides = array<i32>} : memref<3568xi32, #tpu.memory_space<vmem>>, vector<16xi32>,
      tpu.vector_store %arg10[%swap3A], %select_n3A {strides = array<i32>} : memref<3568xi32, #tpu.memory_space<vmem>>, vector<16xi32>,
      %get3A_87 = arith.index_cast %mul3A_79 : i32 to index
      %get3A_88 = tpu.vector_load %arg9[%get3A_87] {strides = array<i32>} : memref<3568xi32, #tpu.memory_space<vmem>>, vector<16xi32>,
      %jit3A_89 = arith.constant 0 : i32
      %broadcast_in_dim3A_90 = vector.broadcast %jit3A_89 : i32 to vector<16xi32>
      %select_n3A_91 = arith.select %ge3A_84, %broadcast_in_dim3A_90, %get3A_88 : vector<16xi1>, vector<16xi32>
      %swap3A_92 = arith.index_cast %mul3A_79 : i32 to index
      %swap3A_93 = tpu.vector_load %arg9[%swap3A_92] {strides = array<i32>} : memref<3568xi32, #tpu.memory_space<vmem>>, vector<16xi32>,
      tpu.vector_store %arg9[%swap3A_92], %select_n3A_91 {strides = array<i32>} : memref<3568xi32, #tpu.memory_space<vmem>>, vector<16xi32>,
      %get3A_94 = arith.index_cast %mul3A_79 : i32 to index
      %get3A_95 = tpu.vector_load %arg8[%get3A_94] {strides = array<i32>} : memref<3568xi32, #tpu.memory_space<vmem>>, vector<16xi32>,
      %jit3A_96 = arith.constant 0 : i32
      %broadcast_in_dim3A_97 = vector.broadcast %jit3A_96 : i32 to vector<16xi32>
      %select_n3A_98 = arith.select %ge3A_84, %broadcast_in_dim3A_97, %get3A_95 : vector<16xi1>, vector<16xi32>
      %swap3A_99 = arith.index_cast %mul3A_79 : i32 to index
      %swap3A_100 = tpu.vector_load %arg8[%swap3A_99] {strides = array<i32>} : memref<3568xi32, #tpu.memory_space<vmem>>, vector<16xi32>,
      tpu.vector_store %arg8[%swap3A_99], %select_n3A_98 {strides = array<i32>} : memref<3568xi32, #tpu.memory_space<vmem>>, vector<16xi32>,
      %scan3A_101 = arith.constant 0 : i32
      scf.yield %scan3A_101 : i32
    }
    %scan3A_49 = arith.constant 96 : i32
    %dma_start3A_50 = arith.constant 0 : i32
    %dma_start3A_51 = tpu.memref_slice %arg8[%dma_start3A_50] : memref<3568xi32, #tpu.memory_space<vmem>> -> memref<1536xi32, #tpu.memory_space<vmem>>
    %dma_start3A_52 = arith.constant 0 : i32
    %dma_start3A_53 = arith.constant 0 : i32
    %dma_start3A_54 = tpu.memref_slice %arg3[%dma_start3A_52, %dma_start3A_53] : memref<3200000x16xf32, #tpu.memory_space<hbm>> -> memref<3200000x16xf32, #tpu.memory_space<hbm>>
    tpu.enqueue_indirect_dma source(%dma_start3A_54 : memref<3200000x16xf32, #tpu.memory_space<hbm>>) target(%arg11 : memref<1536x16xf32, #tpu.memory_space<vmem>>) offsets(%dma_start3A_51 : memref<1536xi32, #tpu.memory_space<vmem>>) semaphore(%arg14 : memref<!tpu.dma_semaphore, #tpu.memory_space<semaphore_mem>>)
    %dma_start3A_55 = arith.constant 0 : i32
    %dma_start3A_56 = tpu.memref_slice %arg9[%dma_start3A_55] : memref<3568xi32, #tpu.memory_space<vmem>> -> memref<1536xi32, #tpu.memory_space<vmem>>
    %dma_start3A_57 = arith.constant 0 : i32
    %dma_start3A_58 = arith.constant 0 : i32
    %dma_start3A_59 = tpu.memref_slice %arg2[%dma_start3A_57, %dma_start3A_58] : memref<100096x16xf32, #tpu.memory_space<hbm>> -> memref<100096x16xf32, #tpu.memory_space<hbm>>
    tpu.enqueue_indirect_dma source(%dma_start3A_59 : memref<100096x16xf32, #tpu.memory_space<hbm>>) target(%arg12 : memref<1536x16xf32, #tpu.memory_space<vmem>>) offsets(%dma_start3A_56 : memref<1536xi32, #tpu.memory_space<vmem>>) semaphore(%arg15 : memref<!tpu.dma_semaphore, #tpu.memory_space<semaphore_mem>>)
    %dma_wait3A = arith.constant 0 : i32
    %dma_wait3A_60 = tpu.memref_slice %arg8[%dma_wait3A] : memref<3568xi32, #tpu.memory_space<vmem>> -> memref<1536xi32, #tpu.memory_space<vmem>>
    %dma_wait3A_61 = arith.constant 0 : i32
    %dma_wait3A_62 = arith.constant 0 : i32
    %dma_wait3A_63 = tpu.memref_slice %arg3[%dma_wait3A_61, %dma_wait3A_62] : memref<3200000x16xf32, #tpu.memory_space<hbm>> -> memref<3200000x16xf32, #tpu.memory_space<hbm>>
    tpu.wait_indirect_dma semaphore(%arg14 : memref<!tpu.dma_semaphore, #tpu.memory_space<semaphore_mem>>) src(%dma_wait3A_63 : memref<3200000x16xf32, #tpu.memory_space<hbm>>) dst(%arg11 : memref<1536x16xf32, #tpu.memory_space<vmem>>)
    %dma_wait3A_64 = arith.constant 0 : i32
    %dma_wait3A_65 = tpu.memref_slice %arg9[%dma_wait3A_64] : memref<3568xi32, #tpu.memory_space<vmem>> -> memref<1536xi32, #tpu.memory_space<vmem>>
    %dma_wait3A_66 = arith.constant 0 : i32
    %dma_wait3A_67 = arith.constant 0 : i32
    %dma_wait3A_68 = tpu.memref_slice %arg2[%dma_wait3A_66, %dma_wait3A_67] : memref<100096x16xf32, #tpu.memory_space<hbm>> -> memref<100096x16xf32, #tpu.memory_space<hbm>>
    tpu.wait_indirect_dma semaphore(%arg15 : memref<!tpu.dma_semaphore, #tpu.memory_space<semaphore_mem>>) src(%dma_wait3A_68 : memref<100096x16xf32, #tpu.memory_space<hbm>>) dst(%arg12 : memref<1536x16xf32, #tpu.memory_space<vmem>>)
    %scan3A_69 = arith.constant 0 : i32
    %scan3A_70 = arith.constant 0 : i32
    %scan3A_71 = arith.constant 96 : i32
    %scan3A_72 = arith.addi %scan3A_70, %scan3A_71 : i32
    %scan3A_73 = arith.constant 1 : i32
    %scan3A_74 = scf.for %scan3A_76 = %scan3A_70 to %scan3A_72 step %scan3A_73 iter_args(%scan3A_77 = %scan3A_69) -> (i32)  : i32 {
      %mul3A_78 = arith.constant 16 : i32
      %mul3A_79 = arith.muli %scan3A_76, %mul3A_78 : i32
      %get3A = arith.index_cast %mul3A_79 : i32 to index
      %get3A_80 = tpu.vector_load %arg10[%get3A] {strides = array<i32>} : memref<3568xi32, #tpu.memory_space<vmem>>, vector<16xi32>,
      %slice3A = vector.extract_strided_slice %get3A_80 {offsets = [0], sizes = [1], strides = [1]} : vector<16xi32> to vector<1xi32>
      %squeeze3A = vector.extract %slice3A[0] : i32 from vector<1xi32>
      %get3A_81 = arith.index_cast %squeeze3A : i32 to index
      %get3A_82 = arith.constant 0 : index
      %get3A_83 = tpu.vector_load %arg13[%get3A_81, %get3A_82] {strides = array<i32>} : memref<3129x16xf32, #tpu.memory_space<vmem>>, vector<16xf32>,
      %add3A_84 = arith.constant 0 : i32
      %add3A_85 = arith.addi %mul3A_79, %add3A_84 : i32
      %get3A_86 = arith.index_cast %add3A_85 : i32 to index
      %get3A_87 = arith.constant 0 : index
      %get3A_88 = tpu.vector_load %arg12[%get3A_86, %get3A_87] {strides = array<i32>} : memref<1536x16xf32, #tpu.memory_space<vmem>>, vector<16xf32>,
      %add3A_89 = arith.constant 0 : i32
      %add3A_90 = arith.addi %mul3A_79, %add3A_89 : i32
      %get3A_91 = arith.index_cast %add3A_90 : i32 to index
      %get3A_92 = arith.constant 0 : index
      %get3A_93 = tpu.vector_load %arg11[%get3A_91, %get3A_92] {strides = array<i32>} : memref<1536x16xf32, #tpu.memory_space<vmem>>, vector<16xf32>,
      %add3A_94 = arith.addf %get3A_88, %get3A_93 : vector<16xf32>
      %max3A = arith.maximumf %get3A_83, %add3A_94 : vector<16xf32>
      %swap3A = arith.index_cast %squeeze3A : i32 to index
      %swap3A_95 = arith.constant 0 : index
      %swap3A_96 = tpu.vector_load %arg13[%swap3A, %swap3A_95] {strides = array<i32>} : memref<3129x16xf32, #tpu.memory_space<vmem>>, vector<16xf32>,
      tpu.vector_store %arg13[%swap3A, %swap3A_95], %max3A {strides = array<i32>} : memref<3129x16xf32, #tpu.memory_space<vmem>>, vector<16xf32>,
      %slice3A_97 = vector.extract_strided_slice %get3A_80 {offsets = [1], sizes = [1], strides = [1]} : vector<16xi32> to vector<1xi32>
      %squeeze3A_98 = vector.extract %slice3A_97[0] : i32 from vector<1xi32>
      %get3A_99 = arith.index_cast %squeeze3A_98 : i32 to index
      %get3A_100 = arith.constant 0 : index
      %get3A_101 = tpu.vector_load %arg13[%get3A_99, %get3A_100] {strides = array<i32>} : memref<3129x16xf32, #tpu.memory_space<vmem>>, vector<16xf32>,
      %add3A_102 = arith.constant 1 : i32
      %add3A_103 = arith.addi %mul3A_79, %add3A_102 : i32
      %get3A_104 = arith.index_cast %add3A_103 : i32 to index
      %get3A_105 = arith.constant 0 : index
      %get3A_106 = tpu.vector_load %arg12[%get3A_104, %get3A_105] {strides = array<i32>} : memref<1536x16xf32, #tpu.memory_space<vmem>>, vector<16xf32>,
      %add3A_107 = arith.constant 1 : i32
      %add3A_108 = arith.addi %mul3A_79, %add3A_107 : i32
      %get3A_109 = arith.index_cast %add3A_108 : i32 to index
      %get3A_110 = arith.constant 0 : index
      %get3A_111 = tpu.vector_load %arg11[%get3A_109, %get3A_110] {strides = array<i32>} : memref<1536x16xf32, #tpu.memory_space<vmem>>, vector<16xf32>,
      %add3A_112 = arith.addf %get3A_106, %get3A_111 : vector<16xf32>
      %max3A_113 = arith.maximumf %get3A_101, %add3A_112 : vector<16xf32>
      %swap3A_114 = arith.index_cast %squeeze3A_98 : i32 to index
      %swap3A_115 = arith.constant 0 : index
      %swap3A_116 = tpu.vector_load %arg13[%swap3A_114, %swap3A_115] {strides = array<i32>} : memref<3129x16xf32, #tpu.memory_space<vmem>>, vector<16xf32>,
      tpu.vector_store %arg13[%swap3A_114, %swap3A_115], %max3A_113 {strides = array<i32>} : memref<3129x16xf32, #tpu.memory_space<vmem>>, vector<16xf32>,
      %slice3A_117 = vector.extract_strided_slice %get3A_80 {offsets = [2], sizes = [1], strides = [1]} : vector<16xi32> to vector<1xi32>
      %squeeze3A_118 = vector.extract %slice3A_117[0] : i32 from vector<1xi32>
      %get3A_119 = arith.index_cast %squeeze3A_118 : i32 to index
      %get3A_120 = arith.constant 0 : index
      %get3A_121 = tpu.vector_load %arg13[%get3A_119, %get3A_120] {strides = array<i32>} : memref<3129x16xf32, #tpu.memory_space<vmem>>, vector<16xf32>,
      %add3A_122 = arith.constant 2 : i32
      %add3A_123 = arith.addi %mul3A_79, %add3A_122 : i32
      %get3A_124 = arith.index_cast %add3A_123 : i32 to index
      %get3A_125 = arith.constant 0 : index
      %get3A_126 = tpu.vector_load %arg12[%get3A_124, %get3A_125] {strides = array<i32>} : memref<1536x16xf32, #tpu.memory_space<vmem>>, vector<16xf32>,
      %add3A_127 = arith.constant 2 : i32
      %add3A_128 = arith.addi %mul3A_79, %add3A_127 : i32
      %get3A_129 = arith.index_cast %add3A_128 : i32 to index
      %get3A_130 = arith.constant 0 : index
      %get3A_131 = tpu.vector_load %arg11[%get3A_129, %get3A_130] {strides = array<i32>} : memref<1536x16xf32, #tpu.memory_space<vmem>>, vector<16xf32>,
      %add3A_132 = arith.addf %get3A_126, %get3A_131 : vector<16xf32>
      %max3A_133 = arith.maximumf %get3A_121, %add3A_132 : vector<16xf32>
      %swap3A_134 = arith.index_cast %squeeze3A_118 : i32 to index
      %swap3A_135 = arith.constant 0 : index
      %swap3A_136 = tpu.vector_load %arg13[%swap3A_134, %swap3A_135] {strides = array<i32>} : memref<3129x16xf32, #tpu.memory_space<vmem>>, vector<16xf32>,
      tpu.vector_store %arg13[%swap3A_134, %swap3A_135], %max3A_133 {strides = array<i32>} : memref<3129x16xf32, #tpu.memory_space<vmem>>, vector<16xf32>,
      %slice3A_137 = vector.extract_strided_slice %get3A_80 {offsets = [3], sizes = [1], strides = [1]} : vector<16xi32> to vector<1xi32>
      %squeeze3A_138 = vector.extract %slice3A_137[0] : i32 from vector<1xi32>
      %get3A_139 = arith.index_cast %squeeze3A_138 : i32 to index
      %get3A_140 = arith.constant 0 : index
      %get3A_141 = tpu.vector_load %arg13[%get3A_139, %get3A_140] {strides = array<i32>} : memref<3129x16xf32, #tpu.memory_space<vmem>>, vector<16xf32>,
      %add3A_142 = arith.constant 3 : i32
      %add3A_143 = arith.addi %mul3A_79, %add3A_142 : i32
      %get3A_144 = arith.index_cast %add3A_143 : i32 to index
      %get3A_145 = arith.constant 0 : index
      %get3A_146 = tpu.vector_load %arg12[%get3A_144, %get3A_145] {strides = array<i32>} : memref<1536x16xf32, #tpu.memory_space<vmem>>, vector<16xf32>,
      %add3A_147 = arith.constant 3 : i32
      %add3A_148 = arith.addi %mul3A_79, %add3A_147 : i32
      %get3A_149 = arith.index_cast %add3A_148 : i32 to index
      %get3A_150 = arith.constant 0 : index
      %get3A_151 = tpu.vector_load %arg11[%get3A_149, %get3A_150] {strides = array<i32>} : memref<1536x16xf32, #tpu.memory_space<vmem>>, vector<16xf32>,
      %add3A_152 = arith.addf %get3A_146, %get3A_151 : vector<16xf32>
      %max3A_153 = arith.maximumf %get3A_141, %add3A_152 : vector<16xf32>
      %swap3A_154 = arith.index_cast %squeeze3A_138 : i32 to index
      %swap3A_155 = arith.constant 0 : index
      %swap3A_156 = tpu.vector_load %arg13[%swap3A_154, %swap3A_155] {strides = array<i32>} : memref<3129x16xf32, #tpu.memory_space<vmem>>, vector<16xf32>,
      tpu.vector_store %arg13[%swap3A_154, %swap3A_155], %max3A_153 {strides = array<i32>} : memref<3129x16xf32, #tpu.memory_space<vmem>>, vector<16xf32>,
      %slice3A_157 = vector.extract_strided_slice %get3A_80 {offsets = [4], sizes = [1], strides = [1]} : vector<16xi32> to vector<1xi32>
      %squeeze3A_158 = vector.extract %slice3A_157[0] : i32 from vector<1xi32>
      %get3A_159 = arith.index_cast %squeeze3A_158 : i32 to index
      %get3A_160 = arith.constant 0 : index
      %get3A_161 = tpu.vector_load %arg13[%get3A_159, %get3A_160] {strides = array<i32>} : memref<3129x16xf32, #tpu.memory_space<vmem>>, vector<16xf32>,
      %add3A_162 = arith.constant 4 : i32
      %add3A_163 = arith.addi %mul3A_79, %add3A_162 : i32
      %get3A_164 = arith.index_cast %add3A_163 : i32 to index
      %get3A_165 = arith.constant 0 : index
      %get3A_166 = tpu.vector_load %arg12[%get3A_164, %get3A_165] {strides = array<i32>} : memref<1536x16xf32, #tpu.memory_space<vmem>>, vector<16xf32>,
      %add3A_167 = arith.constant 4 : i32
      %add3A_168 = arith.addi %mul3A_79, %add3A_167 : i32
      %get3A_169 = arith.index_cast %add3A_168 : i32 to index
      %get3A_170 = arith.constant 0 : index
      %get3A_171 = tpu.vector_load %arg11[%get3A_169, %get3A_170] {strides = array<i32>} : memref<1536x16xf32, #tpu.memory_space<vmem>>, vector<16xf32>,
      %add3A_172 = arith.addf %get3A_166, %get3A_171 : vector<16xf32>
      %max3A_173 = arith.maximumf %get3A_161, %add3A_172 : vector<16xf32>
      %swap3A_174 = arith.index_cast %squeeze3A_158 : i32 to index
      %swap3A_175 = arith.constant 0 : index
      %swap3A_176 = tpu.vector_load %arg13[%swap3A_174, %swap3A_175] {strides = array<i32>} : memref<3129x16xf32, #tpu.memory_space<vmem>>, vector<16xf32>,
      tpu.vector_store %arg13[%swap3A_174, %swap3A_175], %max3A_173 {strides = array<i32>} : memref<3129x16xf32, #tpu.memory_space<vmem>>, vector<16xf32>,
      %slice3A_177 = vector.extract_strided_slice %get3A_80 {offsets = [5], sizes = [1], strides = [1]} : vector<16xi32> to vector<1xi32>
      %squeeze3A_178 = vector.extract %slice3A_177[0] : i32 from vector<1xi32>
      %get3A_179 = arith.index_cast %squeeze3A_178 : i32 to index
      %get3A_180 = arith.constant 0 : index
      %get3A_181 = tpu.vector_load %arg13[%get3A_179, %get3A_180] {strides = array<i32>} : memref<3129x16xf32, #tpu.memory_space<vmem>>, vector<16xf32>,
      %add3A_182 = arith.constant 5 : i32
      %add3A_183 = arith.addi %mul3A_79, %add3A_182 : i32
      %get3A_184 = arith.index_cast %add3A_183 : i32 to index
      %get3A_185 = arith.constant 0 : index
      %get3A_186 = tpu.vector_load %arg12[%get3A_184, %get3A_185] {strides = array<i32>} : memref<1536x16xf32, #tpu.memory_space<vmem>>, vector<16xf32>,
      %add3A_187 = arith.constant 5 : i32
      %add3A_188 = arith.addi %mul3A_79, %add3A_187 : i32
      %get3A_189 = arith.index_cast %add3A_188 : i32 to index
      %get3A_190 = arith.constant 0 : index
      %get3A_191 = tpu.vector_load %arg11[%get3A_189, %get3A_190] {strides = array<i32>} : memref<1536x16xf32, #tpu.memory_space<vmem>>, vector<16xf32>,
      %add3A_192 = arith.addf %get3A_186, %get3A_191 : vector<16xf32>
      %max3A_193 = arith.maximumf %get3A_181, %add3A_192 : vector<16xf32>
      %swap3A_194 = arith.index_cast %squeeze3A_178 : i32 to index
      %swap3A_195 = arith.constant 0 : index
      %swap3A_196 = tpu.vector_load %arg13[%swap3A_194, %swap3A_195] {strides = array<i32>} : memref<3129x16xf32, #tpu.memory_space<vmem>>, vector<16xf32>,
      tpu.vector_store %arg13[%swap3A_194, %swap3A_195], %max3A_193 {strides = array<i32>} : memref<3129x16xf32, #tpu.memory_space<vmem>>, vector<16xf32>,
      %slice3A_197 = vector.extract_strided_slice %get3A_80 {offsets = [6], sizes = [1], strides = [1]} : vector<16xi32> to vector<1xi32>
      %squeeze3A_198 = vector.extract %slice3A_197[0] : i32 from vector<1xi32>
      %get3A_199 = arith.index_cast %squeeze3A_198 : i32 to index
      %get3A_200 = arith.constant 0 : index
      %get3A_201 = tpu.vector_load %arg13[%get3A_199, %get3A_200] {strides = array<i32>} : memref<3129x16xf32, #tpu.memory_space<vmem>>, vector<16xf32>,
      %add3A_202 = arith.constant 6 : i32
      %add3A_203 = arith.addi %mul3A_79, %add3A_202 : i32
      %get3A_204 = arith.index_cast %add3A_203 : i32 to index
      %get3A_205 = arith.constant 0 : index
      %get3A_206 = tpu.vector_load %arg12[%get3A_204, %get3A_205] {strides = array<i32>} : memref<1536x16xf32, #tpu.memory_space<vmem>>, vector<16xf32>,
      %add3A_207 = arith.constant 6 : i32
      %add3A_208 = arith.addi %mul3A_79, %add3A_207 : i32
      %get3A_209 = arith.index_cast %add3A_208 : i32 to index
      %get3A_210 = arith.constant 0 : index
      %get3A_211 = tpu.vector_load %arg11[%get3A_209, %get3A_210] {strides = array<i32>} : memref<1536x16xf32, #tpu.memory_space<vmem>>, vector<16xf32>,
      %add3A_212 = arith.addf %get3A_206, %get3A_211 : vector<16xf32>
      %max3A_213 = arith.maximumf %get3A_201, %add3A_212 : vector<16xf32>
      %swap3A_214 = arith.index_cast %squeeze3A_198 : i32 to index
      %swap3A_215 = arith.constant 0 : index
      %swap3A_216 = tpu.vector_load %arg13[%swap3A_214, %swap3A_215] {strides = array<i32>} : memref<3129x16xf32, #tpu.memory_space<vmem>>, vector<16xf32>,
      tpu.vector_store %arg13[%swap3A_214, %swap3A_215], %max3A_213 {strides = array<i32>} : memref<3129x16xf32, #tpu.memory_space<vmem>>, vector<16xf32>,
      %slice3A_217 = vector.extract_strided_slice %get3A_80 {offsets = [7], sizes = [1], strides = [1]} : vector<16xi32> to vector<1xi32>
      %squeeze3A_218 = vector.extract %slice3A_217[0] : i32 from vector<1xi32>
      %get3A_219 = arith.index_cast %squeeze3A_218 : i32 to index
      %get3A_220 = arith.constant 0 : index
      %get3A_221 = tpu.vector_load %arg13[%get3A_219, %get3A_220] {strides = array<i32>} : memref<3129x16xf32, #tpu.memory_space<vmem>>, vector<16xf32>,
      %add3A_222 = arith.constant 7 : i32
      %add3A_223 = arith.addi %mul3A_79, %add3A_222 : i32
      %get3A_224 = arith.index_cast %add3A_223 : i32 to index
      %get3A_225 = arith.constant 0 : index
      %get3A_226 = tpu.vector_load %arg12[%get3A_224, %get3A_225] {strides = array<i32>} : memref<1536x16xf32, #tpu.memory_space<vmem>>, vector<16xf32>,
      %add3A_227 = arith.constant 7 : i32
      %add3A_228 = arith.addi %mul3A_79, %add3A_227 : i32
      %get3A_229 = arith.index_cast %add3A_228 : i32 to index
      %get3A_230 = arith.constant 0 : index
      %get3A_231 = tpu.vector_load %arg11[%get3A_229, %get3A_230] {strides = array<i32>} : memref<1536x16xf32, #tpu.memory_space<vmem>>, vector<16xf32>,
      %add3A_232 = arith.addf %get3A_226, %get3A_231 : vector<16xf32>
      %max3A_233 = arith.maximumf %get3A_221, %add3A_232 : vector<16xf32>
      %swap3A_234 = arith.index_cast %squeeze3A_218 : i32 to index
      %swap3A_235 = arith.constant 0 : index
      %swap3A_236 = tpu.vector_load %arg13[%swap3A_234, %swap3A_235] {strides = array<i32>} : memref<3129x16xf32, #tpu.memory_space<vmem>>, vector<16xf32>,
      tpu.vector_store %arg13[%swap3A_234, %swap3A_235], %max3A_233 {strides = array<i32>} : memref<3129x16xf32, #tpu.memory_space<vmem>>, vector<16xf32>,
      %slice3A_237 = vector.extract_strided_slice %get3A_80 {offsets = [8], sizes = [1], strides = [1]} : vector<16xi32> to vector<1xi32>
      %squeeze3A_238 = vector.extract %slice3A_237[0] : i32 from vector<1xi32>
      %get3A_239 = arith.index_cast %squeeze3A_238 : i32 to index
      %get3A_240 = arith.constant 0 : index
      %get3A_241 = tpu.vector_load %arg13[%get3A_239, %get3A_240] {strides = array<i32>} : memref<3129x16xf32, #tpu.memory_space<vmem>>, vector<16xf32>,
      %add3A_242 = arith.constant 8 : i32
      %add3A_243 = arith.addi %mul3A_79, %add3A_242 : i32
      %get3A_244 = arith.index_cast %add3A_243 : i32 to index
      %get3A_245 = arith.constant 0 : index
      %get3A_246 = tpu.vector_load %arg12[%get3A_244, %get3A_245] {strides = array<i32>} : memref<1536x16xf32, #tpu.memory_space<vmem>>, vector<16xf32>,
      %add3A_247 = arith.constant 8 : i32
      %add3A_248 = arith.addi %mul3A_79, %add3A_247 : i32
      %get3A_249 = arith.index_cast %add3A_248 : i32 to index
      %get3A_250 = arith.constant 0 : index
      %get3A_251 = tpu.vector_load %arg11[%get3A_249, %get3A_250] {strides = array<i32>} : memref<1536x16xf32, #tpu.memory_space<vmem>>, vector<16xf32>,
      %add3A_252 = arith.addf %get3A_246, %get3A_251 : vector<16xf32>
      %max3A_253 = arith.maximumf %get3A_241, %add3A_252 : vector<16xf32>
      %swap3A_254 = arith.index_cast %squeeze3A_238 : i32 to index
      %swap3A_255 = arith.constant 0 : index
      %swap3A_256 = tpu.vector_load %arg13[%swap3A_254, %swap3A_255] {strides = array<i32>} : memref<3129x16xf32, #tpu.memory_space<vmem>>, vector<16xf32>,
      tpu.vector_store %arg13[%swap3A_254, %swap3A_255], %max3A_253 {strides = array<i32>} : memref<3129x16xf32, #tpu.memory_space<vmem>>, vector<16xf32>,
      %slice3A_257 = vector.extract_strided_slice %get3A_80 {offsets = [9], sizes = [1], strides = [1]} : vector<16xi32> to vector<1xi32>
      %squeeze3A_258 = vector.extract %slice3A_257[0] : i32 from vector<1xi32>
      %get3A_259 = arith.index_cast %squeeze3A_258 : i32 to index
      %get3A_260 = arith.constant 0 : index
      %get3A_261 = tpu.vector_load %arg13[%get3A_259, %get3A_260] {strides = array<i32>} : memref<3129x16xf32, #tpu.memory_space<vmem>>, vector<16xf32>,
      %add3A_262 = arith.constant 9 : i32
      %add3A_263 = arith.addi %mul3A_79, %add3A_262 : i32
      %get3A_264 = arith.index_cast %add3A_263 : i32 to index
      %get3A_265 = arith.constant 0 : index
      %get3A_266 = tpu.vector_load %arg12[%get3A_264, %get3A_265] {strides = array<i32>} : memref<1536x16xf32, #tpu.memory_space<vmem>>, vector<16xf32>,
      %add3A_267 = arith.constant 9 : i32
      %add3A_268 = arith.addi %mul3A_79, %add3A_267 : i32
      %get3A_269 = arith.index_cast %add3A_268 : i32 to index
      %get3A_270 = arith.constant 0 : index
      %get3A_271 = tpu.vector_load %arg11[%get3A_269, %get3A_270] {strides = array<i32>} : memref<1536x16xf32, #tpu.memory_space<vmem>>, vector<16xf32>,
      %add3A_272 = arith.addf %get3A_266, %get3A_271 : vector<16xf32>
      %max3A_273 = arith.maximumf %get3A_261, %add3A_272 : vector<16xf32>
      %swap3A_274 = arith.index_cast %squeeze3A_258 : i32 to index
      %swap3A_275 = arith.constant 0 : index
      %swap3A_276 = tpu.vector_load %arg13[%swap3A_274, %swap3A_275] {strides = array<i32>} : memref<3129x16xf32, #tpu.memory_space<vmem>>, vector<16xf32>,
      tpu.vector_store %arg13[%swap3A_274, %swap3A_275], %max3A_273 {strides = array<i32>} : memref<3129x16xf32, #tpu.memory_space<vmem>>, vector<16xf32>,
      %slice3A_277 = vector.extract_strided_slice %get3A_80 {offsets = [10], sizes = [1], strides = [1]} : vector<16xi32> to vector<1xi32>
      %squeeze3A_278 = vector.extract %slice3A_277[0] : i32 from vector<1xi32>
      %get3A_279 = arith.index_cast %squeeze3A_278 : i32 to index
      %get3A_280 = arith.constant 0 : index
      %get3A_281 = tpu.vector_load %arg13[%get3A_279, %get3A_280] {strides = array<i32>} : memref<3129x16xf32, #tpu.memory_space<vmem>>, vector<16xf32>,
      %add3A_282 = arith.constant 10 : i32
      %add3A_283 = arith.addi %mul3A_79, %add3A_282 : i32
      %get3A_284 = arith.index_cast %add3A_283 : i32 to index
      %get3A_285 = arith.constant 0 : index
      %get3A_286 = tpu.vector_load %arg12[%get3A_284, %get3A_285] {strides = array<i32>} : memref<1536x16xf32, #tpu.memory_space<vmem>>, vector<16xf32>,
      %add3A_287 = arith.constant 10 : i32
      %add3A_288 = arith.addi %mul3A_79, %add3A_287 : i32
      %get3A_289 = arith.index_cast %add3A_288 : i32 to index
      %get3A_290 = arith.constant 0 : index
      %get3A_291 = tpu.vector_load %arg11[%get3A_289, %get3A_290] {strides = array<i32>} : memref<1536x16xf32, #tpu.memory_space<vmem>>, vector<16xf32>,
      %add3A_292 = arith.addf %get3A_286, %get3A_291 : vector<16xf32>
      %max3A_293 = arith.maximumf %get3A_281, %add3A_292 : vector<16xf32>
      %swap3A_294 = arith.index_cast %squeeze3A_278 : i32 to index
      %swap3A_295 = arith.constant 0 : index
      %swap3A_296 = tpu.vector_load %arg13[%swap3A_294, %swap3A_295] {strides = array<i32>} : memref<3129x16xf32, #tpu.memory_space<vmem>>, vector<16xf32>,
      tpu.vector_store %arg13[%swap3A_294, %swap3A_295], %max3A_293 {strides = array<i32>} : memref<3129x16xf32, #tpu.memory_space<vmem>>, vector<16xf32>,
      %slice3A_297 = vector.extract_strided_slice %get3A_80 {offsets = [11], sizes = [1], strides = [1]} : vector<16xi32> to vector<1xi32>
      %squeeze3A_298 = vector.extract %slice3A_297[0] : i32 from vector<1xi32>
      %get3A_299 = arith.index_cast %squeeze3A_298 : i32 to index
      %get3A_300 = arith.constant 0 : index
      %get3A_301 = tpu.vector_load %arg13[%get3A_299, %get3A_300] {strides = array<i32>} : memref<3129x16xf32, #tpu.memory_space<vmem>>, vector<16xf32>,
      %add3A_302 = arith.constant 11 : i32
      %add3A_303 = arith.addi %mul3A_79, %add3A_302 : i32
      %get3A_304 = arith.index_cast %add3A_303 : i32 to index
      %get3A_305 = arith.constant 0 : index
      %get3A_306 = tpu.vector_load %arg12[%get3A_304, %get3A_305] {strides = array<i32>} : memref<1536x16xf32, #tpu.memory_space<vmem>>, vector<16xf32>,
      %add3A_307 = arith.constant 11 : i32
      %add3A_308 = arith.addi %mul3A_79, %add3A_307 : i32
      %get3A_309 = arith.index_cast %add3A_308 : i32 to index
      %get3A_310 = arith.constant 0 : index
      %get3A_311 = tpu.vector_load %arg11[%get3A_309, %get3A_310] {strides = array<i32>} : memref<1536x16xf32, #tpu.memory_space<vmem>>, vector<16xf32>,
      %add3A_312 = arith.addf %get3A_306, %get3A_311 : vector<16xf32>
      %max3A_313 = arith.maximumf %get3A_301, %add3A_312 : vector<16xf32>
      %swap3A_314 = arith.index_cast %squeeze3A_298 : i32 to index
      %swap3A_315 = arith.constant 0 : index
      %swap3A_316 = tpu.vector_load %arg13[%swap3A_314, %swap3A_315] {strides = array<i32>} : memref<3129x16xf32, #tpu.memory_space<vmem>>, vector<16xf32>,
      tpu.vector_store %arg13[%swap3A_314, %swap3A_315], %max3A_313 {strides = array<i32>} : memref<3129x16xf32, #tpu.memory_space<vmem>>, vector<16xf32>,
      %slice3A_317 = vector.extract_strided_slice %get3A_80 {offsets = [12], sizes = [1], strides = [1]} : vector<16xi32> to vector<1xi32>
      %squeeze3A_318 = vector.extract %slice3A_317[0] : i32 from vector<1xi32>
      %get3A_319 = arith.index_cast %squeeze3A_318 : i32 to index
      %get3A_320 = arith.constant 0 : index
      %get3A_321 = tpu.vector_load %arg13[%get3A_319, %get3A_320] {strides = array<i32>} : memref<3129x16xf32, #tpu.memory_space<vmem>>, vector<16xf32>,
      %add3A_322 = arith.constant 12 : i32
      %add3A_323 = arith.addi %mul3A_79, %add3A_322 : i32
      %get3A_324 = arith.index_cast %add3A_323 : i32 to index
      %get3A_325 = arith.constant 0 : index
      %get3A_326 = tpu.vector_load %arg12[%get3A_324, %get3A_325] {strides = array<i32>} : memref<1536x16xf32, #tpu.memory_space<vmem>>, vector<16xf32>,
      %add3A_327 = arith.constant 12 : i32
      %add3A_328 = arith.addi %mul3A_79, %add3A_327 : i32
      %get3A_329 = arith.index_cast %add3A_328 : i32 to index
      %get3A_330 = arith.constant 0 : index
      %get3A_331 = tpu.vector_load %arg11[%get3A_329, %get3A_330] {strides = array<i32>} : memref<1536x16xf32, #tpu.memory_space<vmem>>, vector<16xf32>,
      %add3A_332 = arith.addf %get3A_326, %get3A_331 : vector<16xf32>
      %max3A_333 = arith.maximumf %get3A_321, %add3A_332 : vector<16xf32>
      %swap3A_334 = arith.index_cast %squeeze3A_318 : i32 to index
      %swap3A_335 = arith.constant 0 : index
      %swap3A_336 = tpu.vector_load %arg13[%swap3A_334, %swap3A_335] {strides = array<i32>} : memref<3129x16xf32, #tpu.memory_space<vmem>>, vector<16xf32>,
      tpu.vector_store %arg13[%swap3A_334, %swap3A_335], %max3A_333 {strides = array<i32>} : memref<3129x16xf32, #tpu.memory_space<vmem>>, vector<16xf32>,
      %slice3A_337 = vector.extract_strided_slice %get3A_80 {offsets = [13], sizes = [1], strides = [1]} : vector<16xi32> to vector<1xi32>
      %squeeze3A_338 = vector.extract %slice3A_337[0] : i32 from vector<1xi32>
      %get3A_339 = arith.index_cast %squeeze3A_338 : i32 to index
      %get3A_340 = arith.constant 0 : index
      %get3A_341 = tpu.vector_load %arg13[%get3A_339, %get3A_340] {strides = array<i32>} : memref<3129x16xf32, #tpu.memory_space<vmem>>, vector<16xf32>,
      %add3A_342 = arith.constant 13 : i32
      %add3A_343 = arith.addi %mul3A_79, %add3A_342 : i32
      %get3A_344 = arith.index_cast %add3A_343 : i32 to index
      %get3A_345 = arith.constant 0 : index
      %get3A_346 = tpu.vector_load %arg12[%get3A_344, %get3A_345] {strides = array<i32>} : memref<1536x16xf32, #tpu.memory_space<vmem>>, vector<16xf32>,
      %add3A_347 = arith.constant 13 : i32
      %add3A_348 = arith.addi %mul3A_79, %add3A_347 : i32
      %get3A_349 = arith.index_cast %add3A_348 : i32 to index
      %get3A_350 = arith.constant 0 : index
      %get3A_351 = tpu.vector_load %arg11[%get3A_349, %get3A_350] {strides = array<i32>} : memref<1536x16xf32, #tpu.memory_space<vmem>>, vector<16xf32>,
      %add3A_352 = arith.addf %get3A_346, %get3A_351 : vector<16xf32>
      %max3A_353 = arith.maximumf %get3A_341, %add3A_352 : vector<16xf32>
      %swap3A_354 = arith.index_cast %squeeze3A_338 : i32 to index
      %swap3A_355 = arith.constant 0 : index
      %swap3A_356 = tpu.vector_load %arg13[%swap3A_354, %swap3A_355] {strides = array<i32>} : memref<3129x16xf32, #tpu.memory_space<vmem>>, vector<16xf32>,
      tpu.vector_store %arg13[%swap3A_354, %swap3A_355], %max3A_353 {strides = array<i32>} : memref<3129x16xf32, #tpu.memory_space<vmem>>, vector<16xf32>,
      %slice3A_357 = vector.extract_strided_slice %get3A_80 {offsets = [14], sizes = [1], strides = [1]} : vector<16xi32> to vector<1xi32>
      %squeeze3A_358 = vector.extract %slice3A_357[0] : i32 from vector<1xi32>
      %get3A_359 = arith.index_cast %squeeze3A_358 : i32 to index
      %get3A_360 = arith.constant 0 : index
      %get3A_361 = tpu.vector_load %arg13[%get3A_359, %get3A_360] {strides = array<i32>} : memref<3129x16xf32, #tpu.memory_space<vmem>>, vector<16xf32>,
      %add3A_362 = arith.constant 14 : i32
      %add3A_363 = arith.addi %mul3A_79, %add3A_362 : i32
      %get3A_364 = arith.index_cast %add3A_363 : i32 to index
      %get3A_365 = arith.constant 0 : index
      %get3A_366 = tpu.vector_load %arg12[%get3A_364, %get3A_365] {strides = array<i32>} : memref<1536x16xf32, #tpu.memory_space<vmem>>, vector<16xf32>,
      %add3A_367 = arith.constant 14 : i32
      %add3A_368 = arith.addi %mul3A_79, %add3A_367 : i32
      %get3A_369 = arith.index_cast %add3A_368 : i32 to index
      %get3A_370 = arith.constant 0 : index
      %get3A_371 = tpu.vector_load %arg11[%get3A_369, %get3A_370] {strides = array<i32>} : memref<1536x16xf32, #tpu.memory_space<vmem>>, vector<16xf32>,
      %add3A_372 = arith.addf %get3A_366, %get3A_371 : vector<16xf32>
      %max3A_373 = arith.maximumf %get3A_361, %add3A_372 : vector<16xf32>
      %swap3A_374 = arith.index_cast %squeeze3A_358 : i32 to index
      %swap3A_375 = arith.constant 0 : index
      %swap3A_376 = tpu.vector_load %arg13[%swap3A_374, %swap3A_375] {strides = array<i32>} : memref<3129x16xf32, #tpu.memory_space<vmem>>, vector<16xf32>,
      tpu.vector_store %arg13[%swap3A_374, %swap3A_375], %max3A_373 {strides = array<i32>} : memref<3129x16xf32, #tpu.memory_space<vmem>>, vector<16xf32>,
      %slice3A_377 = vector.extract_strided_slice %get3A_80 {offsets = [15], sizes = [1], strides = [1]} : vector<16xi32> to vector<1xi32>
      %squeeze3A_378 = vector.extract %slice3A_377[0] : i32 from vector<1xi32>
      %get3A_379 = arith.index_cast %squeeze3A_378 : i32 to index
      %get3A_380 = arith.constant 0 : index
      %get3A_381 = tpu.vector_load %arg13[%get3A_379, %get3A_380] {strides = array<i32>} : memref<3129x16xf32, #tpu.memory_space<vmem>>, vector<16xf32>,
      %add3A_382 = arith.constant 15 : i32
      %add3A_383 = arith.addi %mul3A_79, %add3A_382 : i32
      %get3A_384 = arith.index_cast %add3A_383 : i32 to index
      %get3A_385 = arith.constant 0 : index
      %get3A_386 = tpu.vector_load %arg12[%get3A_384, %get3A_385] {strides = array<i32>} : memref<1536x16xf32, #tpu.memory_space<vmem>>, vector<16xf32>,
      %add3A_387 = arith.constant 15 : i32
      %add3A_388 = arith.addi %mul3A_79, %add3A_387 : i32
      %get3A_389 = arith.index_cast %add3A_388 : i32 to index
      %get3A_390 = arith.constant 0 : index
      %get3A_391 = tpu.vector_load %arg11[%get3A_389, %get3A_390] {strides = array<i32>} : memref<1536x16xf32, #tpu.memory_space<vmem>>, vector<16xf32>,
      %add3A_392 = arith.addf %get3A_386, %get3A_391 : vector<16xf32>
      %max3A_393 = arith.maximumf %get3A_381, %add3A_392 : vector<16xf32>
      %swap3A_394 = arith.index_cast %squeeze3A_378 : i32 to index
      %swap3A_395 = arith.constant 0 : index
      %swap3A_396 = tpu.vector_load %arg13[%swap3A_394, %swap3A_395] {strides = array<i32>} : memref<3129x16xf32, #tpu.memory_space<vmem>>, vector<16xf32>,
      tpu.vector_store %arg13[%swap3A_394, %swap3A_395], %max3A_393 {strides = array<i32>} : memref<3129x16xf32, #tpu.memory_space<vmem>>, vector<16xf32>,
      %scan3A_397 = arith.constant 0 : i32
      scf.yield %scan3A_397 : i32
    }
    %scan3A_75 = arith.constant 96 : i32
    "tpu.region"() ({
      %run_scoped3A = tpu.sem_alloc : memref<!tpu.dma_semaphore, #tpu.memory_space<semaphore_mem>>
      %dma_start3A_76 = arith.constant 0 : i32
      %dma_start3A_77 = arith.constant 0 : i32
      %dma_start3A_78 = tpu.memref_slice %arg13[%dma_start3A_76, %dma_start3A_77] : memref<3129x16xf32, #tpu.memory_space<vmem>> -> memref<3128x16xf32, #tpu.memory_space<vmem>>
      %dma_start3A_79 = arith.constant 0 : i32
      %dma_start3A_80 = tpu.memref_slice %arg5[%mul3A_2, %dma_start3A_79] : memref<100096x16xf32, #tpu.memory_space<hbm>> -> memref<3128x16xf32, #tpu.memory_space<hbm>>
      %dma_start3A_81 = arith.constant 0 : i32
      %dma_start3A_82 = tpu.memref_slice %arg5[%mul3A_2, %dma_start3A_81] : memref<100096x16xf32, #tpu.memory_space<hbm>> -> memref<3128x16xf32, #tpu.memory_space<hbm>>
      %dma_start3A_83 = arith.constant 0 : i32
      %dma_start3A_84 = arith.constant 0 : i32
      %dma_start3A_85 = tpu.memref_slice %arg13[%dma_start3A_83, %dma_start3A_84] : memref<3129x16xf32, #tpu.memory_space<vmem>> -> memref<3128x16xf32, #tpu.memory_space<vmem>>
      tpu.enqueue_dma source(%dma_start3A_85 : memref<3128x16xf32, #tpu.memory_space<vmem>>) target(%dma_start3A_82 : memref<3128x16xf32, #tpu.memory_space<hbm>>) target_semaphore(%run_scoped3A : memref<!tpu.dma_semaphore, #tpu.memory_space<semaphore_mem>>)
      %dma_wait3A_86 = arith.constant 0 : i32
      %dma_wait3A_87 = arith.constant 0 : i32
      %dma_wait3A_88 = tpu.memref_slice %arg13[%dma_wait3A_86, %dma_wait3A_87] : memref<3129x16xf32, #tpu.memory_space<vmem>> -> memref<3128x16xf32, #tpu.memory_space<vmem>>
      %dma_wait3A_89 = arith.constant 0 : i32
      %dma_wait3A_90 = tpu.memref_slice %arg5[%mul3A_2, %dma_wait3A_89] : memref<100096x16xf32, #tpu.memory_space<hbm>> -> memref<3128x16xf32, #tpu.memory_space<hbm>>
      %dma_wait3A_91 = arith.constant 0 : i32
      %dma_wait3A_92 = tpu.memref_slice %arg5[%mul3A_2, %dma_wait3A_91] : memref<100096x16xf32, #tpu.memory_space<hbm>> -> memref<3128x16xf32, #tpu.memory_space<hbm>>
      %dma_wait3A_93 = arith.constant 0 : i32
      %dma_wait3A_94 = arith.constant 0 : i32
      %dma_wait3A_95 = tpu.memref_slice %arg13[%dma_wait3A_93, %dma_wait3A_94] : memref<3129x16xf32, #tpu.memory_space<vmem>> -> memref<3128x16xf32, #tpu.memory_space<vmem>>
      tpu.wait_dma2 semaphore(%run_scoped3A : memref<!tpu.dma_semaphore, #tpu.memory_space<semaphore_mem>>) src(%dma_wait3A_95 : memref<3128x16xf32, #tpu.memory_space<vmem>>) dst(%dma_wait3A_92 : memref<3128x16xf32, #tpu.memory_space<hbm>>)
      tpu.yield
    }) : () -> ()
    return
  }
}

module attributes {stable_mosaic.version = 14 : i64} {
  func.func @_e_body(%arg0: i32, %arg1: memref<4000x128xf32, #tpu.memory_space<vmem>>, %arg2: memref<128x256xf32, #tpu.memory_space<vmem>>, %arg3: memref<1x256xf32, #tpu.memory_space<vmem>>, %arg4: memref<256x256xf32, #tpu.memory_space<vmem>>, %arg5: memref<1x256xf32, #tpu.memory_space<vmem>>, %arg6: memref<256x256xf32, #tpu.memory_space<vmem>>, %arg7: memref<1x256xf32, #tpu.memory_space<vmem>>, %arg8: memref<4000x256xf32, #tpu.memory_space<vmem>>) attributes {dimension_semantics = [#tpu.dimension_semantics<arbitrary>], iteration_bounds = array<i64: 50>, scalar_prefetch = 0 : i64, scratch_operands = 0 : i64, tpu.core_type = #tpu.core_type<tc>, window_params = [{transform_indices = @transform_0, window_bounds = array<i64: 4000, 128>}, {pipeline_mode = #tpu.pipeline_mode<synchronous>, transform_indices = @transform_1, window_bounds = array<i64: 128, 256>}, {pipeline_mode = #tpu.pipeline_mode<synchronous>, transform_indices = @transform_2, window_bounds = array<i64: 1, 256>}, {pipeline_mode = #tpu.pipeline_mode<synchronous>, transform_indices = @transform_3, window_bounds = array<i64: 256, 256>}, {pipeline_mode = #tpu.pipeline_mode<synchronous>, transform_indices = @transform_4, window_bounds = array<i64: 1, 256>}, {pipeline_mode = #tpu.pipeline_mode<synchronous>, transform_indices = @transform_5, window_bounds = array<i64: 256, 256>}, {pipeline_mode = #tpu.pipeline_mode<synchronous>, transform_indices = @transform_6, window_bounds = array<i64: 1, 256>}, {transform_indices = @transform_7, window_bounds = array<i64: 4000, 256>}]} {
    %get3A = arith.constant 0 : index
    %get3A_0 = arith.constant 0 : index
    %get3A_1 = vector.load %arg1[%get3A, %get3A_0] : memref<4000x128xf32, #tpu.memory_space<vmem>>, vector<4000x128xf32>
    %get3A_2 = arith.constant 0 : index
    %get3A_3 = arith.constant 0 : index
    %get3A_4 = vector.load %arg2[%get3A_2, %get3A_3] : memref<128x256xf32, #tpu.memory_space<vmem>>, vector<128x256xf32>
    %dot_general3A = arith.constant dense<0.000000e+00> : vector<4000x256xf32>
    %dot_general3A_5 = tpu.matmul %get3A_1, %get3A_4, %dot_general3A {dimension_numbers = #tpu.dot_dimension_numbers<[1], [0], [0], [1], [0, 0, 1, 1], [], []>, transpose_lhs_hint = false} : vector<4000x128xf32>, vector<128x256xf32>, vector<4000x256xf32> -> vector<4000x256xf32>
    %get3A_6 = arith.constant 0 : index
    %get3A_7 = arith.constant 0 : index
    %get3A_8 = vector.load %arg3[%get3A_6, %get3A_7] : memref<1x256xf32, #tpu.memory_space<vmem>>, vector<1x256xf32>
    %add3A = vector.broadcast %get3A_8 : vector<1x256xf32> to vector<4000x256xf32>
    %add3A_9 = arith.addf %dot_general3A_5, %add3A : vector<4000x256xf32>
    %max3A = arith.constant 0.000000e+00 : f32
    %max3A_10 = vector.broadcast %max3A : f32 to vector<4000x256xf32>
    %max3A_11 = arith.maximumf %add3A_9, %max3A_10 : vector<4000x256xf32>
    %get3A_12 = arith.constant 0 : index
    %get3A_13 = arith.constant 0 : index
    %get3A_14 = vector.load %arg4[%get3A_12, %get3A_13] : memref<256x256xf32, #tpu.memory_space<vmem>>, vector<256x256xf32>
    %dot_general3A_15 = arith.constant dense<0.000000e+00> : vector<4000x256xf32>
    %dot_general3A_16 = tpu.matmul %max3A_11, %get3A_14, %dot_general3A_15 {dimension_numbers = #tpu.dot_dimension_numbers<[1], [0], [0], [1], [0, 0, 1, 1], [], []>, transpose_lhs_hint = false} : vector<4000x256xf32>, vector<256x256xf32>, vector<4000x256xf32> -> vector<4000x256xf32>
    %get3A_17 = arith.constant 0 : index
    %get3A_18 = arith.constant 0 : index
    %get3A_19 = vector.load %arg5[%get3A_17, %get3A_18] : memref<1x256xf32, #tpu.memory_space<vmem>>, vector<1x256xf32>
    %add3A_20 = vector.broadcast %get3A_19 : vector<1x256xf32> to vector<4000x256xf32>
    %add3A_21 = arith.addf %dot_general3A_16, %add3A_20 : vector<4000x256xf32>
    %max3A_22 = arith.constant 0.000000e+00 : f32
    %max3A_23 = vector.broadcast %max3A_22 : f32 to vector<4000x256xf32>
    %max3A_24 = arith.maximumf %add3A_21, %max3A_23 : vector<4000x256xf32>
    %get3A_25 = arith.constant 0 : index
    %get3A_26 = arith.constant 0 : index
    %get3A_27 = vector.load %arg6[%get3A_25, %get3A_26] : memref<256x256xf32, #tpu.memory_space<vmem>>, vector<256x256xf32>
    %dot_general3A_28 = arith.constant dense<0.000000e+00> : vector<4000x256xf32>
    %dot_general3A_29 = tpu.matmul %max3A_24, %get3A_27, %dot_general3A_28 {dimension_numbers = #tpu.dot_dimension_numbers<[1], [0], [0], [1], [0, 0, 1, 1], [], []>, transpose_lhs_hint = false} : vector<4000x256xf32>, vector<256x256xf32>, vector<4000x256xf32> -> vector<4000x256xf32>
    %get3A_30 = arith.constant 0 : index
    %get3A_31 = arith.constant 0 : index
    %get3A_32 = vector.load %arg7[%get3A_30, %get3A_31] : memref<1x256xf32, #tpu.memory_space<vmem>>, vector<1x256xf32>
    %add3A_33 = vector.broadcast %get3A_32 : vector<1x256xf32> to vector<4000x256xf32>
    %add3A_34 = arith.addf %dot_general3A_29, %add3A_33 : vector<4000x256xf32>
    %swap3A = arith.constant 0 : index
    %swap3A_35 = arith.constant 0 : index
    %swap3A_36 = vector.load %arg8[%swap3A, %swap3A_35] : memref<4000x256xf32, #tpu.memory_space<vmem>>, vector<4000x256xf32>
    tpu.vector_store %arg8[%swap3A, %swap3A_35], %add3A_34 {strides = array<i32>} : memref<4000x256xf32, #tpu.memory_space<vmem>>, vector<4000x256xf32>,
    return
  }
  func.func @transform_0(%arg0: i32) -> (i32, i32) {
    %c0_i32 = arith.constant 0 : i32
    %c0_i32_0 = arith.constant 0 : i32
    return %arg0, %c0_i32 : i32, i32
  }
  func.func @transform_1(%arg0: i32) -> (i32, i32) {
    %c0_i32 = arith.constant 0 : i32
    %c0_i32_0 = arith.constant 0 : i32
    %c0_i32_1 = arith.constant 0 : i32
    return %c0_i32, %c0_i32_0 : i32, i32
  }
  func.func @transform_2(%arg0: i32) -> (i32, i32) {
    %c0_i32 = arith.constant 0 : i32
    %c0_i32_0 = arith.constant 0 : i32
    %c0_i32_1 = arith.constant 0 : i32
    return %c0_i32, %c0_i32_0 : i32, i32
  }
  func.func @transform_3(%arg0: i32) -> (i32, i32) {
    %c0_i32 = arith.constant 0 : i32
    %c0_i32_0 = arith.constant 0 : i32
    %c0_i32_1 = arith.constant 0 : i32
    return %c0_i32, %c0_i32_0 : i32, i32
  }
  func.func @transform_4(%arg0: i32) -> (i32, i32) {
    %c0_i32 = arith.constant 0 : i32
    %c0_i32_0 = arith.constant 0 : i32
    %c0_i32_1 = arith.constant 0 : i32
    return %c0_i32, %c0_i32_0 : i32, i32
  }
  func.func @transform_5(%arg0: i32) -> (i32, i32) {
    %c0_i32 = arith.constant 0 : i32
    %c0_i32_0 = arith.constant 0 : i32
    %c0_i32_1 = arith.constant 0 : i32
    return %c0_i32, %c0_i32_0 : i32, i32
  }
  func.func @transform_6(%arg0: i32) -> (i32, i32) {
    %c0_i32 = arith.constant 0 : i32
    %c0_i32_0 = arith.constant 0 : i32
    %c0_i32_1 = arith.constant 0 : i32
    return %c0_i32, %c0_i32_0 : i32, i32
  }
  func.func @transform_7(%arg0: i32) -> (i32, i32) {
    %c0_i32 = arith.constant 0 : i32
    %c0_i32_0 = arith.constant 0 : i32
    return %arg0, %c0_i32 : i32, i32
  }
}

module attributes {stable_mosaic.version = 14 : i64} {
  func.func @_h_body(%arg0: i32, %arg1: memref<6256x4xf32, #tpu.memory_space<vmem>>, %arg2: memref<4x16xf32, #tpu.memory_space<vmem>>, %arg3: memref<1x16xf32, #tpu.memory_space<vmem>>, %arg4: memref<16x16xf32, #tpu.memory_space<vmem>>, %arg5: memref<1x16xf32, #tpu.memory_space<vmem>>, %arg6: memref<6256x16xf32, #tpu.memory_space<vmem>>) attributes {dimension_semantics = [#tpu.dimension_semantics<arbitrary>], iteration_bounds = array<i64: 16>, scalar_prefetch = 0 : i64, scratch_operands = 0 : i64, tpu.core_type = #tpu.core_type<tc>, window_params = [{transform_indices = @transform_0, window_bounds = array<i64: 6256, 4>}, {pipeline_mode = #tpu.pipeline_mode<synchronous>, transform_indices = @transform_1, window_bounds = array<i64: 4, 16>}, {pipeline_mode = #tpu.pipeline_mode<synchronous>, transform_indices = @transform_2, window_bounds = array<i64: 1, 16>}, {pipeline_mode = #tpu.pipeline_mode<synchronous>, transform_indices = @transform_3, window_bounds = array<i64: 16, 16>}, {pipeline_mode = #tpu.pipeline_mode<synchronous>, transform_indices = @transform_4, window_bounds = array<i64: 1, 16>}, {transform_indices = @transform_5, window_bounds = array<i64: 6256, 16>}]} {
    %get3A = arith.constant 0 : index
    %get3A_0 = arith.constant 0 : index
    %get3A_1 = vector.load %arg1[%get3A, %get3A_0] : memref<6256x4xf32, #tpu.memory_space<vmem>>, vector<6256x4xf32>
    %get3A_2 = arith.constant 0 : index
    %get3A_3 = arith.constant 0 : index
    %get3A_4 = vector.load %arg2[%get3A_2, %get3A_3] : memref<4x16xf32, #tpu.memory_space<vmem>>, vector<4x16xf32>
    %dot_general3A = arith.constant dense<0.000000e+00> : vector<6256x16xf32>
    %dot_general3A_5 = tpu.matmul %get3A_1, %get3A_4, %dot_general3A {dimension_numbers = #tpu.dot_dimension_numbers<[1], [0], [0], [1], [0, 0, 1, 1], [], []>, transpose_lhs_hint = false} : vector<6256x4xf32>, vector<4x16xf32>, vector<6256x16xf32> -> vector<6256x16xf32>
    %get3A_6 = arith.constant 0 : index
    %get3A_7 = arith.constant 0 : index
    %get3A_8 = vector.load %arg3[%get3A_6, %get3A_7] : memref<1x16xf32, #tpu.memory_space<vmem>>, vector<1x16xf32>
    %add3A = vector.broadcast %get3A_8 : vector<1x16xf32> to vector<6256x16xf32>
    %add3A_9 = arith.addf %dot_general3A_5, %add3A : vector<6256x16xf32>
    %max3A = arith.constant 0.000000e+00 : f32
    %max3A_10 = vector.broadcast %max3A : f32 to vector<6256x16xf32>
    %max3A_11 = arith.maximumf %add3A_9, %max3A_10 : vector<6256x16xf32>
    %get3A_12 = arith.constant 0 : index
    %get3A_13 = arith.constant 0 : index
    %get3A_14 = vector.load %arg4[%get3A_12, %get3A_13] : memref<16x16xf32, #tpu.memory_space<vmem>>, vector<16x16xf32>
    %dot_general3A_15 = arith.constant dense<0.000000e+00> : vector<6256x16xf32>
    %dot_general3A_16 = tpu.matmul %max3A_11, %get3A_14, %dot_general3A_15 {dimension_numbers = #tpu.dot_dimension_numbers<[1], [0], [0], [1], [0, 0, 1, 1], [], []>, transpose_lhs_hint = false} : vector<6256x16xf32>, vector<16x16xf32>, vector<6256x16xf32> -> vector<6256x16xf32>
    %get3A_17 = arith.constant 0 : index
    %get3A_18 = arith.constant 0 : index
    %get3A_19 = vector.load %arg5[%get3A_17, %get3A_18] : memref<1x16xf32, #tpu.memory_space<vmem>>, vector<1x16xf32>
    %add3A_20 = vector.broadcast %get3A_19 : vector<1x16xf32> to vector<6256x16xf32>
    %add3A_21 = arith.addf %dot_general3A_16, %add3A_20 : vector<6256x16xf32>
    %swap3A = arith.constant 0 : index
    %swap3A_22 = arith.constant 0 : index
    %swap3A_23 = vector.load %arg6[%swap3A, %swap3A_22] : memref<6256x16xf32, #tpu.memory_space<vmem>>, vector<6256x16xf32>
    tpu.vector_store %arg6[%swap3A, %swap3A_22], %add3A_21 {strides = array<i32>} : memref<6256x16xf32, #tpu.memory_space<vmem>>, vector<6256x16xf32>,
    return
  }
  func.func @transform_0(%arg0: i32) -> (i32, i32) {
    %c0_i32 = arith.constant 0 : i32
    %c0_i32_0 = arith.constant 0 : i32
    return %arg0, %c0_i32 : i32, i32
  }
  func.func @transform_1(%arg0: i32) -> (i32, i32) {
    %c0_i32 = arith.constant 0 : i32
    %c0_i32_0 = arith.constant 0 : i32
    %c0_i32_1 = arith.constant 0 : i32
    return %c0_i32, %c0_i32_0 : i32, i32
  }
  func.func @transform_2(%arg0: i32) -> (i32, i32) {
    %c0_i32 = arith.constant 0 : i32
    %c0_i32_0 = arith.constant 0 : i32
    %c0_i32_1 = arith.constant 0 : i32
    return %c0_i32, %c0_i32_0 : i32, i32
  }
  func.func @transform_3(%arg0: i32) -> (i32, i32) {
    %c0_i32 = arith.constant 0 : i32
    %c0_i32_0 = arith.constant 0 : i32
    %c0_i32_1 = arith.constant 0 : i32
    return %c0_i32, %c0_i32_0 : i32, i32
  }
  func.func @transform_4(%arg0: i32) -> (i32, i32) {
    %c0_i32 = arith.constant 0 : i32
    %c0_i32_0 = arith.constant 0 : i32
    %c0_i32_1 = arith.constant 0 : i32
    return %c0_i32, %c0_i32_0 : i32, i32
  }
  func.func @transform_5(%arg0: i32) -> (i32, i32) {
    %c0_i32 = arith.constant 0 : i32
    %c0_i32_0 = arith.constant 0 : i32
    return %arg0, %c0_i32 : i32, i32
  }
}

module attributes {stable_mosaic.version = 14 : i64} {
  func.func @_z_body(%arg0: i32, %arg1: memref<6256x16xf32, #tpu.memory_space<vmem>>, %arg2: memref<6256x16xf32, #tpu.memory_space<vmem>>, %arg3: memref<1x1xf32, #tpu.memory_space<smem>>, %arg4: memref<16x16xf32, #tpu.memory_space<vmem>>, %arg5: memref<1x16xf32, #tpu.memory_space<vmem>>, %arg6: memref<16x16xf32, #tpu.memory_space<vmem>>, %arg7: memref<1x16xf32, #tpu.memory_space<vmem>>, %arg8: memref<6256x16xf32, #tpu.memory_space<vmem>>) attributes {dimension_semantics = [#tpu.dimension_semantics<arbitrary>], iteration_bounds = array<i64: 16>, scalar_prefetch = 0 : i64, scratch_operands = 0 : i64, tpu.core_type = #tpu.core_type<tc>, window_params = [{transform_indices = @transform_0, window_bounds = array<i64: 6256, 16>}, {transform_indices = @transform_1, window_bounds = array<i64: 6256, 16>}, {transform_indices = @transform_2, window_bounds = array<i64: 1, 1>}, {pipeline_mode = #tpu.pipeline_mode<synchronous>, transform_indices = @transform_3, window_bounds = array<i64: 16, 16>}, {pipeline_mode = #tpu.pipeline_mode<synchronous>, transform_indices = @transform_4, window_bounds = array<i64: 1, 16>}, {pipeline_mode = #tpu.pipeline_mode<synchronous>, transform_indices = @transform_5, window_bounds = array<i64: 16, 16>}, {pipeline_mode = #tpu.pipeline_mode<synchronous>, transform_indices = @transform_6, window_bounds = array<i64: 1, 16>}, {transform_indices = @transform_7, window_bounds = array<i64: 6256, 16>}]} {
    %get3A = arith.constant 0 : index
    %get3A_0 = arith.constant 0 : index
    %get3A_1 = vector.load %arg2[%get3A, %get3A_0] : memref<6256x16xf32, #tpu.memory_space<vmem>>, vector<6256x16xf32>
    %gt3A = arith.constant -1.70141173E+38 : f32
    %gt3A_2 = vector.broadcast %gt3A : f32 to vector<6256x16xf32>
    %gt3A_3 = arith.cmpf ogt, %get3A_1, %gt3A_2 : vector<6256x16xf32>
    %ge3A = arith.constant 0.000000e+00 : f32
    %ge3A_4 = vector.broadcast %ge3A : f32 to vector<6256x16xf32>
    %ge3A_5 = arith.cmpf oge, %get3A_1, %ge3A_4 : vector<6256x16xf32>
    %mul3A = arith.constant 0.00999999977 : f32
    %mul3A_6 = vector.broadcast %mul3A : f32 to vector<6256x16xf32>
    %mul3A_7 = arith.mulf %mul3A_6, %get3A_1 : vector<6256x16xf32>
    %select_n3A = arith.select %ge3A_5, %get3A_1, %mul3A_7 : vector<6256x16xi1>, vector<6256x16xf32>
    %jit3A = arith.constant 0.000000e+00 : f32
    %broadcast_in_dim3A = vector.broadcast %jit3A : f32 to vector<6256x16xf32>
    %select_n3A_8 = arith.select %gt3A_3, %select_n3A, %broadcast_in_dim3A : vector<6256x16xi1>, vector<6256x16xf32>
    %get3A_9 = arith.constant 0 : index
    %get3A_10 = arith.constant 0 : index
    %get3A_11 = memref.load %arg3[%get3A_9, %get3A_10] : memref<1x1xf32, #tpu.memory_space<smem>>
    %get3A_12 = arith.constant 0 : index
    %get3A_13 = arith.constant 0 : index
    %get3A_14 = vector.load %arg1[%get3A_12, %get3A_13] : memref<6256x16xf32, #tpu.memory_space<vmem>>, vector<6256x16xf32>
    %mul3A_15 = vector.broadcast %get3A_11 : f32 to vector<6256x16xf32>
    %mul3A_16 = arith.mulf %mul3A_15, %get3A_14 : vector<6256x16xf32>
    %add3A = arith.addf %mul3A_16, %select_n3A_8 : vector<6256x16xf32>
    %get3A_17 = arith.constant 0 : index
    %get3A_18 = arith.constant 0 : index
    %get3A_19 = vector.load %arg4[%get3A_17, %get3A_18] : memref<16x16xf32, #tpu.memory_space<vmem>>, vector<16x16xf32>
    %dot_general3A = arith.constant dense<0.000000e+00> : vector<6256x16xf32>
    %dot_general3A_20 = tpu.matmul %add3A, %get3A_19, %dot_general3A {dimension_numbers = #tpu.dot_dimension_numbers<[1], [0], [0], [1], [0, 0, 1, 1], [], []>, transpose_lhs_hint = false} : vector<6256x16xf32>, vector<16x16xf32>, vector<6256x16xf32> -> vector<6256x16xf32>
    %get3A_21 = arith.constant 0 : index
    %get3A_22 = arith.constant 0 : index
    %get3A_23 = vector.load %arg5[%get3A_21, %get3A_22] : memref<1x16xf32, #tpu.memory_space<vmem>>, vector<1x16xf32>
    %add3A_24 = vector.broadcast %get3A_23 : vector<1x16xf32> to vector<6256x16xf32>
    %add3A_25 = arith.addf %dot_general3A_20, %add3A_24 : vector<6256x16xf32>
    %ge3A_26 = arith.constant 0.000000e+00 : f32
    %ge3A_27 = vector.broadcast %ge3A_26 : f32 to vector<6256x16xf32>
    %ge3A_28 = arith.cmpf oge, %add3A_25, %ge3A_27 : vector<6256x16xf32>
    %mul3A_29 = arith.constant 0.00999999977 : f32
    %mul3A_30 = vector.broadcast %mul3A_29 : f32 to vector<6256x16xf32>
    %mul3A_31 = arith.mulf %mul3A_30, %add3A_25 : vector<6256x16xf32>
    %select_n3A_32 = arith.select %ge3A_28, %add3A_25, %mul3A_31 : vector<6256x16xi1>, vector<6256x16xf32>
    %get3A_33 = arith.constant 0 : index
    %get3A_34 = arith.constant 0 : index
    %get3A_35 = vector.load %arg6[%get3A_33, %get3A_34] : memref<16x16xf32, #tpu.memory_space<vmem>>, vector<16x16xf32>
    %dot_general3A_36 = arith.constant dense<0.000000e+00> : vector<6256x16xf32>
    %dot_general3A_37 = tpu.matmul %select_n3A_32, %get3A_35, %dot_general3A_36 {dimension_numbers = #tpu.dot_dimension_numbers<[1], [0], [0], [1], [0, 0, 1, 1], [], []>, transpose_lhs_hint = false} : vector<6256x16xf32>, vector<16x16xf32>, vector<6256x16xf32> -> vector<6256x16xf32>
    %get3A_38 = arith.constant 0 : index
    %get3A_39 = arith.constant 0 : index
    %get3A_40 = vector.load %arg7[%get3A_38, %get3A_39] : memref<1x16xf32, #tpu.memory_space<vmem>>, vector<1x16xf32>
    %add3A_41 = vector.broadcast %get3A_40 : vector<1x16xf32> to vector<6256x16xf32>
    %add3A_42 = arith.addf %dot_general3A_37, %add3A_41 : vector<6256x16xf32>
    %swap3A = arith.constant 0 : index
    %swap3A_43 = arith.constant 0 : index
    %swap3A_44 = vector.load %arg8[%swap3A, %swap3A_43] : memref<6256x16xf32, #tpu.memory_space<vmem>>, vector<6256x16xf32>
    tpu.vector_store %arg8[%swap3A, %swap3A_43], %add3A_42 {strides = array<i32>} : memref<6256x16xf32, #tpu.memory_space<vmem>>, vector<6256x16xf32>,
    return
  }
  func.func @transform_0(%arg0: i32) -> (i32, i32) {
    %c0_i32 = arith.constant 0 : i32
    %c0_i32_0 = arith.constant 0 : i32
    return %arg0, %c0_i32 : i32, i32
  }
  func.func @transform_1(%arg0: i32) -> (i32, i32) {
    %c0_i32 = arith.constant 0 : i32
    %c0_i32_0 = arith.constant 0 : i32
    return %arg0, %c0_i32 : i32, i32
  }
  func.func @transform_2(%arg0: i32) -> (i32, i32) {
    %c0_i32 = arith.constant 0 : i32
    %c0_i32_0 = arith.constant 0 : i32
    %c0_i32_1 = arith.constant 0 : i32
    return %c0_i32, %c0_i32_0 : i32, i32
  }
  func.func @transform_3(%arg0: i32) -> (i32, i32) {
    %c0_i32 = arith.constant 0 : i32
    %c0_i32_0 = arith.constant 0 : i32
    %c0_i32_1 = arith.constant 0 : i32
    return %c0_i32, %c0_i32_0 : i32, i32
  }
  func.func @transform_4(%arg0: i32) -> (i32, i32) {
    %c0_i32 = arith.constant 0 : i32
    %c0_i32_0 = arith.constant 0 : i32
    %c0_i32_1 = arith.constant 0 : i32
    return %c0_i32, %c0_i32_0 : i32, i32
  }
  func.func @transform_5(%arg0: i32) -> (i32, i32) {
    %c0_i32 = arith.constant 0 : i32
    %c0_i32_0 = arith.constant 0 : i32
    %c0_i32_1 = arith.constant 0 : i32
    return %c0_i32, %c0_i32_0 : i32, i32
  }
  func.func @transform_6(%arg0: i32) -> (i32, i32) {
    %c0_i32 = arith.constant 0 : i32
    %c0_i32_0 = arith.constant 0 : i32
    %c0_i32_1 = arith.constant 0 : i32
    return %c0_i32, %c0_i32_0 : i32, i32
  }
  func.func @transform_7(%arg0: i32) -> (i32, i32) {
    %c0_i32 = arith.constant 0 : i32
    %c0_i32_0 = arith.constant 0 : i32
    return %arg0, %c0_i32 : i32, i32
  }
}

module attributes {stable_mosaic.version = 14 : i64} {
  func.func @_out_body(%arg0: memref<32x1000x16xf32, #tpu.memory_space<vmem>>, %arg1: memref<16x16xf32, #tpu.memory_space<vmem>>, %arg2: memref<1x16xf32, #tpu.memory_space<vmem>>, %arg3: memref<1x16xf32, #tpu.memory_space<vmem>>, %arg4: memref<1x16xf32, #tpu.memory_space<vmem>>, %arg5: memref<16x1xf32, #tpu.memory_space<vmem>>, %arg6: memref<1x1xf32, #tpu.memory_space<vmem>>, %arg7: memref<1000x1xf32, #tpu.memory_space<vmem>>, %arg8: memref<1000x1xf32, #tpu.memory_space<vmem>>) attributes {dimension_semantics = [], scalar_prefetch = 0 : i64, scratch_operands = 0 : i64, tpu.core_type = #tpu.core_type<tc>} {
    %get3A = arith.constant 0 : index
    %get3A_0 = arith.constant 0 : index
    %get3A_1 = arith.constant 0 : index
    %get3A_2 = vector.load %arg0[%get3A, %get3A_0, %get3A_1] : memref<32x1000x16xf32, #tpu.memory_space<vmem>>, vector<32x1000x16xf32>
    %reduce_max3A = arith.constant dense<0xFF800000> : vector<1000x16xf32>
    %reduce_max3A_3 = vector.multi_reduction <maximumf>, %get3A_2, %reduce_max3A [0] : vector<32x1000x16xf32> to vector<1000x16xf32>
    %gt3A = arith.constant -1.70141173E+38 : f32
    %gt3A_4 = vector.broadcast %gt3A : f32 to vector<1000x16xf32>
    %gt3A_5 = arith.cmpf ogt, %reduce_max3A_3, %gt3A_4 : vector<1000x16xf32>
    %jit3A = arith.constant 0.000000e+00 : f32
    %broadcast_in_dim3A = vector.broadcast %jit3A : f32 to vector<1000x16xf32>
    %select_n3A = arith.select %gt3A_5, %reduce_max3A_3, %broadcast_in_dim3A : vector<1000x16xi1>, vector<1000x16xf32>
    %get3A_6 = arith.constant 0 : index
    %get3A_7 = arith.constant 0 : index
    %get3A_8 = vector.load %arg1[%get3A_6, %get3A_7] : memref<16x16xf32, #tpu.memory_space<vmem>>, vector<16x16xf32>
    %dot_general3A = arith.constant dense<0.000000e+00> : vector<1000x16xf32>
    %dot_general3A_9 = tpu.matmul %select_n3A, %get3A_8, %dot_general3A {dimension_numbers = #tpu.dot_dimension_numbers<[1], [0], [0], [1], [0, 0, 1, 1], [], []>, transpose_lhs_hint = false} : vector<1000x16xf32>, vector<16x16xf32>, vector<1000x16xf32> -> vector<1000x16xf32>
    %get3A_10 = arith.constant 0 : index
    %get3A_11 = arith.constant 0 : index
    %get3A_12 = vector.load %arg2[%get3A_10, %get3A_11] : memref<1x16xf32, #tpu.memory_space<vmem>>, vector<1x16xf32>
    %add3A = vector.broadcast %get3A_12 : vector<1x16xf32> to vector<1000x16xf32>
    %add3A_13 = arith.addf %dot_general3A_9, %add3A : vector<1000x16xf32>
    %get3A_14 = arith.constant 0 : index
    %get3A_15 = arith.constant 0 : index
    %get3A_16 = vector.load %arg3[%get3A_14, %get3A_15] : memref<1x16xf32, #tpu.memory_space<vmem>>, vector<1x16xf32>
    %sqrt3A = arith.constant 1.000010e+00 : f32
    %sqrt3A_17 = math.sqrt %sqrt3A : f32
    %div3A = vector.broadcast %sqrt3A_17 : f32 to vector<1x16xf32>
    %div3A_18 = arith.divf %get3A_16, %div3A : vector<1x16xf32>
    %mul3A = vector.broadcast %div3A_18 : vector<1x16xf32> to vector<1000x16xf32>
    %mul3A_19 = arith.mulf %add3A_13, %mul3A : vector<1000x16xf32>
    %get3A_20 = arith.constant 0 : index
    %get3A_21 = arith.constant 0 : index
    %get3A_22 = vector.load %arg4[%get3A_20, %get3A_21] : memref<1x16xf32, #tpu.memory_space<vmem>>, vector<1x16xf32>
    %add3A_23 = vector.broadcast %get3A_22 : vector<1x16xf32> to vector<1000x16xf32>
    %add3A_24 = arith.addf %mul3A_19, %add3A_23 : vector<1000x16xf32>
    %ge3A = arith.constant 0.000000e+00 : f32
    %ge3A_25 = vector.broadcast %ge3A : f32 to vector<1000x16xf32>
    %ge3A_26 = arith.cmpf oge, %add3A_24, %ge3A_25 : vector<1000x16xf32>
    %mul3A_27 = arith.constant 0.00999999977 : f32
    %mul3A_28 = vector.broadcast %mul3A_27 : f32 to vector<1000x16xf32>
    %mul3A_29 = arith.mulf %mul3A_28, %add3A_24 : vector<1000x16xf32>
    %select_n3A_30 = arith.select %ge3A_26, %add3A_24, %mul3A_29 : vector<1000x16xi1>, vector<1000x16xf32>
    %get3A_31 = arith.constant 0 : index
    %get3A_32 = arith.constant 0 : index
    %get3A_33 = vector.load %arg5[%get3A_31, %get3A_32] : memref<16x1xf32, #tpu.memory_space<vmem>>, vector<16x1xf32>
    %dot_general3A_34 = arith.constant dense<0.000000e+00> : vector<1000x1xf32>
    %dot_general3A_35 = tpu.matmul %select_n3A_30, %get3A_33, %dot_general3A_34 {dimension_numbers = #tpu.dot_dimension_numbers<[1], [0], [0], [1], [0, 0, 1, 1], [], []>, transpose_lhs_hint = false} : vector<1000x16xf32>, vector<16x1xf32>, vector<1000x1xf32> -> vector<1000x1xf32>
    %get3A_36 = arith.constant 0 : index
    %get3A_37 = arith.constant 0 : index
    %get3A_38 = vector.load %arg6[%get3A_36, %get3A_37] : memref<1x1xf32, #tpu.memory_space<vmem>>, vector<1x1xf32>
    %add3A_39 = vector.broadcast %get3A_38 : vector<1x1xf32> to vector<1000x1xf32>
    %add3A_40 = arith.addf %dot_general3A_35, %add3A_39 : vector<1000x1xf32>
    %swap3A = arith.constant 0 : index
    %swap3A_41 = arith.constant 0 : index
    %swap3A_42 = vector.load %arg7[%swap3A, %swap3A_41] : memref<1000x1xf32, #tpu.memory_space<vmem>>, vector<1000x1xf32>
    tpu.vector_store %arg7[%swap3A, %swap3A_41], %add3A_40 {strides = array<i32>} : memref<1000x1xf32, #tpu.memory_space<vmem>>, vector<1000x1xf32>,
    %logistic3A = arith.negf %add3A_40 : vector<1000x1xf32>
    %logistic3A_43 = math.exp %logistic3A : vector<1000x1xf32>
    %logistic3A_44 = arith.constant 1.000000e+00 : f32
    %logistic3A_45 = vector.broadcast %logistic3A_44 : f32 to vector<1000x1xf32>
    %logistic3A_46 = arith.addf %logistic3A_45, %logistic3A_43 : vector<1000x1xf32>
    %logistic3A_47 = arith.divf %logistic3A_45, %logistic3A_46 : vector<1000x1xf32>
    %swap3A_48 = arith.constant 0 : index
    %swap3A_49 = arith.constant 0 : index
    %swap3A_50 = vector.load %arg8[%swap3A_48, %swap3A_49] : memref<1000x1xf32, #tpu.memory_space<vmem>>, vector<1000x1xf32>
    tpu.vector_store %arg8[%swap3A_48, %swap3A_49], %logistic3A_47 {strides = array<i32>} : memref<1000x1xf32, #tpu.memory_space<vmem>>, vector<1000x1xf32>,
    return
  }
}

</mosaic_0001>

<sc_bundles>
// kernel: kernel.11.cloned.1.call-start
scs
__scs_entry_jumppad:
0x0: {  	(pc) =	sbr.rel $0x88, $3  }
0x1: {  	(tag) =	ssettag $0x0;
	lr =	simm.s32 $0x1  }
0x2: {  	[smem:$0x3F88] =	sst lr;
	_ =	strace $0xD0000000  }
0x3: {  	_ = 	snop  }
0x4: {  	_ = 	snop  }
0x5: {  	_ = 	snop  }
0x6: {  	_ = 	snop  }
0x7: {  	_ = 	snop  }
__scs_overlays_trampoline_lowered:
0x8: {  	[smem:$0x3F97] =	sst s0  }
0x9: {  	[smem:$0x3F98] =	sst s1  }
0xa: {  	[smem:$0x3F99] =	sst s2  }
0xb: {  	[smem:$0x3F9A] =	sst s3  }
0xc: {  	[smem:$0x3F9B] =	sst s4  }
0xd: {  	[smem:$0x3F9C] =	sst s5  }
0xe: {  	[smem:$0x3F9D] =	sst s6  }
0xf: {  	[smem:$0x3F9E] =	sst s7  }
0x10: {  	[smem:$0x3F9F] =	sst s8  }
0x11: {  	[smem:$0x3FA0] =	sst s9;
	s0 =	simm.s32 @!p0 $0x0  }
0x12: {  	s1 =	sld [smem:$0x3F86];
	s0 =	simm.s32 @p0 $0x1  }
0x13: {  	[smem:$0x3FA1] =	sst s0;
	s0 =	simm.s32 @!p1 $0x0  }
0x14: {  	s2 =	sld [smem:$0x3F85];
	s0 =	simm.s32 @p1 $0x1  }
0x15: {  	[smem:$0x3FA2] =	sst s0;
	s0 =	simm.s32 @!p2 $0x0  }
0x16: {  	s3 =	sld [smem:$0x3FDB];
	s0 =	simm.s32 @p2 $0x1  }
0x17: {  	s4 =	simm.s32 $0x1BF5;
	[smem:$0x3FA4] =	sst s0  }
0x18: {  	s0 =	sld [smem:$0x3F87];
	_ =	swait.ge [sflag:s4], $0x0  }
0x19: {  	s7 =	sld [smem:$0x3F88]  }
0x1a: {  	s8 =	sadd.s32 $0xFFFFE003, lr  }
0x1b: {  	s9 =	sadd.s32 $0xFFFFFEF7, lr;
	s5 =	simm.s32 $0xFFFFFFFF;
	p2 =	slt.u32 s8, $0xFFFFF086  }
0x1c: {  	p1 =	slt.u32 s9, $0xF7A;
	s5 =	simm.s32 @!p2 $0x0  }
0x1d: {  	s5 =	simm.s32 @p1 $0x1;
	p0 =	seq.s32 s7, s2  }
0x1e: {  	s7 =	smul.u32 @!p0 $0xF7A, s2;
	p2 =	seq.s32 @!p0 s5, $0x0  }
0x1f: {  	s9 =	smul.u32 $0xF7A, s1;
	s8 =	simm.s32 @!p0 $0x1BF5;
	p2 =	por !p2, p0  }
0x20: {  	[sflag:s8] =	ssyncset.s32 @!p0 $0xFFFFF086;
	s6 =	sadd.s32 @!p0 s3, s7;
	s7 =	simm.s32 @!p0 $0x108  }
0x21: {  	s3 =	sadd.s32 s3, s9;
	s6 =	sadd.s32 @!p0 $0x88, s6;
	s7 =	simm.s32 @p2 $0x1082  }
0x22: {  	[simem:s7], [sflag:s8] =	dma.local @!p0 [hbm:s6], $0xF7A  }
0x23: {  	s9 =	sor.u32 $0xD0000000, s2;
	s6 =	simm.s32 $0x108;
	_ =	swait.ge @!p0 [sflag:s8], $0x0  }
0x24: {  	s3 =	sadd.s32 $0x88, s3;
	s6 =	simm.s32 @!p1 $0x1082;
	[sflag:s4] =	ssyncset.s32 $0xFFFFF086  }
0x25: {  	[simem:s6], [sflag:s4] =	dma.local [hbm:s3], $0xF7A  }
0x26: {  	[smem:$0x3F88] =	sst s1;
	(tag) =	ssettag s2;
	_ =	strace s9  }
0x27: {  	s1 =	sld [smem:$0x3F98]  }
0x28: {  	s2 =	sld [smem:$0x3F99]  }
0x29: {  	s4 =	sld [smem:$0x3F9B]  }
0x2a: {  	p0 =	seq.s32 s5, $0x0;
	s5 =	sld [smem:$0x3F9C]  }
0x2b: {  	s6 =	sld [smem:$0x3F9D]  }
0x2c: {  	s7 =	sld [smem:$0x3F9E]  }
0x2d: {  	s3 =	simm.s32 $0x108;
	s8 =	sld [smem:$0x3F9F]  }
0x2e: {  	s3 =	simm.s32 @!p0 $0x1082;
	s9 =	sld [smem:$0x3FA0]  }
0x2f: {  	lr =	sadd.s32 s0, s3;
	s0 =	sld [smem:$0x3F97]  }
0x30: {  	s3 =	sld [smem:$0x3F9A]  }
0x31: {  	[smem:$0x3FA3] =	sst s10  }
0x32: {  	s10 =	sld [smem:$0x3FA1];
	_ =	sdelay $0x3  }
0x33: {  	p0 =	seq.s32 s10, $0x1;
	s10 =	sld [smem:$0x3FA3];
	_ =	sdelay $0x3  }
0x34: {  	[smem:$0x3FA3] =	sst s10  }
0x35: {  	s10 =	sld [smem:$0x3FA2];
	_ =	sdelay $0x3  }
0x36: {  	p1 =	seq.s32 s10, $0x1;
	s10 =	sld [smem:$0x3FA3];
	_ =	sdelay $0x3  }
0x37: {  	[smem:$0x3FA3] =	sst s10  }
0x38: {  	s10 =	sld [smem:$0x3FA4]  }
0x39: {  	_ = 	snop;
	(pc) =	sbr.ind lr, $3  }
0x3a: {  	_ = 	snop  }
0x3b: {  	_ = 	snop  }
0x3c: {  	p2 =	seq.s32 s10, $0x1;
	s10 =	sld [smem:$0x3FA3]  }
0x3d: {  	_ =	shalt  }
0x3e: {  	_ =	shalt  }
0x3f: {  	_ =	shalt  }
0x40: {  	_ =	shalt  }
0x41: {  	_ =	shalt  }
0x42: {  	_ =	shalt  }
0x43: {  	_ =	shalt  }
0x44: {  	_ =	shalt  }
0x45: {  	_ =	shalt  }
0x46: {  	_ =	shalt  }
0x47: {  	_ =	shalt  }
0x48: {  	_ =	shalt  }
0x49: {  	_ =	shalt  }
0x4a: {  	_ =	shalt  }
0x4b: {  	_ =	shalt  }
0x4c: {  	_ =	shalt  }
0x4d: {  	_ =	shalt  }
0x4e: {  	_ =	shalt  }
0x4f: {  	_ =	shalt  }
0x50: {  	_ =	shalt  }
0x51: {  	_ =	shalt  }
0x52: {  	_ =	shalt  }
0x53: {  	_ =	shalt  }
0x54: {  	_ =	shalt  }
0x55: {  	_ =	shalt  }
0x56: {  	_ =	shalt  }
0x57: {  	_ =	shalt  }
0x58: {  	_ =	shalt  }
0x59: {  	_ =	shalt  }
0x5a: {  	_ =	shalt  }
0x5b: {  	_ =	shalt  }
0x5c: {  	_ =	shalt  }
0x5d: {  	_ =	shalt  }
0x5e: {  	_ =	shalt  }
0x5f: {  	_ =	shalt  }
0x60: {  	_ =	shalt  }
0x61: {  	_ =	shalt  }
0x62: {  	_ =	shalt  }
0x63: {  	_ =	shalt  }
0x64: {  	_ =	shalt  }
0x65: {  	_ =	shalt  }
0x66: {  	_ =	shalt  }
0x67: {  	_ =	shalt  }
0x68: {  	_ =	shalt  }
0x69: {  	_ =	shalt  }
0x6a: {  	_ =	shalt  }
0x6b: {  	_ =	shalt  }
0x6c: {  	_ =	shalt  }
0x6d: {  	_ =	shalt  }
0x6e: {  	_ =	shalt  }
0x6f: {  	_ =	shalt  }
0x70: {  	_ =	shalt  }
0x71: {  	_ =	shalt  }
0x72: {  	_ =	shalt  }
0x73: {  	_ =	shalt  }
0x74: {  	_ =	shalt  }
0x75: {  	_ =	shalt  }
0x76: {  	_ =	shalt  }
0x77: {  	_ =	shalt  }
0x78: {  	_ =	shalt  }
0x79: {  	_ =	shalt  }
0x7a: {  	_ =	shalt  }
0x7b: {  	_ =	shalt  }
0x7c: {  	_ =	shalt  }
0x7d: {  	_ =	shalt  }
0x7e: {  	_ =	shalt  }
0x7f: {  	_ =	shalt  }
0x80: {  	_ =	shalt  }
0x81: {  	_ =	shalt  }
0x82: {  	_ =	shalt  }
0x83: {  	_ =	shalt  }
0x84: {  	_ =	shalt  }
0x85: {  	_ =	shalt  }
0x86: {  	_ =	shalt  }
0x87: {  	_ =	shalt  }
.Lfunc_end0:
.L_simem_size_0:
called_computation.2_lowered:
.L_overlay_start_0:
0x88: {  	s2 =	sld [smem:$0x3FD9]  }
0x89: {  	s3 =	sld [smem:$0x3FFE];
	_ =	sdelay $0x1  }
0x8a: {  	s1 =	srdreg.scid  }
0x8b: {  	s0 =	sand.u32 $0x1, s1  }
0x8c: {  	s16 =	sshll.u32 s0, $0xA;
	s2 =	sadd.s32 s3, s2  }
0x8d: {  	s2 =	sadd.s32 s2, s16  }
0x8e: {  	[smem:$0x3FAF] =	sst s2  }
0x8f: {  	_ = 	snop  }
0x90: {  	(tm) =	ssettm $0x1  }
0x91: {  	s17 =	sld [smem:$0x3FFB];
	_ =	sdelay $0x3  }
0x92: {  	_ =	strace s17  }
0x93: {  	s2 =	sld [smem:$0x3FFC];
	_ =	sdelay $0x3  }
0x94: {  	_ =	strace s2  }
0x95: {  	s2 =	sld [smem:$0x3FFD];
	_ =	sdelay $0x3  }
0x96: {  	_ =	strace s2  }
0x97: {  	_ =	strace $0x8FFFFFFF  }
0x98: {  	s18 =	sld [smem:$0x3FDB];
	_ =	sdelay $0x1  }
0x99: {  	s19 =	simm.s32 $_scs_section_size  }
0x9a: {  	s4 =	simm.s32 $_size__tile_overlayer_lowered;
	s5 =	simm.s32 $_tile_overlayer_lowered  }
0x9b: {  	s22 =	simm.s32 $0x1BFF;
	s21 =	sshll.u32 s5, $0x1;
	s2 =	sadd.s32 s19, s18  }
0x9c: {  	s6 =	simm.s32 $0x0;
	s20 =	sshll.u32 s4, $0x1;
	s4 =	sadd.s32 s21, s2  }
0x9d: {  	[timem:s6], [sflag:s22] =	dma.local [hbm:s4], s20  }
0x9e: {  	_ =	swait.ge [sflag:s22], s20  }
0x9f: {  	s3 =	ssub.s32 $0x0, s20;
	[sflag:s22] =	ssyncset.done $0x0  }
0xa0: {  	[sflag:s22] =	ssyncadd.s32 s3;
	_ =	sdelay $0x1  }
0xa1: {  	s23 =	simm.s32 $0x1B8B  }
0xa2: {  	_ =	swait.ge [sflag:s23], $0x1  }
0xa3: {  	[sflag:s23] =	ssyncset.done $0x0  }
0xa4: {  	s25 =	simm.s32 $0x1B8E;
	s24 =	sld [smem:$0x3FFE];
	[sflag:s23] =	ssyncadd.s32 $0xFFFFFFFF  }
0xa5: {  	s26 =	simm.s32 $execute0_lowered;
	[smem:$0x3FD2] =	sst s25  }
0xa6: {  	s4 =	sshll.u32 s26, $0x1;
	_ =	strace $0x8000004C;
	[dreg:$0x1] =	wrdreg $0xFFFFFFFF  }
0xa7: {  	s28 =	simm.s32 $_size_execute0_lowered;
	s2 =	sadd.s32 s2, s4;
	[dreg:$0x0] =	wrdreg $0x0  }
0xa8: {  	s4 =	sshll.u32 s28, $0x1;
	[dreg:$0x2] =	wrdreg s2  }
0xa9: {  	[dreg:$0x3] =	wrdreg s4  }
0xaa: {  	[dreg:$0x4] =	wrdreg $0xC0  }
0xab: {  	_ =	task [dreg:s6], $0x5FFFF  }
0xac: {  	[dreg:$0x1] =	wrdreg $0xFFFFFFFF  }
0xad: {  	[dreg:$0x0] =	wrdreg $0x60  }
0xae: {  	[dreg:$0x2] =	wrdreg s24  }
0xaf: {  	[dreg:$0x3] =	wrdreg $0x9  }
0xb0: {  	_ =	task.clear_ibuf [dreg:s6], $0x4FFFF;
	_ =	strace $0x9000004C  }
0xb1: {  	s29 =	simm.s32 $0x9;
	_ =	strace $0x8000004E  }
0xb2: {  	_ =	swait.ge [sflag:s29], $0x1  }
0xb3: {  	[sflag:s29] =	ssyncadd.s32 $0xFFFFFFFF  }
0xb4: {  	_ =	strace $0x9000004E  }
0xb5: {  	_ =	sfence  }
0xb6: {  	s30 =	sld [smem:$0x0];
	_ =	sdelay $0x2  }
0xb7: {  	s31 =	sshll.u32 s1, $0xD;
	s1 =	sshrl.u32 s1, $0x2  }
0xb8: {  	s3 =	sand.u32 $0x4000, s31;
	s1 =	sadd.s32 s1, s30  }
0xb9: {  	s0 =	sor.u32 s3, s0;
	s1 =	sshll.u32 s1, $0x11  }
0xba: {  	s0 =	sor.u32 s1, s0  }
0xbb: {  	s0 =	sadd.s32 $0x8F2B, s0  }
0xbc: {  	[sflag:s0] =	ssyncadd.remote.s32 $0x1  }
0xbd: {  	_ =	sfence.sel $0xFFFF  }
0xbe: {  	[dreg:$0x0] =	wrdreg $0xFFFFFFFF;
	(pc) =	sbr.abs _section_cstart, $3  }
0xbf: {  	[dreg:$0x1] =	wrdreg $0xFFFFFFFF  }
0xc0: {  	_ =	task.clear_ibuf [dreg:s6], $0x2FFFF;
	_ =	strace $0x9FFFFFFF  }
0xc1: {  	(tm) =	ssettm $0x7FFFFFFF  }
tec
execute0_lowered:
.L_overlay_start_1:
0x0: {  	(tag) =	ssettag $0x1  }
0x1: {  	s1 =	srdreg.scid;
	s0 =	stileid.u32  }
0x2: {  	s3 =	sand.u32 $0x1, s1;
	s30 =	sshll.u32 s0, $0x1  }
0x3: {  	s5 =	rddreg [dreg:$0x0];
	s4 =	sor.u32 s3, s30  }
0x4: {  	s2 =	simm.s32 $0x0;
	s9 =	simm.s32 $0xCFC8;
	s6 =	smul.u32 $0x1870, s4  }
0x5: {  	s1 =	rddreg [dreg:$0x1];
	s3 =	ssub.s32 $0x2, s3;
	s7 =	smul.u32 $0x187, s4  }
0x6: {  	[smem:$0x7FF] =	sst s2;
	s4 =	smul.u32 $0x7D0, s4;
	s31 =	sshrl.u32 s3, $0x1  }
0x7: {  	_ =	strace $0x8000004D;
	s8 =	ssub.s32 s3, s31;
	s6 =	sadd.s32 s6, s5  }
0x8: {  	s7 =	sadd.s32 s7, s5;
	s5 =	sadd.s32 s4, s5;
	s3 =	sadd.s32 $0x18C600, s6  }
0x9: {  	s10 =	simm.s32 $0x0;
	s4 =	sadd.s32 $0xD5F800, s7;
	s5 =	sadd.s32 $0x5600, s5  }
0xa: {  	v0 =	vimm.f32 $-3.402823470e+38;
	s6 =	smax.u32 s8, $0x1;
	s7 =	simm.s32 $0x1;
	s8 =	simm.s32 $0xC380  }
.LBB2_1:
0xb: {  	s11 =	simm.s32 $0x40;
	s12 =	simm.s32 $0x0  }
.LBB2_2:
0xc: {  	p0 =	sne.s32 s11, $0xFA00;
	[tilespmem:s12+$0xCFC8] =	vst v0;
	s12 =	smov.u32 s11;
	s11 =	sadd.s32 $0x40, s11  }
.Ltmp0:
0xd: {  	(pc) =	sbr.rel @p0 .LBB2_2-.Ltmp0, $2  }
0xe: {  	_ =	sdelay $0x2  }
0xf: {  	s12 =	sshra.s32 s12, $0x2  }
0x10: {  	[tilespmem:s12+$0xCFC8] =	vst v0;
	s11 =	simm.s32 $0x0  }
0x11: {  	[tilespmem:s11], [sflag:$0x1] =	stream.linear.gather [hbm4b:s3+s11], $0xC380, $0x38;
	[tilespmem:$0x10E58] =	vst v63  }
0x12: {  	_ =	swait.ge [sflag:s7], $0xC380  }
0x13: {  	[sflag:s7] =	ssyncset.done $0x0  }
0x14: {  	[sflag:s7] =	ssyncadd.s32 $0xFFFF3C80  }
0x15: {  	[tilespmem:s8], [sflag:$0x1] =	stream.linear.gather [hbm4b:s4+s11], $0xC38, $0x38;
	[tilespmem:$0x10E58] =	vst v63  }
0x16: {  	_ =	swait.ge [sflag:s7], $0xC38  }
0x17: {  	[sflag:s7] =	ssyncset.done $0x0  }
0x18: {  	s30 =	simm.s32 $0x0;
	[sflag:s7] =	ssyncadd.s32 $0xFFFFF3C8  }
0x19: {  	v1 =	vld [tilespmem:s30+$0xC380];
	_ =	sdelay $0x4  }
0x1a: {  	(v2sf) =	vpush v1, $0x0;
	_ =	sdelay $0xe  }
0x1b: {  	s31 =	spop (v2sf)  }
0x1c: {  	s12 =	sshll.u32 s31, $0x6  }
0x1d: {  	v1 =	vld [tilespmem:s11+$0x0];
	s14 =	sshra.s32 s12, $0x2  }
0x1e: {  	v2 =	vld [tilespmem:s14+$0xCFC8];
	_ =	sdelay $0x4  }
0x1f: {  	v1 =	vmax.f32 v2, v1  }
0x20: {  	s13 =	simm.s32 $0x1;
	s12 =	simm.s32 $0x8;
	[tilespmem:s14+$0xCFC8] =	vst v1  }
.LBB2_4:
0x21: {  	p0 =	sne.s32 s12, $0x30DC;
	v1 =	vld [tilespmem:s13+$0xC380];
	_ =	sdelay $0x4  }
0x22: {  	(v2sf) =	vpush v1, $0x0;
	_ =	sdelay $0xe  }
0x23: {  	s13 =	spop (v2sf)  }
0x24: {  	s11 =	sadd.s32 $0x10, s11;
	s13 =	sshll.u32 s13, $0x6  }
0x25: {  	s14 =	sshra.s32 s13, $0x2;
	v1 =	vld [tilespmem:s11+$0x0]  }
0x26: {  	v2 =	vld [tilespmem:s14+$0xCFC8];
	_ =	sdelay $0x1  }
.Ltmp1:
0x27: {  	(pc) =	sbr.rel @p0 .LBB2_4-.Ltmp1, $3  }
0x28: {  	_ =	sdelay $0x1  }
0x29: {  	v1 =	vmax.f32 v2, v1  }
0x2a: {  	s13 =	sshra.s32 s12, $0x2;
	s12 =	sadd.s32 $0x4, s12;
	[tilespmem:s14+$0xCFC8] =	vst v1  }
0x2b: {  	v1 =	vld [tilespmem:s13+$0xC380];
	_ =	sdelay $0x4  }
0x2c: {  	(v2sf) =	vpush v1, $0x0;
	_ =	sdelay $0xe  }
0x2d: {  	s12 =	spop (v2sf)  }
0x2e: {  	s11 =	sadd.s32 $0x10, s11;
	s12 =	sshll.u32 s12, $0x6  }
0x2f: {  	v1 =	vld [tilespmem:s11+$0x0];
	s12 =	sshra.s32 s12, $0x2  }
0x30: {  	v2 =	vld [tilespmem:s12+$0xCFC8];
	_ =	sdelay $0x3  }
0x31: {  	s10 =	sadd.s32 $0x1, s10  }
0x32: {  	p0 =	sne.s32 s10, s6;
	v1 =	vmax.f32 v2, v1  }
.Ltmp2:
0x33: {  	[tilespmem:s12+$0xCFC8] =	vst v1;
	(pc) =	sbr.rel @p0 .LBB2_1-.Ltmp2, $4  }
0x34: {  	[hbm4b:s5+s2] =	stream.linear.scatter [tilespmem:s9], [sflag:$0x1], $0x3E80, $0x38;
	[tilespmem:$0x10E58] =	vst v63  }
0x35: {  	_ =	swait.ge [sflag:s7], $0x3E80  }
0x36: {  	[sflag:s7] =	ssyncset.done $0x0  }
0x37: {  	[sflag:s7] =	ssyncadd.s32 $0xFFFFC180  }
0x38: {  	_ =	sfence.sel $0x180000  }
0x39: {  	[bflag:$0x0] =	sbarrier.arrive $0xFFFF  }
0x3a: {  	p0 =	sne.s32 s0, $0x0;
	_ =	strace $0x9000004D  }
0x3b: {  	s0 =	sadd.s32 @!p0 $0x100000, s1;
	[bflag:$0x2] =	sbarrier.arrive $0xFFFF  }
0x3c: {  	[sflag:s0] =	ssyncadd.tile.s32 @!p0 $0x1;
	_ =	shalt  }
.Lfunc_end2:
_tile_overlayer_lowered:
.L_overlay_start_2:
0x3d: {  	(tag) =	ssettag $0x2  }
0x3e: {  	s0 =	rddreg [dreg:$0x0];
	s2 =	stileid.u32  }
0x3f: {  	s1 =	rddreg [dreg:$0x1];
	p0 =	sne.s32 s2, $0x0  }
0x40: {  	s3 =	rddreg [dreg:$0x2];
	[bflag:$0x3] =	sbarrier.arrive $0xFFFF;
	s2 =	simm.s32 @!p0 $0x1C01  }
0x41: {  	[timem:s3], [sflag:s2] =	dma.local @!p0 [hbm:s0], s1  }
0x42: {  	s0 =	simm.s32 @!p0 $0x1  }
0x43: {  	_ =	swait.ge @!p0 [sflag:s0], s1  }
0x44: {  	s1 =	ssub.s32 @!p0 $0x0, s1;
	[sflag:s0] =	ssyncset.done @!p0 $0x0  }
0x45: {  	[sflag:s0] =	ssyncadd.s32 @!p0 s1  }
0x46: {  	[bflag:$0x3] =	sbarrier.arrive $0xFFFF  }
0x47: {  	_ =	shalt  }

// kernel: kernel.8.cloned.1.call-start
scs
__scs_entry_jumppad:
0x0: {  	(pc) =	sbr.rel $0x88, $3  }
0x1: {  	(tag) =	ssettag $0x0;
	lr =	simm.s32 $0x1  }
0x2: {  	[smem:$0x3F88] =	sst lr;
	_ =	strace $0xD0000000  }
0x3: {  	_ = 	snop  }
0x4: {  	_ = 	snop  }
0x5: {  	_ = 	snop  }
0x6: {  	_ = 	snop  }
0x7: {  	_ = 	snop  }
__scs_overlays_trampoline_lowered:
0x8: {  	[smem:$0x3F97] =	sst s0  }
0x9: {  	[smem:$0x3F98] =	sst s1  }
0xa: {  	[smem:$0x3F99] =	sst s2  }
0xb: {  	[smem:$0x3F9A] =	sst s3  }
0xc: {  	[smem:$0x3F9B] =	sst s4  }
0xd: {  	[smem:$0x3F9C] =	sst s5  }
0xe: {  	[smem:$0x3F9D] =	sst s6  }
0xf: {  	[smem:$0x3F9E] =	sst s7  }
0x10: {  	[smem:$0x3F9F] =	sst s8  }
0x11: {  	[smem:$0x3FA0] =	sst s9;
	s0 =	simm.s32 @!p0 $0x0  }
0x12: {  	s1 =	sld [smem:$0x3F86];
	s0 =	simm.s32 @p0 $0x1  }
0x13: {  	[smem:$0x3FA1] =	sst s0;
	s0 =	simm.s32 @!p1 $0x0  }
0x14: {  	s2 =	sld [smem:$0x3F85];
	s0 =	simm.s32 @p1 $0x1  }
0x15: {  	[smem:$0x3FA2] =	sst s0;
	s0 =	simm.s32 @!p2 $0x0  }
0x16: {  	s3 =	sld [smem:$0x3FDB];
	s0 =	simm.s32 @p2 $0x1  }
0x17: {  	s4 =	simm.s32 $0x1BF5;
	[smem:$0x3FA4] =	sst s0  }
0x18: {  	s0 =	sld [smem:$0x3F87];
	_ =	swait.ge [sflag:s4], $0x0  }
0x19: {  	s7 =	sld [smem:$0x3F88]  }
0x1a: {  	s8 =	sadd.s32 $0xFFFFE003, lr  }
0x1b: {  	s9 =	sadd.s32 $0xFFFFFEF7, lr;
	s5 =	simm.s32 $0xFFFFFFFF;
	p2 =	slt.u32 s8, $0xFFFFF086  }
0x1c: {  	p1 =	slt.u32 s9, $0xF7A;
	s5 =	simm.s32 @!p2 $0x0  }
0x1d: {  	s5 =	simm.s32 @p1 $0x1;
	p0 =	seq.s32 s7, s2  }
0x1e: {  	s7 =	smul.u32 @!p0 $0xF7A, s2;
	p2 =	seq.s32 @!p0 s5, $0x0  }
0x1f: {  	s9 =	smul.u32 $0xF7A, s1;
	s8 =	simm.s32 @!p0 $0x1BF5;
	p2 =	por !p2, p0  }
0x20: {  	[sflag:s8] =	ssyncset.s32 @!p0 $0xFFFFF086;
	s6 =	sadd.s32 @!p0 s3, s7;
	s7 =	simm.s32 @!p0 $0x108  }
0x21: {  	s3 =	sadd.s32 s3, s9;
	s6 =	sadd.s32 @!p0 $0x88, s6;
	s7 =	simm.s32 @p2 $0x1082  }
0x22: {  	[simem:s7], [sflag:s8] =	dma.local @!p0 [hbm:s6], $0xF7A  }
0x23: {  	s9 =	sor.u32 $0xD0000000, s2;
	s6 =	simm.s32 $0x108;
	_ =	swait.ge @!p0 [sflag:s8], $0x0  }
0x24: {  	s3 =	sadd.s32 $0x88, s3;
	s6 =	simm.s32 @!p1 $0x1082;
	[sflag:s4] =	ssyncset.s32 $0xFFFFF086  }
0x25: {  	[simem:s6], [sflag:s4] =	dma.local [hbm:s3], $0xF7A  }
0x26: {  	[smem:$0x3F88] =	sst s1;
	(tag) =	ssettag s2;
	_ =	strace s9  }
0x27: {  	s1 =	sld [smem:$0x3F98]  }
0x28: {  	s2 =	sld [smem:$0x3F99]  }
0x29: {  	s4 =	sld [smem:$0x3F9B]  }
0x2a: {  	p0 =	seq.s32 s5, $0x0;
	s5 =	sld [smem:$0x3F9C]  }
0x2b: {  	s6 =	sld [smem:$0x3F9D]  }
0x2c: {  	s7 =	sld [smem:$0x3F9E]  }
0x2d: {  	s3 =	simm.s32 $0x108;
	s8 =	sld [smem:$0x3F9F]  }
0x2e: {  	s3 =	simm.s32 @!p0 $0x1082;
	s9 =	sld [smem:$0x3FA0]  }
0x2f: {  	lr =	sadd.s32 s0, s3;
	s0 =	sld [smem:$0x3F97]  }
0x30: {  	s3 =	sld [smem:$0x3F9A]  }
0x31: {  	[smem:$0x3FA3] =	sst s10  }
0x32: {  	s10 =	sld [smem:$0x3FA1];
	_ =	sdelay $0x3  }
0x33: {  	p0 =	seq.s32 s10, $0x1;
	s10 =	sld [smem:$0x3FA3];
	_ =	sdelay $0x3  }
0x34: {  	[smem:$0x3FA3] =	sst s10  }
0x35: {  	s10 =	sld [smem:$0x3FA2];
	_ =	sdelay $0x3  }
0x36: {  	p1 =	seq.s32 s10, $0x1;
	s10 =	sld [smem:$0x3FA3];
	_ =	sdelay $0x3  }
0x37: {  	[smem:$0x3FA3] =	sst s10  }
0x38: {  	s10 =	sld [smem:$0x3FA4]  }
0x39: {  	_ = 	snop;
	(pc) =	sbr.ind lr, $3  }
0x3a: {  	_ = 	snop  }
0x3b: {  	_ = 	snop  }
0x3c: {  	p2 =	seq.s32 s10, $0x1;
	s10 =	sld [smem:$0x3FA3]  }
0x3d: {  	_ =	shalt  }
0x3e: {  	_ =	shalt  }
0x3f: {  	_ =	shalt  }
0x40: {  	_ =	shalt  }
0x41: {  	_ =	shalt  }
0x42: {  	_ =	shalt  }
0x43: {  	_ =	shalt  }
0x44: {  	_ =	shalt  }
0x45: {  	_ =	shalt  }
0x46: {  	_ =	shalt  }
0x47: {  	_ =	shalt  }
0x48: {  	_ =	shalt  }
0x49: {  	_ =	shalt  }
0x4a: {  	_ =	shalt  }
0x4b: {  	_ =	shalt  }
0x4c: {  	_ =	shalt  }
0x4d: {  	_ =	shalt  }
0x4e: {  	_ =	shalt  }
0x4f: {  	_ =	shalt  }
0x50: {  	_ =	shalt  }
0x51: {  	_ =	shalt  }
0x52: {  	_ =	shalt  }
0x53: {  	_ =	shalt  }
0x54: {  	_ =	shalt  }
0x55: {  	_ =	shalt  }
0x56: {  	_ =	shalt  }
0x57: {  	_ =	shalt  }
0x58: {  	_ =	shalt  }
0x59: {  	_ =	shalt  }
0x5a: {  	_ =	shalt  }
0x5b: {  	_ =	shalt  }
0x5c: {  	_ =	shalt  }
0x5d: {  	_ =	shalt  }
0x5e: {  	_ =	shalt  }
0x5f: {  	_ =	shalt  }
0x60: {  	_ =	shalt  }
0x61: {  	_ =	shalt  }
0x62: {  	_ =	shalt  }
0x63: {  	_ =	shalt  }
0x64: {  	_ =	shalt  }
0x65: {  	_ =	shalt  }
0x66: {  	_ =	shalt  }
0x67: {  	_ =	shalt  }
0x68: {  	_ =	shalt  }
0x69: {  	_ =	shalt  }
0x6a: {  	_ =	shalt  }
0x6b: {  	_ =	shalt  }
0x6c: {  	_ =	shalt  }
0x6d: {  	_ =	shalt  }
0x6e: {  	_ =	shalt  }
0x6f: {  	_ =	shalt  }
0x70: {  	_ =	shalt  }
0x71: {  	_ =	shalt  }
0x72: {  	_ =	shalt  }
0x73: {  	_ =	shalt  }
0x74: {  	_ =	shalt  }
0x75: {  	_ =	shalt  }
0x76: {  	_ =	shalt  }
0x77: {  	_ =	shalt  }
0x78: {  	_ =	shalt  }
0x79: {  	_ =	shalt  }
0x7a: {  	_ =	shalt  }
0x7b: {  	_ =	shalt  }
0x7c: {  	_ =	shalt  }
0x7d: {  	_ =	shalt  }
0x7e: {  	_ =	shalt  }
0x7f: {  	_ =	shalt  }
0x80: {  	_ =	shalt  }
0x81: {  	_ =	shalt  }
0x82: {  	_ =	shalt  }
0x83: {  	_ =	shalt  }
0x84: {  	_ =	shalt  }
0x85: {  	_ =	shalt  }
0x86: {  	_ =	shalt  }
0x87: {  	_ =	shalt  }
.Lfunc_end0:
.L_simem_size_0:
called_computation.1_lowered:
.L_overlay_start_0:
0x88: {  	s2 =	sld [smem:$0x3FD9]  }
0x89: {  	s3 =	sld [smem:$0x3FFE];
	_ =	sdelay $0x1  }
0x8a: {  	s1 =	srdreg.scid  }
0x8b: {  	s0 =	sand.u32 $0x1, s1  }
0x8c: {  	s16 =	sshll.u32 s0, $0xA;
	s2 =	sadd.s32 s3, s2  }
0x8d: {  	s2 =	sadd.s32 s2, s16  }
0x8e: {  	[smem:$0x3FAF] =	sst s2  }
0x8f: {  	_ = 	snop  }
0x90: {  	(tm) =	ssettm $0x1  }
0x91: {  	s17 =	sld [smem:$0x3FFB];
	_ =	sdelay $0x3  }
0x92: {  	_ =	strace s17  }
0x93: {  	s2 =	sld [smem:$0x3FFC];
	_ =	sdelay $0x3  }
0x94: {  	_ =	strace s2  }
0x95: {  	s2 =	sld [smem:$0x3FFD];
	_ =	sdelay $0x3  }
0x96: {  	_ =	strace s2  }
0x97: {  	_ =	strace $0x8FFFFFFF  }
0x98: {  	s18 =	sld [smem:$0x3FDB];
	_ =	sdelay $0x1  }
0x99: {  	s19 =	simm.s32 $_scs_section_size  }
0x9a: {  	s4 =	simm.s32 $_size__tile_overlayer_lowered;
	s5 =	simm.s32 $_tile_overlayer_lowered  }
0x9b: {  	s22 =	simm.s32 $0x1BFF;
	s21 =	sshll.u32 s5, $0x1;
	s2 =	sadd.s32 s19, s18  }
0x9c: {  	s6 =	simm.s32 $0x0;
	s20 =	sshll.u32 s4, $0x1;
	s4 =	sadd.s32 s21, s2  }
0x9d: {  	[timem:s6], [sflag:s22] =	dma.local [hbm:s4], s20  }
0x9e: {  	_ =	swait.ge [sflag:s22], s20  }
0x9f: {  	s3 =	ssub.s32 $0x0, s20;
	[sflag:s22] =	ssyncset.done $0x0  }
0xa0: {  	[sflag:s22] =	ssyncadd.s32 s3;
	_ =	sdelay $0x1  }
0xa1: {  	s23 =	simm.s32 $0x1B8B  }
0xa2: {  	_ =	swait.ge [sflag:s23], $0x1  }
0xa3: {  	[sflag:s23] =	ssyncset.done $0x0  }
0xa4: {  	s25 =	simm.s32 $0x1B8E;
	s24 =	sld [smem:$0x3FFE];
	[sflag:s23] =	ssyncadd.s32 $0xFFFFFFFF  }
0xa5: {  	s26 =	simm.s32 $execute0_lowered;
	[smem:$0x3FD2] =	sst s25  }
0xa6: {  	s4 =	sshll.u32 s26, $0x1;
	_ =	strace $0x80000049;
	[dreg:$0x1] =	wrdreg $0xFFFFFFFF  }
0xa7: {  	s28 =	simm.s32 $_size_execute0_lowered;
	s2 =	sadd.s32 s2, s4;
	[dreg:$0x0] =	wrdreg $0x0  }
0xa8: {  	s4 =	sshll.u32 s28, $0x1;
	[dreg:$0x2] =	wrdreg s2  }
0xa9: {  	[dreg:$0x3] =	wrdreg s4  }
0xaa: {  	[dreg:$0x4] =	wrdreg $0xC0  }
0xab: {  	_ =	task [dreg:s6], $0x5FFFF  }
0xac: {  	[dreg:$0x1] =	wrdreg $0xFFFFFFFF  }
0xad: {  	[dreg:$0x0] =	wrdreg $0x60  }
0xae: {  	[dreg:$0x2] =	wrdreg s24  }
0xaf: {  	[dreg:$0x3] =	wrdreg $0x9  }
0xb0: {  	_ =	task.clear_ibuf [dreg:s6], $0x4FFFF;
	_ =	strace $0x90000049  }
0xb1: {  	s29 =	simm.s32 $0x9;
	_ =	strace $0x8000004B  }
0xb2: {  	_ =	swait.ge [sflag:s29], $0x1  }
0xb3: {  	[sflag:s29] =	ssyncadd.s32 $0xFFFFFFFF  }
0xb4: {  	_ =	strace $0x9000004B  }
0xb5: {  	_ =	sfence  }
0xb6: {  	s30 =	sld [smem:$0x0];
	_ =	sdelay $0x2  }
0xb7: {  	s31 =	sshll.u32 s1, $0xD;
	s1 =	sshrl.u32 s1, $0x2  }
0xb8: {  	s3 =	sand.u32 $0x4000, s31;
	s1 =	sadd.s32 s1, s30  }
0xb9: {  	s0 =	sor.u32 s3, s0;
	s1 =	sshll.u32 s1, $0x11  }
0xba: {  	s0 =	sor.u32 s1, s0  }
0xbb: {  	s0 =	sadd.s32 $0x8F2B, s0  }
0xbc: {  	[sflag:s0] =	ssyncadd.remote.s32 $0x1  }
0xbd: {  	_ =	sfence.sel $0xFFFF  }
0xbe: {  	[dreg:$0x0] =	wrdreg $0xFFFFFFFF;
	(pc) =	sbr.abs _section_cstart, $3  }
0xbf: {  	[dreg:$0x1] =	wrdreg $0xFFFFFFFF  }
0xc0: {  	_ =	task.clear_ibuf [dreg:s6], $0x2FFFF;
	_ =	strace $0x9FFFFFFF  }
0xc1: {  	(tm) =	ssettm $0x7FFFFFFF  }
tec
execute0_lowered:
.L_overlay_start_1:
0x0: {  	(tag) =	ssettag $0x1  }
0x1: {  	s0 =	rddreg [dreg:$0x0];
	s3 =	simm.s32 $0x0;
	s1 =	srdreg.scid  }
0x2: {  	s2 =	stileid.u32;
	s10 =	simm.s32 $0x3;
	s11 =	simm.s32 $0x5  }
0x3: {  	s12 =	simm.s32 $0x7D0;
	s13 =	simm.s32 $0x1770;
	s14 =	simm.s32 $0x600  }
0x4: {  	s15 =	simm.s32 $0x1F40;
	s16 =	simm.s32 $0x4910;
	s17 =	simm.s32 $0x2D30  }
0x5: {  	s18 =	simm.s32 $0xA910;
	s19 =	simm.s32 $0x1;
	s20 =	simm.s32 $0x2  }
0x6: {  	s21 =	simm.s32 $0x4;
	s1 =	sand.u32 $0x1, s1;
	s2 =	sshll.u32 s2, $0x1  }
0x7: {  	[smem:$0x7FF] =	sst s3;
	s3 =	sadd.s32 $0xC3A600, s0;
	s2 =	sor.u32 s1, s2  }
0x8: {  	s4 =	sadd.s32 $0x61FE00, s0;
	s1 =	ssub.s32 $0x2, s1;
	s6 =	smul.u32 $0x1870, s2  }
0x9: {  	s5 =	sadd.s32 $0xC6B400, s0;
	_ =	strace $0x8000004A;
	s7 =	sshrl.u32 s1, $0x1  }
0xa: {  	s1 =	ssub.s32 s1, s7;
	s6 =	sadd.s32 s6, s0;
	s0 =	sadd.s32 $0xCCCE80, s0  }
0xb: {  	s2 =	smul.u32 $0xC38, s2;
	s31 =	smax.u32 s1, $0x1;
	[dreg:$0x2] =	wrdreg s0  }
0xc: {  	s22 =	simm.s32 $0x6;
	s30 =	sadd.s32 $0xD2EA00, s6;
	[dreg:$0x4] =	wrdreg s31  }
0xd: {  	v1 =	vimm.f32 $-3.402823470e+38;
	v2 =	vlaneseq.u32;
	s25 =	simm.s32 $0x0;
	s26 =	simm.s32 $0x0;
	v0 =	vmov s2;
	[dreg:$0x3] =	wrdreg s30  }
.LBB2_1:
0xe: {  	s0 =	simm.s32 $0x40;
	s1 =	simm.s32 $0x0  }
.LBB2_2:
0xf: {  	p0 =	sne.s32 s0, $0x30E00;
	[tilespmem:s1+$0x10910] =	vst v1;
	s1 =	smov.u32 s0;
	s0 =	sadd.s32 $0x40, s0  }
.Ltmp0:
0x10: {  	(pc) =	sbr.rel @p0 .LBB2_2-.Ltmp0, $2  }
0x11: {  	_ =	sdelay $0x2  }
0x12: {  	s1 =	sshra.s32 s1, $0x2  }
.Ltmp1:
0x13: {  	(pc) =	sbr.rel .LBB2_4-.Ltmp1, $4  }
0x14: {  	[tilespmem:s1+$0x10910] =	vst v1;
	s0 =	rddreg [dreg:$0x2];
	s31 =	simm.s32 $0xFA0  }
0x15: {  	[tilespmem:s26], [sflag:$0x3] =	stream.linear.gather [hbm4b:s0+s26], $0x7D0, $0x38;
	[tilespmem:$0x1CCA0] =	vst v63  }
0x16: {  	s28 =	simm.s32 $0x0;
	s2 =	simm.s32 $0x0;
	s29 =	simm.s32 $0x0  }
0x17: {  	[tilespmem:s31], [sflag:$0x5] =	stream.linear.gather [hbm4b:s5+s26], $0x7D0, $0x38;
	[tilespmem:$0x1CCA0] =	vst v63  }
.LBB2_33:
0x18: {  	s29 =	sadd.s32 $0x1, s29  }
0x19: {  	p0 =	seq.s32 s29, $0x320  }
.Ltmp2:
0x1a: {  	_ = 	snop;
	(pc) =	sbr.rel @p0 .LBB2_34-.Ltmp2, $2  }
0x1b: {  	_ =	sdelay $0x2  }
0x1c: {  	s28 =	sadd.s32 $0xFA0, s28  }
.LBB2_4:
0x1d: {  	_ =	swait.ge [sflag:s10], $0x7D0  }
0x1e: {  	s30 =	smul.u32 $0xFA0, s29;
	[sflag:s10] =	ssyncset.done $0x0  }
0x1f: {  	[sflag:s10] =	ssyncadd.s32 $0xFFFFF830  }
0x20: {  	s0 =	sshrl.u32 s30, $0x3;
	_ =	swait.ge [sflag:s11], $0x7D0  }
0x21: {  	s0 =	sadd.s32 s5, s0;
	[sflag:s11] =	ssyncset.done $0x0  }
0x22: {  	s1 =	sadd.s32 $0x61B7A, s0;
	[sflag:s11] =	ssyncadd.s32 $0xFFFFF830  }
0x23: {  	[tilespmem:s12], [sflag:$0x4] =	stream.linear.gather [hbm4b:s1+s26], $0x7D0, $0x38;
	[tilespmem:$0x1CCA0] =	vst v63  }
0x24: {  	s0 =	sadd.s32 $0xFA, s0;
	s1 =	simm.s32 $0x20  }
0x25: {  	[tilespmem:s13], [sflag:$0x6] =	stream.linear.gather [hbm4b:s0+s26], $0x7D0, $0x38;
	[tilespmem:$0x1CCA0] =	vst v63  }
0x26: {  	v3 =	vld [tilespmem:s1+$0xFFFFFFE0];
	_ =	sdelay $0x4  }
0x27: {  	v3 =	vsub.s32 v3, v0  }
0x28: {  	vm0 =	vlt.u32 v3, $0xC38  }
0x29: {  	s0 =	simm.s32 $0xFC0;
	v4 =	vmpcnt.ones.xlane vm0  }
0x2a: {  	v5 =	vld [tilespmem:s0+$0xFFFFFFE0]  }
0x2b: {  	(v2sf) =	vpush v4, $0x0;
	_ =	sdelay $0x2  }
0x2c: {  	s7 =	sadd.s32 $0x0, s28;
	[tilespmem:s2+$0x3B20] =	vst.msk vm0, v3  }
0x2d: {  	v3 =	vor.u32 s7, v2;
	[tilespmem:s2+$0x2D30] =	vst.msk vm0, v5  }
0x2e: {  	[tilespmem:s2+$0x1F40] =	vst.msk vm0, v3  }
0x2f: {  	v3 =	vld [tilespmem:s1+$0xFFFFFFF0];
	_ =	sdelay $0x4  }
0x30: {  	v3 =	vsub.s32 v3, v0  }
0x31: {  	vm0 =	vlt.u32 v3, $0xC38  }
0x32: {  	v4 =	vld [tilespmem:s0+$0xFFFFFFF0];
	v5 =	vmpcnt.ones.xlane vm0;
	_ =	sdelay $0x1  }
0x33: {  	s6 =	spop (v2sf);
	(v2sf) =	vpush v5, $0x0  }
0x34: {  	s23 =	sadd.s32 s2, s6  }
0x35: {  	s24 =	sadd.s32 $0x10, s7;
	[tilespmem:s23+$0x3B20] =	vst.msk vm0, v3  }
0x36: {  	v3 =	vor.u32 s24, v2;
	[tilespmem:s23+$0x2D30] =	vst.msk vm0, v4  }
0x37: {  	[tilespmem:s23+$0x1F40] =	vst.msk vm0, v3  }
0x38: {  	v3 =	vld [tilespmem:s1+$0x0];
	_ =	sdelay $0x4  }
0x39: {  	v3 =	vsub.s32 v3, v0  }
0x3a: {  	vm0 =	vlt.u32 v3, $0xC38  }
0x3b: {  	v4 =	vmpcnt.ones.xlane vm0  }
0x3c: {  	v5 =	vld [tilespmem:s0+$0x0]  }
0x3d: {  	(v2sf) =	vpush v4, $0x0  }
0x3e: {  	s31 =	spop (v2sf)  }
0x3f: {  	s2 =	sadd.s32 s23, s31  }
0x40: {  	s8 =	sadd.s32 $0x20, s7;
	[tilespmem:s2+$0x3B20] =	vst.msk vm0, v3  }
0x41: {  	v3 =	vor.u32 s8, v2;
	[tilespmem:s2+$0x2D30] =	vst.msk vm0, v5  }
0x42: {  	[tilespmem:s2+$0x1F40] =	vst.msk vm0, v3  }
0x43: {  	v3 =	vld [tilespmem:s1+$0x10];
	_ =	sdelay $0x4  }
0x44: {  	v3 =	vsub.s32 v3, v0  }
0x45: {  	vm0 =	vlt.u32 v3, $0xC38  }
0x46: {  	v4 =	vld [tilespmem:s0+$0x10];
	v5 =	vmpcnt.ones.xlane vm0;
	_ =	sdelay $0x1  }
0x47: {  	s9 =	spop (v2sf);
	(v2sf) =	vpush v5, $0x0  }
0x48: {  	s2 =	sadd.s32 s2, s9  }
0x49: {  	s23 =	sadd.s32 $0x30, s7;
	[tilespmem:s2+$0x3B20] =	vst.msk vm0, v3  }
0x4a: {  	v3 =	vor.u32 s23, v2;
	[tilespmem:s2+$0x2D30] =	vst.msk vm0, v4  }
0x4b: {  	[tilespmem:s2+$0x1F40] =	vst.msk vm0, v3  }
0x4c: {  	v3 =	vld [tilespmem:s1+$0x20];
	_ =	sdelay $0x4  }
0x4d: {  	v3 =	vsub.s32 v3, v0  }
0x4e: {  	vm0 =	vlt.u32 v3, $0xC38  }
0x4f: {  	v4 =	vmpcnt.ones.xlane vm0  }
0x50: {  	v5 =	vld [tilespmem:s0+$0x20]  }
0x51: {  	(v2sf) =	vpush v4, $0x0  }
0x52: {  	s24 =	spop (v2sf)  }
0x53: {  	s6 =	sadd.s32 s2, s24  }
0x54: {  	s31 =	sadd.s32 $0x40, s7;
	[tilespmem:s6+$0x3B20] =	vst.msk vm0, v3  }
0x55: {  	v3 =	vor.u32 s31, v2;
	[tilespmem:s6+$0x2D30] =	vst.msk vm0, v5  }
0x56: {  	s1 =	simm.s32 $0x70;
	[tilespmem:s6+$0x1F40] =	vst.msk vm0, v3  }
0x57: {  	v3 =	vld [tilespmem:s1+$0xFFFFFFE0];
	_ =	sdelay $0x4  }
0x58: {  	v3 =	vsub.s32 v3, v0  }
0x59: {  	vm0 =	vlt.u32 v3, $0xC38  }
0x5a: {  	v5 =	vmpcnt.ones.xlane vm0  }
0x5b: {  	s0 =	simm.s32 $0x1010  }
0x5c: {  	s9 =	simm.s32 $0xA0;
	s2 =	simm.s32 $0x50;
	v4 =	vld [tilespmem:s0+$0xFFFFFFE0];
	(v2sf) =	vpush v5, $0x0;
	s7 =	spop (v2sf)  }
.LBB2_5:
0x5d: {  	p0 =	seq.s32 s9, $0x780  }
0x5e: {  	s6 =	sadd.s32 s6, s7;
	s7 =	smov.u32 s9;
	s9 =	sadd.s32 $0x50, s9  }
0x5f: {  	_ = 	snop  }
0x60: {  	s8 =	sadd.s32 s2, s28;
	s2 =	smov.u32 s7;
	[tilespmem:s6+$0x3B20] =	vst.msk vm0, v3  }
0x61: {  	s7 =	sadd.s32 $0x10, s8;
	s24 =	sadd.s32 $0x20, s8;
	s31 =	sadd.s32 $0x30, s8;
	v3 =	vor.u32 s8, v2;
	[tilespmem:s6+$0x2D30] =	vst.msk vm0, v4  }
0x62: {  	s23 =	sadd.s32 $0x40, s8;
	[tilespmem:s6+$0x1F40] =	vst.msk vm0, v3  }
0x63: {  	v3 =	vld [tilespmem:s1+$0xFFFFFFF0];
	_ =	sdelay $0x4  }
0x64: {  	v3 =	vsub.s32 v3, v0  }
0x65: {  	vm0 =	vlt.u32 v3, $0xC38  }
0x66: {  	v4 =	vld [tilespmem:s0+$0xFFFFFFF0];
	v5 =	vmpcnt.ones.xlane vm0;
	_ =	sdelay $0x1  }
0x67: {  	s8 =	spop (v2sf);
	(v2sf) =	vpush v5, $0x0  }
0x68: {  	s6 =	sadd.s32 s6, s8  }
0x69: {  	[tilespmem:s6+$0x3B20] =	vst.msk vm0, v3  }
0x6a: {  	v3 =	vor.u32 s7, v2;
	[tilespmem:s6+$0x2D30] =	vst.msk vm0, v4  }
0x6b: {  	[tilespmem:s6+$0x1F40] =	vst.msk vm0, v3  }
0x6c: {  	v3 =	vld [tilespmem:s1+$0x0];
	_ =	sdelay $0x4  }
0x6d: {  	v3 =	vsub.s32 v3, v0  }
0x6e: {  	vm0 =	vlt.u32 v3, $0xC38  }
0x6f: {  	v4 =	vmpcnt.ones.xlane vm0  }
0x70: {  	v5 =	vld [tilespmem:s0+$0x0]  }
0x71: {  	(v2sf) =	vpush v4, $0x0  }
0x72: {  	s7 =	spop (v2sf)  }
0x73: {  	s6 =	sadd.s32 s6, s7  }
0x74: {  	[tilespmem:s6+$0x3B20] =	vst.msk vm0, v3  }
0x75: {  	v3 =	vor.u32 s24, v2;
	[tilespmem:s6+$0x2D30] =	vst.msk vm0, v5  }
0x76: {  	[tilespmem:s6+$0x1F40] =	vst.msk vm0, v3  }
0x77: {  	v3 =	vld [tilespmem:s1+$0x10]  }
0x78: {  	v4 =	vld [tilespmem:s0+$0x10];
	_ =	sdelay $0x3  }
0x79: {  	v3 =	vsub.s32 v3, v0  }
0x7a: {  	vm0 =	vlt.u32 v3, $0xC38  }
0x7b: {  	v5 =	vmpcnt.ones.xlane vm0;
	_ =	sdelay $0x1  }
0x7c: {  	s7 =	spop (v2sf);
	(v2sf) =	vpush v5, $0x0  }
0x7d: {  	s6 =	sadd.s32 s6, s7  }
0x7e: {  	[tilespmem:s6+$0x3B20] =	vst.msk vm0, v3  }
0x7f: {  	v3 =	vor.u32 s31, v2;
	[tilespmem:s6+$0x2D30] =	vst.msk vm0, v4  }
0x80: {  	[tilespmem:s6+$0x1F40] =	vst.msk vm0, v3  }
0x81: {  	v3 =	vld [tilespmem:s1+$0x20]  }
0x82: {  	v4 =	vld [tilespmem:s0+$0x20];
	_ =	sdelay $0x3  }
0x83: {  	v3 =	vsub.s32 v3, v0  }
0x84: {  	vm0 =	vlt.u32 v3, $0xC38  }
0x85: {  	v5 =	vmpcnt.ones.xlane vm0;
	_ =	sdelay $0x1  }
0x86: {  	(v2sf) =	vpush v5, $0x0  }
0x87: {  	s7 =	spop (v2sf)  }
0x88: {  	s6 =	sadd.s32 s6, s7  }
0x89: {  	[tilespmem:s6+$0x3B20] =	vst.msk vm0, v3  }
0x8a: {  	v3 =	vor.u32 s23, v2;
	[tilespmem:s6+$0x2D30] =	vst.msk vm0, v4  }
0x8b: {  	s1 =	sadd.s32 $0x50, s1;
	[tilespmem:s6+$0x1F40] =	vst.msk vm0, v3  }
0x8c: {  	v3 =	vld [tilespmem:s1+$0xFFFFFFE0];
	_ =	sdelay $0x4  }
.Ltmp3:
0x8d: {  	v3 =	vsub.s32 v3, v0;
	(pc) =	sbr.rel @!p0 .LBB2_5-.Ltmp3, $4  }
0x8e: {  	vm0 =	vlt.u32 v3, $0xC38  }
0x8f: {  	s0 =	sadd.s32 $0x50, s0;
	v5 =	vmpcnt.ones.xlane vm0  }
0x90: {  	v4 =	vld [tilespmem:s0+$0xFFFFFFE0]  }
0x91: {  	(v2sf) =	vpush v5, $0x0;
	s7 =	spop (v2sf)  }
0x92: {  	_ =	sdelay $0x4  }
0x93: {  	s9 =	sadd.s32 s6, s7  }
0x94: {  	s2 =	sadd.s32 s2, s28;
	[tilespmem:s9+$0x3B20] =	vst.msk vm0, v3  }
0x95: {  	v3 =	vor.u32 s2, v2;
	[tilespmem:s9+$0x2D30] =	vst.msk vm0, v4  }
0x96: {  	[tilespmem:s9+$0x1F40] =	vst.msk vm0, v3  }
0x97: {  	v3 =	vld [tilespmem:s1+$0xFFFFFFF0];
	_ =	sdelay $0x2  }
0x98: {  	v4 =	vld [tilespmem:s0+$0xFFFFFFF0];
	_ =	sdelay $0x1  }
0x99: {  	v3 =	vsub.s32 v3, v0;
	s6 =	spop (v2sf)  }
0x9a: {  	vm12 =	vlt.u32 v3, $0xC38;
	s8 =	sadd.s32 s9, s6  }
0x9b: {  	s23 =	sadd.s32 $0x10, s2;
	v5 =	vmpcnt.ones.xlane vm12;
	[tilespmem:s8+$0x3B20] =	vst.msk vm12, v3  }
0x9c: {  	v3 =	vor.u32 s23, v2;
	[tilespmem:s8+$0x2D30] =	vst.msk vm12, v4  }
0x9d: {  	(v2sf) =	vpush v5, $0x0;
	[tilespmem:s8+$0x1F40] =	vst.msk vm12, v3  }
0x9e: {  	v3 =	vld [tilespmem:s1+$0x0];
	_ =	sdelay $0x4  }
0x9f: {  	v3 =	vsub.s32 v3, v0  }
0xa0: {  	vm13 =	vlt.u32 v3, $0xC38  }
0xa1: {  	v59 =	vmpcnt.ones.xlane vm13;
	_ =	sdelay $0x1  }
0xa2: {  	(v2sf) =	vpush v59, $0x0;
	_ =	sdelay $0x2  }
0xa3: {  	v60 =	vld [tilespmem:s0+$0x0];
	_ =	sdelay $0x1  }
0xa4: {  	s7 =	spop (v2sf)  }
0xa5: {  	s23 =	sadd.s32 s8, s7  }
0xa6: {  	s24 =	sadd.s32 $0x20, s2;
	[tilespmem:s23+$0x3B20] =	vst.msk vm13, v3  }
0xa7: {  	v3 =	vor.u32 s24, v2;
	[tilespmem:s23+$0x2D30] =	vst.msk vm13, v60  }
0xa8: {  	[tilespmem:s23+$0x1F40] =	vst.msk vm13, v3  }
0xa9: {  	v3 =	vld [tilespmem:s1+$0x10];
	_ =	sdelay $0x2  }
0xaa: {  	v4 =	vld [tilespmem:s0+$0x10];
	_ =	sdelay $0x1  }
0xab: {  	v3 =	vsub.s32 v3, v0;
	s8 =	spop (v2sf)  }
0xac: {  	vm14 =	vlt.u32 v3, $0xC38;
	s23 =	sadd.s32 s23, s8  }
0xad: {  	s24 =	sadd.s32 $0x30, s2;
	[tilespmem:s23+$0x3B20] =	vst.msk vm14, v3  }
0xae: {  	v3 =	vor.u32 s24, v2;
	[tilespmem:s23+$0x2D30] =	vst.msk vm14, v4  }
0xaf: {  	[tilespmem:s23+$0x1F40] =	vst.msk vm14, v3  }
0xb0: {  	v3 =	vld [tilespmem:s1+$0x20];
	_ =	sdelay $0x4  }
0xb1: {  	v3 =	vsub.s32 v3, v0  }
0xb2: {  	v61 =	vmpcnt.ones.xlane vm14;
	vm15 =	vlt.u32 v3, $0xC38  }
0xb3: {  	v62 =	vmpcnt.ones.xlane vm15  }
0xb4: {  	(v2sf) =	vpush v61, $0x0  }
0xb5: {  	(v2sf) =	vpush v62, $0x0;
	_ =	sdelay $0xd  }
0xb6: {  	v63 =	vld [tilespmem:s0+$0x20];
	s0 =	spop (v2sf)  }
0xb7: {  	s23 =	sadd.s32 s23, s0;
	s1 =	spop (v2sf)  }
0xb8: {  	s31 =	sadd.s32 $0x40, s2;
	s2 =	sadd.s32 s23, s1  }
0xb9: {  	p0 =	slt.s32 s2, $0x600  }
.Ltmp4:
0xba: {  	_ = 	snop;
	(pc) =	sbr.rel @p0 .LBB2_20-.Ltmp4, $4  }
0xbb: {  	_ = 	snop  }
0xbc: {  	[tilespmem:s23+$0x3B20] =	vst.msk vm15, v3  }
0xbd: {  	v3 =	vor.u32 s31, v2;
	[tilespmem:s23+$0x2D30] =	vst.msk vm15, v63  }
0xbe: {  	[tilespmem:s23+$0x1F40] =	vst.msk vm15, v3  }
0xbf: {  	s6 =	sadd.s32 s7, s6  }
0xc0: {  	s6 =	sadd.s32 s8, s6  }
0xc1: {  	s0 =	sadd.s32 s0, s6  }
0xc2: {  	s0 =	sadd.s32 s1, s0  }
0xc3: {  	s0 =	sadd.s32 s9, s0  }
0xc4: {  	s31 =	sadd.s32 $0xFFFFFA0F, s0  }
.LBB2_9:
0xc5: {  	[tilespmem:s16], [sflag:$0x1] =	stream.indirect.gather [hbm4b:s4+s14], $0x10, s15, s14, $0xb8;
	[tilespmem:$0x1CCA0] =	vst v63  }
0xc6: {  	_ = 	snop  }
0xc7: {  	[tilespmem:s18], [sflag:$0x2] =	stream.indirect.gather [hbm4b:s3+s14], $0x10, s17, s14, $0xb8;
	[tilespmem:$0x1CCA0] =	vst v63  }
0xc8: {  	_ =	swait.ge [sflag:s19], $0x6000  }
0xc9: {  	[sflag:s19] =	ssyncset.done $0x0  }
0xca: {  	[sflag:s19] =	ssyncadd.s32 $0xFFFFA000  }
0xcb: {  	_ =	swait.ge [sflag:s20], $0x6000  }
0xcc: {  	[sflag:s20] =	ssyncset.done $0x0  }
0xcd: {  	s0 =	simm.s32 $0x3B20;
	[sflag:s20] =	ssyncadd.s32 $0xFFFFA000  }
0xce: {  	v3 =	vld [tilespmem:s0+$0x0];
	_ =	sdelay $0x4  }
0xcf: {  	v3 =	vshll.u32 v3, $0x6  }
0xd0: {  	v3 =	vshra.s32 v3, $0x2  }
0xd1: {  	v5 =	vadd.s32 $0x10910, v3  }
0xd2: {  	(v2sf) =	vpush v5, $0x0;
	_ =	sdelay $0x9  }
0xd3: {  	(v2sf) =	vpush v5, $0x1;
	_ =	sdelay $0x1  }
0xd4: {  	s9 =	simm.s32 $0x0  }
0xd5: {  	v4 =	vld [tilespmem:s9+$0xA910]  }
0xd6: {  	v3 =	vld [tilespmem:s9+$0x4910]  }
0xd7: {  	s1 =	spop (v2sf)  }
0xd8: {  	v6 =	vld [tilespmem:s1+$0x0];
	_ =	sdelay $0x2  }
0xd9: {  	v3 =	vadd.f32 v3, v4  }
0xda: {  	(v2sf) =	vpush v5, $0x2  }
0xdb: {  	v3 =	vmax.f32 v6, v3  }
0xdc: {  	[tilespmem:s1+$0x0] =	vst v3  }
0xdd: {  	v3 =	vld [tilespmem:s9+$0xA920]  }
0xde: {  	v4 =	vld [tilespmem:s9+$0x4920]  }
0xdf: {  	s8 =	spop (v2sf)  }
0xe0: {  	v6 =	vld [tilespmem:s8+$0x0];
	_ =	sdelay $0x2  }
0xe1: {  	v3 =	vadd.f32 v4, v3  }
0xe2: {  	(v2sf) =	vpush v5, $0x3  }
0xe3: {  	v3 =	vmax.f32 v6, v3  }
0xe4: {  	[tilespmem:s8+$0x0] =	vst v3  }
0xe5: {  	v3 =	vld [tilespmem:s9+$0xA930]  }
0xe6: {  	v4 =	vld [tilespmem:s9+$0x4930]  }
0xe7: {  	s23 =	spop (v2sf)  }
0xe8: {  	v6 =	vld [tilespmem:s23+$0x0];
	_ =	sdelay $0x2  }
0xe9: {  	v3 =	vadd.f32 v4, v3  }
0xea: {  	(v2sf) =	vpush v5, $0x4  }
0xeb: {  	v3 =	vmax.f32 v6, v3  }
0xec: {  	[tilespmem:s23+$0x0] =	vst v3  }
0xed: {  	v3 =	vld [tilespmem:s9+$0xA940]  }
0xee: {  	v4 =	vld [tilespmem:s9+$0x4940]  }
0xef: {  	s24 =	spop (v2sf)  }
0xf0: {  	v6 =	vld [tilespmem:s24+$0x0];
	_ =	sdelay $0x2  }
0xf1: {  	v3 =	vadd.f32 v4, v3  }
0xf2: {  	(v2sf) =	vpush v5, $0x5  }
0xf3: {  	v3 =	vmax.f32 v6, v3  }
0xf4: {  	[tilespmem:s24+$0x0] =	vst v3  }
0xf5: {  	v3 =	vld [tilespmem:s9+$0xA950]  }
0xf6: {  	v4 =	vld [tilespmem:s9+$0x4950]  }
0xf7: {  	s6 =	spop (v2sf)  }
0xf8: {  	v6 =	vld [tilespmem:s6+$0x0];
	_ =	sdelay $0x2  }
0xf9: {  	v3 =	vadd.f32 v4, v3  }
0xfa: {  	(v2sf) =	vpush v5, $0x6  }
0xfb: {  	v3 =	vmax.f32 v6, v3  }
0xfc: {  	[tilespmem:s6+$0x0] =	vst v3  }
0xfd: {  	v3 =	vld [tilespmem:s9+$0xA960]  }
0xfe: {  	v4 =	vld [tilespmem:s9+$0x4960]  }
0xff: {  	s7 =	spop (v2sf)  }
0x100: {  	v6 =	vld [tilespmem:s7+$0x0];
	_ =	sdelay $0x2  }
0x101: {  	v3 =	vadd.f32 v4, v3  }
0x102: {  	(v2sf) =	vpush v5, $0x7  }
0x103: {  	v3 =	vmax.f32 v6, v3  }
0x104: {  	[tilespmem:s7+$0x0] =	vst v3  }
0x105: {  	v3 =	vld [tilespmem:s9+$0xA970]  }
0x106: {  	v4 =	vld [tilespmem:s9+$0x4970]  }
0x107: {  	s8 =	spop (v2sf)  }
0x108: {  	v6 =	vld [tilespmem:s8+$0x0];
	_ =	sdelay $0x2  }
0x109: {  	v3 =	vadd.f32 v4, v3  }
0x10a: {  	(v2sf) =	vpush v5, $0x8  }
0x10b: {  	v3 =	vmax.f32 v6, v3  }
0x10c: {  	[tilespmem:s8+$0x0] =	vst v3  }
0x10d: {  	v3 =	vld [tilespmem:s9+$0xA980]  }
0x10e: {  	v4 =	vld [tilespmem:s9+$0x4980]  }
0x10f: {  	s23 =	spop (v2sf)  }
0x110: {  	v6 =	vld [tilespmem:s23+$0x0];
	_ =	sdelay $0x2  }
0x111: {  	v3 =	vadd.f32 v4, v3  }
0x112: {  	(v2sf) =	vpush v5, $0x9  }
0x113: {  	v3 =	vmax.f32 v6, v3  }
0x114: {  	[tilespmem:s23+$0x0] =	vst v3  }
0x115: {  	v3 =	vld [tilespmem:s9+$0xA990]  }
0x116: {  	v4 =	vld [tilespmem:s9+$0x4990]  }
0x117: {  	s24 =	spop (v2sf)  }
0x118: {  	v6 =	vld [tilespmem:s24+$0x0];
	_ =	sdelay $0x2  }
0x119: {  	v3 =	vadd.f32 v4, v3  }
0x11a: {  	(v2sf) =	vpush v5, $0xA  }
0x11b: {  	v3 =	vmax.f32 v6, v3  }
0x11c: {  	[tilespmem:s24+$0x0] =	vst v3  }
0x11d: {  	v3 =	vld [tilespmem:s9+$0xA9A0]  }
0x11e: {  	v4 =	vld [tilespmem:s9+$0x49A0]  }
0x11f: {  	s6 =	spop (v2sf)  }
0x120: {  	v6 =	vld [tilespmem:s6+$0x0];
	_ =	sdelay $0x2  }
0x121: {  	v3 =	vadd.f32 v4, v3  }
0x122: {  	(v2sf) =	vpush v5, $0xB  }
0x123: {  	v3 =	vmax.f32 v6, v3  }
0x124: {  	[tilespmem:s6+$0x0] =	vst v3  }
0x125: {  	v3 =	vld [tilespmem:s9+$0xA9B0]  }
0x126: {  	v4 =	vld [tilespmem:s9+$0x49B0]  }
0x127: {  	s7 =	spop (v2sf)  }
0x128: {  	v6 =	vld [tilespmem:s7+$0x0];
	_ =	sdelay $0x2  }
0x129: {  	v3 =	vadd.f32 v4, v3  }
0x12a: {  	(v2sf) =	vpush v5, $0xC  }
0x12b: {  	v3 =	vmax.f32 v6, v3  }
0x12c: {  	[tilespmem:s7+$0x0] =	vst v3  }
0x12d: {  	v3 =	vld [tilespmem:s9+$0xA9C0]  }
0x12e: {  	v4 =	vld [tilespmem:s9+$0x49C0]  }
0x12f: {  	s8 =	spop (v2sf)  }
0x130: {  	v6 =	vld [tilespmem:s8+$0x0];
	_ =	sdelay $0x2  }
0x131: {  	v3 =	vadd.f32 v4, v3  }
0x132: {  	(v2sf) =	vpush v5, $0xD  }
0x133: {  	v3 =	vmax.f32 v6, v3  }
0x134: {  	[tilespmem:s8+$0x0] =	vst v3  }
0x135: {  	v3 =	vld [tilespmem:s9+$0xA9D0]  }
0x136: {  	v4 =	vld [tilespmem:s9+$0x49D0]  }
0x137: {  	s23 =	spop (v2sf);
	(v2sf) =	vpush v5, $0xE  }
0x138: {  	v6 =	vld [tilespmem:s23+$0x0];
	_ =	sdelay $0x2  }
0x139: {  	v3 =	vadd.f32 v4, v3;
	_ =	sdelay $0x1  }
0x13a: {  	v3 =	vmax.f32 v6, v3  }
0x13b: {  	[tilespmem:s23+$0x0] =	vst v3  }
0x13c: {  	v3 =	vld [tilespmem:s9+$0xA9E0]  }
0x13d: {  	v4 =	vld [tilespmem:s9+$0x49E0]  }
0x13e: {  	s24 =	spop (v2sf)  }
0x13f: {  	v6 =	vld [tilespmem:s24+$0x0];
	_ =	sdelay $0x2  }
0x140: {  	v3 =	vadd.f32 v4, v3  }
0x141: {  	s6 =	spop (v2sf);
	(v2sf) =	vpush v5, $0xF  }
0x142: {  	v3 =	vmax.f32 v6, v3  }
0x143: {  	[tilespmem:s24+$0x0] =	vst v3  }
0x144: {  	v3 =	vld [tilespmem:s9+$0xA9F0]  }
0x145: {  	v4 =	vld [tilespmem:s9+$0x49F0]  }
0x146: {  	s1 =	smov.u32 s2;
	s2 =	simm.s32 $0x400;
	s23 =	sshrl.u32 s31, $0x4;
	v5 =	vld [tilespmem:s6+$0x0]  }
.LBB2_10:
0x147: {  	p0 =	sne.s32 s2, $0x17C00  }
0x148: {  	s0 =	sadd.s32 $0x10, s0;
	s7 =	smov.u32 s2;
	s2 =	sadd.s32 $0x400, s2  }
0x149: {  	_ =	sdelay $0x1  }
0x14a: {  	v3 =	vadd.f32 v4, v3;
	_ =	sdelay $0x1  }
0x14b: {  	v3 =	vmax.f32 v5, v3  }
0x14c: {  	[tilespmem:s6+$0x0] =	vst v3  }
0x14d: {  	v3 =	vld [tilespmem:s9+$0xAA00]  }
0x14e: {  	v4 =	vld [tilespmem:s9+$0x4A00];
	s6 =	spop (v2sf)  }
0x14f: {  	v5 =	vld [tilespmem:s6+$0x0];
	_ =	sdelay $0x3  }
0x150: {  	v3 =	vadd.f32 v4, v3;
	_ =	sdelay $0x1  }
0x151: {  	v3 =	vmax.f32 v5, v3  }
0x152: {  	[tilespmem:s6+$0x0] =	vst v3  }
0x153: {  	v3 =	vld [tilespmem:s0+$0x0];
	_ =	sdelay $0x4  }
0x154: {  	v3 =	vshll.u32 v3, $0x6  }
0x155: {  	v3 =	vshra.s32 v3, $0x2  }
0x156: {  	v3 =	vadd.s32 $0x10910, v3  }
0x157: {  	(v2sf) =	vpush v3, $0x0;
	_ =	sdelay $0x8  }
0x158: {  	(v2sf) =	vpush v3, $0x1;
	_ =	sdelay $0x2  }
0x159: {  	s9 =	sshra.s32 s7, $0x2  }
0x15a: {  	v4 =	vld [tilespmem:s9+$0x4910]  }
0x15b: {  	v5 =	vld [tilespmem:s9+$0xA910]  }
0x15c: {  	s6 =	spop (v2sf)  }
0x15d: {  	v6 =	vld [tilespmem:s6+$0x0];
	_ =	sdelay $0x2  }
0x15e: {  	v4 =	vadd.f32 v4, v5  }
0x15f: {  	(v2sf) =	vpush v3, $0x2  }
0x160: {  	v4 =	vmax.f32 v6, v4  }
0x161: {  	[tilespmem:s6+$0x0] =	vst v4  }
0x162: {  	v4 =	vld [tilespmem:s9+$0xA920]  }
0x163: {  	v5 =	vld [tilespmem:s9+$0x4920];
	s6 =	spop (v2sf)  }
0x164: {  	v6 =	vld [tilespmem:s6+$0x0];
	_ =	sdelay $0x3  }
0x165: {  	v4 =	vadd.f32 v5, v4  }
0x166: {  	(v2sf) =	vpush v3, $0x3  }
0x167: {  	v4 =	vmax.f32 v6, v4  }
0x168: {  	[tilespmem:s6+$0x0] =	vst v4  }
0x169: {  	v4 =	vld [tilespmem:s9+$0xA930]  }
0x16a: {  	v5 =	vld [tilespmem:s9+$0x4930]  }
0x16b: {  	s6 =	spop (v2sf)  }
0x16c: {  	v6 =	vld [tilespmem:s6+$0x0];
	_ =	sdelay $0x2  }
0x16d: {  	v4 =	vadd.f32 v5, v4  }
0x16e: {  	(v2sf) =	vpush v3, $0x4  }
0x16f: {  	v4 =	vmax.f32 v6, v4  }
0x170: {  	[tilespmem:s6+$0x0] =	vst v4  }
0x171: {  	v4 =	vld [tilespmem:s9+$0xA940]  }
0x172: {  	v5 =	vld [tilespmem:s9+$0x4940]  }
0x173: {  	s6 =	spop (v2sf)  }
0x174: {  	v6 =	vld [tilespmem:s6+$0x0];
	_ =	sdelay $0x2  }
0x175: {  	v4 =	vadd.f32 v5, v4  }
0x176: {  	(v2sf) =	vpush v3, $0x5  }
0x177: {  	v4 =	vmax.f32 v6, v4  }
0x178: {  	[tilespmem:s6+$0x0] =	vst v4  }
0x179: {  	v4 =	vld [tilespmem:s9+$0xA950]  }
0x17a: {  	v5 =	vld [tilespmem:s9+$0x4950]  }
0x17b: {  	s6 =	spop (v2sf)  }
0x17c: {  	v6 =	vld [tilespmem:s6+$0x0];
	_ =	sdelay $0x2  }
0x17d: {  	v4 =	vadd.f32 v5, v4  }
0x17e: {  	(v2sf) =	vpush v3, $0x6  }
0x17f: {  	v4 =	vmax.f32 v6, v4  }
0x180: {  	[tilespmem:s6+$0x0] =	vst v4  }
0x181: {  	v4 =	vld [tilespmem:s9+$0xA960]  }
0x182: {  	v5 =	vld [tilespmem:s9+$0x4960]  }
0x183: {  	s6 =	spop (v2sf)  }
0x184: {  	v6 =	vld [tilespmem:s6+$0x0];
	_ =	sdelay $0x2  }
0x185: {  	v4 =	vadd.f32 v5, v4;
	(v2sf) =	vpush v3, $0x7;
	_ =	sdelay $0x1  }
0x186: {  	v4 =	vmax.f32 v6, v4  }
0x187: {  	[tilespmem:s6+$0x0] =	vst v4  }
0x188: {  	v4 =	vld [tilespmem:s9+$0xA970]  }
0x189: {  	v5 =	vld [tilespmem:s9+$0x4970]  }
0x18a: {  	s6 =	spop (v2sf)  }
0x18b: {  	v6 =	vld [tilespmem:s6+$0x0];
	_ =	sdelay $0x2  }
0x18c: {  	v4 =	vadd.f32 v5, v4  }
0x18d: {  	(v2sf) =	vpush v3, $0x8  }
0x18e: {  	v4 =	vmax.f32 v6, v4  }
0x18f: {  	[tilespmem:s6+$0x0] =	vst v4  }
0x190: {  	v4 =	vld [tilespmem:s9+$0xA980]  }
0x191: {  	v5 =	vld [tilespmem:s9+$0x4980];
	s6 =	spop (v2sf)  }
0x192: {  	v6 =	vld [tilespmem:s6+$0x0];
	_ =	sdelay $0x3  }
0x193: {  	v4 =	vadd.f32 v5, v4;
	(v2sf) =	vpush v3, $0x9;
	_ =	sdelay $0x1  }
0x194: {  	v4 =	vmax.f32 v6, v4  }
0x195: {  	[tilespmem:s6+$0x0] =	vst v4  }
0x196: {  	v4 =	vld [tilespmem:s9+$0xA990]  }
0x197: {  	v5 =	vld [tilespmem:s9+$0x4990]  }
0x198: {  	s6 =	spop (v2sf)  }
0x199: {  	v6 =	vld [tilespmem:s6+$0x0];
	_ =	sdelay $0x2  }
0x19a: {  	v4 =	vadd.f32 v5, v4;
	(v2sf) =	vpush v3, $0xA;
	_ =	sdelay $0x1  }
0x19b: {  	v4 =	vmax.f32 v6, v4  }
0x19c: {  	[tilespmem:s6+$0x0] =	vst v4  }
0x19d: {  	v4 =	vld [tilespmem:s9+$0xA9A0]  }
0x19e: {  	v5 =	vld [tilespmem:s9+$0x49A0];
	s6 =	spop (v2sf)  }
0x19f: {  	v6 =	vld [tilespmem:s6+$0x0];
	_ =	sdelay $0x3  }
0x1a0: {  	v4 =	vadd.f32 v5, v4;
	(v2sf) =	vpush v3, $0xB;
	_ =	sdelay $0x1  }
0x1a1: {  	v4 =	vmax.f32 v6, v4  }
0x1a2: {  	[tilespmem:s6+$0x0] =	vst v4  }
0x1a3: {  	v4 =	vld [tilespmem:s9+$0xA9B0]  }
0x1a4: {  	v5 =	vld [tilespmem:s9+$0x49B0];
	s6 =	spop (v2sf)  }
0x1a5: {  	v6 =	vld [tilespmem:s6+$0x0];
	_ =	sdelay $0x3  }
0x1a6: {  	v4 =	vadd.f32 v5, v4;
	(v2sf) =	vpush v3, $0xC;
	_ =	sdelay $0x1  }
0x1a7: {  	v4 =	vmax.f32 v6, v4  }
0x1a8: {  	[tilespmem:s6+$0x0] =	vst v4  }
0x1a9: {  	v4 =	vld [tilespmem:s9+$0xA9C0]  }
0x1aa: {  	v5 =	vld [tilespmem:s9+$0x49C0];
	s6 =	spop (v2sf)  }
0x1ab: {  	v6 =	vld [tilespmem:s6+$0x0];
	_ =	sdelay $0x3  }
0x1ac: {  	v4 =	vadd.f32 v5, v4;
	(v2sf) =	vpush v3, $0xD;
	_ =	sdelay $0x1  }
0x1ad: {  	v4 =	vmax.f32 v6, v4  }
0x1ae: {  	[tilespmem:s6+$0x0] =	vst v4  }
0x1af: {  	v4 =	vld [tilespmem:s9+$0xA9D0]  }
0x1b0: {  	v5 =	vld [tilespmem:s9+$0x49D0];
	s6 =	spop (v2sf)  }
0x1b1: {  	v6 =	vld [tilespmem:s6+$0x0];
	_ =	sdelay $0x3  }
0x1b2: {  	v4 =	vadd.f32 v5, v4;
	(v2sf) =	vpush v3, $0xE;
	_ =	sdelay $0x1  }
0x1b3: {  	v4 =	vmax.f32 v6, v4  }
0x1b4: {  	[tilespmem:s6+$0x0] =	vst v4  }
0x1b5: {  	v4 =	vld [tilespmem:s9+$0xA9E0]  }
0x1b6: {  	v5 =	vld [tilespmem:s9+$0x49E0];
	s6 =	spop (v2sf)  }
0x1b7: {  	v6 =	vld [tilespmem:s6+$0x0];
	_ =	sdelay $0x3  }
0x1b8: {  	v4 =	vadd.f32 v5, v4;
	(v2sf) =	vpush v3, $0xF;
	_ =	sdelay $0x1  }
.Ltmp5:
0x1b9: {  	v3 =	vmax.f32 v6, v4;
	(pc) =	sbr.rel @p0 .LBB2_10-.Ltmp5, $4  }
0x1ba: {  	[tilespmem:s6+$0x0] =	vst v3  }
0x1bb: {  	v3 =	vld [tilespmem:s9+$0xA9F0]  }
0x1bc: {  	v4 =	vld [tilespmem:s9+$0x49F0];
	s6 =	spop (v2sf)  }
0x1bd: {  	v5 =	vld [tilespmem:s6+$0x0]  }
0x1be: {  	_ =	sdelay $0x2  }
0x1bf: {  	v3 =	vadd.f32 v4, v3;
	_ =	sdelay $0x1  }
0x1c0: {  	v3 =	vmax.f32 v5, v3  }
0x1c1: {  	[tilespmem:s6+$0x0] =	vst v3  }
0x1c2: {  	v3 =	vld [tilespmem:s9+$0xAA00]  }
0x1c3: {  	v62 =	vld [tilespmem:s9+$0x4A00]  }
0x1c4: {  	s0 =	spop (v2sf)  }
0x1c5: {  	v63 =	vld [tilespmem:s0+$0x0]  }
0x1c6: {  	p0 =	slt.s32 s1, $0x601  }
.Ltmp6:
0x1c7: {  	_ = 	snop;
	(pc) =	sbr.rel @p0 .LBB2_20-.Ltmp6, $3  }
0x1c8: {  	v3 =	vadd.f32 v62, v3;
	_ =	sdelay $0x1  }
0x1c9: {  	v3 =	vmax.f32 v63, v3  }
0x1ca: {  	s2 =	sadd.s32 $0xFFFFFA00, s1;
	[tilespmem:s0+$0x0] =	vst v3  }
0x1cb: {  	p1 =	seq.s32 s23, $0x1  }
.Ltmp7:
0x1cc: {  	_ = 	snop;
	(pc) =	sbr.rel @p1 .LBB2_13-.Ltmp7, $3  }
0x1cd: {  	_ =	sdelay $0x1  }
0x1ce: {  	s6 =	simm.s32 $0x1F40;
	s9 =	simm.s32 $0x2D30  }
0x1cf: {  	s0 =	simm.s32 $0x3B20;
	s7 =	sadd.s32 $0xFFFFFFFF, s23;
	p0 =	por $0x0, $0x0;
	v3 =	vld [tilespmem:s6+$0x600]  }
0x1d0: {  	_ =	sdelay $0x3  }
0x1d1: {  	[tilespmem:s6+$0x0] =	vst v3  }
0x1d2: {  	v3 =	vld [tilespmem:s9+$0x600];
	_ =	sdelay $0x4  }
0x1d3: {  	[tilespmem:s9+$0x0] =	vst v3  }
0x1d4: {  	v3 =	vld [tilespmem:s0+$0x600]  }
0x1d5: {  	p1 =	seq.s32 s7, $0x1  }
.Ltmp8:
0x1d6: {  	_ = 	snop;
	(pc) =	sbr.rel @p1 .LBB2_15-.Ltmp8, $3  }
0x1d7: {  	_ =	sdelay $0x1  }
0x1d8: {  	s8 =	sadd.s32 $0xFFFFFFFF, s7;
	s6 =	simm.s32 $0x1F50;
	[tilespmem:s0+$0x0] =	vst v3  }
0x1d9: {  	p0 =	por $0x1, $0x1;
	s7 =	simm.s32 $0x2D30;
	s23 =	simm.s32 $0x3B20;
	v3 =	vld [tilespmem:s6+$0x600]  }
.LBB2_16:
0x1da: {  	p1 =	seq.s32 s8, $0x1;
	_ =	sdelay $0x3  }
0x1db: {  	s7 =	sadd.s32 $0x10, s7;
	[tilespmem:s6+$0x0] =	vst v3  }
0x1dc: {  	v3 =	vld [tilespmem:s7+$0x600];
	_ =	sdelay $0x4  }
0x1dd: {  	s23 =	sadd.s32 $0x10, s23;
	[tilespmem:s7+$0x0] =	vst v3  }
0x1de: {  	v3 =	vld [tilespmem:s23+$0x600];
	_ =	sdelay $0x1  }
.Ltmp9:
0x1df: {  	(pc) =	sbr.rel @!p1 .LBB2_16-.Ltmp9, $3  }
0x1e0: {  	_ =	sdelay $0x1  }
0x1e1: {  	s6 =	sadd.s32 $0x10, s6;
	[tilespmem:s23+$0x0] =	vst v3  }
0x1e2: {  	s8 =	sadd.s32 $0xFFFFFFFF, s8;
	v3 =	vld [tilespmem:s6+$0x600]  }
.LBB2_17:
0x1e3: {  	_ =	sdelay $0x2  }
0x1e4: {  	s7 =	sadd.s32 @p0 $0x10, s7  }
0x1e5: {  	s9 =	smov.u32 @p0 s7;
	[tilespmem:s6+$0x0] =	vst v3  }
0x1e6: {  	v3 =	vld [tilespmem:s9+$0x600];
	_ =	sdelay $0x3  }
0x1e7: {  	s6 =	sadd.s32 @p0 $0x10, s23  }
0x1e8: {  	s0 =	smov.u32 @p0 s6;
	[tilespmem:s9+$0x0] =	vst v3  }
0x1e9: {  	v3 =	vld [tilespmem:s0+$0x600];
	_ =	sdelay $0x4  }
0x1ea: {  	[tilespmem:s0+$0x0] =	vst v3  }
0x1eb: {  	p0 =	slt.u32 s1, $0xC00  }
.Ltmp10:
0x1ec: {  	_ = 	snop;
	(pc) =	sbr.rel @!p0 .LBB2_9-.Ltmp10, $4  }
.Ltmp11:
0x1ed: {  	_ = 	snop;
	(pc) =	sbr.rel @p0 .LBB2_20-.Ltmp11, $4  }
0x1ee: {  	_ = 	snop  }
0x1ef: {  	_ = 	snop  }
0x1f0: {  	s31 =	sadd.s32 $0xFFFFFA00, s31  }
0x1f1: {  	_ = 	snop  }
.LBB2_13:
.Ltmp12:
0x1f2: {  	(pc) =	sbr.rel .LBB2_17-.Ltmp12, $2  }
0x1f3: {  	_ =	sdelay $0x2  }
0x1f4: {  	s7 =	simm.s32 $0x2D30;
	s23 =	simm.s32 $0x3B20  }
.LBB2_15:
.Ltmp13:
0x1f5: {  	(pc) =	sbr.rel .LBB2_17-.Ltmp13, $2  }
0x1f6: {  	_ =	sdelay $0x2  }
0x1f7: {  	s7 =	simm.s32 $0x2D30;
	s23 =	simm.s32 $0x3B20  }
.LBB2_20:
0x1f8: {  	_ =	swait.ge [sflag:s21], $0x7D0  }
0x1f9: {  	[sflag:s21] =	ssyncset.done $0x0  }
0x1fa: {  	p0 =	seq.s32 s29, $0x31F;
	[sflag:s21] =	ssyncadd.s32 $0xFFFFF830  }
0x1fb: {  	s0 =	sshrl.u32 @!p0 s30, $0x3;
	_ =	swait.ge [sflag:s22], $0x7D0  }
0x1fc: {  	s0 =	sadd.s32 @!p0 s5, s0;
	[sflag:s22] =	ssyncset.done $0x0  }
0x1fd: {  	s6 =	simm.s32 @!p0 $0x0;
	s1 =	sadd.s32 @!p0 $0x61C74, s0;
	[sflag:s22] =	ssyncadd.s32 $0xFFFFF830  }
0x1fe: {  	[tilespmem:s6], [sflag:$0x3] =	stream.linear.gather @!p0 [hbm4b:s1+s6], $0x7D0, $0x38;
	[tilespmem:$0x1CCA0] =	vst v63  }
0x1ff: {  	s0 =	sadd.s32 @!p0 $0x1F4, s0;
	s1 =	simm.s32 @!p0 $0xFA0  }
0x200: {  	[tilespmem:s1], [sflag:$0x5] =	stream.linear.gather @!p0 [hbm4b:s0+s6], $0x7D0, $0x38;
	[tilespmem:$0x1CCA0] =	vst v63  }
0x201: {  	s1 =	simm.s32 $0x810  }
0x202: {  	v3 =	vld [tilespmem:s1+$0xFFFFFFC0];
	_ =	sdelay $0x4  }
0x203: {  	v3 =	vsub.s32 v3, v0  }
0x204: {  	vm0 =	vlt.u32 v3, $0xC38  }
0x205: {  	s0 =	simm.s32 $0x17B0;
	v4 =	vmpcnt.ones.xlane vm0  }
0x206: {  	v5 =	vld [tilespmem:s0+$0xFFFFFFC0]  }
0x207: {  	(v2sf) =	vpush v4, $0x0;
	_ =	sdelay $0x1  }
0x208: {  	s7 =	sadd.s32 $0x0, s28  }
0x209: {  	s23 =	sadd.s32 $0x7D0, s7;
	[tilespmem:s2+$0x3B20] =	vst.msk vm0, v3  }
0x20a: {  	v3 =	vor.u32 s23, v2;
	[tilespmem:s2+$0x2D30] =	vst.msk vm0, v5  }
0x20b: {  	[tilespmem:s2+$0x1F40] =	vst.msk vm0, v3  }
0x20c: {  	v3 =	vld [tilespmem:s1+$0xFFFFFFD0];
	_ =	sdelay $0x4  }
0x20d: {  	v3 =	vsub.s32 v3, v0  }
0x20e: {  	vm0 =	vlt.u32 v3, $0xC38  }
0x20f: {  	v4 =	vld [tilespmem:s0+$0xFFFFFFD0];
	v5 =	vmpcnt.ones.xlane vm0;
	_ =	sdelay $0x1  }
0x210: {  	s24 =	spop (v2sf);
	(v2sf) =	vpush v5, $0x0  }
0x211: {  	s30 =	sadd.s32 s2, s24  }
0x212: {  	s31 =	sadd.s32 $0x7E0, s7;
	[tilespmem:s30+$0x3B20] =	vst.msk vm0, v3  }
0x213: {  	v3 =	vor.u32 s31, v2;
	[tilespmem:s30+$0x2D30] =	vst.msk vm0, v4  }
0x214: {  	[tilespmem:s30+$0x1F40] =	vst.msk vm0, v3  }
0x215: {  	v3 =	vld [tilespmem:s1+$0xFFFFFFE0];
	_ =	sdelay $0x4  }
0x216: {  	v3 =	vsub.s32 v3, v0  }
0x217: {  	vm0 =	vlt.u32 v3, $0xC38  }
0x218: {  	v4 =	vmpcnt.ones.xlane vm0  }
0x219: {  	v5 =	vld [tilespmem:s0+$0xFFFFFFE0]  }
0x21a: {  	(v2sf) =	vpush v4, $0x0  }
0x21b: {  	s8 =	spop (v2sf)  }
0x21c: {  	s2 =	sadd.s32 s30, s8  }
0x21d: {  	s9 =	sadd.s32 $0x7F0, s7;
	[tilespmem:s2+$0x3B20] =	vst.msk vm0, v3  }
0x21e: {  	v3 =	vor.u32 s9, v2;
	[tilespmem:s2+$0x2D30] =	vst.msk vm0, v5  }
0x21f: {  	[tilespmem:s2+$0x1F40] =	vst.msk vm0, v3  }
0x220: {  	v3 =	vld [tilespmem:s1+$0xFFFFFFF0];
	_ =	sdelay $0x4  }
0x221: {  	v3 =	vsub.s32 v3, v0  }
0x222: {  	vm0 =	vlt.u32 v3, $0xC38  }
0x223: {  	v4 =	vld [tilespmem:s0+$0xFFFFFFF0];
	v5 =	vmpcnt.ones.xlane vm0;
	_ =	sdelay $0x1  }
0x224: {  	s23 =	spop (v2sf);
	(v2sf) =	vpush v5, $0x0  }
0x225: {  	s2 =	sadd.s32 s2, s23  }
0x226: {  	s24 =	sadd.s32 $0x800, s7;
	[tilespmem:s2+$0x3B20] =	vst.msk vm0, v3  }
0x227: {  	v3 =	vor.u32 s24, v2;
	[tilespmem:s2+$0x2D30] =	vst.msk vm0, v4  }
0x228: {  	[tilespmem:s2+$0x1F40] =	vst.msk vm0, v3  }
0x229: {  	v3 =	vld [tilespmem:s1+$0x0];
	_ =	sdelay $0x4  }
0x22a: {  	v3 =	vsub.s32 v3, v0  }
0x22b: {  	vm0 =	vlt.u32 v3, $0xC38  }
0x22c: {  	v4 =	vmpcnt.ones.xlane vm0  }
0x22d: {  	v5 =	vld [tilespmem:s0+$0x0]  }
0x22e: {  	(v2sf) =	vpush v4, $0x0  }
0x22f: {  	s30 =	spop (v2sf)  }
0x230: {  	s6 =	sadd.s32 s2, s30  }
0x231: {  	s31 =	sadd.s32 $0x810, s7;
	[tilespmem:s6+$0x3B20] =	vst.msk vm0, v3  }
0x232: {  	v3 =	vor.u32 s31, v2;
	[tilespmem:s6+$0x2D30] =	vst.msk vm0, v5  }
0x233: {  	s1 =	simm.s32 $0x860;
	[tilespmem:s6+$0x1F40] =	vst.msk vm0, v3  }
0x234: {  	v3 =	vld [tilespmem:s1+$0xFFFFFFC0];
	_ =	sdelay $0x4  }
0x235: {  	v3 =	vsub.s32 v3, v0  }
0x236: {  	vm0 =	vlt.u32 v3, $0xC38  }
0x237: {  	v5 =	vmpcnt.ones.xlane vm0  }
0x238: {  	s0 =	simm.s32 $0x1800  }
0x239: {  	s9 =	simm.s32 $0xA0;
	s2 =	simm.s32 $0x50;
	v4 =	vld [tilespmem:s0+$0xFFFFFFC0];
	(v2sf) =	vpush v5, $0x0;
	s7 =	spop (v2sf)  }
.LBB2_21:
0x23a: {  	p0 =	seq.s32 s9, $0x780  }
0x23b: {  	s6 =	sadd.s32 s6, s7;
	s7 =	smov.u32 s9;
	s9 =	sadd.s32 $0x50, s9  }
0x23c: {  	s8 =	sadd.s32 s2, s28;
	s2 =	smov.u32 s7  }
0x23d: {  	s7 =	sadd.s32 $0x7D0, s8;
	s24 =	sadd.s32 $0x7E0, s8;
	s31 =	sadd.s32 $0x7F0, s8;
	[tilespmem:s6+$0x3B20] =	vst.msk vm0, v3  }
0x23e: {  	s30 =	sadd.s32 $0x800, s8;
	s23 =	sadd.s32 $0x810, s8;
	v3 =	vor.u32 s7, v2;
	[tilespmem:s6+$0x2D30] =	vst.msk vm0, v4  }
0x23f: {  	[tilespmem:s6+$0x1F40] =	vst.msk vm0, v3  }
0x240: {  	v3 =	vld [tilespmem:s1+$0xFFFFFFD0];
	_ =	sdelay $0x4  }
0x241: {  	v3 =	vsub.s32 v3, v0  }
0x242: {  	vm0 =	vlt.u32 v3, $0xC38  }
0x243: {  	v4 =	vld [tilespmem:s0+$0xFFFFFFD0];
	v5 =	vmpcnt.ones.xlane vm0;
	_ =	sdelay $0x1  }
0x244: {  	s7 =	spop (v2sf);
	(v2sf) =	vpush v5, $0x0  }
0x245: {  	s6 =	sadd.s32 s6, s7  }
0x246: {  	[tilespmem:s6+$0x3B20] =	vst.msk vm0, v3  }
0x247: {  	v3 =	vor.u32 s24, v2;
	[tilespmem:s6+$0x2D30] =	vst.msk vm0, v4  }
0x248: {  	[tilespmem:s6+$0x1F40] =	vst.msk vm0, v3  }
0x249: {  	v3 =	vld [tilespmem:s1+$0xFFFFFFE0];
	_ =	sdelay $0x4  }
0x24a: {  	v3 =	vsub.s32 v3, v0  }
0x24b: {  	vm0 =	vlt.u32 v3, $0xC38  }
0x24c: {  	v4 =	vmpcnt.ones.xlane vm0  }
0x24d: {  	v5 =	vld [tilespmem:s0+$0xFFFFFFE0]  }
0x24e: {  	(v2sf) =	vpush v4, $0x0  }
0x24f: {  	s7 =	spop (v2sf)  }
0x250: {  	s6 =	sadd.s32 s6, s7  }
0x251: {  	[tilespmem:s6+$0x3B20] =	vst.msk vm0, v3  }
0x252: {  	v3 =	vor.u32 s31, v2;
	[tilespmem:s6+$0x2D30] =	vst.msk vm0, v5  }
0x253: {  	[tilespmem:s6+$0x1F40] =	vst.msk vm0, v3  }
0x254: {  	v3 =	vld [tilespmem:s1+$0xFFFFFFF0]  }
0x255: {  	v4 =	vld [tilespmem:s0+$0xFFFFFFF0];
	_ =	sdelay $0x3  }
0x256: {  	v3 =	vsub.s32 v3, v0  }
0x257: {  	vm0 =	vlt.u32 v3, $0xC38  }
0x258: {  	v5 =	vmpcnt.ones.xlane vm0;
	_ =	sdelay $0x1  }
0x259: {  	s7 =	spop (v2sf);
	(v2sf) =	vpush v5, $0x0  }
0x25a: {  	s6 =	sadd.s32 s6, s7  }
0x25b: {  	[tilespmem:s6+$0x3B20] =	vst.msk vm0, v3  }
0x25c: {  	v3 =	vor.u32 s30, v2;
	[tilespmem:s6+$0x2D30] =	vst.msk vm0, v4  }
0x25d: {  	[tilespmem:s6+$0x1F40] =	vst.msk vm0, v3  }
0x25e: {  	v3 =	vld [tilespmem:s1+$0x0]  }
0x25f: {  	v4 =	vld [tilespmem:s0+$0x0];
	_ =	sdelay $0x3  }
0x260: {  	v3 =	vsub.s32 v3, v0  }
0x261: {  	vm0 =	vlt.u32 v3, $0xC38  }
0x262: {  	v5 =	vmpcnt.ones.xlane vm0;
	_ =	sdelay $0x1  }
0x263: {  	(v2sf) =	vpush v5, $0x0  }
0x264: {  	s7 =	spop (v2sf)  }
0x265: {  	s6 =	sadd.s32 s6, s7  }
0x266: {  	[tilespmem:s6+$0x3B20] =	vst.msk vm0, v3  }
0x267: {  	v3 =	vor.u32 s23, v2;
	[tilespmem:s6+$0x2D30] =	vst.msk vm0, v4  }
0x268: {  	s1 =	sadd.s32 $0x50, s1;
	[tilespmem:s6+$0x1F40] =	vst.msk vm0, v3  }
0x269: {  	v3 =	vld [tilespmem:s1+$0xFFFFFFC0];
	_ =	sdelay $0x4  }
.Ltmp14:
0x26a: {  	v3 =	vsub.s32 v3, v0;
	(pc) =	sbr.rel @!p0 .LBB2_21-.Ltmp14, $4  }
0x26b: {  	vm0 =	vlt.u32 v3, $0xC38  }
0x26c: {  	s0 =	sadd.s32 $0x50, s0;
	v5 =	vmpcnt.ones.xlane vm0  }
0x26d: {  	v4 =	vld [tilespmem:s0+$0xFFFFFFC0]  }
0x26e: {  	(v2sf) =	vpush v5, $0x0;
	s7 =	spop (v2sf)  }
0x26f: {  	_ =	sdelay $0x4  }
0x270: {  	s9 =	sadd.s32 s6, s7;
	s2 =	sadd.s32 s2, s28  }
0x271: {  	[tilespmem:s9+$0x3B20] =	vst.msk vm0, v3;
	s23 =	sadd.s32 $0x7D0, s2  }
0x272: {  	v3 =	vor.u32 s23, v2;
	[tilespmem:s9+$0x2D30] =	vst.msk vm0, v4  }
0x273: {  	[tilespmem:s9+$0x1F40] =	vst.msk vm0, v3  }
0x274: {  	v3 =	vld [tilespmem:s1+$0xFFFFFFD0];
	_ =	sdelay $0x2  }
0x275: {  	v4 =	vld [tilespmem:s0+$0xFFFFFFD0];
	_ =	sdelay $0x1  }
0x276: {  	v3 =	vsub.s32 v3, v0;
	s6 =	spop (v2sf)  }
0x277: {  	vm12 =	vlt.u32 v3, $0xC38;
	s8 =	sadd.s32 s9, s6  }
0x278: {  	s24 =	sadd.s32 $0x7E0, s2;
	v5 =	vmpcnt.ones.xlane vm12;
	[tilespmem:s8+$0x3B20] =	vst.msk vm12, v3  }
0x279: {  	v3 =	vor.u32 s24, v2;
	[tilespmem:s8+$0x2D30] =	vst.msk vm12, v4  }
0x27a: {  	(v2sf) =	vpush v5, $0x0;
	[tilespmem:s8+$0x1F40] =	vst.msk vm12, v3  }
0x27b: {  	v3 =	vld [tilespmem:s1+$0xFFFFFFE0];
	_ =	sdelay $0x4  }
0x27c: {  	v3 =	vsub.s32 v3, v0  }
0x27d: {  	vm13 =	vlt.u32 v3, $0xC38  }
0x27e: {  	v59 =	vmpcnt.ones.xlane vm13;
	_ =	sdelay $0x1  }
0x27f: {  	(v2sf) =	vpush v59, $0x0;
	_ =	sdelay $0x2  }
0x280: {  	v60 =	vld [tilespmem:s0+$0xFFFFFFE0];
	_ =	sdelay $0x1  }
0x281: {  	s7 =	spop (v2sf)  }
0x282: {  	s23 =	sadd.s32 s8, s7  }
0x283: {  	s30 =	sadd.s32 $0x7F0, s2;
	[tilespmem:s23+$0x3B20] =	vst.msk vm13, v3  }
0x284: {  	v3 =	vor.u32 s30, v2;
	[tilespmem:s23+$0x2D30] =	vst.msk vm13, v60  }
0x285: {  	[tilespmem:s23+$0x1F40] =	vst.msk vm13, v3  }
0x286: {  	v3 =	vld [tilespmem:s1+$0xFFFFFFF0];
	_ =	sdelay $0x2  }
0x287: {  	v4 =	vld [tilespmem:s0+$0xFFFFFFF0];
	_ =	sdelay $0x1  }
0x288: {  	v3 =	vsub.s32 v3, v0;
	s8 =	spop (v2sf)  }
0x289: {  	vm14 =	vlt.u32 v3, $0xC38;
	s23 =	sadd.s32 s23, s8  }
0x28a: {  	s24 =	sadd.s32 $0x800, s2;
	[tilespmem:s23+$0x3B20] =	vst.msk vm14, v3  }
0x28b: {  	v3 =	vor.u32 s24, v2;
	[tilespmem:s23+$0x2D30] =	vst.msk vm14, v4  }
0x28c: {  	[tilespmem:s23+$0x1F40] =	vst.msk vm14, v3  }
0x28d: {  	v3 =	vld [tilespmem:s1+$0x0];
	_ =	sdelay $0x3  }
0x28e: {  	v61 =	vmpcnt.ones.xlane vm14  }
0x28f: {  	v3 =	vsub.s32 v3, v0  }
0x290: {  	(v2sf) =	vpush v61, $0x0;
	vm15 =	vlt.u32 v3, $0xC38  }
0x291: {  	v62 =	vmpcnt.ones.xlane vm15;
	_ =	sdelay $0x1  }
0x292: {  	(v2sf) =	vpush v62, $0x0;
	_ =	sdelay $0x9  }
0x293: {  	v63 =	vld [tilespmem:s0+$0x0];
	_ =	sdelay $0x1  }
0x294: {  	s0 =	spop (v2sf)  }
0x295: {  	s23 =	sadd.s32 s23, s0  }
0x296: {  	s31 =	sadd.s32 $0x810, s2;
	[tilespmem:s23+$0x3B20] =	vst.msk vm15, v3  }
0x297: {  	v3 =	vor.u32 s31, v2;
	[tilespmem:s23+$0x2D30] =	vst.msk vm15, v63;
	s1 =	spop (v2sf)  }
0x298: {  	[tilespmem:s23+$0x1F40] =	vst.msk vm15, v3;
	s2 =	sadd.s32 s23, s1  }
0x299: {  	p0 =	slt.s32 s2, $0x600  }
.Ltmp15:
0x29a: {  	_ = 	snop;
	(pc) =	sbr.rel @p0 .LBB2_33-.Ltmp15, $1  }
0x29b: {  	_ =	sdelay $0x3  }
0x29c: {  	s6 =	sadd.s32 s7, s6  }
0x29d: {  	s6 =	sadd.s32 s8, s6  }
0x29e: {  	s0 =	sadd.s32 s0, s6  }
0x29f: {  	s0 =	sadd.s32 s1, s0  }
0x2a0: {  	s0 =	sadd.s32 s9, s0  }
0x2a1: {  	s30 =	sadd.s32 $0xFFFFFA0F, s0  }
.LBB2_24:
0x2a2: {  	[tilespmem:s16], [sflag:$0x1] =	stream.indirect.gather [hbm4b:s4+s14], $0x10, s15, s14, $0xb8;
	[tilespmem:$0x1CCA0] =	vst v63  }
0x2a3: {  	_ = 	snop  }
0x2a4: {  	[tilespmem:s18], [sflag:$0x2] =	stream.indirect.gather [hbm4b:s3+s14], $0x10, s17, s14, $0xb8;
	[tilespmem:$0x1CCA0] =	vst v63  }
0x2a5: {  	_ =	swait.ge [sflag:s19], $0x6000  }
0x2a6: {  	[sflag:s19] =	ssyncset.done $0x0  }
0x2a7: {  	[sflag:s19] =	ssyncadd.s32 $0xFFFFA000  }
0x2a8: {  	_ =	swait.ge [sflag:s20], $0x6000  }
0x2a9: {  	[sflag:s20] =	ssyncset.done $0x0  }
0x2aa: {  	s0 =	simm.s32 $0x3B20;
	[sflag:s20] =	ssyncadd.s32 $0xFFFFA000  }
0x2ab: {  	v3 =	vld [tilespmem:s0+$0x0];
	_ =	sdelay $0x4  }
0x2ac: {  	v3 =	vshll.u32 v3, $0x6  }
0x2ad: {  	v3 =	vshra.s32 v3, $0x2  }
0x2ae: {  	v5 =	vadd.s32 $0x10910, v3  }
0x2af: {  	(v2sf) =	vpush v5, $0x0;
	_ =	sdelay $0x9  }
0x2b0: {  	(v2sf) =	vpush v5, $0x1;
	_ =	sdelay $0x1  }
0x2b1: {  	s9 =	simm.s32 $0x0  }
0x2b2: {  	v4 =	vld [tilespmem:s9+$0xA910]  }
0x2b3: {  	v3 =	vld [tilespmem:s9+$0x4910]  }
0x2b4: {  	s1 =	spop (v2sf)  }
0x2b5: {  	v6 =	vld [tilespmem:s1+$0x0];
	_ =	sdelay $0x2  }
0x2b6: {  	v3 =	vadd.f32 v3, v4  }
0x2b7: {  	(v2sf) =	vpush v5, $0x2  }
0x2b8: {  	v3 =	vmax.f32 v6, v3  }
0x2b9: {  	[tilespmem:s1+$0x0] =	vst v3  }
0x2ba: {  	v3 =	vld [tilespmem:s9+$0xA920]  }
0x2bb: {  	v4 =	vld [tilespmem:s9+$0x4920]  }
0x2bc: {  	s31 =	spop (v2sf)  }
0x2bd: {  	v6 =	vld [tilespmem:s31+$0x0];
	_ =	sdelay $0x2  }
0x2be: {  	v3 =	vadd.f32 v4, v3  }
0x2bf: {  	(v2sf) =	vpush v5, $0x3  }
0x2c0: {  	v3 =	vmax.f32 v6, v3  }
0x2c1: {  	[tilespmem:s31+$0x0] =	vst v3  }
0x2c2: {  	v3 =	vld [tilespmem:s9+$0xA930]  }
0x2c3: {  	v4 =	vld [tilespmem:s9+$0x4930]  }
0x2c4: {  	s6 =	spop (v2sf)  }
0x2c5: {  	v6 =	vld [tilespmem:s6+$0x0];
	_ =	sdelay $0x2  }
0x2c6: {  	v3 =	vadd.f32 v4, v3  }
0x2c7: {  	(v2sf) =	vpush v5, $0x4  }
0x2c8: {  	v3 =	vmax.f32 v6, v3  }
0x2c9: {  	[tilespmem:s6+$0x0] =	vst v3  }
0x2ca: {  	v3 =	vld [tilespmem:s9+$0xA940]  }
0x2cb: {  	v4 =	vld [tilespmem:s9+$0x4940]  }
0x2cc: {  	s7 =	spop (v2sf)  }
0x2cd: {  	v6 =	vld [tilespmem:s7+$0x0];
	_ =	sdelay $0x2  }
0x2ce: {  	v3 =	vadd.f32 v4, v3  }
0x2cf: {  	(v2sf) =	vpush v5, $0x5  }
0x2d0: {  	v3 =	vmax.f32 v6, v3  }
0x2d1: {  	[tilespmem:s7+$0x0] =	vst v3  }
0x2d2: {  	v3 =	vld [tilespmem:s9+$0xA950]  }
0x2d3: {  	v4 =	vld [tilespmem:s9+$0x4950]  }
0x2d4: {  	s8 =	spop (v2sf)  }
0x2d5: {  	v6 =	vld [tilespmem:s8+$0x0];
	_ =	sdelay $0x2  }
0x2d6: {  	v3 =	vadd.f32 v4, v3  }
0x2d7: {  	(v2sf) =	vpush v5, $0x6  }
0x2d8: {  	v3 =	vmax.f32 v6, v3  }
0x2d9: {  	[tilespmem:s8+$0x0] =	vst v3  }
0x2da: {  	v3 =	vld [tilespmem:s9+$0xA960]  }
0x2db: {  	v4 =	vld [tilespmem:s9+$0x4960]  }
0x2dc: {  	s23 =	spop (v2sf)  }
0x2dd: {  	v6 =	vld [tilespmem:s23+$0x0];
	_ =	sdelay $0x2  }
0x2de: {  	v3 =	vadd.f32 v4, v3  }
0x2df: {  	(v2sf) =	vpush v5, $0x7  }
0x2e0: {  	v3 =	vmax.f32 v6, v3  }
0x2e1: {  	[tilespmem:s23+$0x0] =	vst v3  }
0x2e2: {  	v3 =	vld [tilespmem:s9+$0xA970]  }
0x2e3: {  	v4 =	vld [tilespmem:s9+$0x4970]  }
0x2e4: {  	s24 =	spop (v2sf)  }
0x2e5: {  	v6 =	vld [tilespmem:s24+$0x0];
	_ =	sdelay $0x2  }
0x2e6: {  	v3 =	vadd.f32 v4, v3  }
0x2e7: {  	(v2sf) =	vpush v5, $0x8  }
0x2e8: {  	v3 =	vmax.f32 v6, v3  }
0x2e9: {  	[tilespmem:s24+$0x0] =	vst v3  }
0x2ea: {  	v3 =	vld [tilespmem:s9+$0xA980]  }
0x2eb: {  	v4 =	vld [tilespmem:s9+$0x4980]  }
0x2ec: {  	s31 =	spop (v2sf)  }
0x2ed: {  	v6 =	vld [tilespmem:s31+$0x0];
	_ =	sdelay $0x2  }
0x2ee: {  	v3 =	vadd.f32 v4, v3  }
0x2ef: {  	(v2sf) =	vpush v5, $0x9  }
0x2f0: {  	v3 =	vmax.f32 v6, v3  }
0x2f1: {  	[tilespmem:s31+$0x0] =	vst v3  }
0x2f2: {  	v3 =	vld [tilespmem:s9+$0xA990]  }
0x2f3: {  	v4 =	vld [tilespmem:s9+$0x4990]  }
0x2f4: {  	s6 =	spop (v2sf)  }
0x2f5: {  	v6 =	vld [tilespmem:s6+$0x0];
	_ =	sdelay $0x2  }
0x2f6: {  	v3 =	vadd.f32 v4, v3  }
0x2f7: {  	(v2sf) =	vpush v5, $0xA  }
0x2f8: {  	v3 =	vmax.f32 v6, v3  }
0x2f9: {  	[tilespmem:s6+$0x0] =	vst v3  }
0x2fa: {  	v3 =	vld [tilespmem:s9+$0xA9A0]  }
0x2fb: {  	v4 =	vld [tilespmem:s9+$0x49A0]  }
0x2fc: {  	s7 =	spop (v2sf)  }
0x2fd: {  	v6 =	vld [tilespmem:s7+$0x0];
	_ =	sdelay $0x2  }
0x2fe: {  	v3 =	vadd.f32 v4, v3  }
0x2ff: {  	(v2sf) =	vpush v5, $0xB  }
0x300: {  	v3 =	vmax.f32 v6, v3  }
0x301: {  	[tilespmem:s7+$0x0] =	vst v3  }
0x302: {  	v3 =	vld [tilespmem:s9+$0xA9B0]  }
0x303: {  	v4 =	vld [tilespmem:s9+$0x49B0]  }
0x304: {  	s8 =	spop (v2sf)  }
0x305: {  	v6 =	vld [tilespmem:s8+$0x0];
	_ =	sdelay $0x2  }
0x306: {  	v3 =	vadd.f32 v4, v3  }
0x307: {  	(v2sf) =	vpush v5, $0xC  }
0x308: {  	v3 =	vmax.f32 v6, v3  }
0x309: {  	[tilespmem:s8+$0x0] =	vst v3  }
0x30a: {  	v3 =	vld [tilespmem:s9+$0xA9C0]  }
0x30b: {  	v4 =	vld [tilespmem:s9+$0x49C0]  }
0x30c: {  	s23 =	spop (v2sf)  }
0x30d: {  	v6 =	vld [tilespmem:s23+$0x0];
	_ =	sdelay $0x2  }
0x30e: {  	v3 =	vadd.f32 v4, v3  }
0x30f: {  	(v2sf) =	vpush v5, $0xD  }
0x310: {  	v3 =	vmax.f32 v6, v3  }
0x311: {  	[tilespmem:s23+$0x0] =	vst v3  }
0x312: {  	v3 =	vld [tilespmem:s9+$0xA9D0]  }
0x313: {  	v4 =	vld [tilespmem:s9+$0x49D0]  }
0x314: {  	s24 =	spop (v2sf);
	(v2sf) =	vpush v5, $0xE  }
0x315: {  	v6 =	vld [tilespmem:s24+$0x0];
	_ =	sdelay $0x2  }
0x316: {  	v3 =	vadd.f32 v4, v3;
	_ =	sdelay $0x1  }
0x317: {  	v3 =	vmax.f32 v6, v3  }
0x318: {  	[tilespmem:s24+$0x0] =	vst v3  }
0x319: {  	v3 =	vld [tilespmem:s9+$0xA9E0]  }
0x31a: {  	v4 =	vld [tilespmem:s9+$0x49E0]  }
0x31b: {  	s31 =	spop (v2sf)  }
0x31c: {  	v6 =	vld [tilespmem:s31+$0x0];
	_ =	sdelay $0x2  }
0x31d: {  	v3 =	vadd.f32 v4, v3  }
0x31e: {  	s6 =	spop (v2sf);
	(v2sf) =	vpush v5, $0xF  }
0x31f: {  	v3 =	vmax.f32 v6, v3  }
0x320: {  	[tilespmem:s31+$0x0] =	vst v3  }
0x321: {  	v3 =	vld [tilespmem:s9+$0xA9F0]  }
0x322: {  	v4 =	vld [tilespmem:s9+$0x49F0]  }
0x323: {  	s1 =	smov.u32 s2;
	s2 =	simm.s32 $0x400;
	s23 =	sshrl.u32 s30, $0x4;
	v5 =	vld [tilespmem:s6+$0x0]  }
.LBB2_25:
0x324: {  	p0 =	sne.s32 s2, $0x17C00  }
0x325: {  	s0 =	sadd.s32 $0x10, s0;
	s7 =	smov.u32 s2;
	s2 =	sadd.s32 $0x400, s2  }
0x326: {  	_ =	sdelay $0x1  }
0x327: {  	v3 =	vadd.f32 v4, v3;
	_ =	sdelay $0x1  }
0x328: {  	v3 =	vmax.f32 v5, v3  }
0x329: {  	[tilespmem:s6+$0x0] =	vst v3  }
0x32a: {  	v3 =	vld [tilespmem:s9+$0xAA00]  }
0x32b: {  	v4 =	vld [tilespmem:s9+$0x4A00];
	s6 =	spop (v2sf)  }
0x32c: {  	v5 =	vld [tilespmem:s6+$0x0];
	_ =	sdelay $0x3  }
0x32d: {  	v3 =	vadd.f32 v4, v3;
	_ =	sdelay $0x1  }
0x32e: {  	v3 =	vmax.f32 v5, v3  }
0x32f: {  	[tilespmem:s6+$0x0] =	vst v3  }
0x330: {  	v3 =	vld [tilespmem:s0+$0x0];
	_ =	sdelay $0x4  }
0x331: {  	v3 =	vshll.u32 v3, $0x6  }
0x332: {  	v3 =	vshra.s32 v3, $0x2  }
0x333: {  	v3 =	vadd.s32 $0x10910, v3  }
0x334: {  	(v2sf) =	vpush v3, $0x0;
	_ =	sdelay $0x8  }
0x335: {  	(v2sf) =	vpush v3, $0x1;
	_ =	sdelay $0x2  }
0x336: {  	s9 =	sshra.s32 s7, $0x2  }
0x337: {  	v4 =	vld [tilespmem:s9+$0x4910]  }
0x338: {  	v5 =	vld [tilespmem:s9+$0xA910]  }
0x339: {  	s6 =	spop (v2sf)  }
0x33a: {  	v6 =	vld [tilespmem:s6+$0x0];
	_ =	sdelay $0x2  }
0x33b: {  	v4 =	vadd.f32 v4, v5  }
0x33c: {  	(v2sf) =	vpush v3, $0x2  }
0x33d: {  	v4 =	vmax.f32 v6, v4  }
0x33e: {  	[tilespmem:s6+$0x0] =	vst v4  }
0x33f: {  	v4 =	vld [tilespmem:s9+$0xA920]  }
0x340: {  	v5 =	vld [tilespmem:s9+$0x4920];
	s6 =	spop (v2sf)  }
0x341: {  	v6 =	vld [tilespmem:s6+$0x0];
	_ =	sdelay $0x3  }
0x342: {  	v4 =	vadd.f32 v5, v4  }
0x343: {  	(v2sf) =	vpush v3, $0x3  }
0x344: {  	v4 =	vmax.f32 v6, v4  }
0x345: {  	[tilespmem:s6+$0x0] =	vst v4  }
0x346: {  	v4 =	vld [tilespmem:s9+$0xA930]  }
0x347: {  	v5 =	vld [tilespmem:s9+$0x4930]  }
0x348: {  	s6 =	spop (v2sf)  }
0x349: {  	v6 =	vld [tilespmem:s6+$0x0];
	_ =	sdelay $0x2  }
0x34a: {  	v4 =	vadd.f32 v5, v4  }
0x34b: {  	(v2sf) =	vpush v3, $0x4  }
0x34c: {  	v4 =	vmax.f32 v6, v4  }
0x34d: {  	[tilespmem:s6+$0x0] =	vst v4  }
0x34e: {  	v4 =	vld [tilespmem:s9+$0xA940]  }
0x34f: {  	v5 =	vld [tilespmem:s9+$0x4940]  }
0x350: {  	s6 =	spop (v2sf)  }
0x351: {  	v6 =	vld [tilespmem:s6+$0x0];
	_ =	sdelay $0x2  }
0x352: {  	v4 =	vadd.f32 v5, v4  }
0x353: {  	(v2sf) =	vpush v3, $0x5  }
0x354: {  	v4 =	vmax.f32 v6, v4  }
0x355: {  	[tilespmem:s6+$0x0] =	vst v4  }
0x356: {  	v4 =	vld [tilespmem:s9+$0xA950]  }
0x357: {  	v5 =	vld [tilespmem:s9+$0x4950]  }
0x358: {  	s6 =	spop (v2sf)  }
0x359: {  	v6 =	vld [tilespmem:s6+$0x0];
	_ =	sdelay $0x2  }
0x35a: {  	v4 =	vadd.f32 v5, v4  }
0x35b: {  	(v2sf) =	vpush v3, $0x6  }
0x35c: {  	v4 =	vmax.f32 v6, v4  }
0x35d: {  	[tilespmem:s6+$0x0] =	vst v4  }
0x35e: {  	v4 =	vld [tilespmem:s9+$0xA960]  }
0x35f: {  	v5 =	vld [tilespmem:s9+$0x4960]  }
0x360: {  	s6 =	spop (v2sf)  }
0x361: {  	v6 =	vld [tilespmem:s6+$0x0];
	_ =	sdelay $0x2  }
0x362: {  	v4 =	vadd.f32 v5, v4;
	(v2sf) =	vpush v3, $0x7;
	_ =	sdelay $0x1  }
0x363: {  	v4 =	vmax.f32 v6, v4  }
0x364: {  	[tilespmem:s6+$0x0] =	vst v4  }
0x365: {  	v4 =	vld [tilespmem:s9+$0xA970]  }
0x366: {  	v5 =	vld [tilespmem:s9+$0x4970]  }
0x367: {  	s6 =	spop (v2sf)  }
0x368: {  	v6 =	vld [tilespmem:s6+$0x0];
	_ =	sdelay $0x2  }
0x369: {  	v4 =	vadd.f32 v5, v4  }
0x36a: {  	(v2sf) =	vpush v3, $0x8  }
0x36b: {  	v4 =	vmax.f32 v6, v4  }
0x36c: {  	[tilespmem:s6+$0x0] =	vst v4  }
0x36d: {  	v4 =	vld [tilespmem:s9+$0xA980]  }
0x36e: {  	v5 =	vld [tilespmem:s9+$0x4980];
	s6 =	spop (v2sf)  }
0x36f: {  	v6 =	vld [tilespmem:s6+$0x0];
	_ =	sdelay $0x3  }
0x370: {  	v4 =	vadd.f32 v5, v4;
	(v2sf) =	vpush v3, $0x9;
	_ =	sdelay $0x1  }
0x371: {  	v4 =	vmax.f32 v6, v4  }
0x372: {  	[tilespmem:s6+$0x0] =	vst v4  }
0x373: {  	v4 =	vld [tilespmem:s9+$0xA990]  }
0x374: {  	v5 =	vld [tilespmem:s9+$0x4990]  }
0x375: {  	s6 =	spop (v2sf)  }
0x376: {  	v6 =	vld [tilespmem:s6+$0x0];
	_ =	sdelay $0x2  }
0x377: {  	v4 =	vadd.f32 v5, v4;
	(v2sf) =	vpush v3, $0xA;
	_ =	sdelay $0x1  }
0x378: {  	v4 =	vmax.f32 v6, v4  }
0x379: {  	[tilespmem:s6+$0x0] =	vst v4  }
0x37a: {  	v4 =	vld [tilespmem:s9+$0xA9A0]  }
0x37b: {  	v5 =	vld [tilespmem:s9+$0x49A0];
	s6 =	spop (v2sf)  }
0x37c: {  	v6 =	vld [tilespmem:s6+$0x0];
	_ =	sdelay $0x3  }
0x37d: {  	v4 =	vadd.f32 v5, v4;
	(v2sf) =	vpush v3, $0xB;
	_ =	sdelay $0x1  }
0x37e: {  	v4 =	vmax.f32 v6, v4  }
0x37f: {  	[tilespmem:s6+$0x0] =	vst v4  }
0x380: {  	v4 =	vld [tilespmem:s9+$0xA9B0]  }
0x381: {  	v5 =	vld [tilespmem:s9+$0x49B0];
	s6 =	spop (v2sf)  }
0x382: {  	v6 =	vld [tilespmem:s6+$0x0];
	_ =	sdelay $0x3  }
0x383: {  	v4 =	vadd.f32 v5, v4;
	(v2sf) =	vpush v3, $0xC;
	_ =	sdelay $0x1  }
0x384: {  	v4 =	vmax.f32 v6, v4  }
0x385: {  	[tilespmem:s6+$0x0] =	vst v4  }
0x386: {  	v4 =	vld [tilespmem:s9+$0xA9C0]  }
0x387: {  	v5 =	vld [tilespmem:s9+$0x49C0];
	s6 =	spop (v2sf)  }
0x388: {  	v6 =	vld [tilespmem:s6+$0x0];
	_ =	sdelay $0x3  }
0x389: {  	v4 =	vadd.f32 v5, v4;
	(v2sf) =	vpush v3, $0xD;
	_ =	sdelay $0x1  }
0x38a: {  	v4 =	vmax.f32 v6, v4  }
0x38b: {  	[tilespmem:s6+$0x0] =	vst v4  }
0x38c: {  	v4 =	vld [tilespmem:s9+$0xA9D0]  }
0x38d: {  	v5 =	vld [tilespmem:s9+$0x49D0];
	s6 =	spop (v2sf)  }
0x38e: {  	v6 =	vld [tilespmem:s6+$0x0];
	_ =	sdelay $0x3  }
0x38f: {  	v4 =	vadd.f32 v5, v4;
	(v2sf) =	vpush v3, $0xE;
	_ =	sdelay $0x1  }
0x390: {  	v4 =	vmax.f32 v6, v4  }
0x391: {  	[tilespmem:s6+$0x0] =	vst v4  }
0x392: {  	v4 =	vld [tilespmem:s9+$0xA9E0]  }
0x393: {  	v5 =	vld [tilespmem:s9+$0x49E0];
	s6 =	spop (v2sf)  }
0x394: {  	v6 =	vld [tilespmem:s6+$0x0];
	_ =	sdelay $0x3  }
0x395: {  	v4 =	vadd.f32 v5, v4;
	(v2sf) =	vpush v3, $0xF;
	_ =	sdelay $0x1  }
.Ltmp16:
0x396: {  	v3 =	vmax.f32 v6, v4;
	(pc) =	sbr.rel @p0 .LBB2_25-.Ltmp16, $4  }
0x397: {  	[tilespmem:s6+$0x0] =	vst v3  }
0x398: {  	v3 =	vld [tilespmem:s9+$0xA9F0]  }
0x399: {  	v4 =	vld [tilespmem:s9+$0x49F0];
	s6 =	spop (v2sf)  }
0x39a: {  	v5 =	vld [tilespmem:s6+$0x0]  }
0x39b: {  	_ =	sdelay $0x2  }
0x39c: {  	v3 =	vadd.f32 v4, v3;
	_ =	sdelay $0x1  }
0x39d: {  	v3 =	vmax.f32 v5, v3  }
0x39e: {  	[tilespmem:s6+$0x0] =	vst v3  }
0x39f: {  	v3 =	vld [tilespmem:s9+$0xAA00]  }
0x3a0: {  	v62 =	vld [tilespmem:s9+$0x4A00]  }
0x3a1: {  	s0 =	spop (v2sf)  }
0x3a2: {  	v63 =	vld [tilespmem:s0+$0x0]  }
0x3a3: {  	p0 =	slt.s32 s1, $0x601  }
.Ltmp17:
0x3a4: {  	_ = 	snop;
	(pc) =	sbr.rel @p0 .LBB2_33-.Ltmp17, $3  }
0x3a5: {  	v3 =	vadd.f32 v62, v3;
	_ =	sdelay $0x1  }
0x3a6: {  	v3 =	vmax.f32 v63, v3  }
0x3a7: {  	s2 =	sadd.s32 $0xFFFFFA00, s1;
	[tilespmem:s0+$0x0] =	vst v3  }
0x3a8: {  	p1 =	seq.s32 s23, $0x1  }
.Ltmp18:
0x3a9: {  	_ = 	snop;
	(pc) =	sbr.rel @p1 .LBB2_28-.Ltmp18, $3  }
0x3aa: {  	_ =	sdelay $0x1  }
0x3ab: {  	s6 =	simm.s32 $0x1F40;
	s9 =	simm.s32 $0x2D30  }
0x3ac: {  	s0 =	simm.s32 $0x3B20;
	s7 =	sadd.s32 $0xFFFFFFFF, s23;
	p0 =	por $0x0, $0x0;
	v3 =	vld [tilespmem:s6+$0x600]  }
0x3ad: {  	_ =	sdelay $0x3  }
0x3ae: {  	[tilespmem:s6+$0x0] =	vst v3  }
0x3af: {  	v3 =	vld [tilespmem:s9+$0x600];
	_ =	sdelay $0x4  }
0x3b0: {  	[tilespmem:s9+$0x0] =	vst v3  }
0x3b1: {  	v3 =	vld [tilespmem:s0+$0x600]  }
0x3b2: {  	p1 =	seq.s32 s7, $0x1  }
.Ltmp19:
0x3b3: {  	_ = 	snop;
	(pc) =	sbr.rel @p1 .LBB2_30-.Ltmp19, $3  }
0x3b4: {  	_ =	sdelay $0x1  }
0x3b5: {  	s8 =	sadd.s32 $0xFFFFFFFF, s7;
	s6 =	simm.s32 $0x1F50;
	[tilespmem:s0+$0x0] =	vst v3  }
0x3b6: {  	p0 =	por $0x1, $0x1;
	s7 =	simm.s32 $0x2D30;
	s23 =	simm.s32 $0x3B20;
	v3 =	vld [tilespmem:s6+$0x600]  }
.LBB2_31:
0x3b7: {  	p1 =	seq.s32 s8, $0x1;
	_ =	sdelay $0x3  }
0x3b8: {  	s7 =	sadd.s32 $0x10, s7;
	[tilespmem:s6+$0x0] =	vst v3  }
0x3b9: {  	v3 =	vld [tilespmem:s7+$0x600];
	_ =	sdelay $0x4  }
0x3ba: {  	s23 =	sadd.s32 $0x10, s23;
	[tilespmem:s7+$0x0] =	vst v3  }
0x3bb: {  	v3 =	vld [tilespmem:s23+$0x600];
	_ =	sdelay $0x1  }
.Ltmp20:
0x3bc: {  	(pc) =	sbr.rel @!p1 .LBB2_31-.Ltmp20, $3  }
0x3bd: {  	_ =	sdelay $0x1  }
0x3be: {  	s6 =	sadd.s32 $0x10, s6;
	[tilespmem:s23+$0x0] =	vst v3  }
0x3bf: {  	s8 =	sadd.s32 $0xFFFFFFFF, s8;
	v3 =	vld [tilespmem:s6+$0x600]  }
.LBB2_32:
0x3c0: {  	_ =	sdelay $0x2  }
0x3c1: {  	s7 =	sadd.s32 @p0 $0x10, s7  }
0x3c2: {  	s9 =	smov.u32 @p0 s7;
	[tilespmem:s6+$0x0] =	vst v3  }
0x3c3: {  	v3 =	vld [tilespmem:s9+$0x600];
	_ =	sdelay $0x3  }
0x3c4: {  	s6 =	sadd.s32 @p0 $0x10, s23  }
0x3c5: {  	s0 =	smov.u32 @p0 s6;
	[tilespmem:s9+$0x0] =	vst v3  }
0x3c6: {  	v3 =	vld [tilespmem:s0+$0x600];
	_ =	sdelay $0x4  }
0x3c7: {  	[tilespmem:s0+$0x0] =	vst v3  }
0x3c8: {  	p0 =	slt.u32 s1, $0xC00  }
.Ltmp21:
0x3c9: {  	_ = 	snop;
	(pc) =	sbr.rel @!p0 .LBB2_24-.Ltmp21, $4  }
.Ltmp22:
0x3ca: {  	_ = 	snop;
	(pc) =	sbr.rel @p0 .LBB2_33-.Ltmp22, $4  }
0x3cb: {  	_ = 	snop  }
0x3cc: {  	_ = 	snop  }
0x3cd: {  	s30 =	sadd.s32 $0xFFFFFA00, s30  }
0x3ce: {  	_ = 	snop  }
.LBB2_28:
.Ltmp23:
0x3cf: {  	(pc) =	sbr.rel .LBB2_32-.Ltmp23, $2  }
0x3d0: {  	_ =	sdelay $0x2  }
0x3d1: {  	s7 =	simm.s32 $0x2D30;
	s23 =	simm.s32 $0x3B20  }
.LBB2_30:
.Ltmp24:
0x3d2: {  	(pc) =	sbr.rel .LBB2_32-.Ltmp24, $2  }
0x3d3: {  	_ =	sdelay $0x2  }
0x3d4: {  	s7 =	simm.s32 $0x2D30;
	s23 =	simm.s32 $0x3B20  }
.LBB2_34:
0x3d5: {  	s0 =	simm.s32 $0x3B20  }
0x3d6: {  	v4 =	vld [tilespmem:s0+$0x0];
	_ =	sdelay $0x1  }
0x3d7: {  	s6 =	simm.s32 $0x0  }
0x3d8: {  	v3 =	vmov s2;
	v5 =	vor.u32 s6, v2  }
0x3d9: {  	vm0 =	vlt.s32 v5, v3  }
0x3da: {  	v4 =	vnsel vm0, $0xC38, v4  }
0x3db: {  	s2 =	simm.s32 $0x2D30;
	[tilespmem:s0+$0x0] =	vst v4  }
0x3dc: {  	v4 =	vld [tilespmem:s2+$0x0];
	_ =	sdelay $0x4  }
0x3dd: {  	v4 =	vnsel vm0, $0x0, v4  }
0x3de: {  	s1 =	simm.s32 $0x1F40;
	[tilespmem:s2+$0x0] =	vst v4  }
0x3df: {  	v4 =	vld [tilespmem:s1+$0x0];
	_ =	sdelay $0x4  }
0x3e0: {  	s6 =	simm.s32 $0x10;
	v4 =	vnsel vm0, $0x0, v4  }
.LBB2_35:
0x3e1: {  	[tilespmem:s1+$0x0] =	vst v4;
	s0 =	sadd.s32 $0x10, s0;
	s2 =	sadd.s32 $0x10, s2;
	s1 =	sadd.s32 $0x10, s1  }
0x3e2: {  	p0 =	sne.s32 s6, $0x5F0;
	s7 =	smov.u32 s6;
	s6 =	sadd.s32 $0x10, s6;
	v4 =	vld [tilespmem:s0+$0x0]  }
0x3e3: {  	_ =	sdelay $0x1  }
0x3e4: {  	v5 =	vor.u32 s7, v2  }
0x3e5: {  	vm0 =	vlt.s32 v5, v3  }
0x3e6: {  	v4 =	vnsel vm0, $0xC38, v4  }
0x3e7: {  	[tilespmem:s0+$0x0] =	vst v4  }
0x3e8: {  	v4 =	vld [tilespmem:s2+$0x0];
	_ =	sdelay $0x4  }
0x3e9: {  	v4 =	vnsel vm0, $0x0, v4  }
0x3ea: {  	[tilespmem:s2+$0x0] =	vst v4  }
0x3eb: {  	v4 =	vld [tilespmem:s1+$0x0]  }
.Ltmp25:
0x3ec: {  	(pc) =	sbr.rel @p0 .LBB2_35-.Ltmp25, $2  }
0x3ed: {  	_ =	sdelay $0x2  }
0x3ee: {  	v4 =	vnsel vm0, $0x0, v4  }
0x3ef: {  	[tilespmem:s1+$0x0] =	vst v4  }
0x3f0: {  	[tilespmem:s16], [sflag:$0x1] =	stream.indirect.gather [hbm4b:s4+s14], $0x10, s15, s14, $0xb8;
	[tilespmem:$0x1CCA0] =	vst v63  }
0x3f1: {  	_ = 	snop  }
0x3f2: {  	[tilespmem:s18], [sflag:$0x2] =	stream.indirect.gather [hbm4b:s3+s14], $0x10, s17, s14, $0xb8;
	[tilespmem:$0x1CCA0] =	vst v63  }
0x3f3: {  	_ =	swait.ge [sflag:s19], $0x6000  }
0x3f4: {  	[sflag:s19] =	ssyncset.done $0x0  }
0x3f5: {  	[sflag:s19] =	ssyncadd.s32 $0xFFFFA000  }
0x3f6: {  	_ =	swait.ge [sflag:s20], $0x6000  }
0x3f7: {  	[sflag:s20] =	ssyncset.done $0x0  }
0x3f8: {  	s0 =	simm.s32 $0x3B20;
	[sflag:s20] =	ssyncadd.s32 $0xFFFFA000  }
0x3f9: {  	v3 =	vld [tilespmem:s0+$0x0];
	_ =	sdelay $0x4  }
0x3fa: {  	v3 =	vshll.u32 v3, $0x6  }
0x3fb: {  	v3 =	vshra.s32 v3, $0x2  }
0x3fc: {  	v5 =	vadd.s32 $0x10910, v3  }
0x3fd: {  	(v2sf) =	vpush v5, $0x0;
	_ =	sdelay $0x9  }
0x3fe: {  	(v2sf) =	vpush v5, $0x1;
	_ =	sdelay $0x1  }
0x3ff: {  	s1 =	simm.s32 $0x0  }
0x400: {  	v4 =	vld [tilespmem:s1+$0xA910]  }
0x401: {  	v3 =	vld [tilespmem:s1+$0x4910]  }
0x402: {  	s2 =	spop (v2sf)  }
0x403: {  	v6 =	vld [tilespmem:s2+$0x0];
	_ =	sdelay $0x2  }
0x404: {  	v3 =	vadd.f32 v3, v4  }
0x405: {  	(v2sf) =	vpush v5, $0x2  }
0x406: {  	v3 =	vmax.f32 v6, v3  }
0x407: {  	[tilespmem:s2+$0x0] =	vst v3  }
0x408: {  	v3 =	vld [tilespmem:s1+$0xA920]  }
0x409: {  	v4 =	vld [tilespmem:s1+$0x4920]  }
0x40a: {  	s29 =	spop (v2sf)  }
0x40b: {  	v6 =	vld [tilespmem:s29+$0x0];
	_ =	sdelay $0x2  }
0x40c: {  	v3 =	vadd.f32 v4, v3  }
0x40d: {  	(v2sf) =	vpush v5, $0x3  }
0x40e: {  	v3 =	vmax.f32 v6, v3  }
0x40f: {  	[tilespmem:s29+$0x0] =	vst v3  }
0x410: {  	v3 =	vld [tilespmem:s1+$0xA930]  }
0x411: {  	v4 =	vld [tilespmem:s1+$0x4930]  }
0x412: {  	s30 =	spop (v2sf)  }
0x413: {  	v6 =	vld [tilespmem:s30+$0x0];
	_ =	sdelay $0x2  }
0x414: {  	v3 =	vadd.f32 v4, v3  }
0x415: {  	(v2sf) =	vpush v5, $0x4  }
0x416: {  	v3 =	vmax.f32 v6, v3  }
0x417: {  	[tilespmem:s30+$0x0] =	vst v3  }
0x418: {  	v3 =	vld [tilespmem:s1+$0xA940]  }
0x419: {  	v4 =	vld [tilespmem:s1+$0x4940]  }
0x41a: {  	s31 =	spop (v2sf)  }
0x41b: {  	v6 =	vld [tilespmem:s31+$0x0];
	_ =	sdelay $0x2  }
0x41c: {  	v3 =	vadd.f32 v4, v3  }
0x41d: {  	(v2sf) =	vpush v5, $0x5  }
0x41e: {  	v3 =	vmax.f32 v6, v3  }
0x41f: {  	[tilespmem:s31+$0x0] =	vst v3  }
0x420: {  	v3 =	vld [tilespmem:s1+$0xA950]  }
0x421: {  	v4 =	vld [tilespmem:s1+$0x4950]  }
0x422: {  	s6 =	spop (v2sf)  }
0x423: {  	v6 =	vld [tilespmem:s6+$0x0];
	_ =	sdelay $0x2  }
0x424: {  	v3 =	vadd.f32 v4, v3  }
0x425: {  	(v2sf) =	vpush v5, $0x6  }
0x426: {  	v3 =	vmax.f32 v6, v3  }
0x427: {  	[tilespmem:s6+$0x0] =	vst v3  }
0x428: {  	v3 =	vld [tilespmem:s1+$0xA960]  }
0x429: {  	v4 =	vld [tilespmem:s1+$0x4960]  }
0x42a: {  	s7 =	spop (v2sf)  }
0x42b: {  	v6 =	vld [tilespmem:s7+$0x0];
	_ =	sdelay $0x2  }
0x42c: {  	v3 =	vadd.f32 v4, v3  }
0x42d: {  	(v2sf) =	vpush v5, $0x7  }
0x42e: {  	v3 =	vmax.f32 v6, v3  }
0x42f: {  	[tilespmem:s7+$0x0] =	vst v3  }
0x430: {  	v3 =	vld [tilespmem:s1+$0xA970]  }
0x431: {  	v4 =	vld [tilespmem:s1+$0x4970]  }
0x432: {  	s8 =	spop (v2sf)  }
0x433: {  	v6 =	vld [tilespmem:s8+$0x0];
	_ =	sdelay $0x2  }
0x434: {  	v3 =	vadd.f32 v4, v3  }
0x435: {  	(v2sf) =	vpush v5, $0x8  }
0x436: {  	v3 =	vmax.f32 v6, v3  }
0x437: {  	[tilespmem:s8+$0x0] =	vst v3  }
0x438: {  	v3 =	vld [tilespmem:s1+$0xA980]  }
0x439: {  	v4 =	vld [tilespmem:s1+$0x4980]  }
0x43a: {  	s9 =	spop (v2sf)  }
0x43b: {  	v6 =	vld [tilespmem:s9+$0x0];
	_ =	sdelay $0x2  }
0x43c: {  	v3 =	vadd.f32 v4, v3  }
0x43d: {  	(v2sf) =	vpush v5, $0x9  }
0x43e: {  	v3 =	vmax.f32 v6, v3  }
0x43f: {  	[tilespmem:s9+$0x0] =	vst v3  }
0x440: {  	v3 =	vld [tilespmem:s1+$0xA990]  }
0x441: {  	v4 =	vld [tilespmem:s1+$0x4990]  }
0x442: {  	s23 =	spop (v2sf)  }
0x443: {  	v6 =	vld [tilespmem:s23+$0x0];
	_ =	sdelay $0x2  }
0x444: {  	v3 =	vadd.f32 v4, v3  }
0x445: {  	(v2sf) =	vpush v5, $0xA  }
0x446: {  	v3 =	vmax.f32 v6, v3  }
0x447: {  	[tilespmem:s23+$0x0] =	vst v3  }
0x448: {  	v3 =	vld [tilespmem:s1+$0xA9A0]  }
0x449: {  	v4 =	vld [tilespmem:s1+$0x49A0]  }
0x44a: {  	s24 =	spop (v2sf)  }
0x44b: {  	v6 =	vld [tilespmem:s24+$0x0];
	_ =	sdelay $0x2  }
0x44c: {  	v3 =	vadd.f32 v4, v3  }
0x44d: {  	(v2sf) =	vpush v5, $0xB  }
0x44e: {  	v3 =	vmax.f32 v6, v3  }
0x44f: {  	[tilespmem:s24+$0x0] =	vst v3  }
0x450: {  	v3 =	vld [tilespmem:s1+$0xA9B0]  }
0x451: {  	v4 =	vld [tilespmem:s1+$0x49B0]  }
0x452: {  	s28 =	spop (v2sf)  }
0x453: {  	v6 =	vld [tilespmem:s28+$0x0];
	_ =	sdelay $0x2  }
0x454: {  	v3 =	vadd.f32 v4, v3  }
0x455: {  	(v2sf) =	vpush v5, $0xC  }
0x456: {  	v3 =	vmax.f32 v6, v3  }
0x457: {  	[tilespmem:s28+$0x0] =	vst v3  }
0x458: {  	v3 =	vld [tilespmem:s1+$0xA9C0]  }
0x459: {  	v4 =	vld [tilespmem:s1+$0x49C0]  }
0x45a: {  	s29 =	spop (v2sf)  }
0x45b: {  	v6 =	vld [tilespmem:s29+$0x0];
	_ =	sdelay $0x2  }
0x45c: {  	v3 =	vadd.f32 v4, v3  }
0x45d: {  	(v2sf) =	vpush v5, $0xD  }
0x45e: {  	v3 =	vmax.f32 v6, v3  }
0x45f: {  	[tilespmem:s29+$0x0] =	vst v3  }
0x460: {  	v3 =	vld [tilespmem:s1+$0xA9D0]  }
0x461: {  	v4 =	vld [tilespmem:s1+$0x49D0]  }
0x462: {  	s30 =	spop (v2sf);
	(v2sf) =	vpush v5, $0xE  }
0x463: {  	v6 =	vld [tilespmem:s30+$0x0];
	_ =	sdelay $0x2  }
0x464: {  	v3 =	vadd.f32 v4, v3;
	_ =	sdelay $0x1  }
0x465: {  	v3 =	vmax.f32 v6, v3  }
0x466: {  	[tilespmem:s30+$0x0] =	vst v3  }
0x467: {  	v3 =	vld [tilespmem:s1+$0xA9E0]  }
0x468: {  	v4 =	vld [tilespmem:s1+$0x49E0]  }
0x469: {  	s31 =	spop (v2sf)  }
0x46a: {  	v6 =	vld [tilespmem:s31+$0x0];
	_ =	sdelay $0x2  }
0x46b: {  	v3 =	vadd.f32 v4, v3  }
0x46c: {  	s6 =	spop (v2sf);
	(v2sf) =	vpush v5, $0xF  }
0x46d: {  	v3 =	vmax.f32 v6, v3  }
0x46e: {  	[tilespmem:s31+$0x0] =	vst v3  }
0x46f: {  	v3 =	vld [tilespmem:s1+$0xA9F0]  }
0x470: {  	v4 =	vld [tilespmem:s1+$0x49F0]  }
0x471: {  	s2 =	simm.s32 $0x400;
	v5 =	vld [tilespmem:s6+$0x0]  }
.LBB2_37:
0x472: {  	p0 =	sne.s32 s2, $0x17C00  }
0x473: {  	s0 =	sadd.s32 $0x10, s0;
	s7 =	smov.u32 s2;
	s2 =	sadd.s32 $0x400, s2  }
0x474: {  	_ =	sdelay $0x1  }
0x475: {  	v3 =	vadd.f32 v4, v3;
	_ =	sdelay $0x1  }
0x476: {  	v3 =	vmax.f32 v5, v3  }
0x477: {  	[tilespmem:s6+$0x0] =	vst v3  }
0x478: {  	v3 =	vld [tilespmem:s1+$0xAA00]  }
0x479: {  	v4 =	vld [tilespmem:s1+$0x4A00];
	s1 =	spop (v2sf)  }
0x47a: {  	v5 =	vld [tilespmem:s1+$0x0];
	_ =	sdelay $0x3  }
0x47b: {  	v3 =	vadd.f32 v4, v3;
	_ =	sdelay $0x1  }
0x47c: {  	v3 =	vmax.f32 v5, v3  }
0x47d: {  	[tilespmem:s1+$0x0] =	vst v3  }
0x47e: {  	v3 =	vld [tilespmem:s0+$0x0];
	_ =	sdelay $0x4  }
0x47f: {  	v3 =	vshll.u32 v3, $0x6  }
0x480: {  	v3 =	vshra.s32 v3, $0x2  }
0x481: {  	v3 =	vadd.s32 $0x10910, v3  }
0x482: {  	(v2sf) =	vpush v3, $0x0;
	_ =	sdelay $0x8  }
0x483: {  	(v2sf) =	vpush v3, $0x1;
	_ =	sdelay $0x2  }
0x484: {  	s1 =	sshra.s32 s7, $0x2  }
0x485: {  	v4 =	vld [tilespmem:s1+$0x4910]  }
0x486: {  	v5 =	vld [tilespmem:s1+$0xA910]  }
0x487: {  	s6 =	spop (v2sf)  }
0x488: {  	v6 =	vld [tilespmem:s6+$0x0];
	_ =	sdelay $0x2  }
0x489: {  	v4 =	vadd.f32 v4, v5  }
0x48a: {  	(v2sf) =	vpush v3, $0x2  }
0x48b: {  	v4 =	vmax.f32 v6, v4  }
0x48c: {  	[tilespmem:s6+$0x0] =	vst v4  }
0x48d: {  	v4 =	vld [tilespmem:s1+$0xA920]  }
0x48e: {  	v5 =	vld [tilespmem:s1+$0x4920];
	s6 =	spop (v2sf)  }
0x48f: {  	v6 =	vld [tilespmem:s6+$0x0];
	_ =	sdelay $0x3  }
0x490: {  	v4 =	vadd.f32 v5, v4  }
0x491: {  	(v2sf) =	vpush v3, $0x3  }
0x492: {  	v4 =	vmax.f32 v6, v4  }
0x493: {  	[tilespmem:s6+$0x0] =	vst v4  }
0x494: {  	v4 =	vld [tilespmem:s1+$0xA930]  }
0x495: {  	v5 =	vld [tilespmem:s1+$0x4930]  }
0x496: {  	s6 =	spop (v2sf)  }
0x497: {  	v6 =	vld [tilespmem:s6+$0x0];
	_ =	sdelay $0x2  }
0x498: {  	v4 =	vadd.f32 v5, v4  }
0x499: {  	(v2sf) =	vpush v3, $0x4  }
0x49a: {  	v4 =	vmax.f32 v6, v4  }
0x49b: {  	[tilespmem:s6+$0x0] =	vst v4  }
0x49c: {  	v4 =	vld [tilespmem:s1+$0xA940]  }
0x49d: {  	v5 =	vld [tilespmem:s1+$0x4940]  }
0x49e: {  	s6 =	spop (v2sf)  }
0x49f: {  	v6 =	vld [tilespmem:s6+$0x0];
	_ =	sdelay $0x2  }
0x4a0: {  	v4 =	vadd.f32 v5, v4  }
0x4a1: {  	(v2sf) =	vpush v3, $0x5  }
0x4a2: {  	v4 =	vmax.f32 v6, v4  }
0x4a3: {  	[tilespmem:s6+$0x0] =	vst v4  }
0x4a4: {  	v4 =	vld [tilespmem:s1+$0xA950]  }
0x4a5: {  	v5 =	vld [tilespmem:s1+$0x4950]  }
0x4a6: {  	s6 =	spop (v2sf)  }
0x4a7: {  	v6 =	vld [tilespmem:s6+$0x0];
	_ =	sdelay $0x2  }
0x4a8: {  	v4 =	vadd.f32 v5, v4  }
0x4a9: {  	(v2sf) =	vpush v3, $0x6  }
0x4aa: {  	v4 =	vmax.f32 v6, v4  }
0x4ab: {  	[tilespmem:s6+$0x0] =	vst v4  }
0x4ac: {  	v4 =	vld [tilespmem:s1+$0xA960]  }
0x4ad: {  	v5 =	vld [tilespmem:s1+$0x4960]  }
0x4ae: {  	s6 =	spop (v2sf)  }
0x4af: {  	v6 =	vld [tilespmem:s6+$0x0];
	_ =	sdelay $0x2  }
0x4b0: {  	v4 =	vadd.f32 v5, v4;
	(v2sf) =	vpush v3, $0x7;
	_ =	sdelay $0x1  }
0x4b1: {  	v4 =	vmax.f32 v6, v4  }
0x4b2: {  	[tilespmem:s6+$0x0] =	vst v4  }
0x4b3: {  	v4 =	vld [tilespmem:s1+$0xA970]  }
0x4b4: {  	v5 =	vld [tilespmem:s1+$0x4970]  }
0x4b5: {  	s6 =	spop (v2sf)  }
0x4b6: {  	v6 =	vld [tilespmem:s6+$0x0];
	_ =	sdelay $0x2  }
0x4b7: {  	v4 =	vadd.f32 v5, v4  }
0x4b8: {  	(v2sf) =	vpush v3, $0x8  }
0x4b9: {  	v4 =	vmax.f32 v6, v4  }
0x4ba: {  	[tilespmem:s6+$0x0] =	vst v4  }
0x4bb: {  	v4 =	vld [tilespmem:s1+$0xA980]  }
0x4bc: {  	v5 =	vld [tilespmem:s1+$0x4980];
	s6 =	spop (v2sf)  }
0x4bd: {  	v6 =	vld [tilespmem:s6+$0x0];
	_ =	sdelay $0x3  }
0x4be: {  	v4 =	vadd.f32 v5, v4;
	(v2sf) =	vpush v3, $0x9;
	_ =	sdelay $0x1  }
0x4bf: {  	v4 =	vmax.f32 v6, v4  }
0x4c0: {  	[tilespmem:s6+$0x0] =	vst v4  }
0x4c1: {  	v4 =	vld [tilespmem:s1+$0xA990]  }
0x4c2: {  	v5 =	vld [tilespmem:s1+$0x4990]  }
0x4c3: {  	s6 =	spop (v2sf)  }
0x4c4: {  	v6 =	vld [tilespmem:s6+$0x0];
	_ =	sdelay $0x2  }
0x4c5: {  	v4 =	vadd.f32 v5, v4;
	(v2sf) =	vpush v3, $0xA;
	_ =	sdelay $0x1  }
0x4c6: {  	v4 =	vmax.f32 v6, v4  }
0x4c7: {  	[tilespmem:s6+$0x0] =	vst v4  }
0x4c8: {  	v4 =	vld [tilespmem:s1+$0xA9A0]  }
0x4c9: {  	v5 =	vld [tilespmem:s1+$0x49A0];
	s6 =	spop (v2sf)  }
0x4ca: {  	v6 =	vld [tilespmem:s6+$0x0];
	_ =	sdelay $0x3  }
0x4cb: {  	v4 =	vadd.f32 v5, v4;
	(v2sf) =	vpush v3, $0xB;
	_ =	sdelay $0x1  }
0x4cc: {  	v4 =	vmax.f32 v6, v4  }
0x4cd: {  	[tilespmem:s6+$0x0] =	vst v4  }
0x4ce: {  	v4 =	vld [tilespmem:s1+$0xA9B0]  }
0x4cf: {  	v5 =	vld [tilespmem:s1+$0x49B0];
	s6 =	spop (v2sf)  }
0x4d0: {  	v6 =	vld [tilespmem:s6+$0x0];
	_ =	sdelay $0x3  }
0x4d1: {  	v4 =	vadd.f32 v5, v4;
	(v2sf) =	vpush v3, $0xC;
	_ =	sdelay $0x1  }
0x4d2: {  	v4 =	vmax.f32 v6, v4  }
0x4d3: {  	[tilespmem:s6+$0x0] =	vst v4  }
0x4d4: {  	v4 =	vld [tilespmem:s1+$0xA9C0]  }
0x4d5: {  	v5 =	vld [tilespmem:s1+$0x49C0];
	s6 =	spop (v2sf)  }
0x4d6: {  	v6 =	vld [tilespmem:s6+$0x0];
	_ =	sdelay $0x3  }
0x4d7: {  	v4 =	vadd.f32 v5, v4;
	(v2sf) =	vpush v3, $0xD;
	_ =	sdelay $0x1  }
0x4d8: {  	v4 =	vmax.f32 v6, v4  }
0x4d9: {  	[tilespmem:s6+$0x0] =	vst v4  }
0x4da: {  	v4 =	vld [tilespmem:s1+$0xA9D0]  }
0x4db: {  	v5 =	vld [tilespmem:s1+$0x49D0];
	s6 =	spop (v2sf)  }
0x4dc: {  	v6 =	vld [tilespmem:s6+$0x0];
	_ =	sdelay $0x3  }
0x4dd: {  	v4 =	vadd.f32 v5, v4;
	(v2sf) =	vpush v3, $0xE;
	_ =	sdelay $0x1  }
0x4de: {  	v4 =	vmax.f32 v6, v4  }
0x4df: {  	[tilespmem:s6+$0x0] =	vst v4  }
0x4e0: {  	v4 =	vld [tilespmem:s1+$0xA9E0]  }
0x4e1: {  	v5 =	vld [tilespmem:s1+$0x49E0];
	s6 =	spop (v2sf)  }
0x4e2: {  	v6 =	vld [tilespmem:s6+$0x0];
	_ =	sdelay $0x3  }
0x4e3: {  	v4 =	vadd.f32 v5, v4;
	(v2sf) =	vpush v3, $0xF;
	_ =	sdelay $0x1  }
.Ltmp26:
0x4e4: {  	v3 =	vmax.f32 v6, v4;
	(pc) =	sbr.rel @p0 .LBB2_37-.Ltmp26, $4  }
0x4e5: {  	[tilespmem:s6+$0x0] =	vst v3  }
0x4e6: {  	v3 =	vld [tilespmem:s1+$0xA9F0]  }
0x4e7: {  	v4 =	vld [tilespmem:s1+$0x49F0];
	s6 =	spop (v2sf)  }
0x4e8: {  	v5 =	vld [tilespmem:s6+$0x0]  }
0x4e9: {  	_ =	sdelay $0x2  }
0x4ea: {  	v3 =	vadd.f32 v4, v3;
	_ =	sdelay $0x1  }
0x4eb: {  	v3 =	vmax.f32 v5, v3  }
0x4ec: {  	[tilespmem:s6+$0x0] =	vst v3  }
0x4ed: {  	v3 =	vld [tilespmem:s1+$0xAA00]  }
0x4ee: {  	v62 =	vld [tilespmem:s1+$0x4A00]  }
0x4ef: {  	s0 =	spop (v2sf)  }
0x4f0: {  	v63 =	vld [tilespmem:s0+$0x0];
	_ =	sdelay $0x2  }
0x4f1: {  	v3 =	vadd.f32 v62, v3;
	_ =	sdelay $0x1  }
0x4f2: {  	s28 =	simm.s32 $0x0;
	v3 =	vmax.f32 v63, v3  }
0x4f3: {  	s29 =	rddreg [dreg:$0x3];
	s2 =	simm.s32 $0x10910;
	s30 =	simm.s32 $0x7;
	[tilespmem:s0+$0x0] =	vst v3  }
0x4f4: {  	[hbm4b:s29+s28] =	stream.linear.scatter [tilespmem:s2], [sflag:$0x7], $0xC380, $0x38;
	[tilespmem:$0x1CCA0] =	vst v63  }
0x4f5: {  	_ =	swait.ge [sflag:s30], $0xC380  }
0x4f6: {  	s25 =	sadd.s32 $0x1, s25;
	s31 =	rddreg [dreg:$0x4]  }
0x4f7: {  	p0 =	sne.s32 s25, s31  }
.Ltmp27:
0x4f8: {  	_ = 	snop;
	(pc) =	sbr.rel @p0 .LBB2_1-.Ltmp27, $3  }
0x4f9: {  	_ =	sdelay $0x1  }
0x4fa: {  	[sflag:s30] =	ssyncset.done $0x0  }
0x4fb: {  	[sflag:s30] =	ssyncadd.s32 $0xFFFF3C80  }
0x4fc: {  	_ =	sfence.sel $0x180000  }
0x4fd: {  	[bflag:$0x0] =	sbarrier.arrive $0xFFFF  }
0x4fe: {  	_ =	strace $0x9000004A  }
0x4ff: {  	s0 =	stileid.u32;
	[bflag:$0x2] =	sbarrier.arrive $0xFFFF  }
0x500: {  	p0 =	sne.s32 s0, $0x0;
	s0 =	rddreg [dreg:$0x1]  }
0x501: {  	s0 =	sadd.s32 @!p0 $0x100000, s0  }
0x502: {  	[sflag:s0] =	ssyncadd.tile.s32 @!p0 $0x1;
	_ =	shalt  }
.Lfunc_end2:
_tile_overlayer_lowered:
.L_overlay_start_2:
0x503: {  	(tag) =	ssettag $0x2  }
0x504: {  	s0 =	rddreg [dreg:$0x0];
	s2 =	stileid.u32  }
0x505: {  	s1 =	rddreg [dreg:$0x1];
	p0 =	sne.s32 s2, $0x0  }
0x506: {  	s3 =	rddreg [dreg:$0x2];
	[bflag:$0x3] =	sbarrier.arrive $0xFFFF;
	s2 =	simm.s32 @!p0 $0x1C07  }
0x507: {  	[timem:s3], [sflag:s2] =	dma.local @!p0 [hbm:s0], s1  }
0x508: {  	s0 =	simm.s32 @!p0 $0x7  }
0x509: {  	_ =	swait.ge @!p0 [sflag:s0], s1  }
0x50a: {  	s1 =	ssub.s32 @!p0 $0x0, s1;
	[sflag:s0] =	ssyncset.done @!p0 $0x0  }
0x50b: {  	[sflag:s0] =	ssyncadd.s32 @!p0 s1  }
0x50c: {  	[bflag:$0x3] =	sbarrier.arrive $0xFFFF  }
0x50d: {  	_ =	shalt  }

// kernel: sparse-core-data-format-call.cloned.1.call-start
scs
called_computation_lowered:
.L_overlay_start_0:
0x0: {  	s1 =	sld [smem:$0x3FD9]  }
0x1: {  	s2 =	sld [smem:$0x3FFE];
	_ =	sdelay $0x1  }
0x2: {  	s3 =	srdreg.scid  }
0x3: {  	s0 =	sand.u32 $0x1, s3  }
0x4: {  	s17 =	sshll.u32 s0, $0xA;
	s1 =	sadd.s32 s2, s1  }
0x5: {  	s1 =	sadd.s32 s1, s17  }
0x6: {  	[smem:$0x3FAF] =	sst s1  }
0x7: {  	_ = 	snop  }
0x8: {  	(tm) =	ssettm $0x1  }
0x9: {  	s18 =	sld [smem:$0x3FFB];
	_ =	sdelay $0x3  }
0xa: {  	_ =	strace s18  }
0xb: {  	s1 =	sld [smem:$0x3FFC];
	_ =	sdelay $0x3  }
0xc: {  	_ =	strace s1  }
0xd: {  	s1 =	sld [smem:$0x3FFD];
	_ =	sdelay $0x3  }
0xe: {  	_ =	strace s1  }
0xf: {  	_ =	strace $0x8FFFFFFF  }
0x10: {  	s19 =	sld [smem:$0x3FDB];
	_ =	sdelay $0x1  }
0x11: {  	s20 =	simm.s32 $_scs_section_size  }
0x12: {  	s4 =	simm.s32 $_size__tile_overlayer_lowered;
	s5 =	simm.s32 $_tile_overlayer_lowered  }
0x13: {  	s23 =	simm.s32 $0x1BFF;
	s22 =	sshll.u32 s5, $0x1;
	s1 =	sadd.s32 s20, s19  }
0x14: {  	s6 =	simm.s32 $0x0;
	s21 =	sshll.u32 s4, $0x1;
	s4 =	sadd.s32 s22, s1  }
0x15: {  	[timem:s6], [sflag:s23] =	dma.local [hbm:s4], s21  }
0x16: {  	_ =	swait.ge [sflag:s23], s21  }
0x17: {  	s2 =	ssub.s32 $0x0, s21;
	[sflag:s23] =	ssyncset.done $0x0  }
0x18: {  	[sflag:s23] =	ssyncadd.s32 s2;
	_ =	sdelay $0x1  }
0x19: {  	s24 =	simm.s32 $0x1B8B  }
0x1a: {  	_ =	swait.ge [sflag:s24], $0x1  }
0x1b: {  	[sflag:s24] =	ssyncset.done $0x0  }
0x1c: {  	s26 =	simm.s32 $0x1B8E;
	s25 =	sld [smem:$0x3FFE];
	[sflag:s24] =	ssyncadd.s32 $0xFFFFFFFF  }
0x1d: {  	s27 =	simm.s32 $execute0_lowered;
	[smem:$0x3FD2] =	sst s26  }
0x1e: {  	s4 =	sshll.u32 s27, $0x1;
	_ =	strace $0x80000046;
	[dreg:$0x1] =	wrdreg $0xFFFFFFFF  }
0x1f: {  	s28 =	simm.s32 $_size_execute0_lowered;
	s1 =	sadd.s32 s1, s4;
	[dreg:$0x0] =	wrdreg $0x0  }
0x20: {  	s4 =	sshll.u32 s28, $0x1;
	[dreg:$0x2] =	wrdreg s1  }
0x21: {  	[dreg:$0x3] =	wrdreg s4  }
0x22: {  	[dreg:$0x4] =	wrdreg $0xC0  }
0x23: {  	_ =	task [dreg:s6], $0x5FFFF  }
0x24: {  	[dreg:$0x1] =	wrdreg $0xFFFFFFFF  }
0x25: {  	[dreg:$0x0] =	wrdreg $0x60  }
0x26: {  	[dreg:$0x2] =	wrdreg s25  }
0x27: {  	[dreg:$0x3] =	wrdreg $0x9  }
0x28: {  	_ =	task.clear_ibuf [dreg:s6], $0x4FFFF;
	_ =	strace $0x90000046  }
0x29: {  	s29 =	simm.s32 $0x9;
	_ =	strace $0x80000048  }
0x2a: {  	_ =	swait.ge [sflag:s29], $0x1  }
0x2b: {  	[sflag:s29] =	ssyncadd.s32 $0xFFFFFFFF  }
0x2c: {  	_ =	strace $0x90000048  }
0x2d: {  	_ =	sfence  }
0x2e: {  	s30 =	sld [smem:$0x0];
	_ =	sdelay $0x2  }
0x2f: {  	s31 =	sshll.u32 s3, $0xD;
	s3 =	sshrl.u32 s3, $0x2  }
0x30: {  	s2 =	sand.u32 $0x4000, s31;
	s1 =	sadd.s32 s3, s30  }
0x31: {  	s0 =	sor.u32 s2, s0;
	s1 =	sshll.u32 s1, $0x11  }
0x32: {  	s0 =	sor.u32 s1, s0  }
0x33: {  	s0 =	sadd.s32 $0x8F2B, s0  }
0x34: {  	[sflag:s0] =	ssyncadd.remote.s32 $0x1  }
0x35: {  	_ =	sfence.sel $0xFFFF  }
0x36: {  	[dreg:$0x0] =	wrdreg $0xFFFFFFFF;
	(pc) =	sbr.abs _section_cstart, $3  }
0x37: {  	[dreg:$0x1] =	wrdreg $0xFFFFFFFF  }
0x38: {  	_ =	task.clear_ibuf [dreg:s6], $0x2FFFF;
	_ =	strace $0x9FFFFFFF  }
0x39: {  	(tm) =	ssettm $0x7FFFFFFF  }
tec
execute0_lowered:
.L_overlay_start_1:
0x0: {  	(tag) =	ssettag $0x1  }
0x1: {  	s0 =	srdreg.scid  }
0x2: {  	s1 =	sshll.u32 s0, $0x4  }
0x3: {  	s4 =	rddreg [dreg:$0x0];
	s0 =	stileid.u32;
	s1 =	sand.u32 $0x10, s1  }
0x4: {  	s7 =	simm.s32 $0x1;
	s8 =	simm.s32 $0x2;
	s1 =	sor.u32 s0, s1  }
0x5: {  	s9 =	simm.s32 $0x0;
	s12 =	simm.s32 $0x0;
	s2 =	sshll.u32 s1, $0x3  }
0x6: {  	s11 =	simm.s32 $0x0;
	s3 =	sadd.s32 $0x5600, s4;
	s6 =	ssub.s32 $0x61A8, s2  }
.Ltmp0:
0x7: {  	s4 =	sadd.s32 $0x61FE00, s4;
	s5 =	sand.u32 $0xF8, s6;
	(pc) =	sbr.rel .LBB1_1-.Ltmp0, $4  }
0x8: {  	s1 =	rddreg [dreg:$0x1];
	_ =	strace $0x80000047;
	p0 =	sne.s32 s5, $0x0  }
0x9: {  	s6 =	sshrl.u32 s6, $0x8;
	s5 =	simm.s32 $0x1;
	s7 =	simm.s32 @!p0 $0x0  }
0xa: {  	s10 =	smov.u32 s2;
	[sflag:s5] =	ssyncpa.u1 $0x0;
	s6 =	sadd.s32 s7, s6  }
0xb: {  	[sflag:s8] =	ssyncpa.u1 $0x0;
	s8 =	simm.s32 $0x0;
	s7 =	sadd.s32 $0x1, s6  }
.LBB1_9:
0xc: {  	s14 =	sadd.s32 $0x100, s10  }
0xd: {  	p1 =	sgt.s32 s14, $0x61A7  }
0xe: {  	s14 =	smov.u32 @p1 s2;
	p1 =	sne.s32 s11, s7  }
.Ltmp1:
0xf: {  	p0 =	slt.u32 s11, $0x2;
	(pc) =	sbr.rel @!p1 .LBB1_10-.Ltmp1, $4  }
0x10: {  	s13 =	simm.s32 @!p0 $0x2  }
0x11: {  	s15 =	sadd.s32 $0x1, s11;
	_ =	swait.ge @!p0 [sflag:s13], $0x4000  }
0x12: {  	s12 =	smov.u32 s10;
	s9 =	sadd.s32 $0x4000, s9;
	[sflag:s13] =	ssyncset.done @!p0 $0x0  }
0x13: {  	s11 =	smov.u32 s15;
	s10 =	smov.u32 s14;
	[sflag:s13] =	ssyncadd.s32 @!p0 $0xFFFFC000  }
.LBB1_1:
0x14: {  	p0 =	sge.u32 s11, s6  }
0x15: {  	s13 =	sxor.u32 @!p0 $0xFFFFFFFF, s11  }
0x16: {  	s31 =	sadd.s32 $0xFFFFFFFF, s11;
	s14 =	sshll.u32 @!p0 s10, $0x8;
	s13 =	sshll.u32 @!p0 s13, $0xE  }
0x17: {  	s15 =	simm.s32 @!p0 $0x0;
	s14 =	sadd.s32 @!p0 s3, s14;
	s13 =	sand.u32 @!p0 $0x4000, s13  }
0x18: {  	[tilespmem:s13], [sflag:$0x1] =	stream.linear.gather @!p0 [hbm4b:s14+s15], $0x4000, $0x38;
	[tilespmem:$0x10000] =	vst v63  }
0x19: {  	p0 =	sge.u32 s31, s6  }
.Ltmp2:
0x1a: {  	_ = 	snop;
	(pc) =	sbr.rel @p0 .LBB1_9-.Ltmp2, $1  }
0x1b: {  	_ =	sdelay $0x3  }
0x1c: {  	s13 =	sshll.u32 s9, $0x2;
	_ =	swait.ge [sflag:s5], $0x4000;
	s14 =	sshll.u32 s11, $0xE  }
0x1d: {  	s16 =	simm.s32 $0x0;
	s17 =	simm.s32 $0x0;
	s15 =	sand.u32 $0x10000, s13  }
0x1e: {  	[sflag:s5] =	ssyncset.done $0x0;
	s31 =	sand.u32 $0x4000, s14;
	s14 =	sshrl.u32 s15, $0x2  }
0x1f: {  	[sflag:s5] =	ssyncadd.s32 $0xFFFFC000;
	s13 =	sor.u32 $0x8000, s31;
	s15 =	sor.u32 $0x8000, s14  }
.LBB1_3:
0x20: {  	s18 =	sshra.s32 s16, $0x2  }
0x21: {  	v0 =	vmov s18;
	_ =	sdelay $0x3  }
0x22: {  	p1 =	por $0x1, $0x1;
	s18 =	simm.s32 $0x0  }
.LBB1_4:
0x23: {  	_ = 	snop  }
0x24: {  	s19 =	sshll.u32 s18, $0xA  }
0x25: {  	s19 =	sand.u32 $0x3FFFFC00, s19  }
0x26: {  	s19 =	sadd.s32 s19, s14  }
0x27: {  	v5 =	vld.idx.msk [tilespmem:v0+s19+$0x70 ss:$0x1], $0xffff  }
0x28: {  	v6 =	vld.idx.msk [tilespmem:v0+s19+$0x10 ss:$0x1], $0xffff  }
0x29: {  	v7 =	vld.idx.msk [tilespmem:v0+s19+$0x20 ss:$0x1], $0xffff  }
0x2a: {  	s31 =	sshll.u32 s18, $0x7;
	v1 =	vld.idx.msk [tilespmem:v0+s19+$0x30 ss:$0x1], $0xffff  }
0x2b: {  	s18 =	sand.u32 $0x3FFFFF80, s31;
	v2 =	vld.idx.msk [tilespmem:v0+s19+$0x40 ss:$0x1], $0xffff  }
0x2c: {  	s18 =	sadd.s32 s18, s15;
	v3 =	vld.idx.msk [tilespmem:v0+s19+$0x50 ss:$0x1], $0xffff  }
0x2d: {  	v4 =	vld.idx.msk [tilespmem:v0+s19+$0x60 ss:$0x1], $0xffff;
	[tilespmem:v0+s18+$0x70 ss:$0x1] =	vst.idx.msk $0xffff, v5  }
0x2e: {  	v5 =	vld.idx.msk [tilespmem:v0+s19+$0x0 ss:$0x1], $0xffff;
	[tilespmem:v0+s18+$0x10 ss:$0x1] =	vst.idx.msk $0xffff, v6;
	s19 =	sadd.s32 $0x80, s19  }
0x2f: {  	p0 =	por p1, p1;
	s20 =	simm.s32 $0x6;
	[tilespmem:v0+s18+$0x20 ss:$0x1] =	vst.idx.msk $0xffff, v7;
	v6 =	vld.idx.msk [tilespmem:v0+s19+$0x70 ss:$0x1], $0xffff  }
.LBB1_5:
0x30: {  	p1 =	sne.s32 s20, $0x1;
	v7 =	vld.idx.msk [tilespmem:v0+s19+$0x10 ss:$0x1], $0xffff;
	[tilespmem:v0+s18+$0x30 ss:$0x1] =	vst.idx.msk $0xffff, v1  }
0x31: {  	v8 =	vld.idx.msk [tilespmem:v0+s19+$0x20 ss:$0x1], $0xffff;
	[tilespmem:v0+s18+$0x40 ss:$0x1] =	vst.idx.msk $0xffff, v2  }
0x32: {  	v1 =	vld.idx.msk [tilespmem:v0+s19+$0x30 ss:$0x1], $0xffff;
	[tilespmem:v0+s18+$0x50 ss:$0x1] =	vst.idx.msk $0xffff, v3  }
.Ltmp3:
0x33: {  	v2 =	vld.idx.msk [tilespmem:v0+s19+$0x40 ss:$0x1], $0xffff;
	[tilespmem:v0+s18+$0x60 ss:$0x1] =	vst.idx.msk $0xffff, v4;
	(pc) =	sbr.rel @p1 .LBB1_5-.Ltmp3, $4  }
0x34: {  	v3 =	vld.idx.msk [tilespmem:v0+s19+$0x50 ss:$0x1], $0xffff;
	[tilespmem:v0+s18+$0x0 ss:$0x1] =	vst.idx.msk $0xffff, v5;
	s18 =	sadd.s32 $0x100, s18  }
0x35: {  	v4 =	vld.idx.msk [tilespmem:v0+s19+$0x60 ss:$0x1], $0xffff;
	[tilespmem:v0+s18+$0x70 ss:$0x1] =	vst.idx.msk $0xffff, v6  }
0x36: {  	v5 =	vld.idx.msk [tilespmem:v0+s19+$0x0 ss:$0x1], $0xffff;
	[tilespmem:v0+s18+$0x10 ss:$0x1] =	vst.idx.msk $0xffff, v7;
	s19 =	sadd.s32 $0x80, s19  }
0x37: {  	s20 =	sadd.s32 $0xFFFFFFFF, s20;
	v6 =	vld.idx.msk [tilespmem:v0+s19+$0x70 ss:$0x1], $0xffff;
	[tilespmem:v0+s18+$0x20 ss:$0x1] =	vst.idx.msk $0xffff, v8  }
0x38: {  	_ =	sdelay $0x3  }
0x39: {  	[tilespmem:v0+s18+$0x30 ss:$0x1] =	vst.idx.msk $0xffff, v1  }
0x3a: {  	v1 =	vld.idx.msk [tilespmem:v0+s19+$0x10 ss:$0x1], $0xffff;
	[tilespmem:v0+s18+$0x40 ss:$0x1] =	vst.idx.msk $0xffff, v2  }
0x3b: {  	v2 =	vld.idx.msk [tilespmem:v0+s19+$0x20 ss:$0x1], $0xffff;
	[tilespmem:v0+s18+$0x50 ss:$0x1] =	vst.idx.msk $0xffff, v3  }
0x3c: {  	v61 =	vld.idx.msk [tilespmem:v0+s19+$0x40 ss:$0x1], $0xffff;
	[tilespmem:v0+s18+$0x60 ss:$0x1] =	vst.idx.msk $0xffff, v4  }
0x3d: {  	s31 =	sadd.s32 $0x100, s18;
	v62 =	vld.idx.msk [tilespmem:v0+s19+$0x50 ss:$0x1], $0xffff;
	[tilespmem:v0+s18+$0x0 ss:$0x1] =	vst.idx.msk $0xffff, v5  }
0x3e: {  	v63 =	vld.idx.msk [tilespmem:v0+s19+$0x60 ss:$0x1], $0xffff;
	[tilespmem:v0+s31+$0x70 ss:$0x1] =	vst.idx.msk $0xffff, v6  }
0x3f: {  	v3 =	vld.idx.msk [tilespmem:v0+s19+$0x30 ss:$0x1], $0xffff;
	[tilespmem:v0+s31+$0x10 ss:$0x1] =	vst.idx.msk $0xffff, v1  }
0x40: {  	v1 =	vld.idx.msk [tilespmem:v0+s19+$0x0 ss:$0x1], $0xffff;
	[tilespmem:v0+s31+$0x20 ss:$0x1] =	vst.idx.msk $0xffff, v2  }
.Ltmp4:
0x41: {  	[tilespmem:v0+s31+$0x40 ss:$0x1] =	vst.idx.msk $0xffff, v61;
	(pc) =	sbr.rel @p0 .LBB1_4-.Ltmp4, $4  }
0x42: {  	[tilespmem:v0+s31+$0x50 ss:$0x1] =	vst.idx.msk $0xffff, v62  }
0x43: {  	[tilespmem:v0+s31+$0x60 ss:$0x1] =	vst.idx.msk $0xffff, v63  }
0x44: {  	[tilespmem:v0+s31+$0x30 ss:$0x1] =	vst.idx.msk $0xffff, v3  }
0x45: {  	p1 =	por $0x0, $0x0;
	s18 =	simm.s32 $0x1;
	[tilespmem:v0+s31+$0x0 ss:$0x1] =	vst.idx.msk $0xffff, v1  }
0x46: {  	s17 =	sadd.s32 $0x1, s17  }
0x47: {  	p0 =	sne.s32 s17, $0x8  }
.Ltmp5:
0x48: {  	_ = 	snop;
	(pc) =	sbr.rel @p0 .LBB1_3-.Ltmp5, $2  }
0x49: {  	_ =	sdelay $0x2  }
0x4a: {  	s16 =	sadd.s32 $0x2000, s16  }
.Ltmp6:
0x4b: {  	(pc) =	sbr.rel .LBB1_9-.Ltmp6, $4  }
0x4c: {  	_ = 	snop  }
0x4d: {  	s12 =	sshll.u32 s12, $0x8  }
0x4e: {  	s12 =	sadd.s32 s4, s12  }
0x4f: {  	[hbm4b:s12+s8] =	stream.linear.scatter [tilespmem:s13], [sflag:$0x2], $0x4000, $0x38;
	[tilespmem:$0x10000] =	vst v63  }
.LBB1_10:
0x50: {  	_ =	sfence.sel $0x180000  }
0x51: {  	s2 =	simm.s32 $0x1;
	[bflag:$0x0] =	sbarrier.arrive $0xFFFF  }
0x52: {  	s31 =	simm.s32 $0x2;
	[sflag:s2] =	ssyncpa.u1 $0x1  }
0x53: {  	[sflag:s31] =	ssyncpa.u1 $0x1  }
0x54: {  	p0 =	sne.s32 s0, $0x0;
	_ =	strace $0x90000047  }
0x55: {  	s0 =	sadd.s32 @!p0 $0x100000, s1;
	[bflag:$0x2] =	sbarrier.arrive $0xFFFF  }
0x56: {  	[sflag:s0] =	ssyncadd.tile.s32 @!p0 $0x1;
	_ =	shalt  }
.Lfunc_end1:
_tile_overlayer_lowered:
.L_overlay_start_2:
0x57: {  	(tag) =	ssettag $0x2  }
0x58: {  	s0 =	rddreg [dreg:$0x0];
	s2 =	stileid.u32  }
0x59: {  	s1 =	rddreg [dreg:$0x1];
	p0 =	sne.s32 s2, $0x0  }
0x5a: {  	s3 =	rddreg [dreg:$0x2];
	[bflag:$0x3] =	sbarrier.arrive $0xFFFF;
	s2 =	simm.s32 @!p0 $0x1C01  }
0x5b: {  	[timem:s3], [sflag:s2] =	dma.local @!p0 [hbm:s0], s1  }
0x5c: {  	s0 =	simm.s32 @!p0 $0x1  }
0x5d: {  	_ =	swait.ge @!p0 [sflag:s0], s1  }
0x5e: {  	s1 =	ssub.s32 @!p0 $0x0, s1;
	[sflag:s0] =	ssyncset.done @!p0 $0x0  }
0x5f: {  	[sflag:s0] =	ssyncadd.s32 @!p0 s1  }
0x60: {  	[bflag:$0x3] =	sbarrier.arrive $0xFFFF  }
0x61: {  	_ =	shalt  }

</sc_bundles>
